<compile_context>
chip_gen: v7x
topology: tpu7x:2x2x1
jax: 0.10.2.dev20260603
libtpu: 0.0.44.dev20260713+nightly
codegen_flags: <defaults>
</compile_context>

<pallas_src>
import functools
import numpy as np
import jax
import jax.numpy as jnp
from jax import lax
from jax.experimental import pallas as pl
from jax.experimental.pallas import tpu as pltpu
from jax.experimental.pallas import tpu_sc as plsc

N = 10000
E = 320000
D = 128
H = 8
DH = 16
FF = 2048
OUT = 16

NC = 2
NS = 16
CHUNK = 64
EDGES = E + N
_CPS = (EDGES + NC * NS * CHUNK - 1) // (NC * NS * CHUNK)
CHUNKS_PER_SUB = _CPS + (_CPS % 2)
EPW = CHUNKS_PER_SUB * CHUNK
EPAD = EPW * NC * NS
ACC_ROWS = 10240
ROWS_PER_SUB = ACC_ROWS // NS
FW = 144

_SEXP = np.kron(np.eye(H, dtype=np.float32), np.ones((1, DH), np.float32))


def _pre_body(x_ref, winT_ref, bin_ref, wgX_ref, cX_ref, al_ref, ar_ref,
              khl_ref, khr_ref, khrr_ref, h0_ref, fx_ref, elr_ref, er2_ref,
              macc_ref):
    i = pl.program_id(0)
    nb = pl.num_programs(0)

    @pl.when(i == nb - 1)
    def _():
        h0_ref[...] = jnp.zeros_like(h0_ref)
        fx_ref[...] = jnp.zeros_like(fx_ref)
        elr_ref[...] = jnp.full_like(elr_ref, -1e30)
        er2_ref[...] = jnp.full_like(er2_ref, -1e30)

    @pl.when(i < nb - 1)
    def _():
        x = x_ref[...]
        h0 = jnp.dot(x, winT_ref[...], preferred_element_type=jnp.float32) + bin_ref[...]
        h0_ref[...] = h0
        fx = jnp.dot(h0, wgX_ref[...], preferred_element_type=jnp.float32) + cX_ref[...]
        fx_ref[...] = fx
        feat = fx[:, :D]
        fr = feat * ar_ref[...]
        elr = (jnp.dot(feat * al_ref[...], khl_ref[...], preferred_element_type=jnp.float32)
               + jnp.dot(fr, khr_ref[...], preferred_element_type=jnp.float32))
        elr_ref[...] = elr
        er2_ref[...] = jnp.dot(fr, khrr_ref[...], preferred_element_type=jnp.float32)
        bmax = jnp.max(elr, axis=0, keepdims=True)

        @pl.when(i == 0)
        def _():
            macc_ref[...] = bmax

        @pl.when(i != 0)
        def _():
            macc_ref[...] = jnp.maximum(macc_ref[...], bmax)


def _run_pre(x, W_in, b_in, W_gat, attn_l, attn_r, interpret=False):
    B = 1000
    grid = N // B + 1
    NP = N + B
    wgX = jnp.concatenate([W_gat.T, jnp.zeros((D, FW - D), jnp.float32)], axis=1)
    cX = jnp.concatenate([jnp.zeros((1, D), jnp.float32),
                          jnp.ones((1, H), jnp.float32),
                          jnp.zeros((1, H), jnp.float32)], axis=1)
    al = attn_l.reshape(1, D)
    ar = attn_r.reshape(1, D)
    khl = jnp.concatenate([_SEXP.T, np.zeros((D, H), np.float32)], axis=1)
    khr = jnp.concatenate([np.zeros((D, H), np.float32), _SEXP.T], axis=1)
    khrr = jnp.concatenate([_SEXP.T, _SEXP.T], axis=1)
    full = lambda shape: pl.BlockSpec(shape, lambda i: (0,) * len(shape))
    return pl.pallas_call(
        _pre_body,
        grid=(grid,),
        in_specs=[
            pl.BlockSpec((B, D), lambda i: (jnp.minimum(i, N // B - 1), 0)),
            full((D, D)), full((1, D)), full((D, FW)), full((1, FW)),
            full((1, D)), full((1, D)), full((D, 2 * H)), full((D, 2 * H)),
            full((D, 2 * H)),
        ],
        out_specs=[
            pl.BlockSpec((B, D), lambda i: (i, 0)),
            pl.BlockSpec((B, FW), lambda i: (i, 0)),
            pl.BlockSpec((B, 2 * H), lambda i: (i, 0)),
            pl.BlockSpec((B, 2 * H), lambda i: (i, 0)),
            pl.BlockSpec((1, 2 * H), lambda i: (0, 0)),
        ],
        out_shape=[
            jax.ShapeDtypeStruct((NP, D), jnp.float32),
            jax.ShapeDtypeStruct((NP, FW), jnp.float32),
            jax.ShapeDtypeStruct((NP, 2 * H), jnp.float32),
            jax.ShapeDtypeStruct((NP, 2 * H), jnp.float32),
            jax.ShapeDtypeStruct((1, 2 * H), jnp.float32),
        ],
        interpret=interpret,
    )(x, W_in.T, b_in.reshape(1, D), wgX, cX, al, ar, khl, khr, khrr)


def _sc_body(src_hbm, dst_hbm, elr_hbm, er2_hbm, fx_hbm, m_hbm, out_hbm,
             acc, sidx, didx, s_elr, d_elr, frows, obuf, msc,
             semi0, semi1, sem0, sem1, sem2, sem3, sem4, sem5):
    c = lax.axis_index("c")
    s = lax.axis_index("s")

    ii = lax.iota(jnp.int32, 16)
    gdims = lax.GatherDimensionNumbers(
        offset_dims=(), collapsed_slice_dims=(0,), start_index_map=(0,))

    pltpu.sync_copy(m_hbm, msc)
    mvec = msc[...]

    def _zrow(r, _):
        for k in range(FW // 16):
            obuf[r, pl.ds(k * 16, 16)] = jnp.zeros((16,), jnp.float32)
        return 0

    lax.fori_loop(0, CHUNK, _zrow, 0, unroll=2)
    for j in range(ROWS_PER_SUB // CHUNK):
        pltpu.sync_copy(obuf,
                        acc.at[pl.ds(s * ROWS_PER_SUB + j * CHUNK, CHUNK)])
    plsc.subcore_barrier()

    headmask = jnp.where(ii < 8, 1.0, 0.0).astype(jnp.float32)
    wid = c * NS + s
    gsems = ((sem0, sem1, sem2), (sem3, sem4, sem5))
    isems = (semi0, semi1)

    def _fetch(g, b):
        base = (g * NC * NS + wid) * CHUNK
        sa, sb, sc_ = gsems[b]
        cpa = pltpu.async_copy(src_hbm.at[pl.ds(base, CHUNK)], sidx.at[b], isems[0])
        cpb = pltpu.async_copy(dst_hbm.at[pl.ds(base, CHUNK)], didx.at[b], isems[1])
        cpa.wait()
        cpb.wait()
        pltpu.async_copy(elr_hbm.at[sidx.at[b]], s_elr.at[b], sa)
        pltpu.async_copy(er2_hbm.at[didx.at[b]], d_elr.at[b], sb)
        pltpu.async_copy(fx_hbm.at[sidx.at[b]], frows.at[b], sc_)

    def _compute(b):
        sa, sb, sc_ = gsems[b]
        pltpu.make_async_copy(elr_hbm.at[sidx.at[b]], s_elr.at[b], sa).wait()
        pltpu.make_async_copy(er2_hbm.at[didx.at[b]], d_elr.at[b], sb).wait()
        pltpu.make_async_copy(fx_hbm.at[sidx.at[b]], frows.at[b], sc_).wait()

        @plsc.parallel_loop(0, CHUNK, 1, unroll=8)
        def _edge(i):
            ev = s_elr[b, i] + d_elr[b, i]
            ev = jnp.where(ev > 0, ev, 0.2 * ev)
            ee = jnp.exp(ev - mvec) * headmask
            for k in range(H):
                mult = lax.gather(ee, jnp.full((16, 1), k, jnp.int32), gdims, (1,),
                                  mode=lax.GatherScatterMode.PROMISE_IN_BOUNDS)
                obuf[i, pl.ds(k * 16, 16)] = frows[b, i, pl.ds(k * 16, 16)] * mult
            multd = lax.gather(ee, (ii & 7).reshape(16, 1), gdims, (1,),
                               mode=lax.GatherScatterMode.PROMISE_IN_BOUNDS)
            obuf[i, pl.ds(H * 16, 16)] = frows[b, i, pl.ds(H * 16, 16)] * multd

        pltpu.sync_copy(obuf, acc.at[didx.at[b]], add=True)

    NPAIR = CHUNKS_PER_SUB // 2
    _fetch(0, 0)

    def _pair(t, _):
        _fetch(2 * t + 1, 1)
        _compute(0)

        @pl.when(t < NPAIR - 1)
        def _():
            _fetch(2 * t + 2, 0)

        _compute(1)
        return 0

    lax.fori_loop(0, NPAIR, _pair, 0)
    plsc.subcore_barrier()
    pltpu.sync_copy(acc.at[pl.ds(s * ROWS_PER_SUB, ROWS_PER_SUB)],
                    out_hbm.at[c, pl.ds(s * ROWS_PER_SUB, ROWS_PER_SUB)])


def _run_sc(src_p, dst_p, elr_p, er2_p, fx_p, m16, interpret=False):
    mesh = plsc.VectorSubcoreMesh(core_axis_name="c", subcore_axis_name="s")
    kern = pl.kernel(
        _sc_body,
        out_type=jax.ShapeDtypeStruct((NC, ACC_ROWS, FW), jnp.float32),
        mesh=mesh,
        scratch_types=[
            pltpu.VMEM_SHARED((ACC_ROWS, FW), jnp.float32),
            pltpu.VMEM((2, CHUNK), jnp.int32),
            pltpu.VMEM((2, CHUNK), jnp.int32),
            pltpu.VMEM((2, CHUNK, 16), jnp.float32),
            pltpu.VMEM((2, CHUNK, 16), jnp.float32),
            pltpu.VMEM((2, CHUNK, FW), jnp.float32),
            pltpu.VMEM((CHUNK, FW), jnp.float32),
            pltpu.VMEM((16,), jnp.float32),
            pltpu.SemaphoreType.DMA,
            pltpu.SemaphoreType.DMA,
            pltpu.SemaphoreType.DMA,
            pltpu.SemaphoreType.DMA,
            pltpu.SemaphoreType.DMA,
            pltpu.SemaphoreType.DMA,
            pltpu.SemaphoreType.DMA,
            pltpu.SemaphoreType.DMA,
        ],
        compiler_params=pltpu.CompilerParams(use_tc_tiling_on_sc=False),
        interpret=interpret,
    )
    return kern(src_p, dst_p, elr_p, er2_p, fx_p, m16)


def _ln(v, g, b):
    mu = jnp.mean(v, axis=-1, keepdims=True)
    var = jnp.mean((v - mu) * (v - mu), axis=-1, keepdims=True)
    return (v - mu) * jax.lax.rsqrt(var + 1e-5) * g + b


def _post_body(h0_ref, u0r_ref, u1r_ref, bg_ref, S_ref, KT_ref,
               saq_ref, sak_ref, sav_ref, sabq_ref, sabk_ref, sabv_ref,
               sao_ref, saob_ref,
               caq_ref, cak_ref, cav_ref, cabq_ref, cabk_ref, cabv_ref,
               cao_ref, caob_ref,
               ln1g_ref, ln1b_ref, ln2g_ref, ln2b_ref, ln3g_ref, ln3b_ref,
               l1_ref, l1b_ref, l2_ref, l2b_ref, wp_ref, bp_ref, out_ref):
    f32 = jnp.float32
    dot = lambda a, b: jnp.dot(a, b, preferred_element_type=f32)
    S = S_ref[...]
    KT = KT_ref[...]
    u = u0r_ref[0] + u1r_ref[0]
    den = dot(u[:, D:D + H], S)
    h1 = u[:, :D] / (den + 1e-9) + bg_ref[...]
    t0 = h0_ref[...]
    t1 = h1
    B = t0.shape[0]
    tS = jnp.concatenate([t0, t1], axis=0)
    scale = 1.0 / np.sqrt(DH)

    def mha(qin, kvin, wq, wk, wv, bq, bk, bv, wo, bo):
        q = dot(qin, wq) + bq
        k = dot(kvin, wk) + bk
        v = dot(kvin, wv) + bv
        k0, k1 = k[:B], k[B:]
        v0, v1 = v[:B], v[B:]
        kk = jnp.concatenate([k0, k1, k0, k1], axis=0)
        qq = jnp.concatenate([q[:B], q[:B], q[B:], q[B:]], axis=0)
        ss = dot(qq * kk, KT) * scale
        s00, s01, s10, s11 = ss[:B], ss[B:2 * B], ss[2 * B:3 * B], ss[3 * B:]

        def row(sa, sb):
            mm = jnp.maximum(sa, sb)
            a0 = jnp.exp(sa - mm)
            a1 = jnp.exp(sb - mm)
            inv = 1.0 / (a0 + a1)
            return dot(a0 * inv, S) * v0 + dot(a1 * inv, S) * v1

        o = jnp.concatenate([row(s00, s01), row(s10, s11)], axis=0)
        return dot(o, wo) + bo

    sa = mha(tS, tS,
             saq_ref[...], sak_ref[...], sav_ref[...],
             sabq_ref[...], sabk_ref[...], sabv_ref[...],
             sao_ref[...], saob_ref[...])
    xx = _ln(tS + sa, ln1g_ref[...], ln1b_ref[...])
    ca = mha(xx, tS,
             caq_ref[...], cak_ref[...], cav_ref[...],
             cabq_ref[...], cabk_ref[...], cabv_ref[...],
             cao_ref[...], caob_ref[...])
    xx = _ln(xx + ca, ln2g_ref[...], ln2b_ref[...])
    ff = dot(jnp.maximum(dot(xx, l1_ref[...]) + l1b_ref[...], 0.0),
             l2_ref[...]) + l2b_ref[...]
    xx = _ln(xx + ff, ln3g_ref[...], ln3b_ref[...])
    x0, x1 = xx[:B], xx[B:]
    wp = wp_ref[...]
    out_ref[...] = dot(x0, wp[:D]) + dot(x1, wp[D:]) + bp_ref[...]


def _run_post(h0, u, b_gat, sa_in_w, sa_in_b, sa_out_w, sa_out_b,
              ca_in_w, ca_in_b, ca_out_w, ca_out_b,
              ln1_g, ln1_b, ln2_g, ln2_b, ln3_g, ln3_b,
              lin1_w, lin1_b, lin2_w, lin2_b, Wp, bp, interpret=False):
    B = 1000
    grid = N // B
    full = lambda shape: pl.BlockSpec(shape, lambda i: (0,) * len(shape))
    row = lambda w: (jax.ShapeDtypeStruct((1, w), jnp.float32), full((1, w)))
    mat = lambda a, b: (jax.ShapeDtypeStruct((a, b), jnp.float32), full((a, b)))

    args = []
    specs = []

    def add(val, spec):
        args.append(val)
        specs.append(spec)

    add(h0, pl.BlockSpec((B, D), lambda i: (i, 0)))
    add(u, pl.BlockSpec((1, B, FW), lambda i: (0, i, 0)))
    add(u, pl.BlockSpec((1, B, FW), lambda i: (1, i, 0)))
    add(b_gat.reshape(1, D), full((1, D)))
    add(jnp.asarray(_SEXP), full((H, D)))
    add(jnp.asarray(_SEXP.T), full((D, H)))
    for in_w, in_b, out_w, out_b in ((sa_in_w, sa_in_b, sa_out_w, sa_out_b),
                                     (ca_in_w, ca_in_b, ca_out_w, ca_out_b)):
        add(in_w[:D].T, full((D, D)))
        add(in_w[D:2 * D].T, full((D, D)))
        add(in_w[2 * D:].T, full((D, D)))
        add(in_b[:D].reshape(1, D), full((1, D)))
        add(in_b[D:2 * D].reshape(1, D), full((1, D)))
        add(in_b[2 * D:].reshape(1, D), full((1, D)))
        add(out_w.T, full((D, D)))
        add(out_b.reshape(1, D), full((1, D)))
    for g, b in ((ln1_g, ln1_b), (ln2_g, ln2_b), (ln3_g, ln3_b)):
        add(g.reshape(1, D), full((1, D)))
        add(b.reshape(1, D), full((1, D)))
    add(lin1_w.T, full((D, FF)))
    add(lin1_b.reshape(1, FF), full((1, FF)))
    add(lin2_w.T, full((FF, D)))
    add(lin2_b.reshape(1, D), full((1, D)))
    add(Wp.T, full((2 * D, OUT)))
    add(bp.reshape(1, OUT), full((1, OUT)))

    return pl.pallas_call(
        _post_body,
        grid=(grid,),
        in_specs=specs,
        out_specs=pl.BlockSpec((B, OUT), lambda i: (i, 0)),
        out_shape=jax.ShapeDtypeStruct((N, OUT), jnp.float32),
        interpret=interpret,
    )(*args)


def kernel(x, edge_index, W_in, b_in, W_gat, attn_l, attn_r, b_gat,
           sa_in_w, sa_in_b, sa_out_w, sa_out_b,
           ca_in_w, ca_in_b, ca_out_w, ca_out_b,
           ln1_g, ln1_b, ln2_g, ln2_b, ln3_g, ln3_b,
           lin1_w, lin1_b, lin2_w, lin2_b, Wp, bp):
    h0, fx, elr, er2, macc = _run_pre(x, W_in, b_in, W_gat, attn_l, attn_r)

    m8 = macc[0, :H] + macc[0, H:]
    m8 = jnp.where(m8 > 0, m8, 0.2 * m8)
    m16 = jnp.tile(m8, 2)

    loop = jnp.arange(N, dtype=edge_index.dtype)
    padv = jnp.full((EPAD - EDGES,), N, edge_index.dtype)
    src_p = jnp.concatenate([edge_index[0], loop, padv])
    dst_p = jnp.concatenate([edge_index[1], loop, padv])

    u = _run_sc(src_p, dst_p, elr, er2, fx, m16)

    return _run_post(h0, u, b_gat,
                     sa_in_w, sa_in_b, sa_out_w, sa_out_b,
                     ca_in_w, ca_in_b, ca_out_w, ca_out_b,
                     ln1_g, ln1_b, ln2_g, ln2_b, ln3_g, ln3_b,
                     lin1_w, lin1_b, lin2_w, lin2_b, Wp, bp)

# --- scband reference (transcript-rebuilt; emitter-appended) ---
"""Pipeline reference for scband-my-model-2911987826806 (READ-ONLY COPY).

The authoritative reference and input builder live on the scoring server;
editing this copy changes nothing except your own understanding.
"""

import jax, jax.numpy as jnp
import numpy as np

N = 10000
E = 320000
D = 128
H = 8
DH = D // H
FF = 2048
OUT = 16

PKEYS = ['W_in', 'b_in', 'W_gat', 'attn_l', 'attn_r', 'b_gat', 'sa_in_w', 'sa_in_b', 'sa_out_w', 'sa_out_b', 'ca_in_w', 'ca_in_b', 'ca_out_w', 'ca_out_b', 'ln1_g', 'ln1_b', 'ln2_g', 'ln2_b', 'ln3_g', 'ln3_b', 'lin1_w', 'lin1_b', 'lin2_w', 'lin2_b', 'Wp', 'bp']

def _layer_norm(x, g, b):
    mu = jnp.mean(x, axis=-1, keepdims=True)
    var = jnp.var(x, axis=-1, keepdims=True)
    return (x - mu) / jnp.sqrt(var + 1e-5) * g + b

def _mha(xq, xkv, in_w, in_b, out_w, out_b):
    d = xq.shape[-1]
    q = xq @ in_w[:d].T + in_b[:d]
    k = xkv @ in_w[d:2 * d].T + in_b[d:2 * d]
    v = xkv @ in_w[2 * d:].T + in_b[2 * d:]
    B, S, _ = q.shape
    Sk = k.shape[1]
    q = q.reshape(B, S, H, DH).transpose(0, 2, 1, 3)
    k = k.reshape(B, Sk, H, DH).transpose(0, 2, 1, 3)
    v = v.reshape(B, Sk, H, DH).transpose(0, 2, 1, 3)
    att = jax.nn.softmax(q @ k.transpose(0, 1, 3, 2) / float(np.sqrt(DH)), axis=-1)
    o = (att @ v).transpose(0, 2, 1, 3).reshape(B, S, d)
    return o @ out_w.T + out_b

def _forward(x, edge_index, p):
    # fc_in per node type (single ntype 'n')
    h0 = x @ p['W_in'].T + p['b_in']
    # dgl.add_self_loop on homogeneous graph
    loop = jnp.arange(N, dtype=edge_index.dtype)
    src = jnp.concatenate([edge_index[0], loop])
    dst = jnp.concatenate([edge_index[1], loop])
    # GATConv(in=128, out=16, heads=8), eval mode (attn_drop inactive)
    feat = (h0 @ p['W_gat'].T).reshape(N, H, DH)
    el = jnp.sum(feat * p['attn_l'][None], axis=-1)
    er = jnp.sum(feat * p['attn_r'][None], axis=-1)
    e = jax.nn.leaky_relu(el[src] + er[dst], negative_slope=0.2)
    m = jax.ops.segment_max(e, dst, num_segments=N)
    ee = jnp.exp(e - m[dst])
    den = jax.ops.segment_sum(ee, dst, num_segments=N)
    alpha = ee / (den[dst] + 1e-9)
    h1 = jax.ops.segment_sum(alpha[:, :, None] * feat[src], dst, num_segments=N).reshape(N, D) + p['b_gat']
    # stack metapath representations {'n': h0, 'n-n': h1} -> (N, 2, D)
    tgt = jnp.stack([h0, h1], axis=1)
    # TransformerDecoderLayer(d_model=128, nhead=8, batch_first=True), post-norm, eval mode, memory=tgt
    xx = _layer_norm(tgt + _mha(tgt, tgt, p['sa_in_w'], p['sa_in_b'], p['sa_out_w'], p['sa_out_b']), p['ln1_g'], p['ln1_b'])
    xx = _layer_norm(xx + _mha(xx, tgt, p['ca_in_w'], p['ca_in_b'], p['ca_out_w'], p['ca_out_b']), p['ln2_g'], p['ln2_b'])
    ffo = jax.nn.relu(xx @ p['lin1_w'].T + p['lin1_b']) @ p['lin2_w'].T + p['lin2_b']
    xx = _layer_norm(xx + ffo, p['ln3_g'], p['ln3_b'])
    z = xx.reshape(N, 2 * D)
    return z @ p['Wp'].T + p['bp']

def setup_inputs():
    ks = jax.random.split(jax.random.key(0), 40)
    def rn(i, shape, s=0.05):
        return jax.random.normal(ks[i], shape, dtype=jnp.float32) * s
    inp = {}
    inp['x'] = jax.random.normal(ks[0], (N, D), dtype=jnp.float32)
    inp['edge_index'] = jax.random.randint(ks[1], (2, E), 0, N, dtype=jnp.int32)
    inp['W_in'] = rn(2, (D, D)); inp['b_in'] = rn(3, (D,))
    inp['W_gat'] = rn(4, (D, D)); inp['attn_l'] = rn(5, (H, DH))
    inp['attn_r'] = rn(6, (H, DH)); inp['b_gat'] = rn(7, (D,))
    inp['sa_in_w'] = rn(8, (3 * D, D)); inp['sa_in_b'] = rn(9, (3 * D,))
    inp['sa_out_w'] = rn(10, (D, D)); inp['sa_out_b'] = rn(11, (D,))
    inp['ca_in_w'] = rn(12, (3 * D, D)); inp['ca_in_b'] = rn(13, (3 * D,))
    inp['ca_out_w'] = rn(14, (D, D)); inp['ca_out_b'] = rn(15, (D,))
    inp['ln1_g'] = jnp.ones((D,), jnp.float32); inp['ln1_b'] = jnp.zeros((D,), jnp.float32)
    inp['ln2_g'] = jnp.ones((D,), jnp.float32); inp['ln2_b'] = jnp.zeros((D,), jnp.float32)
    inp['ln3_g'] = jnp.ones((D,), jnp.float32); inp['ln3_b'] = jnp.zeros((D,), jnp.float32)
    inp['lin1_w'] = rn(16, (FF, D)); inp['lin1_b'] = rn(17, (FF,))
    inp['lin2_w'] = rn(18, (D, FF)); inp['lin2_b'] = rn(19, (D,))
    inp['Wp'] = rn(20, (OUT, 2 * D)); inp['bp'] = rn(21, (OUT,))
    return inp

def reference(x, edge_index, W_in, b_in, W_gat, attn_l, attn_r, b_gat,
              sa_in_w, sa_in_b, sa_out_w, sa_out_b,
              ca_in_w, ca_in_b, ca_out_w, ca_out_b,
              ln1_g, ln1_b, ln2_g, ln2_b, ln3_g, ln3_b,
              lin1_w, lin1_b, lin2_w, lin2_b, Wp, bp):
    p = {'W_in': W_in, 'b_in': b_in, 'W_gat': W_gat, 'attn_l': attn_l,
         'attn_r': attn_r, 'b_gat': b_gat, 'sa_in_w': sa_in_w, 'sa_in_b': sa_in_b,
         'sa_out_w': sa_out_w, 'sa_out_b': sa_out_b, 'ca_in_w': ca_in_w,
         'ca_in_b': ca_in_b, 'ca_out_w': ca_out_w, 'ca_out_b': ca_out_b,
         'ln1_g': ln1_g, 'ln1_b': ln1_b, 'ln2_g': ln2_g, 'ln2_b': ln2_b,
         'ln3_g': ln3_g, 'ln3_b': ln3_b, 'lin1_w': lin1_w, 'lin1_b': lin1_b,
         'lin2_w': lin2_w, 'lin2_b': lin2_b, 'Wp': Wp, 'bp': bp}
    return _forward(x, edge_index, p)

if __name__ == "__main__":
    import jax
    _d = setup_inputs()
    print(jax.jit(kernel)(*tuple(_d.values())))

</pallas_src>

<mosaic_0001>
#map = affine_map<(d0, d1) -> (0)>
#map1 = affine_map<(d0, d1) -> (0, 0)>
#map2 = affine_map<(d0, d1) -> (0, 0, 0)>
module attributes {stable_mosaic.version = 14 : i64} {
  func.func @_sc_body(%arg0: i32, %arg1: i32, %arg2: memref<331776xi32, #tpu.memory_space<hbm>>, %arg3: memref<331776xi32, #tpu.memory_space<hbm>>, %arg4: memref<11000x16xf32, #tpu.memory_space<hbm>>, %arg5: memref<11000x16xf32, #tpu.memory_space<hbm>>, %arg6: memref<11000x144xf32, #tpu.memory_space<hbm>>, %arg7: memref<16xf32, #tpu.memory_space<hbm>>, %arg8: memref<2x10240x144xf32, #tpu.memory_space<hbm>>, %arg9: memref<10240x144xf32, #tpu.memory_space<vmem_shared>>, %arg10: memref<2x64xi32, #tpu.memory_space<vmem>>, %arg11: memref<2x64xi32, #tpu.memory_space<vmem>>, %arg12: memref<2x64x16xf32, #tpu.memory_space<vmem>>, %arg13: memref<2x64x16xf32, #tpu.memory_space<vmem>>, %arg14: memref<2x64x144xf32, #tpu.memory_space<vmem>>, %arg15: memref<64x144xf32, #tpu.memory_space<vmem>>, %arg16: memref<16xf32, #tpu.memory_space<vmem>>, %arg17: memref<!tpu.dma_semaphore, #tpu.memory_space<semaphore_mem>>, %arg18: memref<!tpu.dma_semaphore, #tpu.memory_space<semaphore_mem>>, %arg19: memref<!tpu.dma_semaphore, #tpu.memory_space<semaphore_mem>>, %arg20: memref<!tpu.dma_semaphore, #tpu.memory_space<semaphore_mem>>, %arg21: memref<!tpu.dma_semaphore, #tpu.memory_space<semaphore_mem>>, %arg22: memref<!tpu.dma_semaphore, #tpu.memory_space<semaphore_mem>>, %arg23: memref<!tpu.dma_semaphore, #tpu.memory_space<semaphore_mem>>, %arg24: memref<!tpu.dma_semaphore, #tpu.memory_space<semaphore_mem>>) attributes {dimension_semantics = [#tpu.dimension_semantics<core_parallel>, #tpu.dimension_semantics<subcore_parallel>], iteration_bounds = array<i64: 2, 16>, scalar_prefetch = 0 : i64, scratch_operands = 16 : i64, tpu.core_type = #tpu.core_type<sc_vector_subcore>, window_params = [{transform_indices = #map}, {transform_indices = #map}, {transform_indices = #map1}, {transform_indices = #map1}, {transform_indices = #map1}, {transform_indices = #map}, {transform_indices = #map2}]} {
    %iota3A = tpu.iota {dimensions = array<i32: 0>} : vector<16xi32>
    "tpu.region"() ({
      %run_scoped3A = tpu.sem_alloc : memref<!tpu.dma_semaphore, #tpu.memory_space<semaphore_mem>>
      tpu.enqueue_dma source(%arg7 : memref<16xf32, #tpu.memory_space<hbm>>) target(%arg16 : memref<16xf32, #tpu.memory_space<vmem>>) target_semaphore(%run_scoped3A : memref<!tpu.dma_semaphore, #tpu.memory_space<semaphore_mem>>)
      tpu.wait_dma2 semaphore(%run_scoped3A : memref<!tpu.dma_semaphore, #tpu.memory_space<semaphore_mem>>) src(%arg7 : memref<16xf32, #tpu.memory_space<hbm>>) dst(%arg16 : memref<16xf32, #tpu.memory_space<vmem>>)
      tpu.yield
    }) : () -> ()
    %get3A = arith.constant 0 : index
    %get3A_0 = tpu.vector_load %arg16[%get3A] {strides = array<i32>} : memref<16xf32, #tpu.memory_space<vmem>>, vector<16xf32>,
    %get3A_1 = vector.shape_cast %get3A_0 : vector<16xf32> to vector<16xf32>
    %scan3A = arith.constant 0 : i32
    %scan3A_2 = arith.constant 0 : i32
    %scan3A_3 = arith.constant 64 : i32
    %scan3A_4 = arith.addi %scan3A_2, %scan3A_3 : i32
    %scan3A_5 = arith.constant 2 : i32
    %scan3A_6 = scf.for %scan3A_139 = %scan3A_2 to %scan3A_4 step %scan3A_5 iter_args(%scan3A_140 = %scan3A) -> (i32)  : i32 {
      %broadcast_in_dim3A_141 = arith.constant 0.000000e+00 : f32
      %broadcast_in_dim3A_142 = vector.broadcast %broadcast_in_dim3A_141 : f32 to vector<16xf32>
      %swap3A = arith.index_cast %scan3A_139 : i32 to index
      %swap3A_143 = arith.constant 0 : index
      %swap3A_144 = tpu.vector_load %arg15[%swap3A, %swap3A_143] {strides = array<i32>} : memref<64x144xf32, #tpu.memory_space<vmem>>, vector<1x16xf32>,
      %swap3A_145 = vector.shape_cast %swap3A_144 : vector<1x16xf32> to vector<16xf32>
      %swap3A_146 = vector.shape_cast %broadcast_in_dim3A_142 : vector<16xf32> to vector<1x16xf32>
      tpu.vector_store %arg15[%swap3A, %swap3A_143], %swap3A_146 {strides = array<i32>} : memref<64x144xf32, #tpu.memory_space<vmem>>, vector<1x16xf32>,
      %broadcast_in_dim3A_147 = arith.constant 0.000000e+00 : f32
      %broadcast_in_dim3A_148 = vector.broadcast %broadcast_in_dim3A_147 : f32 to vector<16xf32>
      %swap3A_149 = arith.index_cast %scan3A_139 : i32 to index
      %swap3A_150 = arith.constant 16 : index
      %swap3A_151 = tpu.vector_load %arg15[%swap3A_149, %swap3A_150] {strides = array<i32>} : memref<64x144xf32, #tpu.memory_space<vmem>>, vector<1x16xf32>,
      %swap3A_152 = vector.shape_cast %swap3A_151 : vector<1x16xf32> to vector<16xf32>
      %swap3A_153 = vector.shape_cast %broadcast_in_dim3A_148 : vector<16xf32> to vector<1x16xf32>
      tpu.vector_store %arg15[%swap3A_149, %swap3A_150], %swap3A_153 {strides = array<i32>} : memref<64x144xf32, #tpu.memory_space<vmem>>, vector<1x16xf32>,
      %broadcast_in_dim3A_154 = arith.constant 0.000000e+00 : f32
      %broadcast_in_dim3A_155 = vector.broadcast %broadcast_in_dim3A_154 : f32 to vector<16xf32>
      %swap3A_156 = arith.index_cast %scan3A_139 : i32 to index
      %swap3A_157 = arith.constant 32 : index
      %swap3A_158 = tpu.vector_load %arg15[%swap3A_156, %swap3A_157] {strides = array<i32>} : memref<64x144xf32, #tpu.memory_space<vmem>>, vector<1x16xf32>,
      %swap3A_159 = vector.shape_cast %swap3A_158 : vector<1x16xf32> to vector<16xf32>
      %swap3A_160 = vector.shape_cast %broadcast_in_dim3A_155 : vector<16xf32> to vector<1x16xf32>
      tpu.vector_store %arg15[%swap3A_156, %swap3A_157], %swap3A_160 {strides = array<i32>} : memref<64x144xf32, #tpu.memory_space<vmem>>, vector<1x16xf32>,
      %broadcast_in_dim3A_161 = arith.constant 0.000000e+00 : f32
      %broadcast_in_dim3A_162 = vector.broadcast %broadcast_in_dim3A_161 : f32 to vector<16xf32>
      %swap3A_163 = arith.index_cast %scan3A_139 : i32 to index
      %swap3A_164 = arith.constant 48 : index
      %swap3A_165 = tpu.vector_load %arg15[%swap3A_163, %swap3A_164] {strides = array<i32>} : memref<64x144xf32, #tpu.memory_space<vmem>>, vector<1x16xf32>,
      %swap3A_166 = vector.shape_cast %swap3A_165 : vector<1x16xf32> to vector<16xf32>
      %swap3A_167 = vector.shape_cast %broadcast_in_dim3A_162 : vector<16xf32> to vector<1x16xf32>
      tpu.vector_store %arg15[%swap3A_163, %swap3A_164], %swap3A_167 {strides = array<i32>} : memref<64x144xf32, #tpu.memory_space<vmem>>, vector<1x16xf32>,
      %broadcast_in_dim3A_168 = arith.constant 0.000000e+00 : f32
      %broadcast_in_dim3A_169 = vector.broadcast %broadcast_in_dim3A_168 : f32 to vector<16xf32>
      %swap3A_170 = arith.index_cast %scan3A_139 : i32 to index
      %swap3A_171 = arith.constant 64 : index
      %swap3A_172 = tpu.vector_load %arg15[%swap3A_170, %swap3A_171] {strides = array<i32>} : memref<64x144xf32, #tpu.memory_space<vmem>>, vector<1x16xf32>,
      %swap3A_173 = vector.shape_cast %swap3A_172 : vector<1x16xf32> to vector<16xf32>
      %swap3A_174 = vector.shape_cast %broadcast_in_dim3A_169 : vector<16xf32> to vector<1x16xf32>
      tpu.vector_store %arg15[%swap3A_170, %swap3A_171], %swap3A_174 {strides = array<i32>} : memref<64x144xf32, #tpu.memory_space<vmem>>, vector<1x16xf32>,
      %broadcast_in_dim3A_175 = arith.constant 0.000000e+00 : f32
      %broadcast_in_dim3A_176 = vector.broadcast %broadcast_in_dim3A_175 : f32 to vector<16xf32>
      %swap3A_177 = arith.index_cast %scan3A_139 : i32 to index
      %swap3A_178 = arith.constant 80 : index
      %swap3A_179 = tpu.vector_load %arg15[%swap3A_177, %swap3A_178] {strides = array<i32>} : memref<64x144xf32, #tpu.memory_space<vmem>>, vector<1x16xf32>,
      %swap3A_180 = vector.shape_cast %swap3A_179 : vector<1x16xf32> to vector<16xf32>
      %swap3A_181 = vector.shape_cast %broadcast_in_dim3A_176 : vector<16xf32> to vector<1x16xf32>
      tpu.vector_store %arg15[%swap3A_177, %swap3A_178], %swap3A_181 {strides = array<i32>} : memref<64x144xf32, #tpu.memory_space<vmem>>, vector<1x16xf32>,
      %broadcast_in_dim3A_182 = arith.constant 0.000000e+00 : f32
      %broadcast_in_dim3A_183 = vector.broadcast %broadcast_in_dim3A_182 : f32 to vector<16xf32>
      %swap3A_184 = arith.index_cast %scan3A_139 : i32 to index
      %swap3A_185 = arith.constant 96 : index
      %swap3A_186 = tpu.vector_load %arg15[%swap3A_184, %swap3A_185] {strides = array<i32>} : memref<64x144xf32, #tpu.memory_space<vmem>>, vector<1x16xf32>,
      %swap3A_187 = vector.shape_cast %swap3A_186 : vector<1x16xf32> to vector<16xf32>
      %swap3A_188 = vector.shape_cast %broadcast_in_dim3A_183 : vector<16xf32> to vector<1x16xf32>
      tpu.vector_store %arg15[%swap3A_184, %swap3A_185], %swap3A_188 {strides = array<i32>} : memref<64x144xf32, #tpu.memory_space<vmem>>, vector<1x16xf32>,
      %broadcast_in_dim3A_189 = arith.constant 0.000000e+00 : f32
      %broadcast_in_dim3A_190 = vector.broadcast %broadcast_in_dim3A_189 : f32 to vector<16xf32>
      %swap3A_191 = arith.index_cast %scan3A_139 : i32 to index
      %swap3A_192 = arith.constant 112 : index
      %swap3A_193 = tpu.vector_load %arg15[%swap3A_191, %swap3A_192] {strides = array<i32>} : memref<64x144xf32, #tpu.memory_space<vmem>>, vector<1x16xf32>,
      %swap3A_194 = vector.shape_cast %swap3A_193 : vector<1x16xf32> to vector<16xf32>
      %swap3A_195 = vector.shape_cast %broadcast_in_dim3A_190 : vector<16xf32> to vector<1x16xf32>
      tpu.vector_store %arg15[%swap3A_191, %swap3A_192], %swap3A_195 {strides = array<i32>} : memref<64x144xf32, #tpu.memory_space<vmem>>, vector<1x16xf32>,
      %broadcast_in_dim3A_196 = arith.constant 0.000000e+00 : f32
      %broadcast_in_dim3A_197 = vector.broadcast %broadcast_in_dim3A_196 : f32 to vector<16xf32>
      %swap3A_198 = arith.index_cast %scan3A_139 : i32 to index
      %swap3A_199 = arith.constant 128 : index
      %swap3A_200 = tpu.vector_load %arg15[%swap3A_198, %swap3A_199] {strides = array<i32>} : memref<64x144xf32, #tpu.memory_space<vmem>>, vector<1x16xf32>,
      %swap3A_201 = vector.shape_cast %swap3A_200 : vector<1x16xf32> to vector<16xf32>
      %swap3A_202 = vector.shape_cast %broadcast_in_dim3A_197 : vector<16xf32> to vector<1x16xf32>
      tpu.vector_store %arg15[%swap3A_198, %swap3A_199], %swap3A_202 {strides = array<i32>} : memref<64x144xf32, #tpu.memory_space<vmem>>, vector<1x16xf32>,
      %scan3A_203 = arith.constant 0 : i32
      %scan3A_204 = arith.constant 1 : i32
      %scan3A_205 = arith.addi %scan3A_139, %scan3A_204 : i32
      %broadcast_in_dim3A_206 = arith.constant 0.000000e+00 : f32
      %broadcast_in_dim3A_207 = vector.broadcast %broadcast_in_dim3A_206 : f32 to vector<16xf32>
      %swap3A_208 = arith.index_cast %scan3A_205 : i32 to index
      %swap3A_209 = arith.constant 0 : index
      %swap3A_210 = tpu.vector_load %arg15[%swap3A_208, %swap3A_209] {strides = array<i32>} : memref<64x144xf32, #tpu.memory_space<vmem>>, vector<1x16xf32>,
      %swap3A_211 = vector.shape_cast %swap3A_210 : vector<1x16xf32> to vector<16xf32>
      %swap3A_212 = vector.shape_cast %broadcast_in_dim3A_207 : vector<16xf32> to vector<1x16xf32>
      tpu.vector_store %arg15[%swap3A_208, %swap3A_209], %swap3A_212 {strides = array<i32>} : memref<64x144xf32, #tpu.memory_space<vmem>>, vector<1x16xf32>,
      %broadcast_in_dim3A_213 = arith.constant 0.000000e+00 : f32
      %broadcast_in_dim3A_214 = vector.broadcast %broadcast_in_dim3A_213 : f32 to vector<16xf32>
      %swap3A_215 = arith.index_cast %scan3A_205 : i32 to index
      %swap3A_216 = arith.constant 16 : index
      %swap3A_217 = tpu.vector_load %arg15[%swap3A_215, %swap3A_216] {strides = array<i32>} : memref<64x144xf32, #tpu.memory_space<vmem>>, vector<1x16xf32>,
      %swap3A_218 = vector.shape_cast %swap3A_217 : vector<1x16xf32> to vector<16xf32>
      %swap3A_219 = vector.shape_cast %broadcast_in_dim3A_214 : vector<16xf32> to vector<1x16xf32>
      tpu.vector_store %arg15[%swap3A_215, %swap3A_216], %swap3A_219 {strides = array<i32>} : memref<64x144xf32, #tpu.memory_space<vmem>>, vector<1x16xf32>,
      %broadcast_in_dim3A_220 = arith.constant 0.000000e+00 : f32
      %broadcast_in_dim3A_221 = vector.broadcast %broadcast_in_dim3A_220 : f32 to vector<16xf32>
      %swap3A_222 = arith.index_cast %scan3A_205 : i32 to index
      %swap3A_223 = arith.constant 32 : index
      %swap3A_224 = tpu.vector_load %arg15[%swap3A_222, %swap3A_223] {strides = array<i32>} : memref<64x144xf32, #tpu.memory_space<vmem>>, vector<1x16xf32>,
      %swap3A_225 = vector.shape_cast %swap3A_224 : vector<1x16xf32> to vector<16xf32>
      %swap3A_226 = vector.shape_cast %broadcast_in_dim3A_221 : vector<16xf32> to vector<1x16xf32>
      tpu.vector_store %arg15[%swap3A_222, %swap3A_223], %swap3A_226 {strides = array<i32>} : memref<64x144xf32, #tpu.memory_space<vmem>>, vector<1x16xf32>,
      %broadcast_in_dim3A_227 = arith.constant 0.000000e+00 : f32
      %broadcast_in_dim3A_228 = vector.broadcast %broadcast_in_dim3A_227 : f32 to vector<16xf32>
      %swap3A_229 = arith.index_cast %scan3A_205 : i32 to index
      %swap3A_230 = arith.constant 48 : index
      %swap3A_231 = tpu.vector_load %arg15[%swap3A_229, %swap3A_230] {strides = array<i32>} : memref<64x144xf32, #tpu.memory_space<vmem>>, vector<1x16xf32>,
      %swap3A_232 = vector.shape_cast %swap3A_231 : vector<1x16xf32> to vector<16xf32>
      %swap3A_233 = vector.shape_cast %broadcast_in_dim3A_228 : vector<16xf32> to vector<1x16xf32>
      tpu.vector_store %arg15[%swap3A_229, %swap3A_230], %swap3A_233 {strides = array<i32>} : memref<64x144xf32, #tpu.memory_space<vmem>>, vector<1x16xf32>,
      %broadcast_in_dim3A_234 = arith.constant 0.000000e+00 : f32
      %broadcast_in_dim3A_235 = vector.broadcast %broadcast_in_dim3A_234 : f32 to vector<16xf32>
      %swap3A_236 = arith.index_cast %scan3A_205 : i32 to index
      %swap3A_237 = arith.constant 64 : index
      %swap3A_238 = tpu.vector_load %arg15[%swap3A_236, %swap3A_237] {strides = array<i32>} : memref<64x144xf32, #tpu.memory_space<vmem>>, vector<1x16xf32>,
      %swap3A_239 = vector.shape_cast %swap3A_238 : vector<1x16xf32> to vector<16xf32>
      %swap3A_240 = vector.shape_cast %broadcast_in_dim3A_235 : vector<16xf32> to vector<1x16xf32>
      tpu.vector_store %arg15[%swap3A_236, %swap3A_237], %swap3A_240 {strides = array<i32>} : memref<64x144xf32, #tpu.memory_space<vmem>>, vector<1x16xf32>,
      %broadcast_in_dim3A_241 = arith.constant 0.000000e+00 : f32
      %broadcast_in_dim3A_242 = vector.broadcast %broadcast_in_dim3A_241 : f32 to vector<16xf32>
      %swap3A_243 = arith.index_cast %scan3A_205 : i32 to index
      %swap3A_244 = arith.constant 80 : index
      %swap3A_245 = tpu.vector_load %arg15[%swap3A_243, %swap3A_244] {strides = array<i32>} : memref<64x144xf32, #tpu.memory_space<vmem>>, vector<1x16xf32>,
      %swap3A_246 = vector.shape_cast %swap3A_245 : vector<1x16xf32> to vector<16xf32>
      %swap3A_247 = vector.shape_cast %broadcast_in_dim3A_242 : vector<16xf32> to vector<1x16xf32>
      tpu.vector_store %arg15[%swap3A_243, %swap3A_244], %swap3A_247 {strides = array<i32>} : memref<64x144xf32, #tpu.memory_space<vmem>>, vector<1x16xf32>,
      %broadcast_in_dim3A_248 = arith.constant 0.000000e+00 : f32
      %broadcast_in_dim3A_249 = vector.broadcast %broadcast_in_dim3A_248 : f32 to vector<16xf32>
      %swap3A_250 = arith.index_cast %scan3A_205 : i32 to index
      %swap3A_251 = arith.constant 96 : index
      %swap3A_252 = tpu.vector_load %arg15[%swap3A_250, %swap3A_251] {strides = array<i32>} : memref<64x144xf32, #tpu.memory_space<vmem>>, vector<1x16xf32>,
      %swap3A_253 = vector.shape_cast %swap3A_252 : vector<1x16xf32> to vector<16xf32>
      %swap3A_254 = vector.shape_cast %broadcast_in_dim3A_249 : vector<16xf32> to vector<1x16xf32>
      tpu.vector_store %arg15[%swap3A_250, %swap3A_251], %swap3A_254 {strides = array<i32>} : memref<64x144xf32, #tpu.memory_space<vmem>>, vector<1x16xf32>,
      %broadcast_in_dim3A_255 = arith.constant 0.000000e+00 : f32
      %broadcast_in_dim3A_256 = vector.broadcast %broadcast_in_dim3A_255 : f32 to vector<16xf32>
      %swap3A_257 = arith.index_cast %scan3A_205 : i32 to index
      %swap3A_258 = arith.constant 112 : index
      %swap3A_259 = tpu.vector_load %arg15[%swap3A_257, %swap3A_258] {strides = array<i32>} : memref<64x144xf32, #tpu.memory_space<vmem>>, vector<1x16xf32>,
      %swap3A_260 = vector.shape_cast %swap3A_259 : vector<1x16xf32> to vector<16xf32>
      %swap3A_261 = vector.shape_cast %broadcast_in_dim3A_256 : vector<16xf32> to vector<1x16xf32>
      tpu.vector_store %arg15[%swap3A_257, %swap3A_258], %swap3A_261 {strides = array<i32>} : memref<64x144xf32, #tpu.memory_space<vmem>>, vector<1x16xf32>,
      %broadcast_in_dim3A_262 = arith.constant 0.000000e+00 : f32
      %broadcast_in_dim3A_263 = vector.broadcast %broadcast_in_dim3A_262 : f32 to vector<16xf32>
      %swap3A_264 = arith.index_cast %scan3A_205 : i32 to index
      %swap3A_265 = arith.constant 128 : index
      %swap3A_266 = tpu.vector_load %arg15[%swap3A_264, %swap3A_265] {strides = array<i32>} : memref<64x144xf32, #tpu.memory_space<vmem>>, vector<1x16xf32>,
      %swap3A_267 = vector.shape_cast %swap3A_266 : vector<1x16xf32> to vector<16xf32>
      %swap3A_268 = vector.shape_cast %broadcast_in_dim3A_263 : vector<16xf32> to vector<1x16xf32>
      tpu.vector_store %arg15[%swap3A_264, %swap3A_265], %swap3A_268 {strides = array<i32>} : memref<64x144xf32, #tpu.memory_space<vmem>>, vector<1x16xf32>,
      %scan3A_269 = arith.constant 0 : i32
      scf.yield %scan3A_269 : i32
    }
    %scan3A_7 = arith.constant 64 : i32
    %mul3A = arith.constant 640 : i32
    %mul3A_8 = arith.muli %arg1, %mul3A : i32
    %add3A = arith.constant 0 : i32
    %add3A_9 = arith.addi %mul3A_8, %add3A : i32
    "tpu.region"() ({
      %run_scoped3A = tpu.sem_alloc : memref<!tpu.dma_semaphore, #tpu.memory_space<semaphore_mem>>
      %dma_start3A_139 = arith.constant 0 : i32
      %dma_start3A_140 = tpu.memref_slice %arg9[%add3A_9, %dma_start3A_139] : memref<10240x144xf32, #tpu.memory_space<vmem_shared>> -> memref<64x144xf32, #tpu.memory_space<vmem_shared>>
      %dma_start3A_141 = arith.constant 0 : i32
      %dma_start3A_142 = tpu.memref_slice %arg9[%add3A_9, %dma_start3A_141] : memref<10240x144xf32, #tpu.memory_space<vmem_shared>> -> memref<64x144xf32, #tpu.memory_space<vmem_shared>>
      tpu.enqueue_dma source(%arg15 : memref<64x144xf32, #tpu.memory_space<vmem>>) target(%dma_start3A_142 : memref<64x144xf32, #tpu.memory_space<vmem_shared>>) target_semaphore(%run_scoped3A : memref<!tpu.dma_semaphore, #tpu.memory_space<semaphore_mem>>)
      %dma_wait3A_143 = arith.constant 0 : i32
      %dma_wait3A_144 = tpu.memref_slice %arg9[%add3A_9, %dma_wait3A_143] : memref<10240x144xf32, #tpu.memory_space<vmem_shared>> -> memref<64x144xf32, #tpu.memory_space<vmem_shared>>
      %dma_wait3A_145 = arith.constant 0 : i32
      %dma_wait3A_146 = tpu.memref_slice %arg9[%add3A_9, %dma_wait3A_145] : memref<10240x144xf32, #tpu.memory_space<vmem_shared>> -> memref<64x144xf32, #tpu.memory_space<vmem_shared>>
      tpu.wait_dma2 semaphore(%run_scoped3A : memref<!tpu.dma_semaphore, #tpu.memory_space<semaphore_mem>>) src(%arg15 : memref<64x144xf32, #tpu.memory_space<vmem>>) dst(%dma_wait3A_146 : memref<64x144xf32, #tpu.memory_space<vmem_shared>>)
      tpu.yield
    }) : () -> ()
    %mul3A_10 = arith.constant 640 : i32
    %mul3A_11 = arith.muli %arg1, %mul3A_10 : i32
    %add3A_12 = arith.constant 64 : i32
    %add3A_13 = arith.addi %mul3A_11, %add3A_12 : i32
    "tpu.region"() ({
      %run_scoped3A = tpu.sem_alloc : memref<!tpu.dma_semaphore, #tpu.memory_space<semaphore_mem>>
      %dma_start3A_139 = arith.constant 0 : i32
      %dma_start3A_140 = tpu.memref_slice %arg9[%add3A_13, %dma_start3A_139] : memref<10240x144xf32, #tpu.memory_space<vmem_shared>> -> memref<64x144xf32, #tpu.memory_space<vmem_shared>>
      %dma_start3A_141 = arith.constant 0 : i32
      %dma_start3A_142 = tpu.memref_slice %arg9[%add3A_13, %dma_start3A_141] : memref<10240x144xf32, #tpu.memory_space<vmem_shared>> -> memref<64x144xf32, #tpu.memory_space<vmem_shared>>
      tpu.enqueue_dma source(%arg15 : memref<64x144xf32, #tpu.memory_space<vmem>>) target(%dma_start3A_142 : memref<64x144xf32, #tpu.memory_space<vmem_shared>>) target_semaphore(%run_scoped3A : memref<!tpu.dma_semaphore, #tpu.memory_space<semaphore_mem>>)
      %dma_wait3A_143 = arith.constant 0 : i32
      %dma_wait3A_144 = tpu.memref_slice %arg9[%add3A_13, %dma_wait3A_143] : memref<10240x144xf32, #tpu.memory_space<vmem_shared>> -> memref<64x144xf32, #tpu.memory_space<vmem_shared>>
      %dma_wait3A_145 = arith.constant 0 : i32
      %dma_wait3A_146 = tpu.memref_slice %arg9[%add3A_13, %dma_wait3A_145] : memref<10240x144xf32, #tpu.memory_space<vmem_shared>> -> memref<64x144xf32, #tpu.memory_space<vmem_shared>>
      tpu.wait_dma2 semaphore(%run_scoped3A : memref<!tpu.dma_semaphore, #tpu.memory_space<semaphore_mem>>) src(%arg15 : memref<64x144xf32, #tpu.memory_space<vmem>>) dst(%dma_wait3A_146 : memref<64x144xf32, #tpu.memory_space<vmem_shared>>)
      tpu.yield
    }) : () -> ()
    %mul3A_14 = arith.constant 640 : i32
    %mul3A_15 = arith.muli %arg1, %mul3A_14 : i32
    %add3A_16 = arith.constant 128 : i32
    %add3A_17 = arith.addi %mul3A_15, %add3A_16 : i32
    "tpu.region"() ({
      %run_scoped3A = tpu.sem_alloc : memref<!tpu.dma_semaphore, #tpu.memory_space<semaphore_mem>>
      %dma_start3A_139 = arith.constant 0 : i32
      %dma_start3A_140 = tpu.memref_slice %arg9[%add3A_17, %dma_start3A_139] : memref<10240x144xf32, #tpu.memory_space<vmem_shared>> -> memref<64x144xf32, #tpu.memory_space<vmem_shared>>
      %dma_start3A_141 = arith.constant 0 : i32
      %dma_start3A_142 = tpu.memref_slice %arg9[%add3A_17, %dma_start3A_141] : memref<10240x144xf32, #tpu.memory_space<vmem_shared>> -> memref<64x144xf32, #tpu.memory_space<vmem_shared>>
      tpu.enqueue_dma source(%arg15 : memref<64x144xf32, #tpu.memory_space<vmem>>) target(%dma_start3A_142 : memref<64x144xf32, #tpu.memory_space<vmem_shared>>) target_semaphore(%run_scoped3A : memref<!tpu.dma_semaphore, #tpu.memory_space<semaphore_mem>>)
      %dma_wait3A_143 = arith.constant 0 : i32
      %dma_wait3A_144 = tpu.memref_slice %arg9[%add3A_17, %dma_wait3A_143] : memref<10240x144xf32, #tpu.memory_space<vmem_shared>> -> memref<64x144xf32, #tpu.memory_space<vmem_shared>>
      %dma_wait3A_145 = arith.constant 0 : i32
      %dma_wait3A_146 = tpu.memref_slice %arg9[%add3A_17, %dma_wait3A_145] : memref<10240x144xf32, #tpu.memory_space<vmem_shared>> -> memref<64x144xf32, #tpu.memory_space<vmem_shared>>
      tpu.wait_dma2 semaphore(%run_scoped3A : memref<!tpu.dma_semaphore, #tpu.memory_space<semaphore_mem>>) src(%arg15 : memref<64x144xf32, #tpu.memory_space<vmem>>) dst(%dma_wait3A_146 : memref<64x144xf32, #tpu.memory_space<vmem_shared>>)
      tpu.yield
    }) : () -> ()
    %mul3A_18 = arith.constant 640 : i32
    %mul3A_19 = arith.muli %arg1, %mul3A_18 : i32
    %add3A_20 = arith.constant 192 : i32
    %add3A_21 = arith.addi %mul3A_19, %add3A_20 : i32
    "tpu.region"() ({
      %run_scoped3A = tpu.sem_alloc : memref<!tpu.dma_semaphore, #tpu.memory_space<semaphore_mem>>
      %dma_start3A_139 = arith.constant 0 : i32
      %dma_start3A_140 = tpu.memref_slice %arg9[%add3A_21, %dma_start3A_139] : memref<10240x144xf32, #tpu.memory_space<vmem_shared>> -> memref<64x144xf32, #tpu.memory_space<vmem_shared>>
      %dma_start3A_141 = arith.constant 0 : i32
      %dma_start3A_142 = tpu.memref_slice %arg9[%add3A_21, %dma_start3A_141] : memref<10240x144xf32, #tpu.memory_space<vmem_shared>> -> memref<64x144xf32, #tpu.memory_space<vmem_shared>>
      tpu.enqueue_dma source(%arg15 : memref<64x144xf32, #tpu.memory_space<vmem>>) target(%dma_start3A_142 : memref<64x144xf32, #tpu.memory_space<vmem_shared>>) target_semaphore(%run_scoped3A : memref<!tpu.dma_semaphore, #tpu.memory_space<semaphore_mem>>)
      %dma_wait3A_143 = arith.constant 0 : i32
      %dma_wait3A_144 = tpu.memref_slice %arg9[%add3A_21, %dma_wait3A_143] : memref<10240x144xf32, #tpu.memory_space<vmem_shared>> -> memref<64x144xf32, #tpu.memory_space<vmem_shared>>
      %dma_wait3A_145 = arith.constant 0 : i32
      %dma_wait3A_146 = tpu.memref_slice %arg9[%add3A_21, %dma_wait3A_145] : memref<10240x144xf32, #tpu.memory_space<vmem_shared>> -> memref<64x144xf32, #tpu.memory_space<vmem_shared>>
      tpu.wait_dma2 semaphore(%run_scoped3A : memref<!tpu.dma_semaphore, #tpu.memory_space<semaphore_mem>>) src(%arg15 : memref<64x144xf32, #tpu.memory_space<vmem>>) dst(%dma_wait3A_146 : memref<64x144xf32, #tpu.memory_space<vmem_shared>>)
      tpu.yield
    }) : () -> ()
    %mul3A_22 = arith.constant 640 : i32
    %mul3A_23 = arith.muli %arg1, %mul3A_22 : i32
    %add3A_24 = arith.constant 256 : i32
    %add3A_25 = arith.addi %mul3A_23, %add3A_24 : i32
    "tpu.region"() ({
      %run_scoped3A = tpu.sem_alloc : memref<!tpu.dma_semaphore, #tpu.memory_space<semaphore_mem>>
      %dma_start3A_139 = arith.constant 0 : i32
      %dma_start3A_140 = tpu.memref_slice %arg9[%add3A_25, %dma_start3A_139] : memref<10240x144xf32, #tpu.memory_space<vmem_shared>> -> memref<64x144xf32, #tpu.memory_space<vmem_shared>>
      %dma_start3A_141 = arith.constant 0 : i32
      %dma_start3A_142 = tpu.memref_slice %arg9[%add3A_25, %dma_start3A_141] : memref<10240x144xf32, #tpu.memory_space<vmem_shared>> -> memref<64x144xf32, #tpu.memory_space<vmem_shared>>
      tpu.enqueue_dma source(%arg15 : memref<64x144xf32, #tpu.memory_space<vmem>>) target(%dma_start3A_142 : memref<64x144xf32, #tpu.memory_space<vmem_shared>>) target_semaphore(%run_scoped3A : memref<!tpu.dma_semaphore, #tpu.memory_space<semaphore_mem>>)
      %dma_wait3A_143 = arith.constant 0 : i32
      %dma_wait3A_144 = tpu.memref_slice %arg9[%add3A_25, %dma_wait3A_143] : memref<10240x144xf32, #tpu.memory_space<vmem_shared>> -> memref<64x144xf32, #tpu.memory_space<vmem_shared>>
      %dma_wait3A_145 = arith.constant 0 : i32
      %dma_wait3A_146 = tpu.memref_slice %arg9[%add3A_25, %dma_wait3A_145] : memref<10240x144xf32, #tpu.memory_space<vmem_shared>> -> memref<64x144xf32, #tpu.memory_space<vmem_shared>>
      tpu.wait_dma2 semaphore(%run_scoped3A : memref<!tpu.dma_semaphore, #tpu.memory_space<semaphore_mem>>) src(%arg15 : memref<64x144xf32, #tpu.memory_space<vmem>>) dst(%dma_wait3A_146 : memref<64x144xf32, #tpu.memory_space<vmem_shared>>)
      tpu.yield
    }) : () -> ()
    %mul3A_26 = arith.constant 640 : i32
    %mul3A_27 = arith.muli %arg1, %mul3A_26 : i32
    %add3A_28 = arith.constant 320 : i32
    %add3A_29 = arith.addi %mul3A_27, %add3A_28 : i32
    "tpu.region"() ({
      %run_scoped3A = tpu.sem_alloc : memref<!tpu.dma_semaphore, #tpu.memory_space<semaphore_mem>>
      %dma_start3A_139 = arith.constant 0 : i32
      %dma_start3A_140 = tpu.memref_slice %arg9[%add3A_29, %dma_start3A_139] : memref<10240x144xf32, #tpu.memory_space<vmem_shared>> -> memref<64x144xf32, #tpu.memory_space<vmem_shared>>
      %dma_start3A_141 = arith.constant 0 : i32
      %dma_start3A_142 = tpu.memref_slice %arg9[%add3A_29, %dma_start3A_141] : memref<10240x144xf32, #tpu.memory_space<vmem_shared>> -> memref<64x144xf32, #tpu.memory_space<vmem_shared>>
      tpu.enqueue_dma source(%arg15 : memref<64x144xf32, #tpu.memory_space<vmem>>) target(%dma_start3A_142 : memref<64x144xf32, #tpu.memory_space<vmem_shared>>) target_semaphore(%run_scoped3A : memref<!tpu.dma_semaphore, #tpu.memory_space<semaphore_mem>>)
      %dma_wait3A_143 = arith.constant 0 : i32
      %dma_wait3A_144 = tpu.memref_slice %arg9[%add3A_29, %dma_wait3A_143] : memref<10240x144xf32, #tpu.memory_space<vmem_shared>> -> memref<64x144xf32, #tpu.memory_space<vmem_shared>>
      %dma_wait3A_145 = arith.constant 0 : i32
      %dma_wait3A_146 = tpu.memref_slice %arg9[%add3A_29, %dma_wait3A_145] : memref<10240x144xf32, #tpu.memory_space<vmem_shared>> -> memref<64x144xf32, #tpu.memory_space<vmem_shared>>
      tpu.wait_dma2 semaphore(%run_scoped3A : memref<!tpu.dma_semaphore, #tpu.memory_space<semaphore_mem>>) src(%arg15 : memref<64x144xf32, #tpu.memory_space<vmem>>) dst(%dma_wait3A_146 : memref<64x144xf32, #tpu.memory_space<vmem_shared>>)
      tpu.yield
    }) : () -> ()
    %mul3A_30 = arith.constant 640 : i32
    %mul3A_31 = arith.muli %arg1, %mul3A_30 : i32
    %add3A_32 = arith.constant 384 : i32
    %add3A_33 = arith.addi %mul3A_31, %add3A_32 : i32
    "tpu.region"() ({
      %run_scoped3A = tpu.sem_alloc : memref<!tpu.dma_semaphore, #tpu.memory_space<semaphore_mem>>
      %dma_start3A_139 = arith.constant 0 : i32
      %dma_start3A_140 = tpu.memref_slice %arg9[%add3A_33, %dma_start3A_139] : memref<10240x144xf32, #tpu.memory_space<vmem_shared>> -> memref<64x144xf32, #tpu.memory_space<vmem_shared>>
      %dma_start3A_141 = arith.constant 0 : i32
      %dma_start3A_142 = tpu.memref_slice %arg9[%add3A_33, %dma_start3A_141] : memref<10240x144xf32, #tpu.memory_space<vmem_shared>> -> memref<64x144xf32, #tpu.memory_space<vmem_shared>>
      tpu.enqueue_dma source(%arg15 : memref<64x144xf32, #tpu.memory_space<vmem>>) target(%dma_start3A_142 : memref<64x144xf32, #tpu.memory_space<vmem_shared>>) target_semaphore(%run_scoped3A : memref<!tpu.dma_semaphore, #tpu.memory_space<semaphore_mem>>)
      %dma_wait3A_143 = arith.constant 0 : i32
      %dma_wait3A_144 = tpu.memref_slice %arg9[%add3A_33, %dma_wait3A_143] : memref<10240x144xf32, #tpu.memory_space<vmem_shared>> -> memref<64x144xf32, #tpu.memory_space<vmem_shared>>
      %dma_wait3A_145 = arith.constant 0 : i32
      %dma_wait3A_146 = tpu.memref_slice %arg9[%add3A_33, %dma_wait3A_145] : memref<10240x144xf32, #tpu.memory_space<vmem_shared>> -> memref<64x144xf32, #tpu.memory_space<vmem_shared>>
      tpu.wait_dma2 semaphore(%run_scoped3A : memref<!tpu.dma_semaphore, #tpu.memory_space<semaphore_mem>>) src(%arg15 : memref<64x144xf32, #tpu.memory_space<vmem>>) dst(%dma_wait3A_146 : memref<64x144xf32, #tpu.memory_space<vmem_shared>>)
      tpu.yield
    }) : () -> ()
    %mul3A_34 = arith.constant 640 : i32
    %mul3A_35 = arith.muli %arg1, %mul3A_34 : i32
    %add3A_36 = arith.constant 448 : i32
    %add3A_37 = arith.addi %mul3A_35, %add3A_36 : i32
    "tpu.region"() ({
      %run_scoped3A = tpu.sem_alloc : memref<!tpu.dma_semaphore, #tpu.memory_space<semaphore_mem>>
      %dma_start3A_139 = arith.constant 0 : i32
      %dma_start3A_140 = tpu.memref_slice %arg9[%add3A_37, %dma_start3A_139] : memref<10240x144xf32, #tpu.memory_space<vmem_shared>> -> memref<64x144xf32, #tpu.memory_space<vmem_shared>>
      %dma_start3A_141 = arith.constant 0 : i32
      %dma_start3A_142 = tpu.memref_slice %arg9[%add3A_37, %dma_start3A_141] : memref<10240x144xf32, #tpu.memory_space<vmem_shared>> -> memref<64x144xf32, #tpu.memory_space<vmem_shared>>
      tpu.enqueue_dma source(%arg15 : memref<64x144xf32, #tpu.memory_space<vmem>>) target(%dma_start3A_142 : memref<64x144xf32, #tpu.memory_space<vmem_shared>>) target_semaphore(%run_scoped3A : memref<!tpu.dma_semaphore, #tpu.memory_space<semaphore_mem>>)
      %dma_wait3A_143 = arith.constant 0 : i32
      %dma_wait3A_144 = tpu.memref_slice %arg9[%add3A_37, %dma_wait3A_143] : memref<10240x144xf32, #tpu.memory_space<vmem_shared>> -> memref<64x144xf32, #tpu.memory_space<vmem_shared>>
      %dma_wait3A_145 = arith.constant 0 : i32
      %dma_wait3A_146 = tpu.memref_slice %arg9[%add3A_37, %dma_wait3A_145] : memref<10240x144xf32, #tpu.memory_space<vmem_shared>> -> memref<64x144xf32, #tpu.memory_space<vmem_shared>>
      tpu.wait_dma2 semaphore(%run_scoped3A : memref<!tpu.dma_semaphore, #tpu.memory_space<semaphore_mem>>) src(%arg15 : memref<64x144xf32, #tpu.memory_space<vmem>>) dst(%dma_wait3A_146 : memref<64x144xf32, #tpu.memory_space<vmem_shared>>)
      tpu.yield
    }) : () -> ()
    %mul3A_38 = arith.constant 640 : i32
    %mul3A_39 = arith.muli %arg1, %mul3A_38 : i32
    %add3A_40 = arith.constant 512 : i32
    %add3A_41 = arith.addi %mul3A_39, %add3A_40 : i32
    "tpu.region"() ({
      %run_scoped3A = tpu.sem_alloc : memref<!tpu.dma_semaphore, #tpu.memory_space<semaphore_mem>>
      %dma_start3A_139 = arith.constant 0 : i32
      %dma_start3A_140 = tpu.memref_slice %arg9[%add3A_41, %dma_start3A_139] : memref<10240x144xf32, #tpu.memory_space<vmem_shared>> -> memref<64x144xf32, #tpu.memory_space<vmem_shared>>
      %dma_start3A_141 = arith.constant 0 : i32
      %dma_start3A_142 = tpu.memref_slice %arg9[%add3A_41, %dma_start3A_141] : memref<10240x144xf32, #tpu.memory_space<vmem_shared>> -> memref<64x144xf32, #tpu.memory_space<vmem_shared>>
      tpu.enqueue_dma source(%arg15 : memref<64x144xf32, #tpu.memory_space<vmem>>) target(%dma_start3A_142 : memref<64x144xf32, #tpu.memory_space<vmem_shared>>) target_semaphore(%run_scoped3A : memref<!tpu.dma_semaphore, #tpu.memory_space<semaphore_mem>>)
      %dma_wait3A_143 = arith.constant 0 : i32
      %dma_wait3A_144 = tpu.memref_slice %arg9[%add3A_41, %dma_wait3A_143] : memref<10240x144xf32, #tpu.memory_space<vmem_shared>> -> memref<64x144xf32, #tpu.memory_space<vmem_shared>>
      %dma_wait3A_145 = arith.constant 0 : i32
      %dma_wait3A_146 = tpu.memref_slice %arg9[%add3A_41, %dma_wait3A_145] : memref<10240x144xf32, #tpu.memory_space<vmem_shared>> -> memref<64x144xf32, #tpu.memory_space<vmem_shared>>
      tpu.wait_dma2 semaphore(%run_scoped3A : memref<!tpu.dma_semaphore, #tpu.memory_space<semaphore_mem>>) src(%arg15 : memref<64x144xf32, #tpu.memory_space<vmem>>) dst(%dma_wait3A_146 : memref<64x144xf32, #tpu.memory_space<vmem_shared>>)
      tpu.yield
    }) : () -> ()
    %mul3A_42 = arith.constant 640 : i32
    %mul3A_43 = arith.muli %arg1, %mul3A_42 : i32
    %add3A_44 = arith.constant 576 : i32
    %add3A_45 = arith.addi %mul3A_43, %add3A_44 : i32
    "tpu.region"() ({
      %run_scoped3A = tpu.sem_alloc : memref<!tpu.dma_semaphore, #tpu.memory_space<semaphore_mem>>
      %dma_start3A_139 = arith.constant 0 : i32
      %dma_start3A_140 = tpu.memref_slice %arg9[%add3A_45, %dma_start3A_139] : memref<10240x144xf32, #tpu.memory_space<vmem_shared>> -> memref<64x144xf32, #tpu.memory_space<vmem_shared>>
      %dma_start3A_141 = arith.constant 0 : i32
      %dma_start3A_142 = tpu.memref_slice %arg9[%add3A_45, %dma_start3A_141] : memref<10240x144xf32, #tpu.memory_space<vmem_shared>> -> memref<64x144xf32, #tpu.memory_space<vmem_shared>>
      tpu.enqueue_dma source(%arg15 : memref<64x144xf32, #tpu.memory_space<vmem>>) target(%dma_start3A_142 : memref<64x144xf32, #tpu.memory_space<vmem_shared>>) target_semaphore(%run_scoped3A : memref<!tpu.dma_semaphore, #tpu.memory_space<semaphore_mem>>)
      %dma_wait3A_143 = arith.constant 0 : i32
      %dma_wait3A_144 = tpu.memref_slice %arg9[%add3A_45, %dma_wait3A_143] : memref<10240x144xf32, #tpu.memory_space<vmem_shared>> -> memref<64x144xf32, #tpu.memory_space<vmem_shared>>
      %dma_wait3A_145 = arith.constant 0 : i32
      %dma_wait3A_146 = tpu.memref_slice %arg9[%add3A_45, %dma_wait3A_145] : memref<10240x144xf32, #tpu.memory_space<vmem_shared>> -> memref<64x144xf32, #tpu.memory_space<vmem_shared>>
      tpu.wait_dma2 semaphore(%run_scoped3A : memref<!tpu.dma_semaphore, #tpu.memory_space<semaphore_mem>>) src(%arg15 : memref<64x144xf32, #tpu.memory_space<vmem>>) dst(%dma_wait3A_146 : memref<64x144xf32, #tpu.memory_space<vmem_shared>>)
      tpu.yield
    }) : () -> ()
    %barrier3A = arith.constant 0 : index
    tpu.barrier barrier_id(%barrier3A)
    %lt3A = arith.constant 8 : i32
    %lt3A_46 = vector.broadcast %lt3A : i32 to vector<16xi32>
    %lt3A_47 = arith.cmpi slt, %iota3A, %lt3A_46 : vector<16xi32>
    %jit3A = arith.constant 1.000000e+00 : f32
    %jit3A_48 = arith.constant 0.000000e+00 : f32
    %broadcast_in_dim3A = vector.broadcast %jit3A : f32 to vector<16xf32>
    %broadcast_in_dim3A_49 = vector.broadcast %jit3A_48 : f32 to vector<16xf32>
    %select_n3A = arith.select %lt3A_47, %broadcast_in_dim3A, %broadcast_in_dim3A_49 : vector<16xi1>, vector<16xf32>
    %mul3A_50 = arith.constant 16 : i32
    %mul3A_51 = arith.muli %arg0, %mul3A_50 : i32
    %add3A_52 = arith.addi %mul3A_51, %arg1 : i32
    %add3A_53 = arith.constant 0 : i32
    %add3A_54 = arith.addi %add3A_53, %add3A_52 : i32
    %mul3A_55 = arith.constant 64 : i32
    %mul3A_56 = arith.muli %add3A_54, %mul3A_55 : i32
    %dma_start3A = arith.constant 0 : i32
    %dma_start3A_57 = arith.constant 0 : i32
    %dma_start3A_58 = tpu.memref_slice %arg10[%dma_start3A, %dma_start3A_57] : memref<2x64xi32, #tpu.memory_space<vmem>> -> memref<1x64xi32, #tpu.memory_space<vmem>>
    %dma_start3A_59 = tpu.memref_squeeze %dma_start3A_58 : memref<1x64xi32, #tpu.memory_space<vmem>> -> memref<64xi32, #tpu.memory_space<vmem>>
    %dma_start3A_60 = tpu.memref_slice %arg2[%mul3A_56] : memref<331776xi32, #tpu.memory_space<hbm>> -> memref<64xi32, #tpu.memory_space<hbm>>
    %dma_start3A_61 = arith.constant 0 : i32
    %dma_start3A_62 = tpu.memref_slice %arg10[%dma_start3A, %dma_start3A_61] : memref<2x64xi32, #tpu.memory_space<vmem>> -> memref<1x64xi32, #tpu.memory_space<vmem>>
    %dma_start3A_63 = tpu.memref_squeeze %dma_start3A_62 : memref<1x64xi32, #tpu.memory_space<vmem>> -> memref<64xi32, #tpu.memory_space<vmem>>
    %dma_start3A_64 = tpu.memref_slice %arg2[%mul3A_56] : memref<331776xi32, #tpu.memory_space<hbm>> -> memref<64xi32, #tpu.memory_space<hbm>>
    tpu.enqueue_dma source(%dma_start3A_64 : memref<64xi32, #tpu.memory_space<hbm>>) target(%dma_start3A_63 : memref<64xi32, #tpu.memory_space<vmem>>) target_semaphore(%arg17 : memref<!tpu.dma_semaphore, #tpu.memory_space<semaphore_mem>>)
    %dma_start3A_65 = arith.constant 0 : i32
    %dma_start3A_66 = arith.constant 0 : i32
    %dma_start3A_67 = tpu.memref_slice %arg11[%dma_start3A_65, %dma_start3A_66] : memref<2x64xi32, #tpu.memory_space<vmem>> -> memref<1x64xi32, #tpu.memory_space<vmem>>
    %dma_start3A_68 = tpu.memref_squeeze %dma_start3A_67 : memref<1x64xi32, #tpu.memory_space<vmem>> -> memref<64xi32, #tpu.memory_space<vmem>>
    %dma_start3A_69 = tpu.memref_slice %arg3[%mul3A_56] : memref<331776xi32, #tpu.memory_space<hbm>> -> memref<64xi32, #tpu.memory_space<hbm>>
    %dma_start3A_70 = arith.constant 0 : i32
    %dma_start3A_71 = tpu.memref_slice %arg11[%dma_start3A_65, %dma_start3A_70] : memref<2x64xi32, #tpu.memory_space<vmem>> -> memref<1x64xi32, #tpu.memory_space<vmem>>
    %dma_start3A_72 = tpu.memref_squeeze %dma_start3A_71 : memref<1x64xi32, #tpu.memory_space<vmem>> -> memref<64xi32, #tpu.memory_space<vmem>>
    %dma_start3A_73 = tpu.memref_slice %arg3[%mul3A_56] : memref<331776xi32, #tpu.memory_space<hbm>> -> memref<64xi32, #tpu.memory_space<hbm>>
    tpu.enqueue_dma source(%dma_start3A_73 : memref<64xi32, #tpu.memory_space<hbm>>) target(%dma_start3A_72 : memref<64xi32, #tpu.memory_space<vmem>>) target_semaphore(%arg18 : memref<!tpu.dma_semaphore, #tpu.memory_space<semaphore_mem>>)
    %dma_wait3A = arith.constant 0 : i32
    %dma_wait3A_74 = arith.constant 0 : i32
    %dma_wait3A_75 = tpu.memref_slice %arg10[%dma_wait3A, %dma_wait3A_74] : memref<2x64xi32, #tpu.memory_space<vmem>> -> memref<1x64xi32, #tpu.memory_space<vmem>>
    %dma_wait3A_76 = tpu.memref_squeeze %dma_wait3A_75 : memref<1x64xi32, #tpu.memory_space<vmem>> -> memref<64xi32, #tpu.memory_space<vmem>>
    %dma_wait3A_77 = tpu.memref_slice %arg2[%mul3A_56] : memref<331776xi32, #tpu.memory_space<hbm>> -> memref<64xi32, #tpu.memory_space<hbm>>
    %dma_wait3A_78 = arith.constant 0 : i32
    %dma_wait3A_79 = tpu.memref_slice %arg10[%dma_wait3A, %dma_wait3A_78] : memref<2x64xi32, #tpu.memory_space<vmem>> -> memref<1x64xi32, #tpu.memory_space<vmem>>
    %dma_wait3A_80 = tpu.memref_squeeze %dma_wait3A_79 : memref<1x64xi32, #tpu.memory_space<vmem>> -> memref<64xi32, #tpu.memory_space<vmem>>
    %dma_wait3A_81 = tpu.memref_slice %arg2[%mul3A_56] : memref<331776xi32, #tpu.memory_space<hbm>> -> memref<64xi32, #tpu.memory_space<hbm>>
    tpu.wait_dma2 semaphore(%arg17 : memref<!tpu.dma_semaphore, #tpu.memory_space<semaphore_mem>>) src(%dma_wait3A_81 : memref<64xi32, #tpu.memory_space<hbm>>) dst(%dma_wait3A_80 : memref<64xi32, #tpu.memory_space<vmem>>)
    %dma_wait3A_82 = arith.constant 0 : i32
    %dma_wait3A_83 = arith.constant 0 : i32
    %dma_wait3A_84 = tpu.memref_slice %arg11[%dma_wait3A_82, %dma_wait3A_83] : memref<2x64xi32, #tpu.memory_space<vmem>> -> memref<1x64xi32, #tpu.memory_space<vmem>>
    %dma_wait3A_85 = tpu.memref_squeeze %dma_wait3A_84 : memref<1x64xi32, #tpu.memory_space<vmem>> -> memref<64xi32, #tpu.memory_space<vmem>>
    %dma_wait3A_86 = tpu.memref_slice %arg3[%mul3A_56] : memref<331776xi32, #tpu.memory_space<hbm>> -> memref<64xi32, #tpu.memory_space<hbm>>
    %dma_wait3A_87 = arith.constant 0 : i32
    %dma_wait3A_88 = tpu.memref_slice %arg11[%dma_wait3A_82, %dma_wait3A_87] : memref<2x64xi32, #tpu.memory_space<vmem>> -> memref<1x64xi32, #tpu.memory_space<vmem>>
    %dma_wait3A_89 = tpu.memref_squeeze %dma_wait3A_88 : memref<1x64xi32, #tpu.memory_space<vmem>> -> memref<64xi32, #tpu.memory_space<vmem>>
    %dma_wait3A_90 = tpu.memref_slice %arg3[%mul3A_56] : memref<331776xi32, #tpu.memory_space<hbm>> -> memref<64xi32, #tpu.memory_space<hbm>>
    tpu.wait_dma2 semaphore(%arg18 : memref<!tpu.dma_semaphore, #tpu.memory_space<semaphore_mem>>) src(%dma_wait3A_90 : memref<64xi32, #tpu.memory_space<hbm>>) dst(%dma_wait3A_89 : memref<64xi32, #tpu.memory_space<vmem>>)
    %dma_start3A_91 = arith.constant 0 : i32
    %dma_start3A_92 = arith.constant 0 : i32
    %dma_start3A_93 = arith.constant 0 : i32
    %dma_start3A_94 = arith.constant 0 : i32
    %dma_start3A_95 = tpu.memref_slice %arg12[%dma_start3A_92, %dma_start3A_93, %dma_start3A_94] : memref<2x64x16xf32, #tpu.memory_space<vmem>> -> memref<1x64x16xf32, #tpu.memory_space<vmem>>
    %dma_start3A_96 = tpu.memref_squeeze %dma_start3A_95 : memref<1x64x16xf32, #tpu.memory_space<vmem>> -> memref<64x16xf32, #tpu.memory_space<vmem>>
    %dma_start3A_97 = arith.constant 0 : i32
    %dma_start3A_98 = tpu.memref_slice %arg10[%dma_start3A_91, %dma_start3A_97] : memref<2x64xi32, #tpu.memory_space<vmem>> -> memref<1x64xi32, #tpu.memory_space<vmem>>
    %dma_start3A_99 = tpu.memref_squeeze %dma_start3A_98 : memref<1x64xi32, #tpu.memory_space<vmem>> -> memref<64xi32, #tpu.memory_space<vmem>>
    %dma_start3A_100 = arith.constant 0 : i32
    %dma_start3A_101 = arith.constant 0 : i32
    %dma_start3A_102 = tpu.memref_slice %arg4[%dma_start3A_100, %dma_start3A_101] : memref<11000x16xf32, #tpu.memory_space<hbm>> -> memref<11000x16xf32, #tpu.memory_space<hbm>>
    tpu.enqueue_indirect_dma source(%dma_start3A_102 : memref<11000x16xf32, #tpu.memory_space<hbm>>) target(%dma_start3A_96 : memref<64x16xf32, #tpu.memory_space<vmem>>) offsets(%dma_start3A_99 : memref<64xi32, #tpu.memory_space<vmem>>) semaphore(%arg19 : memref<!tpu.dma_semaphore, #tpu.memory_space<semaphore_mem>>)
    %dma_start3A_103 = arith.constant 0 : i32
    %dma_start3A_104 = arith.constant 0 : i32
    %dma_start3A_105 = arith.constant 0 : i32
    %dma_start3A_106 = arith.constant 0 : i32
    %dma_start3A_107 = tpu.memref_slice %arg13[%dma_start3A_104, %dma_start3A_105, %dma_start3A_106] : memref<2x64x16xf32, #tpu.memory_space<vmem>> -> memref<1x64x16xf32, #tpu.memory_space<vmem>>
    %dma_start3A_108 = tpu.memref_squeeze %dma_start3A_107 : memref<1x64x16xf32, #tpu.memory_space<vmem>> -> memref<64x16xf32, #tpu.memory_space<vmem>>
    %dma_start3A_109 = arith.constant 0 : i32
    %dma_start3A_110 = tpu.memref_slice %arg11[%dma_start3A_103, %dma_start3A_109] : memref<2x64xi32, #tpu.memory_space<vmem>> -> memref<1x64xi32, #tpu.memory_space<vmem>>
    %dma_start3A_111 = tpu.memref_squeeze %dma_start3A_110 : memref<1x64xi32, #tpu.memory_space<vmem>> -> memref<64xi32, #tpu.memory_space<vmem>>
    %dma_start3A_112 = arith.constant 0 : i32
    %dma_start3A_113 = arith.constant 0 : i32
    %dma_start3A_114 = tpu.memref_slice %arg5[%dma_start3A_112, %dma_start3A_113] : memref<11000x16xf32, #tpu.memory_space<hbm>> -> memref<11000x16xf32, #tpu.memory_space<hbm>>
    tpu.enqueue_indirect_dma source(%dma_start3A_114 : memref<11000x16xf32, #tpu.memory_space<hbm>>) target(%dma_start3A_108 : memref<64x16xf32, #tpu.memory_space<vmem>>) offsets(%dma_start3A_111 : memref<64xi32, #tpu.memory_space<vmem>>) semaphore(%arg20 : memref<!tpu.dma_semaphore, #tpu.memory_space<semaphore_mem>>)
    %dma_start3A_115 = arith.constant 0 : i32
    %dma_start3A_116 = arith.constant 0 : i32
    %dma_start3A_117 = arith.constant 0 : i32
    %dma_start3A_118 = arith.constant 0 : i32
    %dma_start3A_119 = tpu.memref_slice %arg14[%dma_start3A_116, %dma_start3A_117, %dma_start3A_118] : memref<2x64x144xf32, #tpu.memory_space<vmem>> -> memref<1x64x144xf32, #tpu.memory_space<vmem>>
    %dma_start3A_120 = tpu.memref_squeeze %dma_start3A_119 : memref<1x64x144xf32, #tpu.memory_space<vmem>> -> memref<64x144xf32, #tpu.memory_space<vmem>>
    %dma_start3A_121 = arith.constant 0 : i32
    %dma_start3A_122 = tpu.memref_slice %arg10[%dma_start3A_115, %dma_start3A_121] : memref<2x64xi32, #tpu.memory_space<vmem>> -> memref<1x64xi32, #tpu.memory_space<vmem>>
    %dma_start3A_123 = tpu.memref_squeeze %dma_start3A_122 : memref<1x64xi32, #tpu.memory_space<vmem>> -> memref<64xi32, #tpu.memory_space<vmem>>
    %dma_start3A_124 = arith.constant 0 : i32
    %dma_start3A_125 = arith.constant 0 : i32
    %dma_start3A_126 = tpu.memref_slice %arg6[%dma_start3A_124, %dma_start3A_125] : memref<11000x144xf32, #tpu.memory_space<hbm>> -> memref<11000x144xf32, #tpu.memory_space<hbm>>
    tpu.enqueue_indirect_dma source(%dma_start3A_126 : memref<11000x144xf32, #tpu.memory_space<hbm>>) target(%dma_start3A_120 : memref<64x144xf32, #tpu.memory_space<vmem>>) offsets(%dma_start3A_123 : memref<64xi32, #tpu.memory_space<vmem>>) semaphore(%arg21 : memref<!tpu.dma_semaphore, #tpu.memory_space<semaphore_mem>>)
    %scan3A_127 = arith.constant 0 : i32
    %scan3A_128 = arith.constant 0 : i32
    %scan3A_129 = arith.constant 81 : i32
    %scan3A_130 = arith.addi %scan3A_128, %scan3A_129 : i32
    %scan3A_131 = arith.constant 1 : i32
    %scan3A_132 = scf.for %scan3A_139 = %scan3A_128 to %scan3A_130 step %scan3A_131 iter_args(%scan3A_140 = %scan3A_127) -> (i32)  : i32 {
      %mul3A_141 = arith.constant 2 : i32
      %mul3A_142 = arith.muli %mul3A_141, %scan3A_139 : i32
      %add3A_143 = arith.constant 1 : i32
      %add3A_144 = arith.addi %mul3A_142, %add3A_143 : i32
      %mul3A_145 = arith.constant 2 : i32
      %mul3A_146 = arith.muli %add3A_144, %mul3A_145 : i32
      %mul3A_147 = arith.constant 16 : i32
      %mul3A_148 = arith.muli %mul3A_146, %mul3A_147 : i32
      %add3A_149 = arith.addi %mul3A_148, %add3A_52 : i32
      %mul3A_150 = arith.constant 64 : i32
      %mul3A_151 = arith.muli %add3A_149, %mul3A_150 : i32
      %dma_start3A_152 = arith.constant 1 : i32
      %dma_start3A_153 = arith.constant 0 : i32
      %dma_start3A_154 = tpu.memref_slice %arg10[%dma_start3A_152, %dma_start3A_153] : memref<2x64xi32, #tpu.memory_space<vmem>> -> memref<1x64xi32, #tpu.memory_space<vmem>>
      %dma_start3A_155 = tpu.memref_squeeze %dma_start3A_154 : memref<1x64xi32, #tpu.memory_space<vmem>> -> memref<64xi32, #tpu.memory_space<vmem>>
      %dma_start3A_156 = tpu.memref_slice %arg2[%mul3A_151] : memref<331776xi32, #tpu.memory_space<hbm>> -> memref<64xi32, #tpu.memory_space<hbm>>
      %dma_start3A_157 = arith.constant 0 : i32
      %dma_start3A_158 = tpu.memref_slice %arg10[%dma_start3A_152, %dma_start3A_157] : memref<2x64xi32, #tpu.memory_space<vmem>> -> memref<1x64xi32, #tpu.memory_space<vmem>>
      %dma_start3A_159 = tpu.memref_squeeze %dma_start3A_158 : memref<1x64xi32, #tpu.memory_space<vmem>> -> memref<64xi32, #tpu.memory_space<vmem>>
      %dma_start3A_160 = tpu.memref_slice %arg2[%mul3A_151] : memref<331776xi32, #tpu.memory_space<hbm>> -> memref<64xi32, #tpu.memory_space<hbm>>
      tpu.enqueue_dma source(%dma_start3A_160 : memref<64xi32, #tpu.memory_space<hbm>>) target(%dma_start3A_159 : memref<64xi32, #tpu.memory_space<vmem>>) target_semaphore(%arg17 : memref<!tpu.dma_semaphore, #tpu.memory_space<semaphore_mem>>)
      %dma_start3A_161 = arith.constant 1 : i32
      %dma_start3A_162 = arith.constant 0 : i32
      %dma_start3A_163 = tpu.memref_slice %arg11[%dma_start3A_161, %dma_start3A_162] : memref<2x64xi32, #tpu.memory_space<vmem>> -> memref<1x64xi32, #tpu.memory_space<vmem>>
      %dma_start3A_164 = tpu.memref_squeeze %dma_start3A_163 : memref<1x64xi32, #tpu.memory_space<vmem>> -> memref<64xi32, #tpu.memory_space<vmem>>
      %dma_start3A_165 = tpu.memref_slice %arg3[%mul3A_151] : memref<331776xi32, #tpu.memory_space<hbm>> -> memref<64xi32, #tpu.memory_space<hbm>>
      %dma_start3A_166 = arith.constant 0 : i32
      %dma_start3A_167 = tpu.memref_slice %arg11[%dma_start3A_161, %dma_start3A_166] : memref<2x64xi32, #tpu.memory_space<vmem>> -> memref<1x64xi32, #tpu.memory_space<vmem>>
      %dma_start3A_168 = tpu.memref_squeeze %dma_start3A_167 : memref<1x64xi32, #tpu.memory_space<vmem>> -> memref<64xi32, #tpu.memory_space<vmem>>
      %dma_start3A_169 = tpu.memref_slice %arg3[%mul3A_151] : memref<331776xi32, #tpu.memory_space<hbm>> -> memref<64xi32, #tpu.memory_space<hbm>>
      tpu.enqueue_dma source(%dma_start3A_169 : memref<64xi32, #tpu.memory_space<hbm>>) target(%dma_start3A_168 : memref<64xi32, #tpu.memory_space<vmem>>) target_semaphore(%arg18 : memref<!tpu.dma_semaphore, #tpu.memory_space<semaphore_mem>>)
      %dma_wait3A_170 = arith.constant 1 : i32
      %dma_wait3A_171 = arith.constant 0 : i32
      %dma_wait3A_172 = tpu.memref_slice %arg10[%dma_wait3A_170, %dma_wait3A_171] : memref<2x64xi32, #tpu.memory_space<vmem>> -> memref<1x64xi32, #tpu.memory_space<vmem>>
      %dma_wait3A_173 = tpu.memref_squeeze %dma_wait3A_172 : memref<1x64xi32, #tpu.memory_space<vmem>> -> memref<64xi32, #tpu.memory_space<vmem>>
      %dma_wait3A_174 = tpu.memref_slice %arg2[%mul3A_151] : memref<331776xi32, #tpu.memory_space<hbm>> -> memref<64xi32, #tpu.memory_space<hbm>>
      %dma_wait3A_175 = arith.constant 0 : i32
      %dma_wait3A_176 = tpu.memref_slice %arg10[%dma_wait3A_170, %dma_wait3A_175] : memref<2x64xi32, #tpu.memory_space<vmem>> -> memref<1x64xi32, #tpu.memory_space<vmem>>
      %dma_wait3A_177 = tpu.memref_squeeze %dma_wait3A_176 : memref<1x64xi32, #tpu.memory_space<vmem>> -> memref<64xi32, #tpu.memory_space<vmem>>
      %dma_wait3A_178 = tpu.memref_slice %arg2[%mul3A_151] : memref<331776xi32, #tpu.memory_space<hbm>> -> memref<64xi32, #tpu.memory_space<hbm>>
      tpu.wait_dma2 semaphore(%arg17 : memref<!tpu.dma_semaphore, #tpu.memory_space<semaphore_mem>>) src(%dma_wait3A_178 : memref<64xi32, #tpu.memory_space<hbm>>) dst(%dma_wait3A_177 : memref<64xi32, #tpu.memory_space<vmem>>)
      %dma_wait3A_179 = arith.constant 1 : i32
      %dma_wait3A_180 = arith.constant 0 : i32
      %dma_wait3A_181 = tpu.memref_slice %arg11[%dma_wait3A_179, %dma_wait3A_180] : memref<2x64xi32, #tpu.memory_space<vmem>> -> memref<1x64xi32, #tpu.memory_space<vmem>>
      %dma_wait3A_182 = tpu.memref_squeeze %dma_wait3A_181 : memref<1x64xi32, #tpu.memory_space<vmem>> -> memref<64xi32, #tpu.memory_space<vmem>>
      %dma_wait3A_183 = tpu.memref_slice %arg3[%mul3A_151] : memref<331776xi32, #tpu.memory_space<hbm>> -> memref<64xi32, #tpu.memory_space<hbm>>
      %dma_wait3A_184 = arith.constant 0 : i32
      %dma_wait3A_185 = tpu.memref_slice %arg11[%dma_wait3A_179, %dma_wait3A_184] : memref<2x64xi32, #tpu.memory_space<vmem>> -> memref<1x64xi32, #tpu.memory_space<vmem>>
      %dma_wait3A_186 = tpu.memref_squeeze %dma_wait3A_185 : memref<1x64xi32, #tpu.memory_space<vmem>> -> memref<64xi32, #tpu.memory_space<vmem>>
      %dma_wait3A_187 = tpu.memref_slice %arg3[%mul3A_151] : memref<331776xi32, #tpu.memory_space<hbm>> -> memref<64xi32, #tpu.memory_space<hbm>>
      tpu.wait_dma2 semaphore(%arg18 : memref<!tpu.dma_semaphore, #tpu.memory_space<semaphore_mem>>) src(%dma_wait3A_187 : memref<64xi32, #tpu.memory_space<hbm>>) dst(%dma_wait3A_186 : memref<64xi32, #tpu.memory_space<vmem>>)
      %dma_start3A_188 = arith.constant 1 : i32
      %dma_start3A_189 = arith.constant 1 : i32
      %dma_start3A_190 = arith.constant 0 : i32
      %dma_start3A_191 = arith.constant 0 : i32
      %dma_start3A_192 = tpu.memref_slice %arg12[%dma_start3A_189, %dma_start3A_190, %dma_start3A_191] : memref<2x64x16xf32, #tpu.memory_space<vmem>> -> memref<1x64x16xf32, #tpu.memory_space<vmem>>
      %dma_start3A_193 = tpu.memref_squeeze %dma_start3A_192 : memref<1x64x16xf32, #tpu.memory_space<vmem>> -> memref<64x16xf32, #tpu.memory_space<vmem>>
      %dma_start3A_194 = arith.constant 0 : i32
      %dma_start3A_195 = tpu.memref_slice %arg10[%dma_start3A_188, %dma_start3A_194] : memref<2x64xi32, #tpu.memory_space<vmem>> -> memref<1x64xi32, #tpu.memory_space<vmem>>
      %dma_start3A_196 = tpu.memref_squeeze %dma_start3A_195 : memref<1x64xi32, #tpu.memory_space<vmem>> -> memref<64xi32, #tpu.memory_space<vmem>>
      %dma_start3A_197 = arith.constant 0 : i32
      %dma_start3A_198 = arith.constant 0 : i32
      %dma_start3A_199 = tpu.memref_slice %arg4[%dma_start3A_197, %dma_start3A_198] : memref<11000x16xf32, #tpu.memory_space<hbm>> -> memref<11000x16xf32, #tpu.memory_space<hbm>>
      tpu.enqueue_indirect_dma source(%dma_start3A_199 : memref<11000x16xf32, #tpu.memory_space<hbm>>) target(%dma_start3A_193 : memref<64x16xf32, #tpu.memory_space<vmem>>) offsets(%dma_start3A_196 : memref<64xi32, #tpu.memory_space<vmem>>) semaphore(%arg22 : memref<!tpu.dma_semaphore, #tpu.memory_space<semaphore_mem>>)
      %dma_start3A_200 = arith.constant 1 : i32
      %dma_start3A_201 = arith.constant 1 : i32
      %dma_start3A_202 = arith.constant 0 : i32
      %dma_start3A_203 = arith.constant 0 : i32
      %dma_start3A_204 = tpu.memref_slice %arg13[%dma_start3A_201, %dma_start3A_202, %dma_start3A_203] : memref<2x64x16xf32, #tpu.memory_space<vmem>> -> memref<1x64x16xf32, #tpu.memory_space<vmem>>
      %dma_start3A_205 = tpu.memref_squeeze %dma_start3A_204 : memref<1x64x16xf32, #tpu.memory_space<vmem>> -> memref<64x16xf32, #tpu.memory_space<vmem>>
      %dma_start3A_206 = arith.constant 0 : i32
      %dma_start3A_207 = tpu.memref_slice %arg11[%dma_start3A_200, %dma_start3A_206] : memref<2x64xi32, #tpu.memory_space<vmem>> -> memref<1x64xi32, #tpu.memory_space<vmem>>
      %dma_start3A_208 = tpu.memref_squeeze %dma_start3A_207 : memref<1x64xi32, #tpu.memory_space<vmem>> -> memref<64xi32, #tpu.memory_space<vmem>>
      %dma_start3A_209 = arith.constant 0 : i32
      %dma_start3A_210 = arith.constant 0 : i32
      %dma_start3A_211 = tpu.memref_slice %arg5[%dma_start3A_209, %dma_start3A_210] : memref<11000x16xf32, #tpu.memory_space<hbm>> -> memref<11000x16xf32, #tpu.memory_space<hbm>>
      tpu.enqueue_indirect_dma source(%dma_start3A_211 : memref<11000x16xf32, #tpu.memory_space<hbm>>) target(%dma_start3A_205 : memref<64x16xf32, #tpu.memory_space<vmem>>) offsets(%dma_start3A_208 : memref<64xi32, #tpu.memory_space<vmem>>) semaphore(%arg23 : memref<!tpu.dma_semaphore, #tpu.memory_space<semaphore_mem>>)
      %dma_start3A_212 = arith.constant 1 : i32
      %dma_start3A_213 = arith.constant 1 : i32
      %dma_start3A_214 = arith.constant 0 : i32
      %dma_start3A_215 = arith.constant 0 : i32
      %dma_start3A_216 = tpu.memref_slice %arg14[%dma_start3A_213, %dma_start3A_214, %dma_start3A_215] : memref<2x64x144xf32, #tpu.memory_space<vmem>> -> memref<1x64x144xf32, #tpu.memory_space<vmem>>
      %dma_start3A_217 = tpu.memref_squeeze %dma_start3A_216 : memref<1x64x144xf32, #tpu.memory_space<vmem>> -> memref<64x144xf32, #tpu.memory_space<vmem>>
      %dma_start3A_218 = arith.constant 0 : i32
      %dma_start3A_219 = tpu.memref_slice %arg10[%dma_start3A_212, %dma_start3A_218] : memref<2x64xi32, #tpu.memory_space<vmem>> -> memref<1x64xi32, #tpu.memory_space<vmem>>
      %dma_start3A_220 = tpu.memref_squeeze %dma_start3A_219 : memref<1x64xi32, #tpu.memory_space<vmem>> -> memref<64xi32, #tpu.memory_space<vmem>>
      %dma_start3A_221 = arith.constant 0 : i32
      %dma_start3A_222 = arith.constant 0 : i32
      %dma_start3A_223 = tpu.memref_slice %arg6[%dma_start3A_221, %dma_start3A_222] : memref<11000x144xf32, #tpu.memory_space<hbm>> -> memref<11000x144xf32, #tpu.memory_space<hbm>>
      tpu.enqueue_indirect_dma source(%dma_start3A_223 : memref<11000x144xf32, #tpu.memory_space<hbm>>) target(%dma_start3A_217 : memref<64x144xf32, #tpu.memory_space<vmem>>) offsets(%dma_start3A_220 : memref<64xi32, #tpu.memory_space<vmem>>) semaphore(%arg24 : memref<!tpu.dma_semaphore, #tpu.memory_space<semaphore_mem>>)
      %dma_wait3A_224 = arith.constant 0 : i32
      %dma_wait3A_225 = arith.constant 0 : i32
      %dma_wait3A_226 = arith.constant 0 : i32
      %dma_wait3A_227 = arith.constant 0 : i32
      %dma_wait3A_228 = tpu.memref_slice %arg12[%dma_wait3A_225, %dma_wait3A_226, %dma_wait3A_227] : memref<2x64x16xf32, #tpu.memory_space<vmem>> -> memref<1x64x16xf32, #tpu.memory_space<vmem>>
      %dma_wait3A_229 = tpu.memref_squeeze %dma_wait3A_228 : memref<1x64x16xf32, #tpu.memory_space<vmem>> -> memref<64x16xf32, #tpu.memory_space<vmem>>
      %dma_wait3A_230 = arith.constant 0 : i32
      %dma_wait3A_231 = tpu.memref_slice %arg10[%dma_wait3A_224, %dma_wait3A_230] : memref<2x64xi32, #tpu.memory_space<vmem>> -> memref<1x64xi32, #tpu.memory_space<vmem>>
      %dma_wait3A_232 = tpu.memref_squeeze %dma_wait3A_231 : memref<1x64xi32, #tpu.memory_space<vmem>> -> memref<64xi32, #tpu.memory_space<vmem>>
      %dma_wait3A_233 = arith.constant 0 : i32
      %dma_wait3A_234 = arith.constant 0 : i32
      %dma_wait3A_235 = tpu.memref_slice %arg4[%dma_wait3A_233, %dma_wait3A_234] : memref<11000x16xf32, #tpu.memory_space<hbm>> -> memref<11000x16xf32, #tpu.memory_space<hbm>>
      tpu.wait_indirect_dma semaphore(%arg19 : memref<!tpu.dma_semaphore, #tpu.memory_space<semaphore_mem>>) src(%dma_wait3A_235 : memref<11000x16xf32, #tpu.memory_space<hbm>>) dst(%dma_wait3A_229 : memref<64x16xf32, #tpu.memory_space<vmem>>)
      %dma_wait3A_236 = arith.constant 0 : i32
      %dma_wait3A_237 = arith.constant 0 : i32
      %dma_wait3A_238 = arith.constant 0 : i32
      %dma_wait3A_239 = arith.constant 0 : i32
      %dma_wait3A_240 = tpu.memref_slice %arg13[%dma_wait3A_237, %dma_wait3A_238, %dma_wait3A_239] : memref<2x64x16xf32, #tpu.memory_space<vmem>> -> memref<1x64x16xf32, #tpu.memory_space<vmem>>
      %dma_wait3A_241 = tpu.memref_squeeze %dma_wait3A_240 : memref<1x64x16xf32, #tpu.memory_space<vmem>> -> memref<64x16xf32, #tpu.memory_space<vmem>>
      %dma_wait3A_242 = arith.constant 0 : i32
      %dma_wait3A_243 = tpu.memref_slice %arg11[%dma_wait3A_236, %dma_wait3A_242] : memref<2x64xi32, #tpu.memory_space<vmem>> -> memref<1x64xi32, #tpu.memory_space<vmem>>
      %dma_wait3A_244 = tpu.memref_squeeze %dma_wait3A_243 : memref<1x64xi32, #tpu.memory_space<vmem>> -> memref<64xi32, #tpu.memory_space<vmem>>
      %dma_wait3A_245 = arith.constant 0 : i32
      %dma_wait3A_246 = arith.constant 0 : i32
      %dma_wait3A_247 = tpu.memref_slice %arg5[%dma_wait3A_245, %dma_wait3A_246] : memref<11000x16xf32, #tpu.memory_space<hbm>> -> memref<11000x16xf32, #tpu.memory_space<hbm>>
      tpu.wait_indirect_dma semaphore(%arg20 : memref<!tpu.dma_semaphore, #tpu.memory_space<semaphore_mem>>) src(%dma_wait3A_247 : memref<11000x16xf32, #tpu.memory_space<hbm>>) dst(%dma_wait3A_241 : memref<64x16xf32, #tpu.memory_space<vmem>>)
      %dma_wait3A_248 = arith.constant 0 : i32
      %dma_wait3A_249 = arith.constant 0 : i32
      %dma_wait3A_250 = arith.constant 0 : i32
      %dma_wait3A_251 = arith.constant 0 : i32
      %dma_wait3A_252 = tpu.memref_slice %arg14[%dma_wait3A_249, %dma_wait3A_250, %dma_wait3A_251] : memref<2x64x144xf32, #tpu.memory_space<vmem>> -> memref<1x64x144xf32, #tpu.memory_space<vmem>>
      %dma_wait3A_253 = tpu.memref_squeeze %dma_wait3A_252 : memref<1x64x144xf32, #tpu.memory_space<vmem>> -> memref<64x144xf32, #tpu.memory_space<vmem>>
      %dma_wait3A_254 = arith.constant 0 : i32
      %dma_wait3A_255 = tpu.memref_slice %arg10[%dma_wait3A_248, %dma_wait3A_254] : memref<2x64xi32, #tpu.memory_space<vmem>> -> memref<1x64xi32, #tpu.memory_space<vmem>>
      %dma_wait3A_256 = tpu.memref_squeeze %dma_wait3A_255 : memref<1x64xi32, #tpu.memory_space<vmem>> -> memref<64xi32, #tpu.memory_space<vmem>>
      %dma_wait3A_257 = arith.constant 0 : i32
      %dma_wait3A_258 = arith.constant 0 : i32
      %dma_wait3A_259 = tpu.memref_slice %arg6[%dma_wait3A_257, %dma_wait3A_258] : memref<11000x144xf32, #tpu.memory_space<hbm>> -> memref<11000x144xf32, #tpu.memory_space<hbm>>
      tpu.wait_indirect_dma semaphore(%arg21 : memref<!tpu.dma_semaphore, #tpu.memory_space<semaphore_mem>>) src(%dma_wait3A_259 : memref<11000x144xf32, #tpu.memory_space<hbm>>) dst(%dma_wait3A_253 : memref<64x144xf32, #tpu.memory_space<vmem>>)
      %parallel_loop3A = arith.constant 0 : i32
      %parallel_loop3A_260 = arith.constant 64 : i32
      %parallel_loop3A_261 = arith.constant 1 : i32
      scf.for %parallel_loop3A_306 = %parallel_loop3A to %parallel_loop3A_260 step %parallel_loop3A_261  : i32 {
        %parallel_loop3A_307 = arith.constant 0 : i32
        %parallel_loop3A_308 = arith.index_cast %parallel_loop3A_307 : i32 to index
        %parallel_loop3A_309 = arith.index_cast %parallel_loop3A_306 : i32 to index
        %parallel_loop3A_310 = arith.constant 0 : index
        %parallel_loop3A_311 = tpu.vector_load %arg12[%parallel_loop3A_308, %parallel_loop3A_309, %parallel_loop3A_310] {strides = array<i32>} : memref<2x64x16xf32, #tpu.memory_space<vmem>>, vector<1x1x16xf32>,
        %parallel_loop3A_312 = vector.shape_cast %parallel_loop3A_311 : vector<1x1x16xf32> to vector<16xf32>
        %parallel_loop3A_313 = arith.constant 0 : i32
        %parallel_loop3A_314 = arith.index_cast %parallel_loop3A_313 : i32 to index
        %parallel_loop3A_315 = arith.index_cast %parallel_loop3A_306 : i32 to index
        %parallel_loop3A_316 = arith.constant 0 : index
        %parallel_loop3A_317 = tpu.vector_load %arg13[%parallel_loop3A_314, %parallel_loop3A_315, %parallel_loop3A_316] {strides = array<i32>} : memref<2x64x16xf32, #tpu.memory_space<vmem>>, vector<1x1x16xf32>,
        %parallel_loop3A_318 = vector.shape_cast %parallel_loop3A_317 : vector<1x1x16xf32> to vector<16xf32>
        %parallel_loop3A_319 = arith.addf %parallel_loop3A_312, %parallel_loop3A_318 : vector<16xf32>
        %parallel_loop3A_320 = arith.constant 0.000000e+00 : f32
        %parallel_loop3A_321 = vector.broadcast %parallel_loop3A_320 : f32 to vector<16xf32>
        %parallel_loop3A_322 = arith.cmpf ogt, %parallel_loop3A_319, %parallel_loop3A_321 : vector<16xf32>
        %parallel_loop3A_323 = arith.constant 2.000000e-01 : f32
        %parallel_loop3A_324 = vector.broadcast %parallel_loop3A_323 : f32 to vector<16xf32>
        %parallel_loop3A_325 = arith.mulf %parallel_loop3A_324, %parallel_loop3A_319 : vector<16xf32>
        %parallel_loop3A_326 = arith.select %parallel_loop3A_322, %parallel_loop3A_319, %parallel_loop3A_325 : vector<16xi1>, vector<16xf32>
        %parallel_loop3A_327 = arith.subf %parallel_loop3A_326, %get3A_1 : vector<16xf32>
        %parallel_loop3A_328 = math.exp %parallel_loop3A_327 : vector<16xf32>
        %parallel_loop3A_329 = arith.mulf %parallel_loop3A_328, %select_n3A : vector<16xf32>
        %parallel_loop3A_330 = arith.constant 0 : i32
        %parallel_loop3A_331 = vector.broadcast %parallel_loop3A_330 : i32 to vector<16x1xi32>
        %parallel_loop3A_332 = vector.shape_cast %parallel_loop3A_331 : vector<16x1xi32> to vector<16xi32>
        %parallel_loop3A_333 = tpu.dynamic_gather %parallel_loop3A_329[%parallel_loop3A_332] in [0] : vector<16xf32>, vector<16xi32> -> vector<16xf32>
        %parallel_loop3A_334 = arith.constant 0 : i32
        %parallel_loop3A_335 = arith.index_cast %parallel_loop3A_334 : i32 to index
        %parallel_loop3A_336 = arith.index_cast %parallel_loop3A_306 : i32 to index
        %parallel_loop3A_337 = arith.constant 0 : index
        %parallel_loop3A_338 = tpu.vector_load %arg14[%parallel_loop3A_335, %parallel_loop3A_336, %parallel_loop3A_337] {strides = array<i32>} : memref<2x64x144xf32, #tpu.memory_space<vmem>>, vector<1x1x16xf32>,
        %parallel_loop3A_339 = vector.shape_cast %parallel_loop3A_338 : vector<1x1x16xf32> to vector<16xf32>
        %parallel_loop3A_340 = arith.mulf %parallel_loop3A_339, %parallel_loop3A_333 : vector<16xf32>
        %parallel_loop3A_341 = arith.index_cast %parallel_loop3A_306 : i32 to index
        %parallel_loop3A_342 = arith.constant 0 : index
        %parallel_loop3A_343 = tpu.vector_load %arg15[%parallel_loop3A_341, %parallel_loop3A_342] {strides = array<i32>} : memref<64x144xf32, #tpu.memory_space<vmem>>, vector<1x16xf32>,
        %parallel_loop3A_344 = vector.shape_cast %parallel_loop3A_343 : vector<1x16xf32> to vector<16xf32>
        %parallel_loop3A_345 = vector.shape_cast %parallel_loop3A_340 : vector<16xf32> to vector<1x16xf32>
        tpu.vector_store %arg15[%parallel_loop3A_341, %parallel_loop3A_342], %parallel_loop3A_345 {strides = array<i32>} : memref<64x144xf32, #tpu.memory_space<vmem>>, vector<1x16xf32>,
        %parallel_loop3A_346 = arith.constant 1 : i32
        %parallel_loop3A_347 = vector.broadcast %parallel_loop3A_346 : i32 to vector<16x1xi32>
        %parallel_loop3A_348 = vector.shape_cast %parallel_loop3A_347 : vector<16x1xi32> to vector<16xi32>
        %parallel_loop3A_349 = tpu.dynamic_gather %parallel_loop3A_329[%parallel_loop3A_348] in [0] : vector<16xf32>, vector<16xi32> -> vector<16xf32>
        %parallel_loop3A_350 = arith.constant 0 : i32
        %parallel_loop3A_351 = arith.index_cast %parallel_loop3A_350 : i32 to index
        %parallel_loop3A_352 = arith.index_cast %parallel_loop3A_306 : i32 to index
        %parallel_loop3A_353 = arith.constant 16 : index
        %parallel_loop3A_354 = tpu.vector_load %arg14[%parallel_loop3A_351, %parallel_loop3A_352, %parallel_loop3A_353] {strides = array<i32>} : memref<2x64x144xf32, #tpu.memory_space<vmem>>, vector<1x1x16xf32>,
        %parallel_loop3A_355 = vector.shape_cast %parallel_loop3A_354 : vector<1x1x16xf32> to vector<16xf32>
        %parallel_loop3A_356 = arith.mulf %parallel_loop3A_355, %parallel_loop3A_349 : vector<16xf32>
        %parallel_loop3A_357 = arith.index_cast %parallel_loop3A_306 : i32 to index
        %parallel_loop3A_358 = arith.constant 16 : index
        %parallel_loop3A_359 = tpu.vector_load %arg15[%parallel_loop3A_357, %parallel_loop3A_358] {strides = array<i32>} : memref<64x144xf32, #tpu.memory_space<vmem>>, vector<1x16xf32>,
        %parallel_loop3A_360 = vector.shape_cast %parallel_loop3A_359 : vector<1x16xf32> to vector<16xf32>
        %parallel_loop3A_361 = vector.shape_cast %parallel_loop3A_356 : vector<16xf32> to vector<1x16xf32>
        tpu.vector_store %arg15[%parallel_loop3A_357, %parallel_loop3A_358], %parallel_loop3A_361 {strides = array<i32>} : memref<64x144xf32, #tpu.memory_space<vmem>>, vector<1x16xf32>,
        %parallel_loop3A_362 = arith.constant 2 : i32
        %parallel_loop3A_363 = vector.broadcast %parallel_loop3A_362 : i32 to vector<16x1xi32>
        %parallel_loop3A_364 = vector.shape_cast %parallel_loop3A_363 : vector<16x1xi32> to vector<16xi32>
        %parallel_loop3A_365 = tpu.dynamic_gather %parallel_loop3A_329[%parallel_loop3A_364] in [0] : vector<16xf32>, vector<16xi32> -> vector<16xf32>
        %parallel_loop3A_366 = arith.constant 0 : i32
        %parallel_loop3A_367 = arith.index_cast %parallel_loop3A_366 : i32 to index
        %parallel_loop3A_368 = arith.index_cast %parallel_loop3A_306 : i32 to index
        %parallel_loop3A_369 = arith.constant 32 : index
        %parallel_loop3A_370 = tpu.vector_load %arg14[%parallel_loop3A_367, %parallel_loop3A_368, %parallel_loop3A_369] {strides = array<i32>} : memref<2x64x144xf32, #tpu.memory_space<vmem>>, vector<1x1x16xf32>,
        %parallel_loop3A_371 = vector.shape_cast %parallel_loop3A_370 : vector<1x1x16xf32> to vector<16xf32>
        %parallel_loop3A_372 = arith.mulf %parallel_loop3A_371, %parallel_loop3A_365 : vector<16xf32>
        %parallel_loop3A_373 = arith.index_cast %parallel_loop3A_306 : i32 to index
        %parallel_loop3A_374 = arith.constant 32 : index
        %parallel_loop3A_375 = tpu.vector_load %arg15[%parallel_loop3A_373, %parallel_loop3A_374] {strides = array<i32>} : memref<64x144xf32, #tpu.memory_space<vmem>>, vector<1x16xf32>,
        %parallel_loop3A_376 = vector.shape_cast %parallel_loop3A_375 : vector<1x16xf32> to vector<16xf32>
        %parallel_loop3A_377 = vector.shape_cast %parallel_loop3A_372 : vector<16xf32> to vector<1x16xf32>
        tpu.vector_store %arg15[%parallel_loop3A_373, %parallel_loop3A_374], %parallel_loop3A_377 {strides = array<i32>} : memref<64x144xf32, #tpu.memory_space<vmem>>, vector<1x16xf32>,
        %parallel_loop3A_378 = arith.constant 3 : i32
        %parallel_loop3A_379 = vector.broadcast %parallel_loop3A_378 : i32 to vector<16x1xi32>
        %parallel_loop3A_380 = vector.shape_cast %parallel_loop3A_379 : vector<16x1xi32> to vector<16xi32>
        %parallel_loop3A_381 = tpu.dynamic_gather %parallel_loop3A_329[%parallel_loop3A_380] in [0] : vector<16xf32>, vector<16xi32> -> vector<16xf32>
        %parallel_loop3A_382 = arith.constant 0 : i32
        %parallel_loop3A_383 = arith.index_cast %parallel_loop3A_382 : i32 to index
        %parallel_loop3A_384 = arith.index_cast %parallel_loop3A_306 : i32 to index
        %parallel_loop3A_385 = arith.constant 48 : index
        %parallel_loop3A_386 = tpu.vector_load %arg14[%parallel_loop3A_383, %parallel_loop3A_384, %parallel_loop3A_385] {strides = array<i32>} : memref<2x64x144xf32, #tpu.memory_space<vmem>>, vector<1x1x16xf32>,
        %parallel_loop3A_387 = vector.shape_cast %parallel_loop3A_386 : vector<1x1x16xf32> to vector<16xf32>
        %parallel_loop3A_388 = arith.mulf %parallel_loop3A_387, %parallel_loop3A_381 : vector<16xf32>
        %parallel_loop3A_389 = arith.index_cast %parallel_loop3A_306 : i32 to index
        %parallel_loop3A_390 = arith.constant 48 : index
        %parallel_loop3A_391 = tpu.vector_load %arg15[%parallel_loop3A_389, %parallel_loop3A_390] {strides = array<i32>} : memref<64x144xf32, #tpu.memory_space<vmem>>, vector<1x16xf32>,
        %parallel_loop3A_392 = vector.shape_cast %parallel_loop3A_391 : vector<1x16xf32> to vector<16xf32>
        %parallel_loop3A_393 = vector.shape_cast %parallel_loop3A_388 : vector<16xf32> to vector<1x16xf32>
        tpu.vector_store %arg15[%parallel_loop3A_389, %parallel_loop3A_390], %parallel_loop3A_393 {strides = array<i32>} : memref<64x144xf32, #tpu.memory_space<vmem>>, vector<1x16xf32>,
        %parallel_loop3A_394 = arith.constant 4 : i32
        %parallel_loop3A_395 = vector.broadcast %parallel_loop3A_394 : i32 to vector<16x1xi32>
        %parallel_loop3A_396 = vector.shape_cast %parallel_loop3A_395 : vector<16x1xi32> to vector<16xi32>
        %parallel_loop3A_397 = tpu.dynamic_gather %parallel_loop3A_329[%parallel_loop3A_396] in [0] : vector<16xf32>, vector<16xi32> -> vector<16xf32>
        %parallel_loop3A_398 = arith.constant 0 : i32
        %parallel_loop3A_399 = arith.index_cast %parallel_loop3A_398 : i32 to index
        %parallel_loop3A_400 = arith.index_cast %parallel_loop3A_306 : i32 to index
        %parallel_loop3A_401 = arith.constant 64 : index
        %parallel_loop3A_402 = tpu.vector_load %arg14[%parallel_loop3A_399, %parallel_loop3A_400, %parallel_loop3A_401] {strides = array<i32>} : memref<2x64x144xf32, #tpu.memory_space<vmem>>, vector<1x1x16xf32>,
        %parallel_loop3A_403 = vector.shape_cast %parallel_loop3A_402 : vector<1x1x16xf32> to vector<16xf32>
        %parallel_loop3A_404 = arith.mulf %parallel_loop3A_403, %parallel_loop3A_397 : vector<16xf32>
        %parallel_loop3A_405 = arith.index_cast %parallel_loop3A_306 : i32 to index
        %parallel_loop3A_406 = arith.constant 64 : index
        %parallel_loop3A_407 = tpu.vector_load %arg15[%parallel_loop3A_405, %parallel_loop3A_406] {strides = array<i32>} : memref<64x144xf32, #tpu.memory_space<vmem>>, vector<1x16xf32>,
        %parallel_loop3A_408 = vector.shape_cast %parallel_loop3A_407 : vector<1x16xf32> to vector<16xf32>
        %parallel_loop3A_409 = vector.shape_cast %parallel_loop3A_404 : vector<16xf32> to vector<1x16xf32>
        tpu.vector_store %arg15[%parallel_loop3A_405, %parallel_loop3A_406], %parallel_loop3A_409 {strides = array<i32>} : memref<64x144xf32, #tpu.memory_space<vmem>>, vector<1x16xf32>,
        %parallel_loop3A_410 = arith.constant 5 : i32
        %parallel_loop3A_411 = vector.broadcast %parallel_loop3A_410 : i32 to vector<16x1xi32>
        %parallel_loop3A_412 = vector.shape_cast %parallel_loop3A_411 : vector<16x1xi32> to vector<16xi32>
        %parallel_loop3A_413 = tpu.dynamic_gather %parallel_loop3A_329[%parallel_loop3A_412] in [0] : vector<16xf32>, vector<16xi32> -> vector<16xf32>
        %parallel_loop3A_414 = arith.constant 0 : i32
        %parallel_loop3A_415 = arith.index_cast %parallel_loop3A_414 : i32 to index
        %parallel_loop3A_416 = arith.index_cast %parallel_loop3A_306 : i32 to index
        %parallel_loop3A_417 = arith.constant 80 : index
        %parallel_loop3A_418 = tpu.vector_load %arg14[%parallel_loop3A_415, %parallel_loop3A_416, %parallel_loop3A_417] {strides = array<i32>} : memref<2x64x144xf32, #tpu.memory_space<vmem>>, vector<1x1x16xf32>,
        %parallel_loop3A_419 = vector.shape_cast %parallel_loop3A_418 : vector<1x1x16xf32> to vector<16xf32>
        %parallel_loop3A_420 = arith.mulf %parallel_loop3A_419, %parallel_loop3A_413 : vector<16xf32>
        %parallel_loop3A_421 = arith.index_cast %parallel_loop3A_306 : i32 to index
        %parallel_loop3A_422 = arith.constant 80 : index
        %parallel_loop3A_423 = tpu.vector_load %arg15[%parallel_loop3A_421, %parallel_loop3A_422] {strides = array<i32>} : memref<64x144xf32, #tpu.memory_space<vmem>>, vector<1x16xf32>,
        %parallel_loop3A_424 = vector.shape_cast %parallel_loop3A_423 : vector<1x16xf32> to vector<16xf32>
        %parallel_loop3A_425 = vector.shape_cast %parallel_loop3A_420 : vector<16xf32> to vector<1x16xf32>
        tpu.vector_store %arg15[%parallel_loop3A_421, %parallel_loop3A_422], %parallel_loop3A_425 {strides = array<i32>} : memref<64x144xf32, #tpu.memory_space<vmem>>, vector<1x16xf32>,
        %parallel_loop3A_426 = arith.constant 6 : i32
        %parallel_loop3A_427 = vector.broadcast %parallel_loop3A_426 : i32 to vector<16x1xi32>
        %parallel_loop3A_428 = vector.shape_cast %parallel_loop3A_427 : vector<16x1xi32> to vector<16xi32>
        %parallel_loop3A_429 = tpu.dynamic_gather %parallel_loop3A_329[%parallel_loop3A_428] in [0] : vector<16xf32>, vector<16xi32> -> vector<16xf32>
        %parallel_loop3A_430 = arith.constant 0 : i32
        %parallel_loop3A_431 = arith.index_cast %parallel_loop3A_430 : i32 to index
        %parallel_loop3A_432 = arith.index_cast %parallel_loop3A_306 : i32 to index
        %parallel_loop3A_433 = arith.constant 96 : index
        %parallel_loop3A_434 = tpu.vector_load %arg14[%parallel_loop3A_431, %parallel_loop3A_432, %parallel_loop3A_433] {strides = array<i32>} : memref<2x64x144xf32, #tpu.memory_space<vmem>>, vector<1x1x16xf32>,
        %parallel_loop3A_435 = vector.shape_cast %parallel_loop3A_434 : vector<1x1x16xf32> to vector<16xf32>
        %parallel_loop3A_436 = arith.mulf %parallel_loop3A_435, %parallel_loop3A_429 : vector<16xf32>
        %parallel_loop3A_437 = arith.index_cast %parallel_loop3A_306 : i32 to index
        %parallel_loop3A_438 = arith.constant 96 : index
        %parallel_loop3A_439 = tpu.vector_load %arg15[%parallel_loop3A_437, %parallel_loop3A_438] {strides = array<i32>} : memref<64x144xf32, #tpu.memory_space<vmem>>, vector<1x16xf32>,
        %parallel_loop3A_440 = vector.shape_cast %parallel_loop3A_439 : vector<1x16xf32> to vector<16xf32>
        %parallel_loop3A_441 = vector.shape_cast %parallel_loop3A_436 : vector<16xf32> to vector<1x16xf32>
        tpu.vector_store %arg15[%parallel_loop3A_437, %parallel_loop3A_438], %parallel_loop3A_441 {strides = array<i32>} : memref<64x144xf32, #tpu.memory_space<vmem>>, vector<1x16xf32>,
        %parallel_loop3A_442 = arith.constant 7 : i32
        %parallel_loop3A_443 = vector.broadcast %parallel_loop3A_442 : i32 to vector<16x1xi32>
        %parallel_loop3A_444 = vector.shape_cast %parallel_loop3A_443 : vector<16x1xi32> to vector<16xi32>
        %parallel_loop3A_445 = tpu.dynamic_gather %parallel_loop3A_329[%parallel_loop3A_444] in [0] : vector<16xf32>, vector<16xi32> -> vector<16xf32>
        %parallel_loop3A_446 = arith.constant 0 : i32
        %parallel_loop3A_447 = arith.index_cast %parallel_loop3A_446 : i32 to index
        %parallel_loop3A_448 = arith.index_cast %parallel_loop3A_306 : i32 to index
        %parallel_loop3A_449 = arith.constant 112 : index
        %parallel_loop3A_450 = tpu.vector_load %arg14[%parallel_loop3A_447, %parallel_loop3A_448, %parallel_loop3A_449] {strides = array<i32>} : memref<2x64x144xf32, #tpu.memory_space<vmem>>, vector<1x1x16xf32>,
        %parallel_loop3A_451 = vector.shape_cast %parallel_loop3A_450 : vector<1x1x16xf32> to vector<16xf32>
        %parallel_loop3A_452 = arith.mulf %parallel_loop3A_451, %parallel_loop3A_445 : vector<16xf32>
        %parallel_loop3A_453 = arith.index_cast %parallel_loop3A_306 : i32 to index
        %parallel_loop3A_454 = arith.constant 112 : index
        %parallel_loop3A_455 = tpu.vector_load %arg15[%parallel_loop3A_453, %parallel_loop3A_454] {strides = array<i32>} : memref<64x144xf32, #tpu.memory_space<vmem>>, vector<1x16xf32>,
        %parallel_loop3A_456 = vector.shape_cast %parallel_loop3A_455 : vector<1x16xf32> to vector<16xf32>
        %parallel_loop3A_457 = vector.shape_cast %parallel_loop3A_452 : vector<16xf32> to vector<1x16xf32>
        tpu.vector_store %arg15[%parallel_loop3A_453, %parallel_loop3A_454], %parallel_loop3A_457 {strides = array<i32>} : memref<64x144xf32, #tpu.memory_space<vmem>>, vector<1x16xf32>,
        %parallel_loop3A_458 = arith.constant 7 : i32
        %parallel_loop3A_459 = vector.broadcast %parallel_loop3A_458 : i32 to vector<16xi32>
        %parallel_loop3A_460 = arith.andi %iota3A, %parallel_loop3A_459 : vector<16xi32>
        %parallel_loop3A_461 = vector.shape_cast %parallel_loop3A_460 : vector<16xi32> to vector<16x1xi32>
        %parallel_loop3A_462 = vector.shape_cast %parallel_loop3A_461 : vector<16x1xi32> to vector<16xi32>
        %parallel_loop3A_463 = tpu.dynamic_gather %parallel_loop3A_329[%parallel_loop3A_462] in [0] : vector<16xf32>, vector<16xi32> -> vector<16xf32>
        %parallel_loop3A_464 = arith.constant 0 : i32
        %parallel_loop3A_465 = arith.index_cast %parallel_loop3A_464 : i32 to index
        %parallel_loop3A_466 = arith.index_cast %parallel_loop3A_306 : i32 to index
        %parallel_loop3A_467 = arith.constant 128 : index
        %parallel_loop3A_468 = tpu.vector_load %arg14[%parallel_loop3A_465, %parallel_loop3A_466, %parallel_loop3A_467] {strides = array<i32>} : memref<2x64x144xf32, #tpu.memory_space<vmem>>, vector<1x1x16xf32>,
        %parallel_loop3A_469 = vector.shape_cast %parallel_loop3A_468 : vector<1x1x16xf32> to vector<16xf32>
        %parallel_loop3A_470 = arith.mulf %parallel_loop3A_469, %parallel_loop3A_463 : vector<16xf32>
        %parallel_loop3A_471 = arith.index_cast %parallel_loop3A_306 : i32 to index
        %parallel_loop3A_472 = arith.constant 128 : index
        %parallel_loop3A_473 = tpu.vector_load %arg15[%parallel_loop3A_471, %parallel_loop3A_472] {strides = array<i32>} : memref<64x144xf32, #tpu.memory_space<vmem>>, vector<1x16xf32>,
        %parallel_loop3A_474 = vector.shape_cast %parallel_loop3A_473 : vector<1x16xf32> to vector<16xf32>
        %parallel_loop3A_475 = vector.shape_cast %parallel_loop3A_470 : vector<16xf32> to vector<1x16xf32>
        tpu.vector_store %arg15[%parallel_loop3A_471, %parallel_loop3A_472], %parallel_loop3A_475 {strides = array<i32>} : memref<64x144xf32, #tpu.memory_space<vmem>>, vector<1x16xf32>,
      } {sc.loop_unroll_factor = 8 : i64, sc.parallel_access}
      %run_scoped3A = arith.constant 0 : i32
      "tpu.region"() ({
        %run_scoped3A_306 = tpu.sem_alloc : memref<!tpu.dma_semaphore, #tpu.memory_space<semaphore_mem>>
        %dma_start3A_307 = arith.constant 0 : i32
        %dma_start3A_308 = tpu.memref_slice %arg11[%run_scoped3A, %dma_start3A_307] : memref<2x64xi32, #tpu.memory_space<vmem>> -> memref<1x64xi32, #tpu.memory_space<vmem>>
        %dma_start3A_309 = tpu.memref_squeeze %dma_start3A_308 : memref<1x64xi32, #tpu.memory_space<vmem>> -> memref<64xi32, #tpu.memory_space<vmem>>
        %dma_start3A_310 = arith.constant 0 : i32
        %dma_start3A_311 = arith.constant 0 : i32
        %dma_start3A_312 = tpu.memref_slice %arg9[%dma_start3A_310, %dma_start3A_311] : memref<10240x144xf32, #tpu.memory_space<vmem_shared>> -> memref<10240x144xf32, #tpu.memory_space<vmem_shared>>
        tpu.enqueue_indirect_dma source(%arg15 : memref<64x144xf32, #tpu.memory_space<vmem>>) target(%dma_start3A_312 : memref<10240x144xf32, #tpu.memory_space<vmem_shared>>) offsets(%dma_start3A_309 : memref<64xi32, #tpu.memory_space<vmem>>) semaphore(%run_scoped3A_306 : memref<!tpu.dma_semaphore, #tpu.memory_space<semaphore_mem>>) {add = true}
        %dma_wait3A_313 = arith.constant 0 : i32
        %dma_wait3A_314 = tpu.memref_slice %arg11[%run_scoped3A, %dma_wait3A_313] : memref<2x64xi32, #tpu.memory_space<vmem>> -> memref<1x64xi32, #tpu.memory_space<vmem>>
        %dma_wait3A_315 = tpu.memref_squeeze %dma_wait3A_314 : memref<1x64xi32, #tpu.memory_space<vmem>> -> memref<64xi32, #tpu.memory_space<vmem>>
        %dma_wait3A_316 = arith.constant 0 : i32
        %dma_wait3A_317 = arith.constant 0 : i32
        %dma_wait3A_318 = tpu.memref_slice %arg9[%dma_wait3A_316, %dma_wait3A_317] : memref<10240x144xf32, #tpu.memory_space<vmem_shared>> -> memref<10240x144xf32, #tpu.memory_space<vmem_shared>>
        tpu.wait_indirect_dma semaphore(%run_scoped3A_306 : memref<!tpu.dma_semaphore, #tpu.memory_space<semaphore_mem>>) src(%arg15 : memref<64x144xf32, #tpu.memory_space<vmem>>) dst(%dma_wait3A_318 : memref<10240x144xf32, #tpu.memory_space<vmem_shared>>)
        tpu.yield
      }) : () -> ()
      %lt3A_262 = arith.constant 80 : i32
      %lt3A_263 = arith.cmpi slt, %scan3A_139, %lt3A_262 : i32
      %convert_element_type3A = arith.extui %lt3A_263 : i1 to i32
      %cond3A = arith.constant 0 : i32
      %cond3A_264 = arith.cmpi ne, %convert_element_type3A, %cond3A : i32
      scf.if %cond3A_264 {
        %mul3A_306 = arith.constant 2 : i32
        %mul3A_307 = arith.muli %mul3A_306, %scan3A_139 : i32
        %add3A_308 = arith.constant 2 : i32
        %add3A_309 = arith.addi %mul3A_307, %add3A_308 : i32
        %mul3A_310 = arith.constant 2 : i32
        %mul3A_311 = arith.muli %add3A_309, %mul3A_310 : i32
        %mul3A_312 = arith.constant 16 : i32
        %mul3A_313 = arith.muli %mul3A_311, %mul3A_312 : i32
        %add3A_314 = arith.addi %mul3A_313, %add3A_52 : i32
        %mul3A_315 = arith.constant 64 : i32
        %mul3A_316 = arith.muli %add3A_314, %mul3A_315 : i32
        %dma_start3A_317 = arith.constant 0 : i32
        %dma_start3A_318 = arith.constant 0 : i32
        %dma_start3A_319 = tpu.memref_slice %arg10[%dma_start3A_317, %dma_start3A_318] : memref<2x64xi32, #tpu.memory_space<vmem>> -> memref<1x64xi32, #tpu.memory_space<vmem>>
        %dma_start3A_320 = tpu.memref_squeeze %dma_start3A_319 : memref<1x64xi32, #tpu.memory_space<vmem>> -> memref<64xi32, #tpu.memory_space<vmem>>
        %dma_start3A_321 = tpu.memref_slice %arg2[%mul3A_316] : memref<331776xi32, #tpu.memory_space<hbm>> -> memref<64xi32, #tpu.memory_space<hbm>>
        %dma_start3A_322 = arith.constant 0 : i32
        %dma_start3A_323 = tpu.memref_slice %arg10[%dma_start3A_317, %dma_start3A_322] : memref<2x64xi32, #tpu.memory_space<vmem>> -> memref<1x64xi32, #tpu.memory_space<vmem>>
        %dma_start3A_324 = tpu.memref_squeeze %dma_start3A_323 : memref<1x64xi32, #tpu.memory_space<vmem>> -> memref<64xi32, #tpu.memory_space<vmem>>
        %dma_start3A_325 = tpu.memref_slice %arg2[%mul3A_316] : memref<331776xi32, #tpu.memory_space<hbm>> -> memref<64xi32, #tpu.memory_space<hbm>>
        tpu.enqueue_dma source(%dma_start3A_325 : memref<64xi32, #tpu.memory_space<hbm>>) target(%dma_start3A_324 : memref<64xi32, #tpu.memory_space<vmem>>) target_semaphore(%arg17 : memref<!tpu.dma_semaphore, #tpu.memory_space<semaphore_mem>>)
        %dma_start3A_326 = arith.constant 0 : i32
        %dma_start3A_327 = arith.constant 0 : i32
        %dma_start3A_328 = tpu.memref_slice %arg11[%dma_start3A_326, %dma_start3A_327] : memref<2x64xi32, #tpu.memory_space<vmem>> -> memref<1x64xi32, #tpu.memory_space<vmem>>
        %dma_start3A_329 = tpu.memref_squeeze %dma_start3A_328 : memref<1x64xi32, #tpu.memory_space<vmem>> -> memref<64xi32, #tpu.memory_space<vmem>>
        %dma_start3A_330 = tpu.memref_slice %arg3[%mul3A_316] : memref<331776xi32, #tpu.memory_space<hbm>> -> memref<64xi32, #tpu.memory_space<hbm>>
        %dma_start3A_331 = arith.constant 0 : i32
        %dma_start3A_332 = tpu.memref_slice %arg11[%dma_start3A_326, %dma_start3A_331] : memref<2x64xi32, #tpu.memory_space<vmem>> -> memref<1x64xi32, #tpu.memory_space<vmem>>
        %dma_start3A_333 = tpu.memref_squeeze %dma_start3A_332 : memref<1x64xi32, #tpu.memory_space<vmem>> -> memref<64xi32, #tpu.memory_space<vmem>>
        %dma_start3A_334 = tpu.memref_slice %arg3[%mul3A_316] : memref<331776xi32, #tpu.memory_space<hbm>> -> memref<64xi32, #tpu.memory_space<hbm>>
        tpu.enqueue_dma source(%dma_start3A_334 : memref<64xi32, #tpu.memory_space<hbm>>) target(%dma_start3A_333 : memref<64xi32, #tpu.memory_space<vmem>>) target_semaphore(%arg18 : memref<!tpu.dma_semaphore, #tpu.memory_space<semaphore_mem>>)
        %dma_wait3A_335 = arith.constant 0 : i32
        %dma_wait3A_336 = arith.constant 0 : i32
        %dma_wait3A_337 = tpu.memref_slice %arg10[%dma_wait3A_335, %dma_wait3A_336] : memref<2x64xi32, #tpu.memory_space<vmem>> -> memref<1x64xi32, #tpu.memory_space<vmem>>
        %dma_wait3A_338 = tpu.memref_squeeze %dma_wait3A_337 : memref<1x64xi32, #tpu.memory_space<vmem>> -> memref<64xi32, #tpu.memory_space<vmem>>
        %dma_wait3A_339 = tpu.memref_slice %arg2[%mul3A_316] : memref<331776xi32, #tpu.memory_space<hbm>> -> memref<64xi32, #tpu.memory_space<hbm>>
        %dma_wait3A_340 = arith.constant 0 : i32
        %dma_wait3A_341 = tpu.memref_slice %arg10[%dma_wait3A_335, %dma_wait3A_340] : memref<2x64xi32, #tpu.memory_space<vmem>> -> memref<1x64xi32, #tpu.memory_space<vmem>>
        %dma_wait3A_342 = tpu.memref_squeeze %dma_wait3A_341 : memref<1x64xi32, #tpu.memory_space<vmem>> -> memref<64xi32, #tpu.memory_space<vmem>>
        %dma_wait3A_343 = tpu.memref_slice %arg2[%mul3A_316] : memref<331776xi32, #tpu.memory_space<hbm>> -> memref<64xi32, #tpu.memory_space<hbm>>
        tpu.wait_dma2 semaphore(%arg17 : memref<!tpu.dma_semaphore, #tpu.memory_space<semaphore_mem>>) src(%dma_wait3A_343 : memref<64xi32, #tpu.memory_space<hbm>>) dst(%dma_wait3A_342 : memref<64xi32, #tpu.memory_space<vmem>>)
        %dma_wait3A_344 = arith.constant 0 : i32
        %dma_wait3A_345 = arith.constant 0 : i32
        %dma_wait3A_346 = tpu.memref_slice %arg11[%dma_wait3A_344, %dma_wait3A_345] : memref<2x64xi32, #tpu.memory_space<vmem>> -> memref<1x64xi32, #tpu.memory_space<vmem>>
        %dma_wait3A_347 = tpu.memref_squeeze %dma_wait3A_346 : memref<1x64xi32, #tpu.memory_space<vmem>> -> memref<64xi32, #tpu.memory_space<vmem>>
        %dma_wait3A_348 = tpu.memref_slice %arg3[%mul3A_316] : memref<331776xi32, #tpu.memory_space<hbm>> -> memref<64xi32, #tpu.memory_space<hbm>>
        %dma_wait3A_349 = arith.constant 0 : i32
        %dma_wait3A_350 = tpu.memref_slice %arg11[%dma_wait3A_344, %dma_wait3A_349] : memref<2x64xi32, #tpu.memory_space<vmem>> -> memref<1x64xi32, #tpu.memory_space<vmem>>
        %dma_wait3A_351 = tpu.memref_squeeze %dma_wait3A_350 : memref<1x64xi32, #tpu.memory_space<vmem>> -> memref<64xi32, #tpu.memory_space<vmem>>
        %dma_wait3A_352 = tpu.memref_slice %arg3[%mul3A_316] : memref<331776xi32, #tpu.memory_space<hbm>> -> memref<64xi32, #tpu.memory_space<hbm>>
        tpu.wait_dma2 semaphore(%arg18 : memref<!tpu.dma_semaphore, #tpu.memory_space<semaphore_mem>>) src(%dma_wait3A_352 : memref<64xi32, #tpu.memory_space<hbm>>) dst(%dma_wait3A_351 : memref<64xi32, #tpu.memory_space<vmem>>)
        %dma_start3A_353 = arith.constant 0 : i32
        %dma_start3A_354 = arith.constant 0 : i32
        %dma_start3A_355 = arith.constant 0 : i32
        %dma_start3A_356 = arith.constant 0 : i32
        %dma_start3A_357 = tpu.memref_slice %arg12[%dma_start3A_354, %dma_start3A_355, %dma_start3A_356] : memref<2x64x16xf32, #tpu.memory_space<vmem>> -> memref<1x64x16xf32, #tpu.memory_space<vmem>>
        %dma_start3A_358 = tpu.memref_squeeze %dma_start3A_357 : memref<1x64x16xf32, #tpu.memory_space<vmem>> -> memref<64x16xf32, #tpu.memory_space<vmem>>
        %dma_start3A_359 = arith.constant 0 : i32
        %dma_start3A_360 = tpu.memref_slice %arg10[%dma_start3A_353, %dma_start3A_359] : memref<2x64xi32, #tpu.memory_space<vmem>> -> memref<1x64xi32, #tpu.memory_space<vmem>>
        %dma_start3A_361 = tpu.memref_squeeze %dma_start3A_360 : memref<1x64xi32, #tpu.memory_space<vmem>> -> memref<64xi32, #tpu.memory_space<vmem>>
        %dma_start3A_362 = arith.constant 0 : i32
        %dma_start3A_363 = arith.constant 0 : i32
        %dma_start3A_364 = tpu.memref_slice %arg4[%dma_start3A_362, %dma_start3A_363] : memref<11000x16xf32, #tpu.memory_space<hbm>> -> memref<11000x16xf32, #tpu.memory_space<hbm>>
        tpu.enqueue_indirect_dma source(%dma_start3A_364 : memref<11000x16xf32, #tpu.memory_space<hbm>>) target(%dma_start3A_358 : memref<64x16xf32, #tpu.memory_space<vmem>>) offsets(%dma_start3A_361 : memref<64xi32, #tpu.memory_space<vmem>>) semaphore(%arg19 : memref<!tpu.dma_semaphore, #tpu.memory_space<semaphore_mem>>)
        %dma_start3A_365 = arith.constant 0 : i32
        %dma_start3A_366 = arith.constant 0 : i32
        %dma_start3A_367 = arith.constant 0 : i32
        %dma_start3A_368 = arith.constant 0 : i32
        %dma_start3A_369 = tpu.memref_slice %arg13[%dma_start3A_366, %dma_start3A_367, %dma_start3A_368] : memref<2x64x16xf32, #tpu.memory_space<vmem>> -> memref<1x64x16xf32, #tpu.memory_space<vmem>>
        %dma_start3A_370 = tpu.memref_squeeze %dma_start3A_369 : memref<1x64x16xf32, #tpu.memory_space<vmem>> -> memref<64x16xf32, #tpu.memory_space<vmem>>
        %dma_start3A_371 = arith.constant 0 : i32
        %dma_start3A_372 = tpu.memref_slice %arg11[%dma_start3A_365, %dma_start3A_371] : memref<2x64xi32, #tpu.memory_space<vmem>> -> memref<1x64xi32, #tpu.memory_space<vmem>>
        %dma_start3A_373 = tpu.memref_squeeze %dma_start3A_372 : memref<1x64xi32, #tpu.memory_space<vmem>> -> memref<64xi32, #tpu.memory_space<vmem>>
        %dma_start3A_374 = arith.constant 0 : i32
        %dma_start3A_375 = arith.constant 0 : i32
        %dma_start3A_376 = tpu.memref_slice %arg5[%dma_start3A_374, %dma_start3A_375] : memref<11000x16xf32, #tpu.memory_space<hbm>> -> memref<11000x16xf32, #tpu.memory_space<hbm>>
        tpu.enqueue_indirect_dma source(%dma_start3A_376 : memref<11000x16xf32, #tpu.memory_space<hbm>>) target(%dma_start3A_370 : memref<64x16xf32, #tpu.memory_space<vmem>>) offsets(%dma_start3A_373 : memref<64xi32, #tpu.memory_space<vmem>>) semaphore(%arg20 : memref<!tpu.dma_semaphore, #tpu.memory_space<semaphore_mem>>)
        %dma_start3A_377 = arith.constant 0 : i32
        %dma_start3A_378 = arith.constant 0 : i32
        %dma_start3A_379 = arith.constant 0 : i32
        %dma_start3A_380 = arith.constant 0 : i32
        %dma_start3A_381 = tpu.memref_slice %arg14[%dma_start3A_378, %dma_start3A_379, %dma_start3A_380] : memref<2x64x144xf32, #tpu.memory_space<vmem>> -> memref<1x64x144xf32, #tpu.memory_space<vmem>>
        %dma_start3A_382 = tpu.memref_squeeze %dma_start3A_381 : memref<1x64x144xf32, #tpu.memory_space<vmem>> -> memref<64x144xf32, #tpu.memory_space<vmem>>
        %dma_start3A_383 = arith.constant 0 : i32
        %dma_start3A_384 = tpu.memref_slice %arg10[%dma_start3A_377, %dma_start3A_383] : memref<2x64xi32, #tpu.memory_space<vmem>> -> memref<1x64xi32, #tpu.memory_space<vmem>>
        %dma_start3A_385 = tpu.memref_squeeze %dma_start3A_384 : memref<1x64xi32, #tpu.memory_space<vmem>> -> memref<64xi32, #tpu.memory_space<vmem>>
        %dma_start3A_386 = arith.constant 0 : i32
        %dma_start3A_387 = arith.constant 0 : i32
        %dma_start3A_388 = tpu.memref_slice %arg6[%dma_start3A_386, %dma_start3A_387] : memref<11000x144xf32, #tpu.memory_space<hbm>> -> memref<11000x144xf32, #tpu.memory_space<hbm>>
        tpu.enqueue_indirect_dma source(%dma_start3A_388 : memref<11000x144xf32, #tpu.memory_space<hbm>>) target(%dma_start3A_382 : memref<64x144xf32, #tpu.memory_space<vmem>>) offsets(%dma_start3A_385 : memref<64xi32, #tpu.memory_space<vmem>>) semaphore(%arg21 : memref<!tpu.dma_semaphore, #tpu.memory_space<semaphore_mem>>)
      } else {
      }
      %dma_wait3A_265 = arith.constant 1 : i32
      %dma_wait3A_266 = arith.constant 1 : i32
      %dma_wait3A_267 = arith.constant 0 : i32
      %dma_wait3A_268 = arith.constant 0 : i32
      %dma_wait3A_269 = tpu.memref_slice %arg12[%dma_wait3A_266, %dma_wait3A_267, %dma_wait3A_268] : memref<2x64x16xf32, #tpu.memory_space<vmem>> -> memref<1x64x16xf32, #tpu.memory_space<vmem>>
      %dma_wait3A_270 = tpu.memref_squeeze %dma_wait3A_269 : memref<1x64x16xf32, #tpu.memory_space<vmem>> -> memref<64x16xf32, #tpu.memory_space<vmem>>
      %dma_wait3A_271 = arith.constant 0 : i32
      %dma_wait3A_272 = tpu.memref_slice %arg10[%dma_wait3A_265, %dma_wait3A_271] : memref<2x64xi32, #tpu.memory_space<vmem>> -> memref<1x64xi32, #tpu.memory_space<vmem>>
      %dma_wait3A_273 = tpu.memref_squeeze %dma_wait3A_272 : memref<1x64xi32, #tpu.memory_space<vmem>> -> memref<64xi32, #tpu.memory_space<vmem>>
      %dma_wait3A_274 = arith.constant 0 : i32
      %dma_wait3A_275 = arith.constant 0 : i32
      %dma_wait3A_276 = tpu.memref_slice %arg4[%dma_wait3A_274, %dma_wait3A_275] : memref<11000x16xf32, #tpu.memory_space<hbm>> -> memref<11000x16xf32, #tpu.memory_space<hbm>>
      tpu.wait_indirect_dma semaphore(%arg22 : memref<!tpu.dma_semaphore, #tpu.memory_space<semaphore_mem>>) src(%dma_wait3A_276 : memref<11000x16xf32, #tpu.memory_space<hbm>>) dst(%dma_wait3A_270 : memref<64x16xf32, #tpu.memory_space<vmem>>)
      %dma_wait3A_277 = arith.constant 1 : i32
      %dma_wait3A_278 = arith.constant 1 : i32
      %dma_wait3A_279 = arith.constant 0 : i32
      %dma_wait3A_280 = arith.constant 0 : i32
      %dma_wait3A_281 = tpu.memref_slice %arg13[%dma_wait3A_278, %dma_wait3A_279, %dma_wait3A_280] : memref<2x64x16xf32, #tpu.memory_space<vmem>> -> memref<1x64x16xf32, #tpu.memory_space<vmem>>
      %dma_wait3A_282 = tpu.memref_squeeze %dma_wait3A_281 : memref<1x64x16xf32, #tpu.memory_space<vmem>> -> memref<64x16xf32, #tpu.memory_space<vmem>>
      %dma_wait3A_283 = arith.constant 0 : i32
      %dma_wait3A_284 = tpu.memref_slice %arg11[%dma_wait3A_277, %dma_wait3A_283] : memref<2x64xi32, #tpu.memory_space<vmem>> -> memref<1x64xi32, #tpu.memory_space<vmem>>
      %dma_wait3A_285 = tpu.memref_squeeze %dma_wait3A_284 : memref<1x64xi32, #tpu.memory_space<vmem>> -> memref<64xi32, #tpu.memory_space<vmem>>
      %dma_wait3A_286 = arith.constant 0 : i32
      %dma_wait3A_287 = arith.constant 0 : i32
      %dma_wait3A_288 = tpu.memref_slice %arg5[%dma_wait3A_286, %dma_wait3A_287] : memref<11000x16xf32, #tpu.memory_space<hbm>> -> memref<11000x16xf32, #tpu.memory_space<hbm>>
      tpu.wait_indirect_dma semaphore(%arg23 : memref<!tpu.dma_semaphore, #tpu.memory_space<semaphore_mem>>) src(%dma_wait3A_288 : memref<11000x16xf32, #tpu.memory_space<hbm>>) dst(%dma_wait3A_282 : memref<64x16xf32, #tpu.memory_space<vmem>>)
      %dma_wait3A_289 = arith.constant 1 : i32
      %dma_wait3A_290 = arith.constant 1 : i32
      %dma_wait3A_291 = arith.constant 0 : i32
      %dma_wait3A_292 = arith.constant 0 : i32
      %dma_wait3A_293 = tpu.memref_slice %arg14[%dma_wait3A_290, %dma_wait3A_291, %dma_wait3A_292] : memref<2x64x144xf32, #tpu.memory_space<vmem>> -> memref<1x64x144xf32, #tpu.memory_space<vmem>>
      %dma_wait3A_294 = tpu.memref_squeeze %dma_wait3A_293 : memref<1x64x144xf32, #tpu.memory_space<vmem>> -> memref<64x144xf32, #tpu.memory_space<vmem>>
      %dma_wait3A_295 = arith.constant 0 : i32
      %dma_wait3A_296 = tpu.memref_slice %arg10[%dma_wait3A_289, %dma_wait3A_295] : memref<2x64xi32, #tpu.memory_space<vmem>> -> memref<1x64xi32, #tpu.memory_space<vmem>>
      %dma_wait3A_297 = tpu.memref_squeeze %dma_wait3A_296 : memref<1x64xi32, #tpu.memory_space<vmem>> -> memref<64xi32, #tpu.memory_space<vmem>>
      %dma_wait3A_298 = arith.constant 0 : i32
      %dma_wait3A_299 = arith.constant 0 : i32
      %dma_wait3A_300 = tpu.memref_slice %arg6[%dma_wait3A_298, %dma_wait3A_299] : memref<11000x144xf32, #tpu.memory_space<hbm>> -> memref<11000x144xf32, #tpu.memory_space<hbm>>
      tpu.wait_indirect_dma semaphore(%arg24 : memref<!tpu.dma_semaphore, #tpu.memory_space<semaphore_mem>>) src(%dma_wait3A_300 : memref<11000x144xf32, #tpu.memory_space<hbm>>) dst(%dma_wait3A_294 : memref<64x144xf32, #tpu.memory_space<vmem>>)
      %parallel_loop3A_301 = arith.constant 0 : i32
      %parallel_loop3A_302 = arith.constant 64 : i32
      %parallel_loop3A_303 = arith.constant 1 : i32
      scf.for %parallel_loop3A_306 = %parallel_loop3A_301 to %parallel_loop3A_302 step %parallel_loop3A_303  : i32 {
        %parallel_loop3A_307 = arith.constant 1 : i32
        %parallel_loop3A_308 = arith.index_cast %parallel_loop3A_307 : i32 to index
        %parallel_loop3A_309 = arith.index_cast %parallel_loop3A_306 : i32 to index
        %parallel_loop3A_310 = arith.constant 0 : index
        %parallel_loop3A_311 = tpu.vector_load %arg12[%parallel_loop3A_308, %parallel_loop3A_309, %parallel_loop3A_310] {strides = array<i32>} : memref<2x64x16xf32, #tpu.memory_space<vmem>>, vector<1x1x16xf32>,
        %parallel_loop3A_312 = vector.shape_cast %parallel_loop3A_311 : vector<1x1x16xf32> to vector<16xf32>
        %parallel_loop3A_313 = arith.constant 1 : i32
        %parallel_loop3A_314 = arith.index_cast %parallel_loop3A_313 : i32 to index
        %parallel_loop3A_315 = arith.index_cast %parallel_loop3A_306 : i32 to index
        %parallel_loop3A_316 = arith.constant 0 : index
        %parallel_loop3A_317 = tpu.vector_load %arg13[%parallel_loop3A_314, %parallel_loop3A_315, %parallel_loop3A_316] {strides = array<i32>} : memref<2x64x16xf32, #tpu.memory_space<vmem>>, vector<1x1x16xf32>,
        %parallel_loop3A_318 = vector.shape_cast %parallel_loop3A_317 : vector<1x1x16xf32> to vector<16xf32>
        %parallel_loop3A_319 = arith.addf %parallel_loop3A_312, %parallel_loop3A_318 : vector<16xf32>
        %parallel_loop3A_320 = arith.constant 0.000000e+00 : f32
        %parallel_loop3A_321 = vector.broadcast %parallel_loop3A_320 : f32 to vector<16xf32>
        %parallel_loop3A_322 = arith.cmpf ogt, %parallel_loop3A_319, %parallel_loop3A_321 : vector<16xf32>
        %parallel_loop3A_323 = arith.constant 2.000000e-01 : f32
        %parallel_loop3A_324 = vector.broadcast %parallel_loop3A_323 : f32 to vector<16xf32>
        %parallel_loop3A_325 = arith.mulf %parallel_loop3A_324, %parallel_loop3A_319 : vector<16xf32>
        %parallel_loop3A_326 = arith.select %parallel_loop3A_322, %parallel_loop3A_319, %parallel_loop3A_325 : vector<16xi1>, vector<16xf32>
        %parallel_loop3A_327 = arith.subf %parallel_loop3A_326, %get3A_1 : vector<16xf32>
        %parallel_loop3A_328 = math.exp %parallel_loop3A_327 : vector<16xf32>
        %parallel_loop3A_329 = arith.mulf %parallel_loop3A_328, %select_n3A : vector<16xf32>
        %parallel_loop3A_330 = arith.constant 0 : i32
        %parallel_loop3A_331 = vector.broadcast %parallel_loop3A_330 : i32 to vector<16x1xi32>
        %parallel_loop3A_332 = vector.shape_cast %parallel_loop3A_331 : vector<16x1xi32> to vector<16xi32>
        %parallel_loop3A_333 = tpu.dynamic_gather %parallel_loop3A_329[%parallel_loop3A_332] in [0] : vector<16xf32>, vector<16xi32> -> vector<16xf32>
        %parallel_loop3A_334 = arith.constant 1 : i32
        %parallel_loop3A_335 = arith.index_cast %parallel_loop3A_334 : i32 to index
        %parallel_loop3A_336 = arith.index_cast %parallel_loop3A_306 : i32 to index
        %parallel_loop3A_337 = arith.constant 0 : index
        %parallel_loop3A_338 = tpu.vector_load %arg14[%parallel_loop3A_335, %parallel_loop3A_336, %parallel_loop3A_337] {strides = array<i32>} : memref<2x64x144xf32, #tpu.memory_space<vmem>>, vector<1x1x16xf32>,
        %parallel_loop3A_339 = vector.shape_cast %parallel_loop3A_338 : vector<1x1x16xf32> to vector<16xf32>
        %parallel_loop3A_340 = arith.mulf %parallel_loop3A_339, %parallel_loop3A_333 : vector<16xf32>
        %parallel_loop3A_341 = arith.index_cast %parallel_loop3A_306 : i32 to index
        %parallel_loop3A_342 = arith.constant 0 : index
        %parallel_loop3A_343 = tpu.vector_load %arg15[%parallel_loop3A_341, %parallel_loop3A_342] {strides = array<i32>} : memref<64x144xf32, #tpu.memory_space<vmem>>, vector<1x16xf32>,
        %parallel_loop3A_344 = vector.shape_cast %parallel_loop3A_343 : vector<1x16xf32> to vector<16xf32>
        %parallel_loop3A_345 = vector.shape_cast %parallel_loop3A_340 : vector<16xf32> to vector<1x16xf32>
        tpu.vector_store %arg15[%parallel_loop3A_341, %parallel_loop3A_342], %parallel_loop3A_345 {strides = array<i32>} : memref<64x144xf32, #tpu.memory_space<vmem>>, vector<1x16xf32>,
        %parallel_loop3A_346 = arith.constant 1 : i32
        %parallel_loop3A_347 = vector.broadcast %parallel_loop3A_346 : i32 to vector<16x1xi32>
        %parallel_loop3A_348 = vector.shape_cast %parallel_loop3A_347 : vector<16x1xi32> to vector<16xi32>
        %parallel_loop3A_349 = tpu.dynamic_gather %parallel_loop3A_329[%parallel_loop3A_348] in [0] : vector<16xf32>, vector<16xi32> -> vector<16xf32>
        %parallel_loop3A_350 = arith.constant 1 : i32
        %parallel_loop3A_351 = arith.index_cast %parallel_loop3A_350 : i32 to index
        %parallel_loop3A_352 = arith.index_cast %parallel_loop3A_306 : i32 to index
        %parallel_loop3A_353 = arith.constant 16 : index
        %parallel_loop3A_354 = tpu.vector_load %arg14[%parallel_loop3A_351, %parallel_loop3A_352, %parallel_loop3A_353] {strides = array<i32>} : memref<2x64x144xf32, #tpu.memory_space<vmem>>, vector<1x1x16xf32>,
        %parallel_loop3A_355 = vector.shape_cast %parallel_loop3A_354 : vector<1x1x16xf32> to vector<16xf32>
        %parallel_loop3A_356 = arith.mulf %parallel_loop3A_355, %parallel_loop3A_349 : vector<16xf32>
        %parallel_loop3A_357 = arith.index_cast %parallel_loop3A_306 : i32 to index
        %parallel_loop3A_358 = arith.constant 16 : index
        %parallel_loop3A_359 = tpu.vector_load %arg15[%parallel_loop3A_357, %parallel_loop3A_358] {strides = array<i32>} : memref<64x144xf32, #tpu.memory_space<vmem>>, vector<1x16xf32>,
        %parallel_loop3A_360 = vector.shape_cast %parallel_loop3A_359 : vector<1x16xf32> to vector<16xf32>
        %parallel_loop3A_361 = vector.shape_cast %parallel_loop3A_356 : vector<16xf32> to vector<1x16xf32>
        tpu.vector_store %arg15[%parallel_loop3A_357, %parallel_loop3A_358], %parallel_loop3A_361 {strides = array<i32>} : memref<64x144xf32, #tpu.memory_space<vmem>>, vector<1x16xf32>,
        %parallel_loop3A_362 = arith.constant 2 : i32
        %parallel_loop3A_363 = vector.broadcast %parallel_loop3A_362 : i32 to vector<16x1xi32>
        %parallel_loop3A_364 = vector.shape_cast %parallel_loop3A_363 : vector<16x1xi32> to vector<16xi32>
        %parallel_loop3A_365 = tpu.dynamic_gather %parallel_loop3A_329[%parallel_loop3A_364] in [0] : vector<16xf32>, vector<16xi32> -> vector<16xf32>
        %parallel_loop3A_366 = arith.constant 1 : i32
        %parallel_loop3A_367 = arith.index_cast %parallel_loop3A_366 : i32 to index
        %parallel_loop3A_368 = arith.index_cast %parallel_loop3A_306 : i32 to index
        %parallel_loop3A_369 = arith.constant 32 : index
        %parallel_loop3A_370 = tpu.vector_load %arg14[%parallel_loop3A_367, %parallel_loop3A_368, %parallel_loop3A_369] {strides = array<i32>} : memref<2x64x144xf32, #tpu.memory_space<vmem>>, vector<1x1x16xf32>,
        %parallel_loop3A_371 = vector.shape_cast %parallel_loop3A_370 : vector<1x1x16xf32> to vector<16xf32>
        %parallel_loop3A_372 = arith.mulf %parallel_loop3A_371, %parallel_loop3A_365 : vector<16xf32>
        %parallel_loop3A_373 = arith.index_cast %parallel_loop3A_306 : i32 to index
        %parallel_loop3A_374 = arith.constant 32 : index
        %parallel_loop3A_375 = tpu.vector_load %arg15[%parallel_loop3A_373, %parallel_loop3A_374] {strides = array<i32>} : memref<64x144xf32, #tpu.memory_space<vmem>>, vector<1x16xf32>,
        %parallel_loop3A_376 = vector.shape_cast %parallel_loop3A_375 : vector<1x16xf32> to vector<16xf32>
        %parallel_loop3A_377 = vector.shape_cast %parallel_loop3A_372 : vector<16xf32> to vector<1x16xf32>
        tpu.vector_store %arg15[%parallel_loop3A_373, %parallel_loop3A_374], %parallel_loop3A_377 {strides = array<i32>} : memref<64x144xf32, #tpu.memory_space<vmem>>, vector<1x16xf32>,
        %parallel_loop3A_378 = arith.constant 3 : i32
        %parallel_loop3A_379 = vector.broadcast %parallel_loop3A_378 : i32 to vector<16x1xi32>
        %parallel_loop3A_380 = vector.shape_cast %parallel_loop3A_379 : vector<16x1xi32> to vector<16xi32>
        %parallel_loop3A_381 = tpu.dynamic_gather %parallel_loop3A_329[%parallel_loop3A_380] in [0] : vector<16xf32>, vector<16xi32> -> vector<16xf32>
        %parallel_loop3A_382 = arith.constant 1 : i32
        %parallel_loop3A_383 = arith.index_cast %parallel_loop3A_382 : i32 to index
        %parallel_loop3A_384 = arith.index_cast %parallel_loop3A_306 : i32 to index
        %parallel_loop3A_385 = arith.constant 48 : index
        %parallel_loop3A_386 = tpu.vector_load %arg14[%parallel_loop3A_383, %parallel_loop3A_384, %parallel_loop3A_385] {strides = array<i32>} : memref<2x64x144xf32, #tpu.memory_space<vmem>>, vector<1x1x16xf32>,
        %parallel_loop3A_387 = vector.shape_cast %parallel_loop3A_386 : vector<1x1x16xf32> to vector<16xf32>
        %parallel_loop3A_388 = arith.mulf %parallel_loop3A_387, %parallel_loop3A_381 : vector<16xf32>
        %parallel_loop3A_389 = arith.index_cast %parallel_loop3A_306 : i32 to index
        %parallel_loop3A_390 = arith.constant 48 : index
        %parallel_loop3A_391 = tpu.vector_load %arg15[%parallel_loop3A_389, %parallel_loop3A_390] {strides = array<i32>} : memref<64x144xf32, #tpu.memory_space<vmem>>, vector<1x16xf32>,
        %parallel_loop3A_392 = vector.shape_cast %parallel_loop3A_391 : vector<1x16xf32> to vector<16xf32>
        %parallel_loop3A_393 = vector.shape_cast %parallel_loop3A_388 : vector<16xf32> to vector<1x16xf32>
        tpu.vector_store %arg15[%parallel_loop3A_389, %parallel_loop3A_390], %parallel_loop3A_393 {strides = array<i32>} : memref<64x144xf32, #tpu.memory_space<vmem>>, vector<1x16xf32>,
        %parallel_loop3A_394 = arith.constant 4 : i32
        %parallel_loop3A_395 = vector.broadcast %parallel_loop3A_394 : i32 to vector<16x1xi32>
        %parallel_loop3A_396 = vector.shape_cast %parallel_loop3A_395 : vector<16x1xi32> to vector<16xi32>
        %parallel_loop3A_397 = tpu.dynamic_gather %parallel_loop3A_329[%parallel_loop3A_396] in [0] : vector<16xf32>, vector<16xi32> -> vector<16xf32>
        %parallel_loop3A_398 = arith.constant 1 : i32
        %parallel_loop3A_399 = arith.index_cast %parallel_loop3A_398 : i32 to index
        %parallel_loop3A_400 = arith.index_cast %parallel_loop3A_306 : i32 to index
        %parallel_loop3A_401 = arith.constant 64 : index
        %parallel_loop3A_402 = tpu.vector_load %arg14[%parallel_loop3A_399, %parallel_loop3A_400, %parallel_loop3A_401] {strides = array<i32>} : memref<2x64x144xf32, #tpu.memory_space<vmem>>, vector<1x1x16xf32>,
        %parallel_loop3A_403 = vector.shape_cast %parallel_loop3A_402 : vector<1x1x16xf32> to vector<16xf32>
        %parallel_loop3A_404 = arith.mulf %parallel_loop3A_403, %parallel_loop3A_397 : vector<16xf32>
        %parallel_loop3A_405 = arith.index_cast %parallel_loop3A_306 : i32 to index
        %parallel_loop3A_406 = arith.constant 64 : index
        %parallel_loop3A_407 = tpu.vector_load %arg15[%parallel_loop3A_405, %parallel_loop3A_406] {strides = array<i32>} : memref<64x144xf32, #tpu.memory_space<vmem>>, vector<1x16xf32>,
        %parallel_loop3A_408 = vector.shape_cast %parallel_loop3A_407 : vector<1x16xf32> to vector<16xf32>
        %parallel_loop3A_409 = vector.shape_cast %parallel_loop3A_404 : vector<16xf32> to vector<1x16xf32>
        tpu.vector_store %arg15[%parallel_loop3A_405, %parallel_loop3A_406], %parallel_loop3A_409 {strides = array<i32>} : memref<64x144xf32, #tpu.memory_space<vmem>>, vector<1x16xf32>,
        %parallel_loop3A_410 = arith.constant 5 : i32
        %parallel_loop3A_411 = vector.broadcast %parallel_loop3A_410 : i32 to vector<16x1xi32>
        %parallel_loop3A_412 = vector.shape_cast %parallel_loop3A_411 : vector<16x1xi32> to vector<16xi32>
        %parallel_loop3A_413 = tpu.dynamic_gather %parallel_loop3A_329[%parallel_loop3A_412] in [0] : vector<16xf32>, vector<16xi32> -> vector<16xf32>
        %parallel_loop3A_414 = arith.constant 1 : i32
        %parallel_loop3A_415 = arith.index_cast %parallel_loop3A_414 : i32 to index
        %parallel_loop3A_416 = arith.index_cast %parallel_loop3A_306 : i32 to index
        %parallel_loop3A_417 = arith.constant 80 : index
        %parallel_loop3A_418 = tpu.vector_load %arg14[%parallel_loop3A_415, %parallel_loop3A_416, %parallel_loop3A_417] {strides = array<i32>} : memref<2x64x144xf32, #tpu.memory_space<vmem>>, vector<1x1x16xf32>,
        %parallel_loop3A_419 = vector.shape_cast %parallel_loop3A_418 : vector<1x1x16xf32> to vector<16xf32>
        %parallel_loop3A_420 = arith.mulf %parallel_loop3A_419, %parallel_loop3A_413 : vector<16xf32>
        %parallel_loop3A_421 = arith.index_cast %parallel_loop3A_306 : i32 to index
        %parallel_loop3A_422 = arith.constant 80 : index
        %parallel_loop3A_423 = tpu.vector_load %arg15[%parallel_loop3A_421, %parallel_loop3A_422] {strides = array<i32>} : memref<64x144xf32, #tpu.memory_space<vmem>>, vector<1x16xf32>,
        %parallel_loop3A_424 = vector.shape_cast %parallel_loop3A_423 : vector<1x16xf32> to vector<16xf32>
        %parallel_loop3A_425 = vector.shape_cast %parallel_loop3A_420 : vector<16xf32> to vector<1x16xf32>
        tpu.vector_store %arg15[%parallel_loop3A_421, %parallel_loop3A_422], %parallel_loop3A_425 {strides = array<i32>} : memref<64x144xf32, #tpu.memory_space<vmem>>, vector<1x16xf32>,
        %parallel_loop3A_426 = arith.constant 6 : i32
        %parallel_loop3A_427 = vector.broadcast %parallel_loop3A_426 : i32 to vector<16x1xi32>
        %parallel_loop3A_428 = vector.shape_cast %parallel_loop3A_427 : vector<16x1xi32> to vector<16xi32>
        %parallel_loop3A_429 = tpu.dynamic_gather %parallel_loop3A_329[%parallel_loop3A_428] in [0] : vector<16xf32>, vector<16xi32> -> vector<16xf32>
        %parallel_loop3A_430 = arith.constant 1 : i32
        %parallel_loop3A_431 = arith.index_cast %parallel_loop3A_430 : i32 to index
        %parallel_loop3A_432 = arith.index_cast %parallel_loop3A_306 : i32 to index
        %parallel_loop3A_433 = arith.constant 96 : index
        %parallel_loop3A_434 = tpu.vector_load %arg14[%parallel_loop3A_431, %parallel_loop3A_432, %parallel_loop3A_433] {strides = array<i32>} : memref<2x64x144xf32, #tpu.memory_space<vmem>>, vector<1x1x16xf32>,
        %parallel_loop3A_435 = vector.shape_cast %parallel_loop3A_434 : vector<1x1x16xf32> to vector<16xf32>
        %parallel_loop3A_436 = arith.mulf %parallel_loop3A_435, %parallel_loop3A_429 : vector<16xf32>
        %parallel_loop3A_437 = arith.index_cast %parallel_loop3A_306 : i32 to index
        %parallel_loop3A_438 = arith.constant 96 : index
        %parallel_loop3A_439 = tpu.vector_load %arg15[%parallel_loop3A_437, %parallel_loop3A_438] {strides = array<i32>} : memref<64x144xf32, #tpu.memory_space<vmem>>, vector<1x16xf32>,
        %parallel_loop3A_440 = vector.shape_cast %parallel_loop3A_439 : vector<1x16xf32> to vector<16xf32>
        %parallel_loop3A_441 = vector.shape_cast %parallel_loop3A_436 : vector<16xf32> to vector<1x16xf32>
        tpu.vector_store %arg15[%parallel_loop3A_437, %parallel_loop3A_438], %parallel_loop3A_441 {strides = array<i32>} : memref<64x144xf32, #tpu.memory_space<vmem>>, vector<1x16xf32>,
        %parallel_loop3A_442 = arith.constant 7 : i32
        %parallel_loop3A_443 = vector.broadcast %parallel_loop3A_442 : i32 to vector<16x1xi32>
        %parallel_loop3A_444 = vector.shape_cast %parallel_loop3A_443 : vector<16x1xi32> to vector<16xi32>
        %parallel_loop3A_445 = tpu.dynamic_gather %parallel_loop3A_329[%parallel_loop3A_444] in [0] : vector<16xf32>, vector<16xi32> -> vector<16xf32>
        %parallel_loop3A_446 = arith.constant 1 : i32
        %parallel_loop3A_447 = arith.index_cast %parallel_loop3A_446 : i32 to index
        %parallel_loop3A_448 = arith.index_cast %parallel_loop3A_306 : i32 to index
        %parallel_loop3A_449 = arith.constant 112 : index
        %parallel_loop3A_450 = tpu.vector_load %arg14[%parallel_loop3A_447, %parallel_loop3A_448, %parallel_loop3A_449] {strides = array<i32>} : memref<2x64x144xf32, #tpu.memory_space<vmem>>, vector<1x1x16xf32>,
        %parallel_loop3A_451 = vector.shape_cast %parallel_loop3A_450 : vector<1x1x16xf32> to vector<16xf32>
        %parallel_loop3A_452 = arith.mulf %parallel_loop3A_451, %parallel_loop3A_445 : vector<16xf32>
        %parallel_loop3A_453 = arith.index_cast %parallel_loop3A_306 : i32 to index
        %parallel_loop3A_454 = arith.constant 112 : index
        %parallel_loop3A_455 = tpu.vector_load %arg15[%parallel_loop3A_453, %parallel_loop3A_454] {strides = array<i32>} : memref<64x144xf32, #tpu.memory_space<vmem>>, vector<1x16xf32>,
        %parallel_loop3A_456 = vector.shape_cast %parallel_loop3A_455 : vector<1x16xf32> to vector<16xf32>
        %parallel_loop3A_457 = vector.shape_cast %parallel_loop3A_452 : vector<16xf32> to vector<1x16xf32>
        tpu.vector_store %arg15[%parallel_loop3A_453, %parallel_loop3A_454], %parallel_loop3A_457 {strides = array<i32>} : memref<64x144xf32, #tpu.memory_space<vmem>>, vector<1x16xf32>,
        %parallel_loop3A_458 = arith.constant 7 : i32
        %parallel_loop3A_459 = vector.broadcast %parallel_loop3A_458 : i32 to vector<16xi32>
        %parallel_loop3A_460 = arith.andi %iota3A, %parallel_loop3A_459 : vector<16xi32>
        %parallel_loop3A_461 = vector.shape_cast %parallel_loop3A_460 : vector<16xi32> to vector<16x1xi32>
        %parallel_loop3A_462 = vector.shape_cast %parallel_loop3A_461 : vector<16x1xi32> to vector<16xi32>
        %parallel_loop3A_463 = tpu.dynamic_gather %parallel_loop3A_329[%parallel_loop3A_462] in [0] : vector<16xf32>, vector<16xi32> -> vector<16xf32>
        %parallel_loop3A_464 = arith.constant 1 : i32
        %parallel_loop3A_465 = arith.index_cast %parallel_loop3A_464 : i32 to index
        %parallel_loop3A_466 = arith.index_cast %parallel_loop3A_306 : i32 to index
        %parallel_loop3A_467 = arith.constant 128 : index
        %parallel_loop3A_468 = tpu.vector_load %arg14[%parallel_loop3A_465, %parallel_loop3A_466, %parallel_loop3A_467] {strides = array<i32>} : memref<2x64x144xf32, #tpu.memory_space<vmem>>, vector<1x1x16xf32>,
        %parallel_loop3A_469 = vector.shape_cast %parallel_loop3A_468 : vector<1x1x16xf32> to vector<16xf32>
        %parallel_loop3A_470 = arith.mulf %parallel_loop3A_469, %parallel_loop3A_463 : vector<16xf32>
        %parallel_loop3A_471 = arith.index_cast %parallel_loop3A_306 : i32 to index
        %parallel_loop3A_472 = arith.constant 128 : index
        %parallel_loop3A_473 = tpu.vector_load %arg15[%parallel_loop3A_471, %parallel_loop3A_472] {strides = array<i32>} : memref<64x144xf32, #tpu.memory_space<vmem>>, vector<1x16xf32>,
        %parallel_loop3A_474 = vector.shape_cast %parallel_loop3A_473 : vector<1x16xf32> to vector<16xf32>
        %parallel_loop3A_475 = vector.shape_cast %parallel_loop3A_470 : vector<16xf32> to vector<1x16xf32>
        tpu.vector_store %arg15[%parallel_loop3A_471, %parallel_loop3A_472], %parallel_loop3A_475 {strides = array<i32>} : memref<64x144xf32, #tpu.memory_space<vmem>>, vector<1x16xf32>,
      } {sc.loop_unroll_factor = 8 : i64, sc.parallel_access}
      %run_scoped3A_304 = arith.constant 1 : i32
      "tpu.region"() ({
        %run_scoped3A_306 = tpu.sem_alloc : memref<!tpu.dma_semaphore, #tpu.memory_space<semaphore_mem>>
        %dma_start3A_307 = arith.constant 0 : i32
        %dma_start3A_308 = tpu.memref_slice %arg11[%run_scoped3A_304, %dma_start3A_307] : memref<2x64xi32, #tpu.memory_space<vmem>> -> memref<1x64xi32, #tpu.memory_space<vmem>>
        %dma_start3A_309 = tpu.memref_squeeze %dma_start3A_308 : memref<1x64xi32, #tpu.memory_space<vmem>> -> memref<64xi32, #tpu.memory_space<vmem>>
        %dma_start3A_310 = arith.constant 0 : i32
        %dma_start3A_311 = arith.constant 0 : i32
        %dma_start3A_312 = tpu.memref_slice %arg9[%dma_start3A_310, %dma_start3A_311] : memref<10240x144xf32, #tpu.memory_space<vmem_shared>> -> memref<10240x144xf32, #tpu.memory_space<vmem_shared>>
        tpu.enqueue_indirect_dma source(%arg15 : memref<64x144xf32, #tpu.memory_space<vmem>>) target(%dma_start3A_312 : memref<10240x144xf32, #tpu.memory_space<vmem_shared>>) offsets(%dma_start3A_309 : memref<64xi32, #tpu.memory_space<vmem>>) semaphore(%run_scoped3A_306 : memref<!tpu.dma_semaphore, #tpu.memory_space<semaphore_mem>>) {add = true}
        %dma_wait3A_313 = arith.constant 0 : i32
        %dma_wait3A_314 = tpu.memref_slice %arg11[%run_scoped3A_304, %dma_wait3A_313] : memref<2x64xi32, #tpu.memory_space<vmem>> -> memref<1x64xi32, #tpu.memory_space<vmem>>
        %dma_wait3A_315 = tpu.memref_squeeze %dma_wait3A_314 : memref<1x64xi32, #tpu.memory_space<vmem>> -> memref<64xi32, #tpu.memory_space<vmem>>
        %dma_wait3A_316 = arith.constant 0 : i32
        %dma_wait3A_317 = arith.constant 0 : i32
        %dma_wait3A_318 = tpu.memref_slice %arg9[%dma_wait3A_316, %dma_wait3A_317] : memref<10240x144xf32, #tpu.memory_space<vmem_shared>> -> memref<10240x144xf32, #tpu.memory_space<vmem_shared>>
        tpu.wait_indirect_dma semaphore(%run_scoped3A_306 : memref<!tpu.dma_semaphore, #tpu.memory_space<semaphore_mem>>) src(%arg15 : memref<64x144xf32, #tpu.memory_space<vmem>>) dst(%dma_wait3A_318 : memref<10240x144xf32, #tpu.memory_space<vmem_shared>>)
        tpu.yield
      }) : () -> ()
      %scan3A_305 = arith.constant 0 : i32
      scf.yield %scan3A_305 : i32
    }
    %scan3A_133 = arith.constant 81 : i32
    %barrier3A_134 = arith.constant 0 : index
    tpu.barrier barrier_id(%barrier3A_134)
    %mul3A_135 = arith.constant 640 : i32
    %mul3A_136 = arith.muli %arg1, %mul3A_135 : i32
    %mul3A_137 = arith.constant 640 : i32
    %mul3A_138 = arith.muli %arg1, %mul3A_137 : i32
    "tpu.region"() ({
      %run_scoped3A = tpu.sem_alloc : memref<!tpu.dma_semaphore, #tpu.memory_space<semaphore_mem>>
      %dma_start3A_139 = arith.constant 0 : i32
      %dma_start3A_140 = tpu.memref_slice %arg8[%arg0, %mul3A_138, %dma_start3A_139] : memref<2x10240x144xf32, #tpu.memory_space<hbm>> -> memref<1x640x144xf32, #tpu.memory_space<hbm>>
      %dma_start3A_141 = tpu.memref_squeeze %dma_start3A_140 : memref<1x640x144xf32, #tpu.memory_space<hbm>> -> memref<640x144xf32, #tpu.memory_space<hbm>>
      %dma_start3A_142 = arith.constant 0 : i32
      %dma_start3A_143 = tpu.memref_slice %arg9[%mul3A_136, %dma_start3A_142] : memref<10240x144xf32, #tpu.memory_space<vmem_shared>> -> memref<640x144xf32, #tpu.memory_space<vmem_shared>>
      tpu.enqueue_dma source(%dma_start3A_143 : memref<640x144xf32, #tpu.memory_space<vmem_shared>>) target(%dma_start3A_141 : memref<640x144xf32, #tpu.memory_space<hbm>>) target_semaphore(%run_scoped3A : memref<!tpu.dma_semaphore, #tpu.memory_space<semaphore_mem>>)
      %dma_wait3A_144 = arith.constant 0 : i32
      %dma_wait3A_145 = tpu.memref_slice %arg8[%arg0, %mul3A_138, %dma_wait3A_144] : memref<2x10240x144xf32, #tpu.memory_space<hbm>> -> memref<1x640x144xf32, #tpu.memory_space<hbm>>
      %dma_wait3A_146 = tpu.memref_squeeze %dma_wait3A_145 : memref<1x640x144xf32, #tpu.memory_space<hbm>> -> memref<640x144xf32, #tpu.memory_space<hbm>>
      %dma_wait3A_147 = arith.constant 0 : i32
      %dma_wait3A_148 = tpu.memref_slice %arg9[%mul3A_136, %dma_wait3A_147] : memref<10240x144xf32, #tpu.memory_space<vmem_shared>> -> memref<640x144xf32, #tpu.memory_space<vmem_shared>>
      tpu.wait_dma2 semaphore(%run_scoped3A : memref<!tpu.dma_semaphore, #tpu.memory_space<semaphore_mem>>) src(%dma_wait3A_148 : memref<640x144xf32, #tpu.memory_space<vmem_shared>>) dst(%dma_wait3A_146 : memref<640x144xf32, #tpu.memory_space<hbm>>)
      tpu.yield
    }) : () -> ()
    return
  }
}

module attributes {stable_mosaic.version = 14 : i64} {
  func.func @_pre_body(%arg0: i32, %arg1: memref<1000x128xf32, #tpu.memory_space<vmem>>, %arg2: memref<128x128xf32, #tpu.memory_space<vmem>>, %arg3: memref<1x128xf32, #tpu.memory_space<vmem>>, %arg4: memref<128x144xf32, #tpu.memory_space<vmem>>, %arg5: memref<1x144xf32, #tpu.memory_space<vmem>>, %arg6: memref<1x128xf32, #tpu.memory_space<vmem>>, %arg7: memref<1x128xf32, #tpu.memory_space<vmem>>, %arg8: memref<128x16xf32, #tpu.memory_space<vmem>>, %arg9: memref<128x16xf32, #tpu.memory_space<vmem>>, %arg10: memref<128x16xf32, #tpu.memory_space<vmem>>, %arg11: memref<1000x128xf32, #tpu.memory_space<vmem>>, %arg12: memref<1000x144xf32, #tpu.memory_space<vmem>>, %arg13: memref<1000x16xf32, #tpu.memory_space<vmem>>, %arg14: memref<1000x16xf32, #tpu.memory_space<vmem>>, %arg15: memref<1x16xf32, #tpu.memory_space<vmem>>) attributes {dimension_semantics = [#tpu.dimension_semantics<arbitrary>], iteration_bounds = array<i64: 11>, scalar_prefetch = 0 : i64, scratch_operands = 0 : i64, tpu.core_type = #tpu.core_type<tc>, window_params = [{transform_indices = @transform_0, window_bounds = array<i64: 1000, 128>}, {pipeline_mode = #tpu.pipeline_mode<synchronous>, transform_indices = @transform_1, window_bounds = array<i64: 128, 128>}, {pipeline_mode = #tpu.pipeline_mode<synchronous>, transform_indices = @transform_2, window_bounds = array<i64: 1, 128>}, {pipeline_mode = #tpu.pipeline_mode<synchronous>, transform_indices = @transform_3, window_bounds = array<i64: 128, 144>}, {pipeline_mode = #tpu.pipeline_mode<synchronous>, transform_indices = @transform_4, window_bounds = array<i64: 1, 144>}, {pipeline_mode = #tpu.pipeline_mode<synchronous>, transform_indices = @transform_5, window_bounds = array<i64: 1, 128>}, {pipeline_mode = #tpu.pipeline_mode<synchronous>, transform_indices = @transform_6, window_bounds = array<i64: 1, 128>}, {pipeline_mode = #tpu.pipeline_mode<synchronous>, transform_indices = @transform_7, window_bounds = array<i64: 128, 16>}, {pipeline_mode = #tpu.pipeline_mode<synchronous>, transform_indices = @transform_8, window_bounds = array<i64: 128, 16>}, {pipeline_mode = #tpu.pipeline_mode<synchronous>, transform_indices = @transform_9, window_bounds = array<i64: 128, 16>}, {transform_indices = @transform_10, window_bounds = array<i64: 1000, 128>}, {transform_indices = @transform_11, window_bounds = array<i64: 1000, 144>}, {transform_indices = @transform_12, window_bounds = array<i64: 1000, 16>}, {transform_indices = @transform_13, window_bounds = array<i64: 1000, 16>}, {pipeline_mode = #tpu.pipeline_mode<synchronous>, transform_indices = @transform_14, window_bounds = array<i64: 1, 16>}]} {
    %eq3A = arith.constant 10 : i32
    %eq3A_0 = arith.cmpi eq, %arg0, %eq3A : i32
    %convert_element_type3A = arith.extui %eq3A_0 : i1 to i32
    %cond3A = arith.constant 0 : i32
    %cond3A_1 = arith.cmpi ne, %convert_element_type3A, %cond3A : i32
    scf.if %cond3A_1 {
      %broadcast_in_dim3A = arith.constant 0.000000e+00 : f32
      %broadcast_in_dim3A_6 = vector.broadcast %broadcast_in_dim3A : f32 to vector<1000x128xf32>
      %swap3A = arith.constant 0 : index
      %swap3A_7 = arith.constant 0 : index
      %swap3A_8 = vector.load %arg11[%swap3A, %swap3A_7] : memref<1000x128xf32, #tpu.memory_space<vmem>>, vector<1000x128xf32>
      tpu.vector_store %arg11[%swap3A, %swap3A_7], %broadcast_in_dim3A_6 {strides = array<i32>} : memref<1000x128xf32, #tpu.memory_space<vmem>>, vector<1000x128xf32>,
      %broadcast_in_dim3A_9 = arith.constant 0.000000e+00 : f32
      %broadcast_in_dim3A_10 = vector.broadcast %broadcast_in_dim3A_9 : f32 to vector<1000x144xf32>
      %swap3A_11 = arith.constant 0 : index
      %swap3A_12 = arith.constant 0 : index
      %swap3A_13 = vector.load %arg12[%swap3A_11, %swap3A_12] : memref<1000x144xf32, #tpu.memory_space<vmem>>, vector<1000x144xf32>
      tpu.vector_store %arg12[%swap3A_11, %swap3A_12], %broadcast_in_dim3A_10 {strides = array<i32>} : memref<1000x144xf32, #tpu.memory_space<vmem>>, vector<1000x144xf32>,
      %broadcast_in_dim3A_14 = arith.constant -1.000000e+30 : f32
      %broadcast_in_dim3A_15 = vector.broadcast %broadcast_in_dim3A_14 : f32 to vector<1000x16xf32>
      %swap3A_16 = arith.constant 0 : index
      %swap3A_17 = arith.constant 0 : index
      %swap3A_18 = vector.load %arg13[%swap3A_16, %swap3A_17] : memref<1000x16xf32, #tpu.memory_space<vmem>>, vector<1000x16xf32>
      tpu.vector_store %arg13[%swap3A_16, %swap3A_17], %broadcast_in_dim3A_15 {strides = array<i32>} : memref<1000x16xf32, #tpu.memory_space<vmem>>, vector<1000x16xf32>,
      %broadcast_in_dim3A_19 = arith.constant -1.000000e+30 : f32
      %broadcast_in_dim3A_20 = vector.broadcast %broadcast_in_dim3A_19 : f32 to vector<1000x16xf32>
      %swap3A_21 = arith.constant 0 : index
      %swap3A_22 = arith.constant 0 : index
      %swap3A_23 = vector.load %arg14[%swap3A_21, %swap3A_22] : memref<1000x16xf32, #tpu.memory_space<vmem>>, vector<1000x16xf32>
      tpu.vector_store %arg14[%swap3A_21, %swap3A_22], %broadcast_in_dim3A_20 {strides = array<i32>} : memref<1000x16xf32, #tpu.memory_space<vmem>>, vector<1000x16xf32>,
    } else {
    }
    %lt3A = arith.constant 10 : i32
    %lt3A_2 = arith.cmpi slt, %arg0, %lt3A : i32
    %convert_element_type3A_3 = arith.extui %lt3A_2 : i1 to i32
    %cond3A_4 = arith.constant 0 : i32
    %cond3A_5 = arith.cmpi ne, %convert_element_type3A_3, %cond3A_4 : i32
    scf.if %cond3A_5 {
      %get3A = arith.constant 0 : index
      %get3A_6 = arith.constant 0 : index
      %get3A_7 = vector.load %arg1[%get3A, %get3A_6] : memref<1000x128xf32, #tpu.memory_space<vmem>>, vector<1000x128xf32>
      %get3A_8 = arith.constant 0 : index
      %get3A_9 = arith.constant 0 : index
      %get3A_10 = vector.load %arg2[%get3A_8, %get3A_9] : memref<128x128xf32, #tpu.memory_space<vmem>>, vector<128x128xf32>
      %dot_general3A = arith.constant dense<0.000000e+00> : vector<1000x128xf32>
      %dot_general3A_11 = tpu.matmul %get3A_7, %get3A_10, %dot_general3A {dimension_numbers = #tpu.dot_dimension_numbers<[1], [0], [0], [1], [0, 0, 1, 1], [], []>, transpose_lhs_hint = false} : vector<1000x128xf32>, vector<128x128xf32>, vector<1000x128xf32> -> vector<1000x128xf32>
      %get3A_12 = arith.constant 0 : index
      %get3A_13 = arith.constant 0 : index
      %get3A_14 = vector.load %arg3[%get3A_12, %get3A_13] : memref<1x128xf32, #tpu.memory_space<vmem>>, vector<1x128xf32>
      %add3A = vector.broadcast %get3A_14 : vector<1x128xf32> to vector<1000x128xf32>
      %add3A_15 = arith.addf %dot_general3A_11, %add3A : vector<1000x128xf32>
      %swap3A = arith.constant 0 : index
      %swap3A_16 = arith.constant 0 : index
      %swap3A_17 = vector.load %arg11[%swap3A, %swap3A_16] : memref<1000x128xf32, #tpu.memory_space<vmem>>, vector<1000x128xf32>
      tpu.vector_store %arg11[%swap3A, %swap3A_16], %add3A_15 {strides = array<i32>} : memref<1000x128xf32, #tpu.memory_space<vmem>>, vector<1000x128xf32>,
      %get3A_18 = arith.constant 0 : index
      %get3A_19 = arith.constant 0 : index
      %get3A_20 = vector.load %arg4[%get3A_18, %get3A_19] : memref<128x144xf32, #tpu.memory_space<vmem>>, vector<128x144xf32>
      %dot_general3A_21 = arith.constant dense<0.000000e+00> : vector<1000x144xf32>
      %dot_general3A_22 = tpu.matmul %add3A_15, %get3A_20, %dot_general3A_21 {dimension_numbers = #tpu.dot_dimension_numbers<[1], [0], [0], [1], [0, 0, 1, 1], [], []>, transpose_lhs_hint = false} : vector<1000x128xf32>, vector<128x144xf32>, vector<1000x144xf32> -> vector<1000x144xf32>
      %get3A_23 = arith.constant 0 : index
      %get3A_24 = arith.constant 0 : index
      %get3A_25 = vector.load %arg5[%get3A_23, %get3A_24] : memref<1x144xf32, #tpu.memory_space<vmem>>, vector<1x144xf32>
      %add3A_26 = vector.broadcast %get3A_25 : vector<1x144xf32> to vector<1000x144xf32>
      %add3A_27 = arith.addf %dot_general3A_22, %add3A_26 : vector<1000x144xf32>
      %swap3A_28 = arith.constant 0 : index
      %swap3A_29 = arith.constant 0 : index
      %swap3A_30 = vector.load %arg12[%swap3A_28, %swap3A_29] : memref<1000x144xf32, #tpu.memory_space<vmem>>, vector<1000x144xf32>
      tpu.vector_store %arg12[%swap3A_28, %swap3A_29], %add3A_27 {strides = array<i32>} : memref<1000x144xf32, #tpu.memory_space<vmem>>, vector<1000x144xf32>,
      %slice3A = vector.extract_strided_slice %add3A_27 {offsets = [0, 0], sizes = [1000, 128], strides = [1, 1]} : vector<1000x144xf32> to vector<1000x128xf32>
      %get3A_31 = arith.constant 0 : index
      %get3A_32 = arith.constant 0 : index
      %get3A_33 = vector.load %arg7[%get3A_31, %get3A_32] : memref<1x128xf32, #tpu.memory_space<vmem>>, vector<1x128xf32>
      %mul3A = vector.broadcast %get3A_33 : vector<1x128xf32> to vector<1000x128xf32>
      %mul3A_34 = arith.mulf %slice3A, %mul3A : vector<1000x128xf32>
      %get3A_35 = arith.constant 0 : index
      %get3A_36 = arith.constant 0 : index
      %get3A_37 = vector.load %arg6[%get3A_35, %get3A_36] : memref<1x128xf32, #tpu.memory_space<vmem>>, vector<1x128xf32>
      %mul3A_38 = vector.broadcast %get3A_37 : vector<1x128xf32> to vector<1000x128xf32>
      %mul3A_39 = arith.mulf %slice3A, %mul3A_38 : vector<1000x128xf32>
      %get3A_40 = arith.constant 0 : index
      %get3A_41 = arith.constant 0 : index
      %get3A_42 = vector.load %arg8[%get3A_40, %get3A_41] : memref<128x16xf32, #tpu.memory_space<vmem>>, vector<128x16xf32>
      %dot_general3A_43 = arith.constant dense<0.000000e+00> : vector<1000x16xf32>
      %dot_general3A_44 = tpu.matmul %mul3A_39, %get3A_42, %dot_general3A_43 {dimension_numbers = #tpu.dot_dimension_numbers<[1], [0], [0], [1], [0, 0, 1, 1], [], []>, transpose_lhs_hint = false} : vector<1000x128xf32>, vector<128x16xf32>, vector<1000x16xf32> -> vector<1000x16xf32>
      %get3A_45 = arith.constant 0 : index
      %get3A_46 = arith.constant 0 : index
      %get3A_47 = vector.load %arg9[%get3A_45, %get3A_46] : memref<128x16xf32, #tpu.memory_space<vmem>>, vector<128x16xf32>
      %dot_general3A_48 = arith.constant dense<0.000000e+00> : vector<1000x16xf32>
      %dot_general3A_49 = tpu.matmul %mul3A_34, %get3A_47, %dot_general3A_48 {dimension_numbers = #tpu.dot_dimension_numbers<[1], [0], [0], [1], [0, 0, 1, 1], [], []>, transpose_lhs_hint = false} : vector<1000x128xf32>, vector<128x16xf32>, vector<1000x16xf32> -> vector<1000x16xf32>
      %add3A_50 = arith.addf %dot_general3A_44, %dot_general3A_49 : vector<1000x16xf32>
      %swap3A_51 = arith.constant 0 : index
      %swap3A_52 = arith.constant 0 : index
      %swap3A_53 = vector.load %arg13[%swap3A_51, %swap3A_52] : memref<1000x16xf32, #tpu.memory_space<vmem>>, vector<1000x16xf32>
      tpu.vector_store %arg13[%swap3A_51, %swap3A_52], %add3A_50 {strides = array<i32>} : memref<1000x16xf32, #tpu.memory_space<vmem>>, vector<1000x16xf32>,
      %get3A_54 = arith.constant 0 : index
      %get3A_55 = arith.constant 0 : index
      %get3A_56 = vector.load %arg10[%get3A_54, %get3A_55] : memref<128x16xf32, #tpu.memory_space<vmem>>, vector<128x16xf32>
      %dot_general3A_57 = arith.constant dense<0.000000e+00> : vector<1000x16xf32>
      %dot_general3A_58 = tpu.matmul %mul3A_34, %get3A_56, %dot_general3A_57 {dimension_numbers = #tpu.dot_dimension_numbers<[1], [0], [0], [1], [0, 0, 1, 1], [], []>, transpose_lhs_hint = false} : vector<1000x128xf32>, vector<128x16xf32>, vector<1000x16xf32> -> vector<1000x16xf32>
      %swap3A_59 = arith.constant 0 : index
      %swap3A_60 = arith.constant 0 : index
      %swap3A_61 = vector.load %arg14[%swap3A_59, %swap3A_60] : memref<1000x16xf32, #tpu.memory_space<vmem>>, vector<1000x16xf32>
      tpu.vector_store %arg14[%swap3A_59, %swap3A_60], %dot_general3A_58 {strides = array<i32>} : memref<1000x16xf32, #tpu.memory_space<vmem>>, vector<1000x16xf32>,
      %reduce_max3A = arith.constant dense<0xFF800000> : vector<16xf32>
      %reduce_max3A_62 = vector.multi_reduction <maximumf>, %add3A_50, %reduce_max3A [0] : vector<1000x16xf32> to vector<16xf32>
      %broadcast_in_dim3A = vector.shape_cast %reduce_max3A_62 : vector<16xf32> to vector<1x16xf32>
      %eq3A_63 = arith.constant 0 : i32
      %eq3A_64 = arith.cmpi eq, %arg0, %eq3A_63 : i32
      %convert_element_type3A_65 = arith.extui %eq3A_64 : i1 to i32
      %cond3A_66 = arith.constant 0 : i32
      %cond3A_67 = arith.cmpi ne, %convert_element_type3A_65, %cond3A_66 : i32
      scf.if %cond3A_67 {
        %swap3A_72 = arith.constant 0 : index
        %swap3A_73 = arith.constant 0 : index
        %swap3A_74 = vector.load %arg15[%swap3A_72, %swap3A_73] : memref<1x16xf32, #tpu.memory_space<vmem>>, vector<1x16xf32>
        tpu.vector_store %arg15[%swap3A_72, %swap3A_73], %broadcast_in_dim3A {strides = array<i32>} : memref<1x16xf32, #tpu.memory_space<vmem>>, vector<1x16xf32>,
      } else {
      }
      %ne3A = arith.constant 0 : i32
      %ne3A_68 = arith.cmpi ne, %arg0, %ne3A : i32
      %convert_element_type3A_69 = arith.extui %ne3A_68 : i1 to i32
      %cond3A_70 = arith.constant 0 : i32
      %cond3A_71 = arith.cmpi ne, %convert_element_type3A_69, %cond3A_70 : i32
      scf.if %cond3A_71 {
        %get3A_72 = arith.constant 0 : index
        %get3A_73 = arith.constant 0 : index
        %get3A_74 = vector.load %arg15[%get3A_72, %get3A_73] : memref<1x16xf32, #tpu.memory_space<vmem>>, vector<1x16xf32>
        %max3A = arith.maximumf %get3A_74, %broadcast_in_dim3A : vector<1x16xf32>
        %swap3A_75 = arith.constant 0 : index
        %swap3A_76 = arith.constant 0 : index
        %swap3A_77 = vector.load %arg15[%swap3A_75, %swap3A_76] : memref<1x16xf32, #tpu.memory_space<vmem>>, vector<1x16xf32>
        tpu.vector_store %arg15[%swap3A_75, %swap3A_76], %max3A {strides = array<i32>} : memref<1x16xf32, #tpu.memory_space<vmem>>, vector<1x16xf32>,
      } else {
      }
    } else {
    }
    return
  }
  func.func @transform_0(%arg0: i32) -> (i32, i32) {
    %min3A = arith.constant 9 : i32
    %min3A_0 = arith.minsi %arg0, %min3A : i32
    %c0_i32 = arith.constant 0 : i32
    %c0_i32_1 = arith.constant 0 : i32
    return %min3A_0, %c0_i32 : i32, i32
  }
  func.func @transform_1(%arg0: i32) -> (i32, i32) {
    %c0_i32 = arith.constant 0 : i32
    %c0_i32_0 = arith.constant 0 : i32
    %c0_i32_1 = arith.constant 0 : i32
    return %c0_i32, %c0_i32_0 : i32, i32
  }
  func.func @transform_2(%arg0: i32) -> (i32, i32) {
    %c0_i32 = arith.constant 0 : i32
    %c0_i32_0 = arith.constant 0 : i32
    %c0_i32_1 = arith.constant 0 : i32
    return %c0_i32, %c0_i32_0 : i32, i32
  }
  func.func @transform_3(%arg0: i32) -> (i32, i32) {
    %c0_i32 = arith.constant 0 : i32
    %c0_i32_0 = arith.constant 0 : i32
    %c0_i32_1 = arith.constant 0 : i32
    return %c0_i32, %c0_i32_0 : i32, i32
  }
  func.func @transform_4(%arg0: i32) -> (i32, i32) {
    %c0_i32 = arith.constant 0 : i32
    %c0_i32_0 = arith.constant 0 : i32
    %c0_i32_1 = arith.constant 0 : i32
    return %c0_i32, %c0_i32_0 : i32, i32
  }
  func.func @transform_5(%arg0: i32) -> (i32, i32) {
    %c0_i32 = arith.constant 0 : i32
    %c0_i32_0 = arith.constant 0 : i32
    %c0_i32_1 = arith.constant 0 : i32
    return %c0_i32, %c0_i32_0 : i32, i32
  }
  func.func @transform_6(%arg0: i32) -> (i32, i32) {
    %c0_i32 = arith.constant 0 : i32
    %c0_i32_0 = arith.constant 0 : i32
    %c0_i32_1 = arith.constant 0 : i32
    return %c0_i32, %c0_i32_0 : i32, i32
  }
  func.func @transform_7(%arg0: i32) -> (i32, i32) {
    %c0_i32 = arith.constant 0 : i32
    %c0_i32_0 = arith.constant 0 : i32
    %c0_i32_1 = arith.constant 0 : i32
    return %c0_i32, %c0_i32_0 : i32, i32
  }
  func.func @transform_8(%arg0: i32) -> (i32, i32) {
    %c0_i32 = arith.constant 0 : i32
    %c0_i32_0 = arith.constant 0 : i32
    %c0_i32_1 = arith.constant 0 : i32
    return %c0_i32, %c0_i32_0 : i32, i32
  }
  func.func @transform_9(%arg0: i32) -> (i32, i32) {
    %c0_i32 = arith.constant 0 : i32
    %c0_i32_0 = arith.constant 0 : i32
    %c0_i32_1 = arith.constant 0 : i32
    return %c0_i32, %c0_i32_0 : i32, i32
  }
  func.func @transform_10(%arg0: i32) -> (i32, i32) {
    %c0_i32 = arith.constant 0 : i32
    %c0_i32_0 = arith.constant 0 : i32
    return %arg0, %c0_i32 : i32, i32
  }
  func.func @transform_11(%arg0: i32) -> (i32, i32) {
    %c0_i32 = arith.constant 0 : i32
    %c0_i32_0 = arith.constant 0 : i32
    return %arg0, %c0_i32 : i32, i32
  }
  func.func @transform_12(%arg0: i32) -> (i32, i32) {
    %c0_i32 = arith.constant 0 : i32
    %c0_i32_0 = arith.constant 0 : i32
    return %arg0, %c0_i32 : i32, i32
  }
  func.func @transform_13(%arg0: i32) -> (i32, i32) {
    %c0_i32 = arith.constant 0 : i32
    %c0_i32_0 = arith.constant 0 : i32
    return %arg0, %c0_i32 : i32, i32
  }
  func.func @transform_14(%arg0: i32) -> (i32, i32) {
    %c0_i32 = arith.constant 0 : i32
    %c0_i32_0 = arith.constant 0 : i32
    %c0_i32_1 = arith.constant 0 : i32
    return %c0_i32, %c0_i32_0 : i32, i32
  }
}

module attributes {stable_mosaic.version = 14 : i64} {
  func.func @_post_body(%arg0: i32, %arg1: memref<1000x128xf32, #tpu.memory_space<vmem>>, %arg2: memref<1x1000x144xf32, #tpu.memory_space<vmem>>, %arg3: memref<1x1000x144xf32, #tpu.memory_space<vmem>>, %arg4: memref<1x128xf32, #tpu.memory_space<vmem>>, %arg5: memref<8x128xf32, #tpu.memory_space<vmem>>, %arg6: memref<128x8xf32, #tpu.memory_space<vmem>>, %arg7: memref<128x128xf32, #tpu.memory_space<vmem>>, %arg8: memref<128x128xf32, #tpu.memory_space<vmem>>, %arg9: memref<128x128xf32, #tpu.memory_space<vmem>>, %arg10: memref<1x128xf32, #tpu.memory_space<vmem>>, %arg11: memref<1x128xf32, #tpu.memory_space<vmem>>, %arg12: memref<1x128xf32, #tpu.memory_space<vmem>>, %arg13: memref<128x128xf32, #tpu.memory_space<vmem>>, %arg14: memref<1x128xf32, #tpu.memory_space<vmem>>, %arg15: memref<128x128xf32, #tpu.memory_space<vmem>>, %arg16: memref<128x128xf32, #tpu.memory_space<vmem>>, %arg17: memref<128x128xf32, #tpu.memory_space<vmem>>, %arg18: memref<1x128xf32, #tpu.memory_space<vmem>>, %arg19: memref<1x128xf32, #tpu.memory_space<vmem>>, %arg20: memref<1x128xf32, #tpu.memory_space<vmem>>, %arg21: memref<128x128xf32, #tpu.memory_space<vmem>>, %arg22: memref<1x128xf32, #tpu.memory_space<vmem>>, %arg23: memref<1x128xf32, #tpu.memory_space<vmem>>, %arg24: memref<1x128xf32, #tpu.memory_space<vmem>>, %arg25: memref<1x128xf32, #tpu.memory_space<vmem>>, %arg26: memref<1x128xf32, #tpu.memory_space<vmem>>, %arg27: memref<1x128xf32, #tpu.memory_space<vmem>>, %arg28: memref<1x128xf32, #tpu.memory_space<vmem>>, %arg29: memref<128x2048xf32, #tpu.memory_space<vmem>>, %arg30: memref<1x2048xf32, #tpu.memory_space<vmem>>, %arg31: memref<2048x128xf32, #tpu.memory_space<vmem>>, %arg32: memref<1x128xf32, #tpu.memory_space<vmem>>, %arg33: memref<256x16xf32, #tpu.memory_space<vmem>>, %arg34: memref<1x16xf32, #tpu.memory_space<vmem>>, %arg35: memref<1000x16xf32, #tpu.memory_space<vmem>>) attributes {dimension_semantics = [#tpu.dimension_semantics<arbitrary>], iteration_bounds = array<i64: 10>, scalar_prefetch = 0 : i64, scratch_operands = 0 : i64, tpu.core_type = #tpu.core_type<tc>, window_params = [{transform_indices = @transform_0, window_bounds = array<i64: 1000, 128>}, {transform_indices = @transform_1, window_bounds = array<i64: 1, 1000, 144>}, {transform_indices = @transform_2, window_bounds = array<i64: 1, 1000, 144>}, {pipeline_mode = #tpu.pipeline_mode<synchronous>, transform_indices = @transform_3, window_bounds = array<i64: 1, 128>}, {pipeline_mode = #tpu.pipeline_mode<synchronous>, transform_indices = @transform_4, window_bounds = array<i64: 8, 128>}, {pipeline_mode = #tpu.pipeline_mode<synchronous>, transform_indices = @transform_5, window_bounds = array<i64: 128, 8>}, {pipeline_mode = #tpu.pipeline_mode<synchronous>, transform_indices = @transform_6, window_bounds = array<i64: 128, 128>}, {pipeline_mode = #tpu.pipeline_mode<synchronous>, transform_indices = @transform_7, window_bounds = array<i64: 128, 128>}, {pipeline_mode = #tpu.pipeline_mode<synchronous>, transform_indices = @transform_8, window_bounds = array<i64: 128, 128>}, {pipeline_mode = #tpu.pipeline_mode<synchronous>, transform_indices = @transform_9, window_bounds = array<i64: 1, 128>}, {pipeline_mode = #tpu.pipeline_mode<synchronous>, transform_indices = @transform_10, window_bounds = array<i64: 1, 128>}, {pipeline_mode = #tpu.pipeline_mode<synchronous>, transform_indices = @transform_11, window_bounds = array<i64: 1, 128>}, {pipeline_mode = #tpu.pipeline_mode<synchronous>, transform_indices = @transform_12, window_bounds = array<i64: 128, 128>}, {pipeline_mode = #tpu.pipeline_mode<synchronous>, transform_indices = @transform_13, window_bounds = array<i64: 1, 128>}, {pipeline_mode = #tpu.pipeline_mode<synchronous>, transform_indices = @transform_14, window_bounds = array<i64: 128, 128>}, {pipeline_mode = #tpu.pipeline_mode<synchronous>, transform_indices = @transform_15, window_bounds = array<i64: 128, 128>}, {pipeline_mode = #tpu.pipeline_mode<synchronous>, transform_indices = @transform_16, window_bounds = array<i64: 128, 128>}, {pipeline_mode = #tpu.pipeline_mode<synchronous>, transform_indices = @transform_17, window_bounds = array<i64: 1, 128>}, {pipeline_mode = #tpu.pipeline_mode<synchronous>, transform_indices = @transform_18, window_bounds = array<i64: 1, 128>}, {pipeline_mode = #tpu.pipeline_mode<synchronous>, transform_indices = @transform_19, window_bounds = array<i64: 1, 128>}, {pipeline_mode = #tpu.pipeline_mode<synchronous>, transform_indices = @transform_20, window_bounds = array<i64: 128, 128>}, {pipeline_mode = #tpu.pipeline_mode<synchronous>, transform_indices = @transform_21, window_bounds = array<i64: 1, 128>}, {pipeline_mode = #tpu.pipeline_mode<synchronous>, transform_indices = @transform_22, window_bounds = array<i64: 1, 128>}, {pipeline_mode = #tpu.pipeline_mode<synchronous>, transform_indices = @transform_23, window_bounds = array<i64: 1, 128>}, {pipeline_mode = #tpu.pipeline_mode<synchronous>, transform_indices = @transform_24, window_bounds = array<i64: 1, 128>}, {pipeline_mode = #tpu.pipeline_mode<synchronous>, transform_indices = @transform_25, window_bounds = array<i64: 1, 128>}, {pipeline_mode = #tpu.pipeline_mode<synchronous>, transform_indices = @transform_26, window_bounds = array<i64: 1, 128>}, {pipeline_mode = #tpu.pipeline_mode<synchronous>, transform_indices = @transform_27, window_bounds = array<i64: 1, 128>}, {pipeline_mode = #tpu.pipeline_mode<synchronous>, transform_indices = @transform_28, window_bounds = array<i64: 128, 2048>}, {pipeline_mode = #tpu.pipeline_mode<synchronous>, transform_indices = @transform_29, window_bounds = array<i64: 1, 2048>}, {pipeline_mode = #tpu.pipeline_mode<synchronous>, transform_indices = @transform_30, window_bounds = array<i64: 2048, 128>}, {pipeline_mode = #tpu.pipeline_mode<synchronous>, transform_indices = @transform_31, window_bounds = array<i64: 1, 128>}, {pipeline_mode = #tpu.pipeline_mode<synchronous>, transform_indices = @transform_32, window_bounds = array<i64: 256, 16>}, {pipeline_mode = #tpu.pipeline_mode<synchronous>, transform_indices = @transform_33, window_bounds = array<i64: 1, 16>}, {transform_indices = @transform_34, window_bounds = array<i64: 1000, 16>}]} {
    %get3A = arith.constant 0 : index
    %get3A_0 = arith.constant 0 : index
    %get3A_1 = vector.load %arg5[%get3A, %get3A_0] : memref<8x128xf32, #tpu.memory_space<vmem>>, vector<8x128xf32>
    %get3A_2 = arith.constant 0 : index
    %get3A_3 = arith.constant 0 : index
    %get3A_4 = vector.load %arg6[%get3A_2, %get3A_3] : memref<128x8xf32, #tpu.memory_space<vmem>>, vector<128x8xf32>
    %get3A_5 = arith.constant 0 : index
    %get3A_6 = arith.constant 0 : index
    %get3A_7 = arith.constant 0 : index
    %get3A_8 = vector.load %arg2[%get3A_5, %get3A_6, %get3A_7] : memref<1x1000x144xf32, #tpu.memory_space<vmem>>, vector<1x1000x144xf32>
    %get3A_9 = vector.shape_cast %get3A_8 : vector<1x1000x144xf32> to vector<1000x144xf32>
    %get3A_10 = arith.constant 0 : index
    %get3A_11 = arith.constant 0 : index
    %get3A_12 = arith.constant 0 : index
    %get3A_13 = vector.load %arg3[%get3A_10, %get3A_11, %get3A_12] : memref<1x1000x144xf32, #tpu.memory_space<vmem>>, vector<1x1000x144xf32>
    %get3A_14 = vector.shape_cast %get3A_13 : vector<1x1000x144xf32> to vector<1000x144xf32>
    %add3A = arith.addf %get3A_9, %get3A_14 : vector<1000x144xf32>
    %slice3A = vector.extract_strided_slice %add3A {offsets = [0, 128], sizes = [1000, 8], strides = [1, 1]} : vector<1000x144xf32> to vector<1000x8xf32>
    %dot_general3A = arith.constant dense<0.000000e+00> : vector<1000x128xf32>
    %dot_general3A_15 = tpu.matmul %slice3A, %get3A_1, %dot_general3A {dimension_numbers = #tpu.dot_dimension_numbers<[1], [0], [0], [1], [0, 0, 1, 1], [], []>, transpose_lhs_hint = false} : vector<1000x8xf32>, vector<8x128xf32>, vector<1000x128xf32> -> vector<1000x128xf32>
    %slice3A_16 = vector.extract_strided_slice %add3A {offsets = [0, 0], sizes = [1000, 128], strides = [1, 1]} : vector<1000x144xf32> to vector<1000x128xf32>
    %add3A_17 = arith.constant 9.99999971E-10 : f32
    %add3A_18 = vector.broadcast %add3A_17 : f32 to vector<1000x128xf32>
    %add3A_19 = arith.addf %dot_general3A_15, %add3A_18 : vector<1000x128xf32>
    %div3A = arith.divf %slice3A_16, %add3A_19 : vector<1000x128xf32>
    %get3A_20 = arith.constant 0 : index
    %get3A_21 = arith.constant 0 : index
    %get3A_22 = vector.load %arg4[%get3A_20, %get3A_21] : memref<1x128xf32, #tpu.memory_space<vmem>>, vector<1x128xf32>
    %add3A_23 = vector.broadcast %get3A_22 : vector<1x128xf32> to vector<1000x128xf32>
    %add3A_24 = arith.addf %div3A, %add3A_23 : vector<1000x128xf32>
    %get3A_25 = arith.constant 0 : index
    %get3A_26 = arith.constant 0 : index
    %get3A_27 = vector.load %arg1[%get3A_25, %get3A_26] : memref<1000x128xf32, #tpu.memory_space<vmem>>, vector<1000x128xf32>
    %concatenate3A = tpu.concatenate %get3A_27, %add3A_24 in 0 : vector<1000x128xf32>, vector<1000x128xf32> -> vector<2000x128xf32>
    %get3A_28 = arith.constant 0 : index
    %get3A_29 = arith.constant 0 : index
    %get3A_30 = vector.load %arg7[%get3A_28, %get3A_29] : memref<128x128xf32, #tpu.memory_space<vmem>>, vector<128x128xf32>
    %get3A_31 = arith.constant 0 : index
    %get3A_32 = arith.constant 0 : index
    %get3A_33 = vector.load %arg8[%get3A_31, %get3A_32] : memref<128x128xf32, #tpu.memory_space<vmem>>, vector<128x128xf32>
    %get3A_34 = arith.constant 0 : index
    %get3A_35 = arith.constant 0 : index
    %get3A_36 = vector.load %arg9[%get3A_34, %get3A_35] : memref<128x128xf32, #tpu.memory_space<vmem>>, vector<128x128xf32>
    %get3A_37 = arith.constant 0 : index
    %get3A_38 = arith.constant 0 : index
    %get3A_39 = vector.load %arg10[%get3A_37, %get3A_38] : memref<1x128xf32, #tpu.memory_space<vmem>>, vector<1x128xf32>
    %get3A_40 = arith.constant 0 : index
    %get3A_41 = arith.constant 0 : index
    %get3A_42 = vector.load %arg11[%get3A_40, %get3A_41] : memref<1x128xf32, #tpu.memory_space<vmem>>, vector<1x128xf32>
    %get3A_43 = arith.constant 0 : index
    %get3A_44 = arith.constant 0 : index
    %get3A_45 = vector.load %arg12[%get3A_43, %get3A_44] : memref<1x128xf32, #tpu.memory_space<vmem>>, vector<1x128xf32>
    %get3A_46 = arith.constant 0 : index
    %get3A_47 = arith.constant 0 : index
    %get3A_48 = vector.load %arg13[%get3A_46, %get3A_47] : memref<128x128xf32, #tpu.memory_space<vmem>>, vector<128x128xf32>
    %get3A_49 = arith.constant 0 : index
    %get3A_50 = arith.constant 0 : index
    %get3A_51 = vector.load %arg14[%get3A_49, %get3A_50] : memref<1x128xf32, #tpu.memory_space<vmem>>, vector<1x128xf32>
    %dot_general3A_52 = arith.constant dense<0.000000e+00> : vector<2000x128xf32>
    %dot_general3A_53 = tpu.matmul %concatenate3A, %get3A_30, %dot_general3A_52 {dimension_numbers = #tpu.dot_dimension_numbers<[1], [0], [0], [1], [0, 0, 1, 1], [], []>, transpose_lhs_hint = false} : vector<2000x128xf32>, vector<128x128xf32>, vector<2000x128xf32> -> vector<2000x128xf32>
    %add3A_54 = vector.broadcast %get3A_39 : vector<1x128xf32> to vector<2000x128xf32>
    %add3A_55 = arith.addf %dot_general3A_53, %add3A_54 : vector<2000x128xf32>
    %dot_general3A_56 = arith.constant dense<0.000000e+00> : vector<2000x128xf32>
    %dot_general3A_57 = tpu.matmul %concatenate3A, %get3A_33, %dot_general3A_56 {dimension_numbers = #tpu.dot_dimension_numbers<[1], [0], [0], [1], [0, 0, 1, 1], [], []>, transpose_lhs_hint = false} : vector<2000x128xf32>, vector<128x128xf32>, vector<2000x128xf32> -> vector<2000x128xf32>
    %add3A_58 = vector.broadcast %get3A_42 : vector<1x128xf32> to vector<2000x128xf32>
    %add3A_59 = arith.addf %dot_general3A_57, %add3A_58 : vector<2000x128xf32>
    %dot_general3A_60 = arith.constant dense<0.000000e+00> : vector<2000x128xf32>
    %dot_general3A_61 = tpu.matmul %concatenate3A, %get3A_36, %dot_general3A_60 {dimension_numbers = #tpu.dot_dimension_numbers<[1], [0], [0], [1], [0, 0, 1, 1], [], []>, transpose_lhs_hint = false} : vector<2000x128xf32>, vector<128x128xf32>, vector<2000x128xf32> -> vector<2000x128xf32>
    %add3A_62 = vector.broadcast %get3A_45 : vector<1x128xf32> to vector<2000x128xf32>
    %add3A_63 = arith.addf %dot_general3A_61, %add3A_62 : vector<2000x128xf32>
    %slice3A_64 = vector.extract_strided_slice %add3A_59 {offsets = [0, 0], sizes = [1000, 128], strides = [1, 1]} : vector<2000x128xf32> to vector<1000x128xf32>
    %slice3A_65 = vector.extract_strided_slice %add3A_59 {offsets = [1000, 0], sizes = [1000, 128], strides = [1, 1]} : vector<2000x128xf32> to vector<1000x128xf32>
    %slice3A_66 = vector.extract_strided_slice %add3A_63 {offsets = [0, 0], sizes = [1000, 128], strides = [1, 1]} : vector<2000x128xf32> to vector<1000x128xf32>
    %slice3A_67 = vector.extract_strided_slice %add3A_63 {offsets = [1000, 0], sizes = [1000, 128], strides = [1, 1]} : vector<2000x128xf32> to vector<1000x128xf32>
    %concatenate3A_68 = tpu.concatenate %slice3A_64, %slice3A_65, %slice3A_64, %slice3A_65 in 0 : vector<1000x128xf32>, vector<1000x128xf32>, vector<1000x128xf32>, vector<1000x128xf32> -> vector<4000x128xf32>
    %slice3A_69 = vector.extract_strided_slice %add3A_55 {offsets = [0, 0], sizes = [1000, 128], strides = [1, 1]} : vector<2000x128xf32> to vector<1000x128xf32>
    %slice3A_70 = vector.extract_strided_slice %add3A_55 {offsets = [0, 0], sizes = [1000, 128], strides = [1, 1]} : vector<2000x128xf32> to vector<1000x128xf32>
    %slice3A_71 = vector.extract_strided_slice %add3A_55 {offsets = [1000, 0], sizes = [1000, 128], strides = [1, 1]} : vector<2000x128xf32> to vector<1000x128xf32>
    %slice3A_72 = vector.extract_strided_slice %add3A_55 {offsets = [1000, 0], sizes = [1000, 128], strides = [1, 1]} : vector<2000x128xf32> to vector<1000x128xf32>
    %concatenate3A_73 = tpu.concatenate %slice3A_69, %slice3A_70, %slice3A_71, %slice3A_72 in 0 : vector<1000x128xf32>, vector<1000x128xf32>, vector<1000x128xf32>, vector<1000x128xf32> -> vector<4000x128xf32>
    %mul3A = arith.mulf %concatenate3A_73, %concatenate3A_68 : vector<4000x128xf32>
    %dot_general3A_74 = arith.constant dense<0.000000e+00> : vector<4000x8xf32>
    %dot_general3A_75 = tpu.matmul %mul3A, %get3A_4, %dot_general3A_74 {dimension_numbers = #tpu.dot_dimension_numbers<[1], [0], [0], [1], [0, 0, 1, 1], [], []>, transpose_lhs_hint = false} : vector<4000x128xf32>, vector<128x8xf32>, vector<4000x8xf32> -> vector<4000x8xf32>
    %mul3A_76 = arith.constant 2.500000e-01 : f32
    %mul3A_77 = vector.broadcast %mul3A_76 : f32 to vector<4000x8xf32>
    %mul3A_78 = arith.mulf %dot_general3A_75, %mul3A_77 : vector<4000x8xf32>
    %slice3A_79 = vector.extract_strided_slice %mul3A_78 {offsets = [0, 0], sizes = [1000, 8], strides = [1, 1]} : vector<4000x8xf32> to vector<1000x8xf32>
    %slice3A_80 = vector.extract_strided_slice %mul3A_78 {offsets = [1000, 0], sizes = [1000, 8], strides = [1, 1]} : vector<4000x8xf32> to vector<1000x8xf32>
    %slice3A_81 = vector.extract_strided_slice %mul3A_78 {offsets = [2000, 0], sizes = [1000, 8], strides = [1, 1]} : vector<4000x8xf32> to vector<1000x8xf32>
    %slice3A_82 = vector.extract_strided_slice %mul3A_78 {offsets = [3000, 0], sizes = [1000, 8], strides = [1, 1]} : vector<4000x8xf32> to vector<1000x8xf32>
    %max3A = arith.maximumf %slice3A_79, %slice3A_80 : vector<1000x8xf32>
    %sub3A = arith.subf %slice3A_79, %max3A : vector<1000x8xf32>
    %exp3A = math.exp %sub3A : vector<1000x8xf32>
    %sub3A_83 = arith.subf %slice3A_80, %max3A : vector<1000x8xf32>
    %exp3A_84 = math.exp %sub3A_83 : vector<1000x8xf32>
    %add3A_85 = arith.addf %exp3A, %exp3A_84 : vector<1000x8xf32>
    %div3A_86 = arith.constant 1.000000e+00 : f32
    %div3A_87 = vector.broadcast %div3A_86 : f32 to vector<1000x8xf32>
    %div3A_88 = arith.divf %div3A_87, %add3A_85 : vector<1000x8xf32>
    %mul3A_89 = arith.mulf %exp3A, %div3A_88 : vector<1000x8xf32>
    %dot_general3A_90 = arith.constant dense<0.000000e+00> : vector<1000x128xf32>
    %dot_general3A_91 = tpu.matmul %mul3A_89, %get3A_1, %dot_general3A_90 {dimension_numbers = #tpu.dot_dimension_numbers<[1], [0], [0], [1], [0, 0, 1, 1], [], []>, transpose_lhs_hint = false} : vector<1000x8xf32>, vector<8x128xf32>, vector<1000x128xf32> -> vector<1000x128xf32>
    %mul3A_92 = arith.mulf %dot_general3A_91, %slice3A_66 : vector<1000x128xf32>
    %mul3A_93 = arith.mulf %exp3A_84, %div3A_88 : vector<1000x8xf32>
    %dot_general3A_94 = arith.constant dense<0.000000e+00> : vector<1000x128xf32>
    %dot_general3A_95 = tpu.matmul %mul3A_93, %get3A_1, %dot_general3A_94 {dimension_numbers = #tpu.dot_dimension_numbers<[1], [0], [0], [1], [0, 0, 1, 1], [], []>, transpose_lhs_hint = false} : vector<1000x8xf32>, vector<8x128xf32>, vector<1000x128xf32> -> vector<1000x128xf32>
    %mul3A_96 = arith.mulf %dot_general3A_95, %slice3A_67 : vector<1000x128xf32>
    %add3A_97 = arith.addf %mul3A_92, %mul3A_96 : vector<1000x128xf32>
    %max3A_98 = arith.maximumf %slice3A_81, %slice3A_82 : vector<1000x8xf32>
    %sub3A_99 = arith.subf %slice3A_81, %max3A_98 : vector<1000x8xf32>
    %exp3A_100 = math.exp %sub3A_99 : vector<1000x8xf32>
    %sub3A_101 = arith.subf %slice3A_82, %max3A_98 : vector<1000x8xf32>
    %exp3A_102 = math.exp %sub3A_101 : vector<1000x8xf32>
    %add3A_103 = arith.addf %exp3A_100, %exp3A_102 : vector<1000x8xf32>
    %div3A_104 = arith.constant 1.000000e+00 : f32
    %div3A_105 = vector.broadcast %div3A_104 : f32 to vector<1000x8xf32>
    %div3A_106 = arith.divf %div3A_105, %add3A_103 : vector<1000x8xf32>
    %mul3A_107 = arith.mulf %exp3A_100, %div3A_106 : vector<1000x8xf32>
    %dot_general3A_108 = arith.constant dense<0.000000e+00> : vector<1000x128xf32>
    %dot_general3A_109 = tpu.matmul %mul3A_107, %get3A_1, %dot_general3A_108 {dimension_numbers = #tpu.dot_dimension_numbers<[1], [0], [0], [1], [0, 0, 1, 1], [], []>, transpose_lhs_hint = false} : vector<1000x8xf32>, vector<8x128xf32>, vector<1000x128xf32> -> vector<1000x128xf32>
    %mul3A_110 = arith.mulf %dot_general3A_109, %slice3A_66 : vector<1000x128xf32>
    %mul3A_111 = arith.mulf %exp3A_102, %div3A_106 : vector<1000x8xf32>
    %dot_general3A_112 = arith.constant dense<0.000000e+00> : vector<1000x128xf32>
    %dot_general3A_113 = tpu.matmul %mul3A_111, %get3A_1, %dot_general3A_112 {dimension_numbers = #tpu.dot_dimension_numbers<[1], [0], [0], [1], [0, 0, 1, 1], [], []>, transpose_lhs_hint = false} : vector<1000x8xf32>, vector<8x128xf32>, vector<1000x128xf32> -> vector<1000x128xf32>
    %mul3A_114 = arith.mulf %dot_general3A_113, %slice3A_67 : vector<1000x128xf32>
    %add3A_115 = arith.addf %mul3A_110, %mul3A_114 : vector<1000x128xf32>
    %concatenate3A_116 = tpu.concatenate %add3A_97, %add3A_115 in 0 : vector<1000x128xf32>, vector<1000x128xf32> -> vector<2000x128xf32>
    %dot_general3A_117 = arith.constant dense<0.000000e+00> : vector<2000x128xf32>
    %dot_general3A_118 = tpu.matmul %concatenate3A_116, %get3A_48, %dot_general3A_117 {dimension_numbers = #tpu.dot_dimension_numbers<[1], [0], [0], [1], [0, 0, 1, 1], [], []>, transpose_lhs_hint = false} : vector<2000x128xf32>, vector<128x128xf32>, vector<2000x128xf32> -> vector<2000x128xf32>
    %add3A_119 = vector.broadcast %get3A_51 : vector<1x128xf32> to vector<2000x128xf32>
    %add3A_120 = arith.addf %dot_general3A_118, %add3A_119 : vector<2000x128xf32>
    %add3A_121 = arith.addf %concatenate3A, %add3A_120 : vector<2000x128xf32>
    %get3A_122 = arith.constant 0 : index
    %get3A_123 = arith.constant 0 : index
    %get3A_124 = vector.load %arg23[%get3A_122, %get3A_123] : memref<1x128xf32, #tpu.memory_space<vmem>>, vector<1x128xf32>
    %get3A_125 = arith.constant 0 : index
    %get3A_126 = arith.constant 0 : index
    %get3A_127 = vector.load %arg24[%get3A_125, %get3A_126] : memref<1x128xf32, #tpu.memory_space<vmem>>, vector<1x128xf32>
    %reduce_sum3A = arith.constant dense<0.000000e+00> : vector<2000xf32>
    %reduce_sum3A_128 = vector.multi_reduction <add>, %add3A_121, %reduce_sum3A [1] : vector<2000x128xf32> to vector<2000xf32>
    %broadcast_in_dim3A = vector.shape_cast %reduce_sum3A_128 : vector<2000xf32> to vector<2000x1xf32>
    %div3A_129 = arith.constant 1.280000e+02 : f32
    %div3A_130 = vector.broadcast %div3A_129 : f32 to vector<2000x1xf32>
    %div3A_131 = arith.divf %broadcast_in_dim3A, %div3A_130 : vector<2000x1xf32>
    %sub3A_132 = vector.broadcast %div3A_131 : vector<2000x1xf32> to vector<2000x128xf32>
    %sub3A_133 = arith.subf %add3A_121, %sub3A_132 : vector<2000x128xf32>
    %sub3A_134 = vector.broadcast %div3A_131 : vector<2000x1xf32> to vector<2000x128xf32>
    %sub3A_135 = arith.subf %add3A_121, %sub3A_134 : vector<2000x128xf32>
    %mul3A_136 = arith.mulf %sub3A_133, %sub3A_135 : vector<2000x128xf32>
    %reduce_sum3A_137 = arith.constant dense<0.000000e+00> : vector<2000xf32>
    %reduce_sum3A_138 = vector.multi_reduction <add>, %mul3A_136, %reduce_sum3A_137 [1] : vector<2000x128xf32> to vector<2000xf32>
    %broadcast_in_dim3A_139 = vector.shape_cast %reduce_sum3A_138 : vector<2000xf32> to vector<2000x1xf32>
    %div3A_140 = arith.constant 1.280000e+02 : f32
    %div3A_141 = vector.broadcast %div3A_140 : f32 to vector<2000x1xf32>
    %div3A_142 = arith.divf %broadcast_in_dim3A_139, %div3A_141 : vector<2000x1xf32>
    %sub3A_143 = vector.broadcast %div3A_131 : vector<2000x1xf32> to vector<2000x128xf32>
    %sub3A_144 = arith.subf %add3A_121, %sub3A_143 : vector<2000x128xf32>
    %add3A_145 = arith.constant 9.99999974E-6 : f32
    %add3A_146 = vector.broadcast %add3A_145 : f32 to vector<2000x1xf32>
    %add3A_147 = arith.addf %div3A_142, %add3A_146 : vector<2000x1xf32>
    %rsqrt3A = math.rsqrt %add3A_147 : vector<2000x1xf32>
    %mul3A_148 = vector.broadcast %rsqrt3A : vector<2000x1xf32> to vector<2000x128xf32>
    %mul3A_149 = arith.mulf %sub3A_144, %mul3A_148 : vector<2000x128xf32>
    %mul3A_150 = vector.broadcast %get3A_124 : vector<1x128xf32> to vector<2000x128xf32>
    %mul3A_151 = arith.mulf %mul3A_149, %mul3A_150 : vector<2000x128xf32>
    %add3A_152 = vector.broadcast %get3A_127 : vector<1x128xf32> to vector<2000x128xf32>
    %add3A_153 = arith.addf %mul3A_151, %add3A_152 : vector<2000x128xf32>
    %get3A_154 = arith.constant 0 : index
    %get3A_155 = arith.constant 0 : index
    %get3A_156 = vector.load %arg15[%get3A_154, %get3A_155] : memref<128x128xf32, #tpu.memory_space<vmem>>, vector<128x128xf32>
    %get3A_157 = arith.constant 0 : index
    %get3A_158 = arith.constant 0 : index
    %get3A_159 = vector.load %arg16[%get3A_157, %get3A_158] : memref<128x128xf32, #tpu.memory_space<vmem>>, vector<128x128xf32>
    %get3A_160 = arith.constant 0 : index
    %get3A_161 = arith.constant 0 : index
    %get3A_162 = vector.load %arg17[%get3A_160, %get3A_161] : memref<128x128xf32, #tpu.memory_space<vmem>>, vector<128x128xf32>
    %get3A_163 = arith.constant 0 : index
    %get3A_164 = arith.constant 0 : index
    %get3A_165 = vector.load %arg18[%get3A_163, %get3A_164] : memref<1x128xf32, #tpu.memory_space<vmem>>, vector<1x128xf32>
    %get3A_166 = arith.constant 0 : index
    %get3A_167 = arith.constant 0 : index
    %get3A_168 = vector.load %arg19[%get3A_166, %get3A_167] : memref<1x128xf32, #tpu.memory_space<vmem>>, vector<1x128xf32>
    %get3A_169 = arith.constant 0 : index
    %get3A_170 = arith.constant 0 : index
    %get3A_171 = vector.load %arg20[%get3A_169, %get3A_170] : memref<1x128xf32, #tpu.memory_space<vmem>>, vector<1x128xf32>
    %get3A_172 = arith.constant 0 : index
    %get3A_173 = arith.constant 0 : index
    %get3A_174 = vector.load %arg21[%get3A_172, %get3A_173] : memref<128x128xf32, #tpu.memory_space<vmem>>, vector<128x128xf32>
    %get3A_175 = arith.constant 0 : index
    %get3A_176 = arith.constant 0 : index
    %get3A_177 = vector.load %arg22[%get3A_175, %get3A_176] : memref<1x128xf32, #tpu.memory_space<vmem>>, vector<1x128xf32>
    %dot_general3A_178 = arith.constant dense<0.000000e+00> : vector<2000x128xf32>
    %dot_general3A_179 = tpu.matmul %add3A_153, %get3A_156, %dot_general3A_178 {dimension_numbers = #tpu.dot_dimension_numbers<[1], [0], [0], [1], [0, 0, 1, 1], [], []>, transpose_lhs_hint = false} : vector<2000x128xf32>, vector<128x128xf32>, vector<2000x128xf32> -> vector<2000x128xf32>
    %add3A_180 = vector.broadcast %get3A_165 : vector<1x128xf32> to vector<2000x128xf32>
    %add3A_181 = arith.addf %dot_general3A_179, %add3A_180 : vector<2000x128xf32>
    %dot_general3A_182 = arith.constant dense<0.000000e+00> : vector<2000x128xf32>
    %dot_general3A_183 = tpu.matmul %concatenate3A, %get3A_159, %dot_general3A_182 {dimension_numbers = #tpu.dot_dimension_numbers<[1], [0], [0], [1], [0, 0, 1, 1], [], []>, transpose_lhs_hint = false} : vector<2000x128xf32>, vector<128x128xf32>, vector<2000x128xf32> -> vector<2000x128xf32>
    %add3A_184 = vector.broadcast %get3A_168 : vector<1x128xf32> to vector<2000x128xf32>
    %add3A_185 = arith.addf %dot_general3A_183, %add3A_184 : vector<2000x128xf32>
    %dot_general3A_186 = arith.constant dense<0.000000e+00> : vector<2000x128xf32>
    %dot_general3A_187 = tpu.matmul %concatenate3A, %get3A_162, %dot_general3A_186 {dimension_numbers = #tpu.dot_dimension_numbers<[1], [0], [0], [1], [0, 0, 1, 1], [], []>, transpose_lhs_hint = false} : vector<2000x128xf32>, vector<128x128xf32>, vector<2000x128xf32> -> vector<2000x128xf32>
    %add3A_188 = vector.broadcast %get3A_171 : vector<1x128xf32> to vector<2000x128xf32>
    %add3A_189 = arith.addf %dot_general3A_187, %add3A_188 : vector<2000x128xf32>
    %slice3A_190 = vector.extract_strided_slice %add3A_185 {offsets = [0, 0], sizes = [1000, 128], strides = [1, 1]} : vector<2000x128xf32> to vector<1000x128xf32>
    %slice3A_191 = vector.extract_strided_slice %add3A_185 {offsets = [1000, 0], sizes = [1000, 128], strides = [1, 1]} : vector<2000x128xf32> to vector<1000x128xf32>
    %slice3A_192 = vector.extract_strided_slice %add3A_189 {offsets = [0, 0], sizes = [1000, 128], strides = [1, 1]} : vector<2000x128xf32> to vector<1000x128xf32>
    %slice3A_193 = vector.extract_strided_slice %add3A_189 {offsets = [1000, 0], sizes = [1000, 128], strides = [1, 1]} : vector<2000x128xf32> to vector<1000x128xf32>
    %concatenate3A_194 = tpu.concatenate %slice3A_190, %slice3A_191, %slice3A_190, %slice3A_191 in 0 : vector<1000x128xf32>, vector<1000x128xf32>, vector<1000x128xf32>, vector<1000x128xf32> -> vector<4000x128xf32>
    %slice3A_195 = vector.extract_strided_slice %add3A_181 {offsets = [0, 0], sizes = [1000, 128], strides = [1, 1]} : vector<2000x128xf32> to vector<1000x128xf32>
    %slice3A_196 = vector.extract_strided_slice %add3A_181 {offsets = [0, 0], sizes = [1000, 128], strides = [1, 1]} : vector<2000x128xf32> to vector<1000x128xf32>
    %slice3A_197 = vector.extract_strided_slice %add3A_181 {offsets = [1000, 0], sizes = [1000, 128], strides = [1, 1]} : vector<2000x128xf32> to vector<1000x128xf32>
    %slice3A_198 = vector.extract_strided_slice %add3A_181 {offsets = [1000, 0], sizes = [1000, 128], strides = [1, 1]} : vector<2000x128xf32> to vector<1000x128xf32>
    %concatenate3A_199 = tpu.concatenate %slice3A_195, %slice3A_196, %slice3A_197, %slice3A_198 in 0 : vector<1000x128xf32>, vector<1000x128xf32>, vector<1000x128xf32>, vector<1000x128xf32> -> vector<4000x128xf32>
    %mul3A_200 = arith.mulf %concatenate3A_199, %concatenate3A_194 : vector<4000x128xf32>
    %dot_general3A_201 = arith.constant dense<0.000000e+00> : vector<4000x8xf32>
    %dot_general3A_202 = tpu.matmul %mul3A_200, %get3A_4, %dot_general3A_201 {dimension_numbers = #tpu.dot_dimension_numbers<[1], [0], [0], [1], [0, 0, 1, 1], [], []>, transpose_lhs_hint = false} : vector<4000x128xf32>, vector<128x8xf32>, vector<4000x8xf32> -> vector<4000x8xf32>
    %mul3A_203 = arith.constant 2.500000e-01 : f32
    %mul3A_204 = vector.broadcast %mul3A_203 : f32 to vector<4000x8xf32>
    %mul3A_205 = arith.mulf %dot_general3A_202, %mul3A_204 : vector<4000x8xf32>
    %slice3A_206 = vector.extract_strided_slice %mul3A_205 {offsets = [0, 0], sizes = [1000, 8], strides = [1, 1]} : vector<4000x8xf32> to vector<1000x8xf32>
    %slice3A_207 = vector.extract_strided_slice %mul3A_205 {offsets = [1000, 0], sizes = [1000, 8], strides = [1, 1]} : vector<4000x8xf32> to vector<1000x8xf32>
    %slice3A_208 = vector.extract_strided_slice %mul3A_205 {offsets = [2000, 0], sizes = [1000, 8], strides = [1, 1]} : vector<4000x8xf32> to vector<1000x8xf32>
    %slice3A_209 = vector.extract_strided_slice %mul3A_205 {offsets = [3000, 0], sizes = [1000, 8], strides = [1, 1]} : vector<4000x8xf32> to vector<1000x8xf32>
    %max3A_210 = arith.maximumf %slice3A_206, %slice3A_207 : vector<1000x8xf32>
    %sub3A_211 = arith.subf %slice3A_206, %max3A_210 : vector<1000x8xf32>
    %exp3A_212 = math.exp %sub3A_211 : vector<1000x8xf32>
    %sub3A_213 = arith.subf %slice3A_207, %max3A_210 : vector<1000x8xf32>
    %exp3A_214 = math.exp %sub3A_213 : vector<1000x8xf32>
    %add3A_215 = arith.addf %exp3A_212, %exp3A_214 : vector<1000x8xf32>
    %div3A_216 = arith.constant 1.000000e+00 : f32
    %div3A_217 = vector.broadcast %div3A_216 : f32 to vector<1000x8xf32>
    %div3A_218 = arith.divf %div3A_217, %add3A_215 : vector<1000x8xf32>
    %mul3A_219 = arith.mulf %exp3A_212, %div3A_218 : vector<1000x8xf32>
    %dot_general3A_220 = arith.constant dense<0.000000e+00> : vector<1000x128xf32>
    %dot_general3A_221 = tpu.matmul %mul3A_219, %get3A_1, %dot_general3A_220 {dimension_numbers = #tpu.dot_dimension_numbers<[1], [0], [0], [1], [0, 0, 1, 1], [], []>, transpose_lhs_hint = false} : vector<1000x8xf32>, vector<8x128xf32>, vector<1000x128xf32> -> vector<1000x128xf32>
    %mul3A_222 = arith.mulf %dot_general3A_221, %slice3A_192 : vector<1000x128xf32>
    %mul3A_223 = arith.mulf %exp3A_214, %div3A_218 : vector<1000x8xf32>
    %dot_general3A_224 = arith.constant dense<0.000000e+00> : vector<1000x128xf32>
    %dot_general3A_225 = tpu.matmul %mul3A_223, %get3A_1, %dot_general3A_224 {dimension_numbers = #tpu.dot_dimension_numbers<[1], [0], [0], [1], [0, 0, 1, 1], [], []>, transpose_lhs_hint = false} : vector<1000x8xf32>, vector<8x128xf32>, vector<1000x128xf32> -> vector<1000x128xf32>
    %mul3A_226 = arith.mulf %dot_general3A_225, %slice3A_193 : vector<1000x128xf32>
    %add3A_227 = arith.addf %mul3A_222, %mul3A_226 : vector<1000x128xf32>
    %max3A_228 = arith.maximumf %slice3A_208, %slice3A_209 : vector<1000x8xf32>
    %sub3A_229 = arith.subf %slice3A_208, %max3A_228 : vector<1000x8xf32>
    %exp3A_230 = math.exp %sub3A_229 : vector<1000x8xf32>
    %sub3A_231 = arith.subf %slice3A_209, %max3A_228 : vector<1000x8xf32>
    %exp3A_232 = math.exp %sub3A_231 : vector<1000x8xf32>
    %add3A_233 = arith.addf %exp3A_230, %exp3A_232 : vector<1000x8xf32>
    %div3A_234 = arith.constant 1.000000e+00 : f32
    %div3A_235 = vector.broadcast %div3A_234 : f32 to vector<1000x8xf32>
    %div3A_236 = arith.divf %div3A_235, %add3A_233 : vector<1000x8xf32>
    %mul3A_237 = arith.mulf %exp3A_230, %div3A_236 : vector<1000x8xf32>
    %dot_general3A_238 = arith.constant dense<0.000000e+00> : vector<1000x128xf32>
    %dot_general3A_239 = tpu.matmul %mul3A_237, %get3A_1, %dot_general3A_238 {dimension_numbers = #tpu.dot_dimension_numbers<[1], [0], [0], [1], [0, 0, 1, 1], [], []>, transpose_lhs_hint = false} : vector<1000x8xf32>, vector<8x128xf32>, vector<1000x128xf32> -> vector<1000x128xf32>
    %mul3A_240 = arith.mulf %dot_general3A_239, %slice3A_192 : vector<1000x128xf32>
    %mul3A_241 = arith.mulf %exp3A_232, %div3A_236 : vector<1000x8xf32>
    %dot_general3A_242 = arith.constant dense<0.000000e+00> : vector<1000x128xf32>
    %dot_general3A_243 = tpu.matmul %mul3A_241, %get3A_1, %dot_general3A_242 {dimension_numbers = #tpu.dot_dimension_numbers<[1], [0], [0], [1], [0, 0, 1, 1], [], []>, transpose_lhs_hint = false} : vector<1000x8xf32>, vector<8x128xf32>, vector<1000x128xf32> -> vector<1000x128xf32>
    %mul3A_244 = arith.mulf %dot_general3A_243, %slice3A_193 : vector<1000x128xf32>
    %add3A_245 = arith.addf %mul3A_240, %mul3A_244 : vector<1000x128xf32>
    %concatenate3A_246 = tpu.concatenate %add3A_227, %add3A_245 in 0 : vector<1000x128xf32>, vector<1000x128xf32> -> vector<2000x128xf32>
    %dot_general3A_247 = arith.constant dense<0.000000e+00> : vector<2000x128xf32>
    %dot_general3A_248 = tpu.matmul %concatenate3A_246, %get3A_174, %dot_general3A_247 {dimension_numbers = #tpu.dot_dimension_numbers<[1], [0], [0], [1], [0, 0, 1, 1], [], []>, transpose_lhs_hint = false} : vector<2000x128xf32>, vector<128x128xf32>, vector<2000x128xf32> -> vector<2000x128xf32>
    %add3A_249 = vector.broadcast %get3A_177 : vector<1x128xf32> to vector<2000x128xf32>
    %add3A_250 = arith.addf %dot_general3A_248, %add3A_249 : vector<2000x128xf32>
    %add3A_251 = arith.addf %add3A_153, %add3A_250 : vector<2000x128xf32>
    %get3A_252 = arith.constant 0 : index
    %get3A_253 = arith.constant 0 : index
    %get3A_254 = vector.load %arg25[%get3A_252, %get3A_253] : memref<1x128xf32, #tpu.memory_space<vmem>>, vector<1x128xf32>
    %get3A_255 = arith.constant 0 : index
    %get3A_256 = arith.constant 0 : index
    %get3A_257 = vector.load %arg26[%get3A_255, %get3A_256] : memref<1x128xf32, #tpu.memory_space<vmem>>, vector<1x128xf32>
    %reduce_sum3A_258 = arith.constant dense<0.000000e+00> : vector<2000xf32>
    %reduce_sum3A_259 = vector.multi_reduction <add>, %add3A_251, %reduce_sum3A_258 [1] : vector<2000x128xf32> to vector<2000xf32>
    %broadcast_in_dim3A_260 = vector.shape_cast %reduce_sum3A_259 : vector<2000xf32> to vector<2000x1xf32>
    %div3A_261 = arith.constant 1.280000e+02 : f32
    %div3A_262 = vector.broadcast %div3A_261 : f32 to vector<2000x1xf32>
    %div3A_263 = arith.divf %broadcast_in_dim3A_260, %div3A_262 : vector<2000x1xf32>
    %sub3A_264 = vector.broadcast %div3A_263 : vector<2000x1xf32> to vector<2000x128xf32>
    %sub3A_265 = arith.subf %add3A_251, %sub3A_264 : vector<2000x128xf32>
    %sub3A_266 = vector.broadcast %div3A_263 : vector<2000x1xf32> to vector<2000x128xf32>
    %sub3A_267 = arith.subf %add3A_251, %sub3A_266 : vector<2000x128xf32>
    %mul3A_268 = arith.mulf %sub3A_265, %sub3A_267 : vector<2000x128xf32>
    %reduce_sum3A_269 = arith.constant dense<0.000000e+00> : vector<2000xf32>
    %reduce_sum3A_270 = vector.multi_reduction <add>, %mul3A_268, %reduce_sum3A_269 [1] : vector<2000x128xf32> to vector<2000xf32>
    %broadcast_in_dim3A_271 = vector.shape_cast %reduce_sum3A_270 : vector<2000xf32> to vector<2000x1xf32>
    %div3A_272 = arith.constant 1.280000e+02 : f32
    %div3A_273 = vector.broadcast %div3A_272 : f32 to vector<2000x1xf32>
    %div3A_274 = arith.divf %broadcast_in_dim3A_271, %div3A_273 : vector<2000x1xf32>
    %sub3A_275 = vector.broadcast %div3A_263 : vector<2000x1xf32> to vector<2000x128xf32>
    %sub3A_276 = arith.subf %add3A_251, %sub3A_275 : vector<2000x128xf32>
    %add3A_277 = arith.constant 9.99999974E-6 : f32
    %add3A_278 = vector.broadcast %add3A_277 : f32 to vector<2000x1xf32>
    %add3A_279 = arith.addf %div3A_274, %add3A_278 : vector<2000x1xf32>
    %rsqrt3A_280 = math.rsqrt %add3A_279 : vector<2000x1xf32>
    %mul3A_281 = vector.broadcast %rsqrt3A_280 : vector<2000x1xf32> to vector<2000x128xf32>
    %mul3A_282 = arith.mulf %sub3A_276, %mul3A_281 : vector<2000x128xf32>
    %mul3A_283 = vector.broadcast %get3A_254 : vector<1x128xf32> to vector<2000x128xf32>
    %mul3A_284 = arith.mulf %mul3A_282, %mul3A_283 : vector<2000x128xf32>
    %add3A_285 = vector.broadcast %get3A_257 : vector<1x128xf32> to vector<2000x128xf32>
    %add3A_286 = arith.addf %mul3A_284, %add3A_285 : vector<2000x128xf32>
    %get3A_287 = arith.constant 0 : index
    %get3A_288 = arith.constant 0 : index
    %get3A_289 = vector.load %arg29[%get3A_287, %get3A_288] : memref<128x2048xf32, #tpu.memory_space<vmem>>, vector<128x2048xf32>
    %dot_general3A_290 = arith.constant dense<0.000000e+00> : vector<2000x2048xf32>
    %dot_general3A_291 = tpu.matmul %add3A_286, %get3A_289, %dot_general3A_290 {dimension_numbers = #tpu.dot_dimension_numbers<[1], [0], [0], [1], [0, 0, 1, 1], [], []>, transpose_lhs_hint = false} : vector<2000x128xf32>, vector<128x2048xf32>, vector<2000x2048xf32> -> vector<2000x2048xf32>
    %get3A_292 = arith.constant 0 : index
    %get3A_293 = arith.constant 0 : index
    %get3A_294 = vector.load %arg30[%get3A_292, %get3A_293] : memref<1x2048xf32, #tpu.memory_space<vmem>>, vector<1x2048xf32>
    %add3A_295 = vector.broadcast %get3A_294 : vector<1x2048xf32> to vector<2000x2048xf32>
    %add3A_296 = arith.addf %dot_general3A_291, %add3A_295 : vector<2000x2048xf32>
    %max3A_297 = arith.constant 0.000000e+00 : f32
    %max3A_298 = vector.broadcast %max3A_297 : f32 to vector<2000x2048xf32>
    %max3A_299 = arith.maximumf %add3A_296, %max3A_298 : vector<2000x2048xf32>
    %get3A_300 = arith.constant 0 : index
    %get3A_301 = arith.constant 0 : index
    %get3A_302 = vector.load %arg31[%get3A_300, %get3A_301] : memref<2048x128xf32, #tpu.memory_space<vmem>>, vector<2048x128xf32>
    %dot_general3A_303 = arith.constant dense<0.000000e+00> : vector<2000x128xf32>
    %dot_general3A_304 = tpu.matmul %max3A_299, %get3A_302, %dot_general3A_303 {dimension_numbers = #tpu.dot_dimension_numbers<[1], [0], [0], [1], [0, 0, 1, 1], [], []>, transpose_lhs_hint = false} : vector<2000x2048xf32>, vector<2048x128xf32>, vector<2000x128xf32> -> vector<2000x128xf32>
    %get3A_305 = arith.constant 0 : index
    %get3A_306 = arith.constant 0 : index
    %get3A_307 = vector.load %arg32[%get3A_305, %get3A_306] : memref<1x128xf32, #tpu.memory_space<vmem>>, vector<1x128xf32>
    %add3A_308 = vector.broadcast %get3A_307 : vector<1x128xf32> to vector<2000x128xf32>
    %add3A_309 = arith.addf %dot_general3A_304, %add3A_308 : vector<2000x128xf32>
    %add3A_310 = arith.addf %add3A_286, %add3A_309 : vector<2000x128xf32>
    %get3A_311 = arith.constant 0 : index
    %get3A_312 = arith.constant 0 : index
    %get3A_313 = vector.load %arg27[%get3A_311, %get3A_312] : memref<1x128xf32, #tpu.memory_space<vmem>>, vector<1x128xf32>
    %get3A_314 = arith.constant 0 : index
    %get3A_315 = arith.constant 0 : index
    %get3A_316 = vector.load %arg28[%get3A_314, %get3A_315] : memref<1x128xf32, #tpu.memory_space<vmem>>, vector<1x128xf32>
    %reduce_sum3A_317 = arith.constant dense<0.000000e+00> : vector<2000xf32>
    %reduce_sum3A_318 = vector.multi_reduction <add>, %add3A_310, %reduce_sum3A_317 [1] : vector<2000x128xf32> to vector<2000xf32>
    %broadcast_in_dim3A_319 = vector.shape_cast %reduce_sum3A_318 : vector<2000xf32> to vector<2000x1xf32>
    %div3A_320 = arith.constant 1.280000e+02 : f32
    %div3A_321 = vector.broadcast %div3A_320 : f32 to vector<2000x1xf32>
    %div3A_322 = arith.divf %broadcast_in_dim3A_319, %div3A_321 : vector<2000x1xf32>
    %sub3A_323 = vector.broadcast %div3A_322 : vector<2000x1xf32> to vector<2000x128xf32>
    %sub3A_324 = arith.subf %add3A_310, %sub3A_323 : vector<2000x128xf32>
    %sub3A_325 = vector.broadcast %div3A_322 : vector<2000x1xf32> to vector<2000x128xf32>
    %sub3A_326 = arith.subf %add3A_310, %sub3A_325 : vector<2000x128xf32>
    %mul3A_327 = arith.mulf %sub3A_324, %sub3A_326 : vector<2000x128xf32>
    %reduce_sum3A_328 = arith.constant dense<0.000000e+00> : vector<2000xf32>
    %reduce_sum3A_329 = vector.multi_reduction <add>, %mul3A_327, %reduce_sum3A_328 [1] : vector<2000x128xf32> to vector<2000xf32>
    %broadcast_in_dim3A_330 = vector.shape_cast %reduce_sum3A_329 : vector<2000xf32> to vector<2000x1xf32>
    %div3A_331 = arith.constant 1.280000e+02 : f32
    %div3A_332 = vector.broadcast %div3A_331 : f32 to vector<2000x1xf32>
    %div3A_333 = arith.divf %broadcast_in_dim3A_330, %div3A_332 : vector<2000x1xf32>
    %sub3A_334 = vector.broadcast %div3A_322 : vector<2000x1xf32> to vector<2000x128xf32>
    %sub3A_335 = arith.subf %add3A_310, %sub3A_334 : vector<2000x128xf32>
    %add3A_336 = arith.constant 9.99999974E-6 : f32
    %add3A_337 = vector.broadcast %add3A_336 : f32 to vector<2000x1xf32>
    %add3A_338 = arith.addf %div3A_333, %add3A_337 : vector<2000x1xf32>
    %rsqrt3A_339 = math.rsqrt %add3A_338 : vector<2000x1xf32>
    %mul3A_340 = vector.broadcast %rsqrt3A_339 : vector<2000x1xf32> to vector<2000x128xf32>
    %mul3A_341 = arith.mulf %sub3A_335, %mul3A_340 : vector<2000x128xf32>
    %mul3A_342 = vector.broadcast %get3A_313 : vector<1x128xf32> to vector<2000x128xf32>
    %mul3A_343 = arith.mulf %mul3A_341, %mul3A_342 : vector<2000x128xf32>
    %add3A_344 = vector.broadcast %get3A_316 : vector<1x128xf32> to vector<2000x128xf32>
    %add3A_345 = arith.addf %mul3A_343, %add3A_344 : vector<2000x128xf32>
    %slice3A_346 = vector.extract_strided_slice %add3A_345 {offsets = [0, 0], sizes = [1000, 128], strides = [1, 1]} : vector<2000x128xf32> to vector<1000x128xf32>
    %slice3A_347 = vector.extract_strided_slice %add3A_345 {offsets = [1000, 0], sizes = [1000, 128], strides = [1, 1]} : vector<2000x128xf32> to vector<1000x128xf32>
    %get3A_348 = arith.constant 0 : index
    %get3A_349 = arith.constant 0 : index
    %get3A_350 = vector.load %arg33[%get3A_348, %get3A_349] : memref<256x16xf32, #tpu.memory_space<vmem>>, vector<256x16xf32>
    %slice3A_351 = vector.extract_strided_slice %get3A_350 {offsets = [0, 0], sizes = [128, 16], strides = [1, 1]} : vector<256x16xf32> to vector<128x16xf32>
    %dot_general3A_352 = arith.constant dense<0.000000e+00> : vector<1000x16xf32>
    %dot_general3A_353 = tpu.matmul %slice3A_346, %slice3A_351, %dot_general3A_352 {dimension_numbers = #tpu.dot_dimension_numbers<[1], [0], [0], [1], [0, 0, 1, 1], [], []>, transpose_lhs_hint = false} : vector<1000x128xf32>, vector<128x16xf32>, vector<1000x16xf32> -> vector<1000x16xf32>
    %slice3A_354 = vector.extract_strided_slice %get3A_350 {offsets = [128, 0], sizes = [128, 16], strides = [1, 1]} : vector<256x16xf32> to vector<128x16xf32>
    %dot_general3A_355 = arith.constant dense<0.000000e+00> : vector<1000x16xf32>
    %dot_general3A_356 = tpu.matmul %slice3A_347, %slice3A_354, %dot_general3A_355 {dimension_numbers = #tpu.dot_dimension_numbers<[1], [0], [0], [1], [0, 0, 1, 1], [], []>, transpose_lhs_hint = false} : vector<1000x128xf32>, vector<128x16xf32>, vector<1000x16xf32> -> vector<1000x16xf32>
    %add3A_357 = arith.addf %dot_general3A_353, %dot_general3A_356 : vector<1000x16xf32>
    %get3A_358 = arith.constant 0 : index
    %get3A_359 = arith.constant 0 : index
    %get3A_360 = vector.load %arg34[%get3A_358, %get3A_359] : memref<1x16xf32, #tpu.memory_space<vmem>>, vector<1x16xf32>
    %add3A_361 = vector.broadcast %get3A_360 : vector<1x16xf32> to vector<1000x16xf32>
    %add3A_362 = arith.addf %add3A_357, %add3A_361 : vector<1000x16xf32>
    %swap3A = arith.constant 0 : index
    %swap3A_363 = arith.constant 0 : index
    %swap3A_364 = vector.load %arg35[%swap3A, %swap3A_363] : memref<1000x16xf32, #tpu.memory_space<vmem>>, vector<1000x16xf32>
    tpu.vector_store %arg35[%swap3A, %swap3A_363], %add3A_362 {strides = array<i32>} : memref<1000x16xf32, #tpu.memory_space<vmem>>, vector<1000x16xf32>,
    return
  }
  func.func @transform_0(%arg0: i32) -> (i32, i32) {
    %c0_i32 = arith.constant 0 : i32
    %c0_i32_0 = arith.constant 0 : i32
    return %arg0, %c0_i32 : i32, i32
  }
  func.func @transform_1(%arg0: i32) -> (i32, i32, i32) {
    %c0_i32 = arith.constant 0 : i32
    %c0_i32_0 = arith.constant 0 : i32
    %c0_i32_1 = arith.constant 0 : i32
    return %c0_i32, %arg0, %c0_i32_0 : i32, i32, i32
  }
  func.func @transform_2(%arg0: i32) -> (i32, i32, i32) {
    %c1_i32 = arith.constant 1 : i32
    %c0_i32 = arith.constant 0 : i32
    %c0_i32_0 = arith.constant 0 : i32
    return %c1_i32, %arg0, %c0_i32 : i32, i32, i32
  }
  func.func @transform_3(%arg0: i32) -> (i32, i32) {
    %c0_i32 = arith.constant 0 : i32
    %c0_i32_0 = arith.constant 0 : i32
    %c0_i32_1 = arith.constant 0 : i32
    return %c0_i32, %c0_i32_0 : i32, i32
  }
  func.func @transform_4(%arg0: i32) -> (i32, i32) {
    %c0_i32 = arith.constant 0 : i32
    %c0_i32_0 = arith.constant 0 : i32
    %c0_i32_1 = arith.constant 0 : i32
    return %c0_i32, %c0_i32_0 : i32, i32
  }
  func.func @transform_5(%arg0: i32) -> (i32, i32) {
    %c0_i32 = arith.constant 0 : i32
    %c0_i32_0 = arith.constant 0 : i32
    %c0_i32_1 = arith.constant 0 : i32
    return %c0_i32, %c0_i32_0 : i32, i32
  }
  func.func @transform_6(%arg0: i32) -> (i32, i32) {
    %c0_i32 = arith.constant 0 : i32
    %c0_i32_0 = arith.constant 0 : i32
    %c0_i32_1 = arith.constant 0 : i32
    return %c0_i32, %c0_i32_0 : i32, i32
  }
  func.func @transform_7(%arg0: i32) -> (i32, i32) {
    %c0_i32 = arith.constant 0 : i32
    %c0_i32_0 = arith.constant 0 : i32
    %c0_i32_1 = arith.constant 0 : i32
    return %c0_i32, %c0_i32_0 : i32, i32
  }
  func.func @transform_8(%arg0: i32) -> (i32, i32) {
    %c0_i32 = arith.constant 0 : i32
    %c0_i32_0 = arith.constant 0 : i32
    %c0_i32_1 = arith.constant 0 : i32
    return %c0_i32, %c0_i32_0 : i32, i32
  }
  func.func @transform_9(%arg0: i32) -> (i32, i32) {
    %c0_i32 = arith.constant 0 : i32
    %c0_i32_0 = arith.constant 0 : i32
    %c0_i32_1 = arith.constant 0 : i32
    return %c0_i32, %c0_i32_0 : i32, i32
  }
  func.func @transform_10(%arg0: i32) -> (i32, i32) {
    %c0_i32 = arith.constant 0 : i32
    %c0_i32_0 = arith.constant 0 : i32
    %c0_i32_1 = arith.constant 0 : i32
    return %c0_i32, %c0_i32_0 : i32, i32
  }
  func.func @transform_11(%arg0: i32) -> (i32, i32) {
    %c0_i32 = arith.constant 0 : i32
    %c0_i32_0 = arith.constant 0 : i32
    %c0_i32_1 = arith.constant 0 : i32
    return %c0_i32, %c0_i32_0 : i32, i32
  }
  func.func @transform_12(%arg0: i32) -> (i32, i32) {
    %c0_i32 = arith.constant 0 : i32
    %c0_i32_0 = arith.constant 0 : i32
    %c0_i32_1 = arith.constant 0 : i32
    return %c0_i32, %c0_i32_0 : i32, i32
  }
  func.func @transform_13(%arg0: i32) -> (i32, i32) {
    %c0_i32 = arith.constant 0 : i32
    %c0_i32_0 = arith.constant 0 : i32
    %c0_i32_1 = arith.constant 0 : i32
    return %c0_i32, %c0_i32_0 : i32, i32
  }
  func.func @transform_14(%arg0: i32) -> (i32, i32) {
    %c0_i32 = arith.constant 0 : i32
    %c0_i32_0 = arith.constant 0 : i32
    %c0_i32_1 = arith.constant 0 : i32
    return %c0_i32, %c0_i32_0 : i32, i32
  }
  func.func @transform_15(%arg0: i32) -> (i32, i32) {
    %c0_i32 = arith.constant 0 : i32
    %c0_i32_0 = arith.constant 0 : i32
    %c0_i32_1 = arith.constant 0 : i32
    return %c0_i32, %c0_i32_0 : i32, i32
  }
  func.func @transform_16(%arg0: i32) -> (i32, i32) {
    %c0_i32 = arith.constant 0 : i32
    %c0_i32_0 = arith.constant 0 : i32
    %c0_i32_1 = arith.constant 0 : i32
    return %c0_i32, %c0_i32_0 : i32, i32
  }
  func.func @transform_17(%arg0: i32) -> (i32, i32) {
    %c0_i32 = arith.constant 0 : i32
    %c0_i32_0 = arith.constant 0 : i32
    %c0_i32_1 = arith.constant 0 : i32
    return %c0_i32, %c0_i32_0 : i32, i32
  }
  func.func @transform_18(%arg0: i32) -> (i32, i32) {
    %c0_i32 = arith.constant 0 : i32
    %c0_i32_0 = arith.constant 0 : i32
    %c0_i32_1 = arith.constant 0 : i32
    return %c0_i32, %c0_i32_0 : i32, i32
  }
  func.func @transform_19(%arg0: i32) -> (i32, i32) {
    %c0_i32 = arith.constant 0 : i32
    %c0_i32_0 = arith.constant 0 : i32
    %c0_i32_1 = arith.constant 0 : i32
    return %c0_i32, %c0_i32_0 : i32, i32
  }
  func.func @transform_20(%arg0: i32) -> (i32, i32) {
    %c0_i32 = arith.constant 0 : i32
    %c0_i32_0 = arith.constant 0 : i32
    %c0_i32_1 = arith.constant 0 : i32
    return %c0_i32, %c0_i32_0 : i32, i32
  }
  func.func @transform_21(%arg0: i32) -> (i32, i32) {
    %c0_i32 = arith.constant 0 : i32
    %c0_i32_0 = arith.constant 0 : i32
    %c0_i32_1 = arith.constant 0 : i32
    return %c0_i32, %c0_i32_0 : i32, i32
  }
  func.func @transform_22(%arg0: i32) -> (i32, i32) {
    %c0_i32 = arith.constant 0 : i32
    %c0_i32_0 = arith.constant 0 : i32
    %c0_i32_1 = arith.constant 0 : i32
    return %c0_i32, %c0_i32_0 : i32, i32
  }
  func.func @transform_23(%arg0: i32) -> (i32, i32) {
    %c0_i32 = arith.constant 0 : i32
    %c0_i32_0 = arith.constant 0 : i32
    %c0_i32_1 = arith.constant 0 : i32
    return %c0_i32, %c0_i32_0 : i32, i32
  }
  func.func @transform_24(%arg0: i32) -> (i32, i32) {
    %c0_i32 = arith.constant 0 : i32
    %c0_i32_0 = arith.constant 0 : i32
    %c0_i32_1 = arith.constant 0 : i32
    return %c0_i32, %c0_i32_0 : i32, i32
  }
  func.func @transform_25(%arg0: i32) -> (i32, i32) {
    %c0_i32 = arith.constant 0 : i32
    %c0_i32_0 = arith.constant 0 : i32
    %c0_i32_1 = arith.constant 0 : i32
    return %c0_i32, %c0_i32_0 : i32, i32
  }
  func.func @transform_26(%arg0: i32) -> (i32, i32) {
    %c0_i32 = arith.constant 0 : i32
    %c0_i32_0 = arith.constant 0 : i32
    %c0_i32_1 = arith.constant 0 : i32
    return %c0_i32, %c0_i32_0 : i32, i32
  }
  func.func @transform_27(%arg0: i32) -> (i32, i32) {
    %c0_i32 = arith.constant 0 : i32
    %c0_i32_0 = arith.constant 0 : i32
    %c0_i32_1 = arith.constant 0 : i32
    return %c0_i32, %c0_i32_0 : i32, i32
  }
  func.func @transform_28(%arg0: i32) -> (i32, i32) {
    %c0_i32 = arith.constant 0 : i32
    %c0_i32_0 = arith.constant 0 : i32
    %c0_i32_1 = arith.constant 0 : i32
    return %c0_i32, %c0_i32_0 : i32, i32
  }
  func.func @transform_29(%arg0: i32) -> (i32, i32) {
    %c0_i32 = arith.constant 0 : i32
    %c0_i32_0 = arith.constant 0 : i32
    %c0_i32_1 = arith.constant 0 : i32
    return %c0_i32, %c0_i32_0 : i32, i32
  }
  func.func @transform_30(%arg0: i32) -> (i32, i32) {
    %c0_i32 = arith.constant 0 : i32
    %c0_i32_0 = arith.constant 0 : i32
    %c0_i32_1 = arith.constant 0 : i32
    return %c0_i32, %c0_i32_0 : i32, i32
  }
  func.func @transform_31(%arg0: i32) -> (i32, i32) {
    %c0_i32 = arith.constant 0 : i32
    %c0_i32_0 = arith.constant 0 : i32
    %c0_i32_1 = arith.constant 0 : i32
    return %c0_i32, %c0_i32_0 : i32, i32
  }
  func.func @transform_32(%arg0: i32) -> (i32, i32) {
    %c0_i32 = arith.constant 0 : i32
    %c0_i32_0 = arith.constant 0 : i32
    %c0_i32_1 = arith.constant 0 : i32
    return %c0_i32, %c0_i32_0 : i32, i32
  }
  func.func @transform_33(%arg0: i32) -> (i32, i32) {
    %c0_i32 = arith.constant 0 : i32
    %c0_i32_0 = arith.constant 0 : i32
    %c0_i32_1 = arith.constant 0 : i32
    return %c0_i32, %c0_i32_0 : i32, i32
  }
  func.func @transform_34(%arg0: i32) -> (i32, i32) {
    %c0_i32 = arith.constant 0 : i32
    %c0_i32_0 = arith.constant 0 : i32
    return %arg0, %c0_i32 : i32, i32
  }
}

</mosaic_0001>

<sc_bundles>
// kernel: kernel.5.cloned.1.call-start
scs
__scs_entry_jumppad:
0x0: {  	(pc) =	sbr.rel $0x88, $3  }
0x1: {  	(tag) =	ssettag $0x0;
	lr =	simm.s32 $0x1  }
0x2: {  	[smem:$0x3F85] =	sst lr;
	_ =	strace $0xD0000000  }
0x3: {  	_ = 	snop  }
0x4: {  	_ = 	snop  }
0x5: {  	_ = 	snop  }
0x6: {  	_ = 	snop  }
0x7: {  	_ = 	snop  }
__scs_overlays_trampoline_lowered:
0x8: {  	[smem:$0x3F94] =	sst s0  }
0x9: {  	[smem:$0x3F95] =	sst s1  }
0xa: {  	[smem:$0x3F96] =	sst s2  }
0xb: {  	[smem:$0x3F97] =	sst s3  }
0xc: {  	[smem:$0x3F98] =	sst s4  }
0xd: {  	[smem:$0x3F99] =	sst s5  }
0xe: {  	[smem:$0x3F9A] =	sst s6  }
0xf: {  	[smem:$0x3F9B] =	sst s7  }
0x10: {  	[smem:$0x3F9C] =	sst s8  }
0x11: {  	[smem:$0x3F9D] =	sst s9;
	s0 =	simm.s32 @!p0 $0x0  }
0x12: {  	s1 =	sld [smem:$0x3F83];
	s0 =	simm.s32 @p0 $0x1  }
0x13: {  	[smem:$0x3F9E] =	sst s0;
	s0 =	simm.s32 @!p1 $0x0  }
0x14: {  	s2 =	sld [smem:$0x3F82];
	s0 =	simm.s32 @p1 $0x1  }
0x15: {  	[smem:$0x3F9F] =	sst s0;
	s0 =	simm.s32 @!p2 $0x0  }
0x16: {  	s3 =	sld [smem:$0x3FDB];
	s0 =	simm.s32 @p2 $0x1  }
0x17: {  	s4 =	simm.s32 $0x1BF5;
	[smem:$0x3FA1] =	sst s0  }
0x18: {  	s0 =	sld [smem:$0x3F84];
	_ =	swait.ge [sflag:s4], $0x0  }
0x19: {  	s7 =	sld [smem:$0x3F85]  }
0x1a: {  	s8 =	sadd.s32 $0xFFFFE003, lr  }
0x1b: {  	s9 =	sadd.s32 $0xFFFFFEF7, lr;
	s5 =	simm.s32 $0xFFFFFFFF;
	p2 =	slt.u32 s8, $0xFFFFF086  }
0x1c: {  	p1 =	slt.u32 s9, $0xF7A;
	s5 =	simm.s32 @!p2 $0x0  }
0x1d: {  	s5 =	simm.s32 @p1 $0x1;
	p0 =	seq.s32 s7, s2  }
0x1e: {  	s7 =	smul.u32 @!p0 $0xF7A, s2;
	p2 =	seq.s32 @!p0 s5, $0x0  }
0x1f: {  	s9 =	smul.u32 $0xF7A, s1;
	s8 =	simm.s32 @!p0 $0x1BF5;
	p2 =	por !p2, p0  }
0x20: {  	[sflag:s8] =	ssyncset.s32 @!p0 $0xFFFFF086;
	s6 =	sadd.s32 @!p0 s3, s7;
	s7 =	simm.s32 @!p0 $0x108  }
0x21: {  	s3 =	sadd.s32 s3, s9;
	s6 =	sadd.s32 @!p0 $0x88, s6;
	s7 =	simm.s32 @p2 $0x1082  }
0x22: {  	[simem:s7], [sflag:s8] =	dma.local @!p0 [hbm:s6], $0xF7A  }
0x23: {  	s9 =	sor.u32 $0xD0000000, s2;
	s6 =	simm.s32 $0x108;
	_ =	swait.ge @!p0 [sflag:s8], $0x0  }
0x24: {  	s3 =	sadd.s32 $0x88, s3;
	s6 =	simm.s32 @!p1 $0x1082;
	[sflag:s4] =	ssyncset.s32 $0xFFFFF086  }
0x25: {  	[simem:s6], [sflag:s4] =	dma.local [hbm:s3], $0xF7A  }
0x26: {  	[smem:$0x3F85] =	sst s1;
	(tag) =	ssettag s2;
	_ =	strace s9  }
0x27: {  	s1 =	sld [smem:$0x3F95]  }
0x28: {  	s2 =	sld [smem:$0x3F96]  }
0x29: {  	s4 =	sld [smem:$0x3F98]  }
0x2a: {  	p0 =	seq.s32 s5, $0x0;
	s5 =	sld [smem:$0x3F99]  }
0x2b: {  	s6 =	sld [smem:$0x3F9A]  }
0x2c: {  	s7 =	sld [smem:$0x3F9B]  }
0x2d: {  	s3 =	simm.s32 $0x108;
	s8 =	sld [smem:$0x3F9C]  }
0x2e: {  	s3 =	simm.s32 @!p0 $0x1082;
	s9 =	sld [smem:$0x3F9D]  }
0x2f: {  	lr =	sadd.s32 s0, s3;
	s0 =	sld [smem:$0x3F94]  }
0x30: {  	s3 =	sld [smem:$0x3F97]  }
0x31: {  	[smem:$0x3FA0] =	sst s10  }
0x32: {  	s10 =	sld [smem:$0x3F9E];
	_ =	sdelay $0x3  }
0x33: {  	p0 =	seq.s32 s10, $0x1;
	s10 =	sld [smem:$0x3FA0];
	_ =	sdelay $0x3  }
0x34: {  	[smem:$0x3FA0] =	sst s10  }
0x35: {  	s10 =	sld [smem:$0x3F9F];
	_ =	sdelay $0x3  }
0x36: {  	p1 =	seq.s32 s10, $0x1;
	s10 =	sld [smem:$0x3FA0];
	_ =	sdelay $0x3  }
0x37: {  	[smem:$0x3FA0] =	sst s10  }
0x38: {  	s10 =	sld [smem:$0x3FA1]  }
0x39: {  	_ = 	snop;
	(pc) =	sbr.ind lr, $3  }
0x3a: {  	_ = 	snop  }
0x3b: {  	_ = 	snop  }
0x3c: {  	p2 =	seq.s32 s10, $0x1;
	s10 =	sld [smem:$0x3FA0]  }
0x3d: {  	_ =	shalt  }
0x3e: {  	_ =	shalt  }
0x3f: {  	_ =	shalt  }
0x40: {  	_ =	shalt  }
0x41: {  	_ =	shalt  }
0x42: {  	_ =	shalt  }
0x43: {  	_ =	shalt  }
0x44: {  	_ =	shalt  }
0x45: {  	_ =	shalt  }
0x46: {  	_ =	shalt  }
0x47: {  	_ =	shalt  }
0x48: {  	_ =	shalt  }
0x49: {  	_ =	shalt  }
0x4a: {  	_ =	shalt  }
0x4b: {  	_ =	shalt  }
0x4c: {  	_ =	shalt  }
0x4d: {  	_ =	shalt  }
0x4e: {  	_ =	shalt  }
0x4f: {  	_ =	shalt  }
0x50: {  	_ =	shalt  }
0x51: {  	_ =	shalt  }
0x52: {  	_ =	shalt  }
0x53: {  	_ =	shalt  }
0x54: {  	_ =	shalt  }
0x55: {  	_ =	shalt  }
0x56: {  	_ =	shalt  }
0x57: {  	_ =	shalt  }
0x58: {  	_ =	shalt  }
0x59: {  	_ =	shalt  }
0x5a: {  	_ =	shalt  }
0x5b: {  	_ =	shalt  }
0x5c: {  	_ =	shalt  }
0x5d: {  	_ =	shalt  }
0x5e: {  	_ =	shalt  }
0x5f: {  	_ =	shalt  }
0x60: {  	_ =	shalt  }
0x61: {  	_ =	shalt  }
0x62: {  	_ =	shalt  }
0x63: {  	_ =	shalt  }
0x64: {  	_ =	shalt  }
0x65: {  	_ =	shalt  }
0x66: {  	_ =	shalt  }
0x67: {  	_ =	shalt  }
0x68: {  	_ =	shalt  }
0x69: {  	_ =	shalt  }
0x6a: {  	_ =	shalt  }
0x6b: {  	_ =	shalt  }
0x6c: {  	_ =	shalt  }
0x6d: {  	_ =	shalt  }
0x6e: {  	_ =	shalt  }
0x6f: {  	_ =	shalt  }
0x70: {  	_ =	shalt  }
0x71: {  	_ =	shalt  }
0x72: {  	_ =	shalt  }
0x73: {  	_ =	shalt  }
0x74: {  	_ =	shalt  }
0x75: {  	_ =	shalt  }
0x76: {  	_ =	shalt  }
0x77: {  	_ =	shalt  }
0x78: {  	_ =	shalt  }
0x79: {  	_ =	shalt  }
0x7a: {  	_ =	shalt  }
0x7b: {  	_ =	shalt  }
0x7c: {  	_ =	shalt  }
0x7d: {  	_ =	shalt  }
0x7e: {  	_ =	shalt  }
0x7f: {  	_ =	shalt  }
0x80: {  	_ =	shalt  }
0x81: {  	_ =	shalt  }
0x82: {  	_ =	shalt  }
0x83: {  	_ =	shalt  }
0x84: {  	_ =	shalt  }
0x85: {  	_ =	shalt  }
0x86: {  	_ =	shalt  }
0x87: {  	_ =	shalt  }
.Lfunc_end0:
.L_simem_size_0:
called_computation_lowered:
.L_overlay_start_0:
0x88: {  	s2 =	sld [smem:$0x3FD9]  }
0x89: {  	s3 =	sld [smem:$0x3FFE];
	_ =	sdelay $0x1  }
0x8a: {  	s1 =	srdreg.scid  }
0x8b: {  	s0 =	sand.u32 $0x1, s1  }
0x8c: {  	s17 =	sshll.u32 s0, $0xA;
	s2 =	sadd.s32 s3, s2  }
0x8d: {  	s2 =	sadd.s32 s2, s17  }
0x8e: {  	[smem:$0x3FAC] =	sst s2  }
0x8f: {  	_ = 	snop  }
0x90: {  	s2 =	sld [smem:$0x3FD0];
	(tm) =	ssettm $0x1  }
0x91: {  	s18 =	sld [smem:$0x3FFB];
	_ =	sdelay $0x3  }
0x92: {  	_ =	strace s18  }
0x93: {  	s3 =	sld [smem:$0x3FFC];
	_ =	sdelay $0x3  }
0x94: {  	_ =	strace s3  }
0x95: {  	s3 =	sld [smem:$0x3FFD];
	_ =	sdelay $0x3  }
0x96: {  	_ =	strace s3  }
0x97: {  	_ =	strace $0x8FFFFFFF  }
0x98: {  	s19 =	sld [smem:$0x3FDB];
	_ =	sdelay $0x1  }
0x99: {  	s4 =	simm.s32 $_scs_section_size  }
0x9a: {  	s5 =	simm.s32 $_size__tile_overlayer_lowered;
	s6 =	simm.s32 $_tile_overlayer_lowered  }
0x9b: {  	s22 =	simm.s32 $0x1BFF;
	s21 =	sshll.u32 s6, $0x1;
	s3 =	sadd.s32 s4, s19  }
0x9c: {  	s7 =	simm.s32 $0x0;
	s20 =	sshll.u32 s5, $0x1;
	s5 =	sadd.s32 s21, s3  }
0x9d: {  	[timem:s7], [sflag:s22] =	dma.local [hbm:s5], s20  }
0x9e: {  	_ =	swait.ge [sflag:s22], s20  }
0x9f: {  	s4 =	ssub.s32 $0x0, s20;
	[sflag:s22] =	ssyncset.done $0x0  }
0xa0: {  	[sflag:s22] =	ssyncadd.s32 s4;
	_ =	sdelay $0x1  }
0xa1: {  	s23 =	simm.s32 $0x1B8B  }
0xa2: {  	_ =	swait.ge [sflag:s23], $0x1  }
0xa3: {  	[sflag:s23] =	ssyncset.done $0x0  }
0xa4: {  	s25 =	simm.s32 $0x1B8E;
	s24 =	sld [smem:$0x3FFE];
	[sflag:s23] =	ssyncadd.s32 $0xFFFFFFFF  }
0xa5: {  	s26 =	simm.s32 $execute0_lowered;
	[smem:$0x3FD2] =	sst s25  }
0xa6: {  	s5 =	sshll.u32 s26, $0x1;
	_ =	strace $0x80000046;
	[dreg:$0x1] =	wrdreg $0xFFFFFFFF  }
0xa7: {  	s28 =	simm.s32 $_size_execute0_lowered;
	s3 =	sadd.s32 s3, s5;
	[dreg:$0x0] =	wrdreg $0x0  }
0xa8: {  	s5 =	sshll.u32 s28, $0x1;
	[dreg:$0x2] =	wrdreg s3  }
0xa9: {  	[dreg:$0x3] =	wrdreg s5  }
0xaa: {  	[dreg:$0x4] =	wrdreg $0xC0  }
0xab: {  	_ =	task [dreg:s7], $0x5FFFF  }
0xac: {  	[dreg:$0x1] =	wrdreg $0xFFFFFFFF  }
0xad: {  	[dreg:$0x0] =	wrdreg $0x60  }
0xae: {  	[dreg:$0x2] =	wrdreg s24  }
0xaf: {  	[dreg:$0x3] =	wrdreg s2  }
0xb0: {  	[dreg:$0x4] =	wrdreg $0x0  }
0xb1: {  	[dreg:$0x5] =	wrdreg $0x9  }
0xb2: {  	_ =	task.clear_ibuf [dreg:s7], $0x6FFFF;
	_ =	strace $0x90000046  }
0xb3: {  	s29 =	simm.s32 $0x9;
	_ =	strace $0x80000048  }
0xb4: {  	_ =	swait.ge [sflag:s29], $0x1  }
0xb5: {  	[sflag:s29] =	ssyncadd.s32 $0xFFFFFFFF  }
0xb6: {  	_ =	strace $0x90000048  }
0xb7: {  	_ =	sfence  }
0xb8: {  	s30 =	sld [smem:$0x0];
	_ =	sdelay $0x2  }
0xb9: {  	s31 =	sshll.u32 s1, $0xD;
	s1 =	sshrl.u32 s1, $0x2  }
0xba: {  	s3 =	sand.u32 $0x4000, s31;
	s1 =	sadd.s32 s1, s30  }
0xbb: {  	s0 =	sor.u32 s3, s0;
	s1 =	sshll.u32 s1, $0x11  }
0xbc: {  	s0 =	sor.u32 s1, s0  }
0xbd: {  	s0 =	sadd.s32 $0x8F2B, s0  }
0xbe: {  	[sflag:s0] =	ssyncadd.remote.s32 $0x1  }
0xbf: {  	_ =	sfence.sel $0xFFFF  }
0xc0: {  	[dreg:$0x0] =	wrdreg $0xFFFFFFFF;
	(pc) =	sbr.abs _section_cstart, $3  }
0xc1: {  	[dreg:$0x1] =	wrdreg $0xFFFFFFFF  }
0xc2: {  	_ =	task.clear_ibuf [dreg:s7], $0x2FFFF;
	_ =	strace $0x9FFFFFFF  }
0xc3: {  	(tm) =	ssettm $0x7FFFFFFF  }
tec
execute0_lowered:
.L_overlay_start_1:
0x0: {  	(tag) =	ssettag $0x1  }
0x1: {  	s0 =	rddreg [dreg:$0x0]  }
0x2: {  	s2 =	rddreg [dreg:$0x2]  }
0x3: {  	s4 =	simm.s32 $0x0;
	s1 =	srdreg.scid;
	s14 =	stileid.u32  }
0x4: {  	s28 =	simm.s32 $0x9;
	s29 =	simm.s32 $0x1C100;
	[smem:$0x7FF] =	sst s4  }
0x5: {  	s1 =	sand.u32 $0x1, s1;
	s3 =	smul.u32 $0x16800, s14;
	s5 =	sadd.s32 $0x3E00, s0  }
0x6: {  	s6 =	sadd.s32 $0xE000, s0;
	s11 =	smul.u32 $0x5A000, s14;
	s22 =	sshll.u32 s14, $0x3  }
0x7: {  	s10 =	smul.u32 $0x168000, s1;
	s12 =	ssub.s32 $0x2, s1;
	s1 =	sshll.u32 s1, $0x7  }
0x8: {  	s7 =	sadd.s32 $0x6E200, s0;
	_ =	strace $0x80000047;
	s1 =	sor.u32 s22, s1  }
0x9: {  	s13 =	sshrl.u32 s12, $0x1;
	s11 =	sshrl.u32 s11, $0x2;
	s26 =	sadd.s32 s5, s1  }
0xa: {  	s15 =	ssub.s32 s12, s13;
	s30 =	sadd.s32 s6, s1;
	[dreg:$0xe] =	wrdreg s26  }
0xb: {  	s11 =	sadd.s32 s11, s2;
	s13 =	sadd.s32 s3, s2;
	[dreg:$0xf] =	wrdreg s30  }
0xc: {  	s8 =	sadd.s32 $0x73800, s0;
	s16 =	sadd.s32 $0x2400, s11;
	[dreg:$0x4] =	wrdreg s13  }
0xd: {  	s9 =	sadd.s32 $0x78E00, s0;
	s17 =	sadd.s32 $0x4800, s11;
	[dreg:$0x5] =	wrdreg s16  }
0xe: {  	s10 =	sadd.s32 s3, s10;
	s18 =	sadd.s32 $0x6C00, s11;
	[dreg:$0x6] =	wrdreg s17  }
0xf: {  	s22 =	sor.u32 $0x100, s1;
	s19 =	sadd.s32 $0x9000, s11;
	[dreg:$0x7] =	wrdreg s18  }
0x10: {  	s3 =	simm.s32 $0x16840;
	s20 =	sadd.s32 $0xB400, s11;
	[dreg:$0x8] =	wrdreg s19  }
0x11: {  	s12 =	simm.s32 $0x0;
	s21 =	sadd.s32 $0xD800, s11;
	[dreg:$0x9] =	wrdreg s20  }
0x12: {  	s10 =	sshrl.u32 s10, $0x3;
	s23 =	sadd.s32 $0xFC00, s11;
	[dreg:$0xa] =	wrdreg s21  }
0x13: {  	s24 =	sadd.s32 $0x12000, s11;
	s25 =	sadd.s32 $0x14400, s11;
	[dreg:$0xb] =	wrdreg s23  }
0x14: {  	s31 =	smax.u32 s15, $0x1;
	s26 =	simm.s32 $0x40;
	[dreg:$0xc] =	wrdreg s24  }
0x15: {  	v0 =	vimm.f32 $0.0e+00;
	s11 =	simm.s32 $0x168C0;
	s15 =	simm.s32 $0x3;
	[dreg:$0xd] =	wrdreg s25  }
0x16: {  	vm0 =	vcmask $0x1F00;
	v2 =	vimm.s32 $0x0;
	v3 =	vimm.s32 $0x1;
	s0 =	sadd.s32 s10, s0;
	[dreg:$0x11] =	wrdreg s31;
	s25 =	sor.u32 $0x200, s1  }
0x17: {  	v4 =	vimm.s32 $0x2;
	v5 =	vimm.s32 $0x3;
	v6 =	vimm.s32 $0x4;
	s1 =	simm.s32 $0x2;
	s16 =	simm.s32 $0x4;
	s17 =	simm.s32 $0x5  }
0x18: {  	v7 =	vimm.s32 $0x5;
	v10 =	vlaneseq.u32;
	v8 =	vimm.s32 $0x6;
	s18 =	simm.s32 $0x6;
	s19 =	simm.s32 $0x7;
	s0 =	sadd.s32 $0xA9400, s0  }
0x19: {  	v9 =	vimm.s32 $0x7;
	v1 =	vsel vm0, $0x3F800000, v0;
	v10 =	vand.u32 $0x7, v10;
	s20 =	simm.s32 $0x8;
	[dreg:$0x10] =	wrdreg s0;
	s0 =	simm.s32 $0x1  }
.LBB2_1:
0x1a: {  	[dreg:$0x12] =	wrdreg s12  }
0x1b: {  	s10 =	rddreg [dreg:$0x1];
	s31 =	simm.s32 $0x1E500  }
0x1c: {  	[tilespmem:s31], [sflag:$0x9] =	stream.linear.gather [hbm4b:s10+s4], $0x10, $0x38;
	[tilespmem:$0x1E510] =	vst v63  }
0x1d: {  	_ =	swait.ge [sflag:s28], $0x10  }
0x1e: {  	[sflag:s28] =	ssyncset.done $0x0  }
0x1f: {  	s10 =	simm.s32 $0x1C190;
	[sflag:s28] =	ssyncadd.s32 $0xFFFFFFF0  }
0x20: {  	v11 =	vld [tilespmem:$0x1E500];
	[tilespmem:s10+$0xFFFFFF70] =	vst v0  }
0x21: {  	[tilespmem:s10+$0x80] =	vst v0  }
0x22: {  	[tilespmem:s10+$0x70] =	vst v0  }
0x23: {  	[tilespmem:s10+$0x60] =	vst v0  }
0x24: {  	[tilespmem:s10+$0x50] =	vst v0  }
0x25: {  	[tilespmem:s10+$0x40] =	vst v0  }
0x26: {  	[tilespmem:s10+$0x30] =	vst v0  }
0x27: {  	[tilespmem:s10+$0x20] =	vst v0  }
0x28: {  	[tilespmem:s10+$0x10] =	vst v0  }
0x29: {  	[tilespmem:s10+$0x0] =	vst v0  }
0x2a: {  	[tilespmem:s10+$0xFFFFFFF0] =	vst v0  }
0x2b: {  	[tilespmem:s10+$0xFFFFFFE0] =	vst v0  }
0x2c: {  	[tilespmem:s10+$0xFFFFFFD0] =	vst v0  }
0x2d: {  	[tilespmem:s10+$0xFFFFFFC0] =	vst v0  }
0x2e: {  	[tilespmem:s10+$0xFFFFFFB0] =	vst v0  }
0x2f: {  	[tilespmem:s10+$0xFFFFFFA0] =	vst v0  }
0x30: {  	s12 =	simm.s32 $0x0;
	[tilespmem:s10+$0xFFFFFF90] =	vst v0  }
.LBB2_2:
0x31: {  	s12 =	sadd.s32 $0x2, s12;
	[tilespmem:s10+$0xFFFFFF80] =	vst v0;
	s10 =	sadd.s32 $0x120, s10  }
0x32: {  	[tilespmem:s10+$0xFFFFFF70] =	vst v0;
	p0 =	slt.u32 s12, $0x3E  }
0x33: {  	[tilespmem:s10+$0x80] =	vst v0  }
0x34: {  	[tilespmem:s10+$0x70] =	vst v0  }
0x35: {  	[tilespmem:s10+$0x60] =	vst v0  }
0x36: {  	[tilespmem:s10+$0x50] =	vst v0  }
0x37: {  	[tilespmem:s10+$0x40] =	vst v0  }
0x38: {  	[tilespmem:s10+$0x30] =	vst v0  }
0x39: {  	[tilespmem:s10+$0x20] =	vst v0  }
0x3a: {  	[tilespmem:s10+$0x10] =	vst v0  }
0x3b: {  	[tilespmem:s10+$0x0] =	vst v0  }
0x3c: {  	[tilespmem:s10+$0xFFFFFFF0] =	vst v0  }
0x3d: {  	[tilespmem:s10+$0xFFFFFFE0] =	vst v0  }
.Ltmp0:
0x3e: {  	[tilespmem:s10+$0xFFFFFFD0] =	vst v0;
	(pc) =	sbr.rel @p0 .LBB2_2-.Ltmp0, $4  }
0x3f: {  	[tilespmem:s10+$0xFFFFFFC0] =	vst v0  }
0x40: {  	[tilespmem:s10+$0xFFFFFFB0] =	vst v0  }
0x41: {  	[tilespmem:s10+$0xFFFFFFA0] =	vst v0  }
0x42: {  	[tilespmem:s10+$0xFFFFFF90] =	vst v0  }
0x43: {  	[tilespmem:s10+$0xFFFFFF80] =	vst v0  }
0x44: {  	[spmem:s13] =	stream.linear.scatter [tilespmem:s29], [sflag:$0x9], $0x2400, $0x38;
	[tilespmem:$0x1E510] =	vst v63  }
0x45: {  	_ =	swait.ge [sflag:s28], $0x2400  }
0x46: {  	[sflag:s28] =	ssyncset.done $0x0  }
0x47: {  	s12 =	rddreg [dreg:$0x5];
	[sflag:s28] =	ssyncadd.s32 $0xFFFFDC00  }
0x48: {  	[spmem:s12] =	stream.linear.scatter [tilespmem:s29], [sflag:$0x9], $0x2400, $0x38;
	[tilespmem:$0x1E510] =	vst v63  }
0x49: {  	_ =	swait.ge [sflag:s28], $0x2400  }
0x4a: {  	[sflag:s28] =	ssyncset.done $0x0  }
0x4b: {  	s13 =	rddreg [dreg:$0x6];
	[sflag:s28] =	ssyncadd.s32 $0xFFFFDC00  }
0x4c: {  	[spmem:s13] =	stream.linear.scatter [tilespmem:s29], [sflag:$0x9], $0x2400, $0x38;
	[tilespmem:$0x1E510] =	vst v63  }
0x4d: {  	_ =	swait.ge [sflag:s28], $0x2400  }
0x4e: {  	[sflag:s28] =	ssyncset.done $0x0  }
0x4f: {  	s14 =	rddreg [dreg:$0x7];
	[sflag:s28] =	ssyncadd.s32 $0xFFFFDC00  }
0x50: {  	[spmem:s14] =	stream.linear.scatter [tilespmem:s29], [sflag:$0x9], $0x2400, $0x38;
	[tilespmem:$0x1E510] =	vst v63  }
0x51: {  	_ =	swait.ge [sflag:s28], $0x2400  }
0x52: {  	[sflag:s28] =	ssyncset.done $0x0  }
0x53: {  	s21 =	rddreg [dreg:$0x8];
	[sflag:s28] =	ssyncadd.s32 $0xFFFFDC00  }
0x54: {  	[spmem:s21] =	stream.linear.scatter [tilespmem:s29], [sflag:$0x9], $0x2400, $0x38;
	[tilespmem:$0x1E510] =	vst v63  }
0x55: {  	_ =	swait.ge [sflag:s28], $0x2400  }
0x56: {  	[sflag:s28] =	ssyncset.done $0x0  }
0x57: {  	s23 =	rddreg [dreg:$0x9];
	[sflag:s28] =	ssyncadd.s32 $0xFFFFDC00  }
0x58: {  	[spmem:s23] =	stream.linear.scatter [tilespmem:s29], [sflag:$0x9], $0x2400, $0x38;
	[tilespmem:$0x1E510] =	vst v63  }
0x59: {  	_ =	swait.ge [sflag:s28], $0x2400  }
0x5a: {  	[sflag:s28] =	ssyncset.done $0x0  }
0x5b: {  	s24 =	rddreg [dreg:$0xa];
	[sflag:s28] =	ssyncadd.s32 $0xFFFFDC00  }
0x5c: {  	[spmem:s24] =	stream.linear.scatter [tilespmem:s29], [sflag:$0x9], $0x2400, $0x38;
	[tilespmem:$0x1E510] =	vst v63  }
0x5d: {  	_ =	swait.ge [sflag:s28], $0x2400  }
0x5e: {  	[sflag:s28] =	ssyncset.done $0x0  }
0x5f: {  	s30 =	rddreg [dreg:$0xb];
	[sflag:s28] =	ssyncadd.s32 $0xFFFFDC00  }
0x60: {  	[spmem:s30] =	stream.linear.scatter [tilespmem:s29], [sflag:$0x9], $0x2400, $0x38;
	[tilespmem:$0x1E510] =	vst v63  }
0x61: {  	_ =	swait.ge [sflag:s28], $0x2400  }
0x62: {  	[sflag:s28] =	ssyncset.done $0x0  }
0x63: {  	s31 =	rddreg [dreg:$0xc];
	[sflag:s28] =	ssyncadd.s32 $0xFFFFDC00  }
0x64: {  	[spmem:s31] =	stream.linear.scatter [tilespmem:s29], [sflag:$0x9], $0x2400, $0x38;
	[tilespmem:$0x1E510] =	vst v63  }
0x65: {  	_ =	swait.ge [sflag:s28], $0x2400  }
0x66: {  	[sflag:s28] =	ssyncset.done $0x0  }
0x67: {  	s12 =	rddreg [dreg:$0xd];
	[sflag:s28] =	ssyncadd.s32 $0xFFFFDC00  }
0x68: {  	[spmem:s12] =	stream.linear.scatter [tilespmem:s29], [sflag:$0x9], $0x2400, $0x38;
	[tilespmem:$0x1E510] =	vst v63  }
0x69: {  	_ =	swait.ge [sflag:s28], $0x2400  }
0x6a: {  	[sflag:s28] =	ssyncset.done $0x0  }
0x6b: {  	[sflag:s28] =	ssyncadd.s32 $0xFFFFDC00  }
0x6c: {  	[bflag:$0x0] =	sbarrier.arrive $0xFFFF  }
0x6d: {  	s23 =	simm.s32 $0x0;
	s12 =	simm.s32 $0x16800;
	s13 =	rddreg [dreg:$0xe]  }
0x6e: {  	[tilespmem:s12], [sflag:$0x1] =	stream.linear.gather [hbm4b:s13+s23], $0x40, $0x38;
	[tilespmem:$0x1E510] =	vst v63  }
0x6f: {  	s21 =	simm.s32 $0x16880;
	s14 =	rddreg [dreg:$0xf]  }
0x70: {  	[tilespmem:s21], [sflag:$0x2] =	stream.linear.gather [hbm4b:s14+s23], $0x40, $0x38;
	[tilespmem:$0x1E510] =	vst v63  }
0x71: {  	_ =	swait.ge [sflag:s0], $0x40  }
0x72: {  	[sflag:s0] =	ssyncset.done $0x0  }
0x73: {  	[sflag:s0] =	ssyncadd.s32 $0xFFFFFFC0  }
0x74: {  	_ =	swait.ge [sflag:s1], $0x40  }
0x75: {  	[sflag:s1] =	ssyncset.done $0x0  }
0x76: {  	s24 =	simm.s32 $0x16900;
	[sflag:s1] =	ssyncadd.s32 $0xFFFFFFC0  }
0x77: {  	[tilespmem:s24], [sflag:$0x3] =	stream.indirect.gather [hbm4b:s7+s26], $0x10, s12, s26, $0xb8;
	[tilespmem:$0x1E510] =	vst v63  }
0x78: {  	s30 =	simm.s32 $0x17100  }
0x79: {  	[tilespmem:s30], [sflag:$0x4] =	stream.indirect.gather [hbm4b:s8+s26], $0x10, s21, s26, $0xb8;
	[tilespmem:$0x1E510] =	vst v63  }
0x7a: {  	s31 =	simm.s32 $0x17900  }
0x7b: {  	[tilespmem:s31], [sflag:$0x5] =	stream.indirect.gather [hbm4b:s9+s26], $0x90, s12, s26, $0xb8;
	[tilespmem:$0x1E510] =	vst v63  }
.LBB2_4:
0x7c: {  	s24 =	sshll.u32 s23, $0x9  }
0x7d: {  	s10 =	sor.u32 s22, s24  }
0x7e: {  	s12 =	sadd.s32 s5, s10  }
0x7f: {  	[tilespmem:s3], [sflag:$0x1] =	stream.linear.gather [hbm4b:s12+s4], $0x40, $0x38;
	[tilespmem:$0x1E510] =	vst v63  }
0x80: {  	s10 =	sadd.s32 s6, s10  }
0x81: {  	[tilespmem:s11], [sflag:$0x2] =	stream.linear.gather [hbm4b:s10+s4], $0x40, $0x38;
	[tilespmem:$0x1E510] =	vst v63  }
0x82: {  	_ =	swait.ge [sflag:s0], $0x40  }
0x83: {  	[sflag:s0] =	ssyncset.done $0x0  }
0x84: {  	[sflag:s0] =	ssyncadd.s32 $0xFFFFFFC0  }
0x85: {  	_ =	swait.ge [sflag:s1], $0x40  }
0x86: {  	[sflag:s1] =	ssyncset.done $0x0  }
0x87: {  	s21 =	simm.s32 $0x16D00;
	[sflag:s1] =	ssyncadd.s32 $0xFFFFFFC0  }
0x88: {  	[tilespmem:s21], [sflag:$0x6] =	stream.indirect.gather [hbm4b:s7+s26], $0x10, s3, s26, $0xb8;
	[tilespmem:$0x1E510] =	vst v63  }
0x89: {  	s12 =	simm.s32 $0x17500  }
0x8a: {  	[tilespmem:s12], [sflag:$0x7] =	stream.indirect.gather [hbm4b:s8+s26], $0x10, s11, s26, $0xb8;
	[tilespmem:$0x1E510] =	vst v63  }
0x8b: {  	s13 =	simm.s32 $0x19D00  }
0x8c: {  	[tilespmem:s13], [sflag:$0x8] =	stream.indirect.gather [hbm4b:s9+s26], $0x90, s3, s26, $0xb8;
	[tilespmem:$0x1E510] =	vst v63  }
0x8d: {  	_ =	swait.ge [sflag:s15], $0x400  }
0x8e: {  	[sflag:s15] =	ssyncset.done $0x0  }
0x8f: {  	[sflag:s15] =	ssyncadd.s32 $0xFFFFFC00  }
0x90: {  	_ =	swait.ge [sflag:s16], $0x400  }
0x91: {  	[sflag:s16] =	ssyncset.done $0x0  }
0x92: {  	[sflag:s16] =	ssyncadd.s32 $0xFFFFFC00  }
0x93: {  	_ =	swait.ge [sflag:s17], $0x2400  }
0x94: {  	[sflag:s17] =	ssyncset.done $0x0  }
0x95: {  	s14 =	simm.s32 $0x17140;
	[sflag:s17] =	ssyncadd.s32 $0xFFFFDC00  }
0x96: {  	v12 =	vld [tilespmem:s14+$0x20]  }
0x97: {  	s13 =	simm.s32 $0x16940;
	v13 =	vld [tilespmem:s14+$0x30]  }
0x98: {  	v14 =	vld [tilespmem:s13+$0x30]  }
0x99: {  	v15 =	vld [tilespmem:s13+$0x20];
	_ =	sdelay $0x3  }
0x9a: {  	v13 =	vadd.f32 v13, v14  }
0x9b: {  	v12 =	vadd.f32 v12, v15  }
0x9c: {  	v14 =	vmul.f32 $2.000000030e-01, v13  }
0x9d: {  	vm0 =	vgt.f32 v13, $0.0e+00;
	v15 =	vmul.f32 $2.000000030e-01, v12  }
0x9e: {  	v13 =	vsel vm0, v13, v14;
	vm0 =	vgt.f32 v12, $0.0e+00  }
0x9f: {  	v16 =	vld [tilespmem:s13+$0x10];
	v13 =	vsub.f32 v13, v11;
	v12 =	vsel vm0, v12, v15  }
0xa0: {  	v17 =	vld [tilespmem:s13+$0x0];
	v12 =	vsub.f32 v12, v11  }
0xa1: {  	v14 =	vld [tilespmem:s14+$0x10];
	v13 =	vmul.f32 $1.442695020e+00, v13  }
0xa2: {  	v15 =	vld [tilespmem:s14+$0x0];
	v12 =	vmul.f32 $1.442695020e+00, v12  }
0xa3: {  	(erf) = vpow2.f32 v13  }
0xa4: {  	(erf) = vpow2.f32 v12  }
0xa5: {  	v19 =	vld [tilespmem:s13+$0xFFFFFFE0]  }
0xa6: {  	v20 =	vld [tilespmem:s14+$0xFFFFFFE0];
	v12 =	vadd.f32 v14, v16  }
0xa7: {  	v13 =	vadd.f32 v15, v17  }
0xa8: {  	v15 =	vmul.f32 $2.000000030e-01, v12  }
0xa9: {  	v18 =	vld [tilespmem:s13+$0xFFFFFFF0];
	vm0 =	vgt.f32 v12, $0.0e+00;
	v17 =	vmul.f32 $2.000000030e-01, v13  }
0xaa: {  	v21 =	vld [tilespmem:s14+$0xFFFFFFF0];
	v12 =	vsel vm0, v12, v15;
	vm0 =	vgt.f32 v13, $0.0e+00  }
0xab: {  	v19 =	vadd.f32 v20, v19;
	v20 =	vld [tilespmem:s14+$0xFFFFFFC0];
	v12 =	vsub.f32 v12, v11;
	v13 =	vsel vm0, v13, v17  }
0xac: {  	s10 =	simm.s32 $0x17B40;
	v14 =	vld [tilespmem:s14+$0xFFFFFFD0];
	v13 =	vsub.f32 v13, v11;
	v15 =	vpop (erf)  }
0xad: {  	v16 =	vld [tilespmem:s10+$0x120];
	v12 =	vmul.f32 $1.442695020e+00, v12;
	v17 =	vpop (erf)  }
0xae: {  	v13 =	vmul.f32 $1.442695020e+00, v13;
	v32 =	vmul.f32 v1, v17;
	v17 =	vld [tilespmem:s13+$0xFFFFFFD0]  }
0xaf: {  	v29 =	vmul.f32 v1, v15;
	v15 =	vld [tilespmem:s10+$0x1B0];
	(erf) = vpow2.f32 v12  }
0xb0: {  	v12 =	vld [tilespmem:s13+$0xFFFFFFC0];
	(erf) = vpow2.f32 v13;
	v22 =	vperm.xlane v32, v2;
	_ =	sdelay $0x1  }
0xb1: {  	v13 =	vperm.xlane v29, v2;
	v16 =	vmul.f32 v16, v22  }
0xb2: {  	s21 =	simm.s32 $0x1C340;
	vm0 =	vgt.f32 v19, $0.0e+00;
	v30 =	vperm.xlane v29, v8;
	v14 =	vadd.f32 v14, v17  }
0xb3: {  	v13 =	vmul.f32 v15, v13;
	v15 =	vadd.f32 v21, v18;
	v18 =	vmul.f32 $2.000000030e-01, v19;
	[tilespmem:s21+$0x120] =	vst v16  }
0xb4: {  	v35 =	vperm.xlane v29, v4;
	v20 =	vadd.f32 v20, v12;
	v16 =	vld [tilespmem:s10+$0x130];
	v21 =	vmul.f32 $2.000000030e-01, v14  }
0xb5: {  	v24 =	vld [tilespmem:s10+$0xFFFFFEE0];
	[tilespmem:s21+$0x1B0] =	vst v13;
	v13 =	vmul.f32 $2.000000030e-01, v15;
	vm1 =	vgt.f32 v15, $0.0e+00;
	v17 =	vsel vm0, v19, v18  }
0xb6: {  	v23 =	vld [tilespmem:s10+$0x0];
	v18 =	vperm.xlane v32, v3;
	v17 =	vsub.f32 v17, v11;
	vm0 =	vgt.f32 v14, $0.0e+00  }
0xb7: {  	v27 =	vld [tilespmem:s10+$0xFFFFFE50];
	v25 =	vmul.f32 $2.000000030e-01, v20;
	v13 =	vsel vm1, v15, v13;
	v12 =	vpop (erf);
	v14 =	vsel vm0, v14, v21  }
0xb8: {  	v60 =	vld [tilespmem:s10+$0xFFFFFDC0];
	s14 =	simm.s32 $0x171C0;
	v17 =	vmul.f32 $1.442695020e+00, v17;
	v12 =	vmul.f32 v1, v12;
	v14 =	vsub.f32 v14, v11;
	v21 =	vpop (erf)  }
0xb9: {  	v36 =	vld [tilespmem:s14+$0x20];
	v13 =	vsub.f32 v13, v11;
	v16 =	vmul.f32 v16, v18;
	v18 =	vmul.f32 v1, v21  }
0xba: {  	(erf) = vpow2.f32 v17;
	v21 =	vld [tilespmem:s10+$0x90];
	v14 =	vmul.f32 $1.442695020e+00, v14  }
0xbb: {  	v45 =	vld [tilespmem:s14+$0x30];
	vm0 =	vgt.f32 v20, $0.0e+00;
	[tilespmem:s21+$0x130] =	vst v16;
	v16 =	vmul.f32 $1.442695020e+00, v13;
	v17 =	vperm.xlane v18, v2  }
0xbc: {  	v19 =	vld [tilespmem:s10+$0x1C0];
	v20 =	vsel vm0, v20, v25;
	v25 =	vperm.xlane v12, v2;
	(erf) = vpow2.f32 v14  }
0xbd: {  	v20 =	vsub.f32 v20, v11;
	v26 =	vld [tilespmem:s10+$0x140];
	v17 =	vmul.f32 v23, v17;
	(erf) = vpow2.f32 v16  }
0xbe: {  	s30 =	simm.s32 $0x17FC0;
	v33 =	vperm.xlane v32, v9;
	v22 =	vperm.xlane v29, v3;
	v15 =	vld [tilespmem:s10+$0xFFFFFF70]  }
0xbf: {  	v28 =	vmul.f32 $1.442695020e+00, v20;
	v20 =	vld [tilespmem:s30+$0x120];
	v25 =	vmul.f32 v21, v25;
	[tilespmem:s21+$0x0] =	vst v17  }
0xc0: {  	s13 =	simm.s32 $0x169C0;
	v40 =	vperm.xlane v32, v5;
	v23 =	vperm.xlane v32, v4;
	v31 =	vld [tilespmem:s10+$0x10]  }
0xc1: {  	v54 =	vperm.xlane v32, v6;
	v13 =	vld [tilespmem:s13+$0xFFFFFFC0];
	v17 =	vmul.f32 v19, v22;
	[tilespmem:s21+$0x90] =	vst v25  }
0xc2: {  	v39 =	vperm.xlane v18, v4;
	v19 =	vmul.f32 v26, v23;
	v26 =	vld [tilespmem:s10+$0xA0]  }
0xc3: {  	v14 =	vld [tilespmem:s14+$0xFFFFFFD0];
	(erf) = vpow2.f32 v28;
	[tilespmem:s21+$0x1C0] =	vst v17;
	v17 =	vperm.xlane v18, v3  }
0xc4: {  	v56 =	vperm.xlane v18, v5;
	v16 =	vld [tilespmem:s13+$0xFFFFFFD0];
	v21 =	vperm.xlane v29, v10;
	v25 =	vpop (erf)  }
0xc5: {  	v28 =	vld [tilespmem:s14+$0x10];
	v23 =	vperm.xlane v12, v3;
	v37 =	vpop (erf);
	v17 =	vmul.f32 v31, v17  }
0xc6: {  	v22 =	vld [tilespmem:s13+$0xFFFFFFF0];
	v31 =	vmul.f32 v1, v25;
	v25 =	vmul.f32 v1, v37;
	v41 =	vpop (erf)  }
0xc7: {  	v34 =	vld [tilespmem:s10+$0x1D0];
	[tilespmem:s21+$0x140] =	vst v19;
	v42 =	vmul.f32 v26, v23;
	v23 =	vmul.f32 v1, v41  }
0xc8: {  	v19 =	vperm.xlane v32, v10;
	v38 =	vld [tilespmem:s10+$0x150];
	[tilespmem:s21+$0x10] =	vst v17;
	v43 =	vperm.xlane v25, v2  }
0xc9: {  	v58 =	vperm.xlane v31, v2;
	v44 =	vld [tilespmem:s10+$0x20];
	v46 =	vperm.xlane v23, v2  }
0xca: {  	v37 =	vld [tilespmem:s13+$0x20];
	v17 =	vperm.xlane v31, v10;
	v27 =	vmul.f32 v27, v43  }
0xcb: {  	v26 =	vld [tilespmem:s14+$0x0];
	v47 =	vperm.xlane v25, v3;
	v59 =	vmul.f32 v15, v46  }
0xcc: {  	v41 =	vld [tilespmem:s13+$0x30];
	v63 =	vperm.xlane v31, v3;
	v24 =	vmul.f32 v24, v58;
	v15 =	vpop (erf);
	[tilespmem:s21+$0xFFFFFE50] =	vst v27  }
0xcd: {  	v38 =	vmul.f32 v38, v40;
	v15 =	vmul.f32 v1, v15;
	v61 =	vld [tilespmem:s10+$0xFFFFFE60];
	[tilespmem:s21+$0xFFFFFF70] =	vst v59  }
0xce: {  	v49 =	vperm.xlane v23, v3;
	[tilespmem:s21+$0xFFFFFEE0] =	vst v24;
	v62 =	vmul.f32 v44, v39;
	v43 =	vld [tilespmem:s10+$0xFFFFFF80]  }
0xcf: {  	v27 =	vmul.f32 v34, v35;
	[tilespmem:s21+$0x150] =	vst v38;
	v48 =	vld [tilespmem:s10+$0xFFFFFEF0];
	v24 =	vperm.xlane v15, v2  }
0xd0: {  	v53 =	vperm.xlane v23, v4;
	v46 =	vperm.xlane v12, v4;
	v50 =	vld [tilespmem:s10+$0x160];
	[tilespmem:s21+$0x20] =	vst v62  }
0xd1: {  	v38 =	vperm.xlane v29, v5;
	[tilespmem:s21+$0x1D0] =	vst v27;
	v40 =	vmul.f32 v60, v24;
	v51 =	vld [tilespmem:s10+$0x30]  }
0xd2: {  	[tilespmem:s21+$0xA0] =	vst v42;
	v34 =	vperm.xlane v29, v9;
	v42 =	vld [tilespmem:s10+$0x1E0];
	v35 =	vmul.f32 v61, v47  }
0xd3: {  	v41 =	vadd.f32 v45, v41;
	v45 =	vperm.xlane v25, v7;
	[tilespmem:s21+$0xFFFFFDC0] =	vst v40;
	v55 =	vmul.f32 v43, v49;
	v43 =	vld [tilespmem:s10+$0xB0]  }
0xd4: {  	v27 =	vperm.xlane v31, v9;
	v57 =	vmul.f32 v48, v63;
	v49 =	vld [tilespmem:s10+$0xFFFFFDD0];
	[tilespmem:s21+$0xFFFFFE60] =	vst v35  }
0xd5: {  	v39 =	vperm.xlane v32, v7;
	v59 =	vmul.f32 v50, v54;
	v58 =	vld [tilespmem:s10+$0xFFFFFE70];
	[tilespmem:s21+$0xFFFFFF80] =	vst v55  }
0xd6: {  	v44 =	vperm.xlane v12, v5;
	[tilespmem:s21+$0xFFFFFEF0] =	vst v57;
	v61 =	vmul.f32 v51, v56;
	v60 =	vld [tilespmem:s10+$0xFFFFFF90]  }
0xd7: {  	v32 =	vperm.xlane v32, v8;
	v62 =	vperm.xlane v15, v3;
	[tilespmem:s21+$0x160] =	vst v59;
	v52 =	vld [tilespmem:s10+$0xFFFFFF00]  }
0xd8: {  	v63 =	vperm.xlane v25, v4;
	v57 =	vld [tilespmem:s10+$0x170];
	[tilespmem:s21+$0x30] =	vst v61;
	v43 =	vmul.f32 v43, v46  }
0xd9: {  	v24 =	vperm.xlane v25, v10;
	v38 =	vmul.f32 v42, v38;
	v54 =	vld [tilespmem:s10+$0x40]  }
0xda: {  	v35 =	vld [tilespmem:s13+$0x0];
	v40 =	vmul.f32 v58, v63;
	v58 =	vperm.xlane v31, v4;
	[tilespmem:s21+$0xB0] =	vst v43  }
0xdb: {  	[tilespmem:s21+$0x1E0] =	vst v38;
	v61 =	vperm.xlane v18, v6;
	v59 =	vmul.f32 v60, v53;
	v60 =	vld [tilespmem:s10+$0xC0]  }
0xdc: {  	v63 =	vld [tilespmem:s10+$0x1F0];
	v43 =	vmul.f32 v49, v62;
	[tilespmem:s21+$0xFFFFFE70] =	vst v40;
	v62 =	vmul.f32 v52, v58  }
0xdd: {  	v47 =	vperm.xlane v29, v6;
	v39 =	vmul.f32 v57, v39;
	v56 =	vld [tilespmem:s10+$0xFFFFFE80];
	[tilespmem:s21+$0xFFFFFF90] =	vst v59  }
0xde: {  	v48 =	vperm.xlane v29, v7;
	[tilespmem:s21+$0xFFFFFF00] =	vst v62;
	v38 =	vmul.f32 v54, v61;
	v57 =	vld [tilespmem:s10+$0xFFFFFFA0]  }
0xdf: {  	v29 =	vperm.xlane v23, v9;
	v55 =	vperm.xlane v31, v5;
	[tilespmem:s21+$0x170] =	vst v39;
	v59 =	vld [tilespmem:s10+$0xFFFFFF10]  }
0xe0: {  	v58 =	vperm.xlane v25, v5;
	v39 =	vld [tilespmem:s10+$0x180];
	[tilespmem:s21+$0x40] =	vst v38;
	v60 =	vmul.f32 v60, v44  }
0xe1: {  	[tilespmem:s21+$0xFFFFFDD0] =	vst v43;
	v61 =	vperm.xlane v23, v5;
	v42 =	vmul.f32 v63, v47;
	v62 =	vld [tilespmem:s10+$0x50]  }
0xe2: {  	v51 =	vperm.xlane v15, v6;
	v63 =	vld [tilespmem:s10+$0xFFFFFDE0];
	v54 =	vmul.f32 v56, v58;
	[tilespmem:s21+$0xC0] =	vst v60  }
0xe3: {  	v46 =	vperm.xlane v12, v6;
	[tilespmem:s21+$0x1F0] =	vst v42;
	v40 =	vmul.f32 v57, v61;
	v57 =	vld [tilespmem:s10+$0xD0]  }
0xe4: {  	v58 =	vperm.xlane v18, v7;
	v60 =	vld [tilespmem:s10+$0x200];
	[tilespmem:s21+$0xFFFFFE80] =	vst v54;
	v59 =	vmul.f32 v59, v55  }
0xe5: {  	v56 =	vperm.xlane v15, v4;
	v32 =	vmul.f32 v39, v32;
	v61 =	vld [tilespmem:s10+$0xFFFFFE90];
	[tilespmem:s21+$0xFFFFFFA0] =	vst v40  }
0xe6: {  	v52 =	vperm.xlane v25, v6;
	[tilespmem:s21+$0xFFFFFF10] =	vst v59;
	v42 =	vmul.f32 v62, v58;
	v40 =	vld [tilespmem:s10+$0xFFFFFFB0]  }
0xe7: {  	v39 =	vperm.xlane v12, v7;
	v38 =	vmul.f32 v63, v56;
	[tilespmem:s21+$0x180] =	vst v32;
	v63 =	vld [tilespmem:s10+$0xFFFFFF20]  }
0xe8: {  	v54 =	vld [tilespmem:s10+$0x190];
	v62 =	vmul.f32 $2.000000030e-01, v41;
	[tilespmem:s21+$0x50] =	vst v42;
	v53 =	vmul.f32 v57, v46  }
0xe9: {  	vm0 =	vgt.f32 v41, $0.0e+00;
	v55 =	vperm.xlane v23, v6;
	[tilespmem:s21+$0xFFFFFDE0] =	vst v38;
	v48 =	vmul.f32 v60, v48;
	v56 =	vld [tilespmem:s10+$0x60]  }
0xea: {  	v58 =	vperm.xlane v31, v6;
	v41 =	vsel vm0, v41, v62;
	v57 =	vld [tilespmem:s10+$0xFFFFFDF0];
	v32 =	vmul.f32 v61, v52;
	[tilespmem:s21+$0xD0] =	vst v53  }
0xeb: {  	v59 =	vperm.xlane v18, v8;
	v41 =	vsub.f32 v41, v11;
	[tilespmem:s21+$0x200] =	vst v48;
	v40 =	vmul.f32 v40, v55;
	v60 =	vld [tilespmem:s10+$0xE0]  }
0xec: {  	v36 =	vadd.f32 v36, v37;
	v61 =	vperm.xlane v15, v5;
	[tilespmem:s21+$0xFFFFFE90] =	vst v32;
	v62 =	vmul.f32 v63, v58;
	v63 =	vld [tilespmem:s10+$0x210]  }
0xed: {  	v33 =	vmul.f32 v54, v33;
	v41 =	vmul.f32 $1.442695020e+00, v41;
	v52 =	vld [tilespmem:s10+$0xFFFFFEA0];
	[tilespmem:s21+$0xFFFFFFB0] =	vst v40  }
0xee: {  	v53 =	vmul.f32 $2.000000030e-01, v36;
	v38 =	vmul.f32 v56, v59;
	v54 =	vld [tilespmem:s10+$0xFFFFFFC0]  }
0xef: {  	vm0 =	vgt.f32 v36, $0.0e+00;
	v48 =	vld [tilespmem:s13+$0x10];
	(erf) = vpow2.f32 v41;
	[tilespmem:s21+$0xFFFFFF20] =	vst v62;
	v37 =	vmul.f32 v57, v61  }
0xf0: {  	v36 =	vsel vm0, v36, v53;
	v53 =	vperm.xlane v12, v9;
	v55 =	vld [tilespmem:s10+$0xFFFFFF30];
	[tilespmem:s21+$0x60] =	vst v38;
	v57 =	vmul.f32 v60, v39  }
0xf1: {  	v56 =	vperm.xlane v23, v7;
	[tilespmem:s21+$0xFFFFFDF0] =	vst v37;
	v58 =	vld [tilespmem:s10+$0x70];
	v30 =	vmul.f32 v63, v30  }
0xf2: {  	v40 =	vperm.xlane v12, v8;
	v59 =	vld [tilespmem:s10+$0xFFFFFE00];
	v60 =	vmul.f32 v52, v45;
	[tilespmem:s21+$0xE0] =	vst v57  }
0xf3: {  	v61 =	vperm.xlane v31, v7;
	[tilespmem:s21+$0x210] =	vst v30;
	v32 =	vmul.f32 v54, v56;
	v63 =	vld [tilespmem:s10+$0xF0]  }
0xf4: {  	v62 =	vperm.xlane v18, v9;
	v31 =	vperm.xlane v31, v8;
	[tilespmem:s21+$0xFFFFFEA0] =	vst v60;
	v50 =	vld [tilespmem:s10+$0x220]  }
0xf5: {  	v45 =	vperm.xlane v15, v7;
	v30 =	vsub.f32 v36, v11;
	v49 =	vmul.f32 v55, v61;
	v52 =	vld [tilespmem:s10+$0xFFFFFEB0];
	[tilespmem:s21+$0xFFFFFFC0] =	vst v32  }
0xf6: {  	[tilespmem:s21+$0x190] =	vst v33;
	v56 =	vperm.xlane v25, v8;
	v25 =	vperm.xlane v25, v9;
	v54 =	vld [tilespmem:s10+$0xFFFFFFD0]  }
0xf7: {  	v30 =	vmul.f32 $1.442695020e+00, v30;
	[tilespmem:s21+$0xFFFFFF30] =	vst v49;
	v37 =	vmul.f32 v58, v62;
	v58 =	vld [tilespmem:s10+$0x1A0]  }
0xf8: {  	v55 =	vmul.f32 v59, v51;
	v59 =	vperm.xlane v23, v8;
	v57 =	vld [tilespmem:s10+$0xFFFFFF40]  }
0xf9: {  	v28 =	vadd.f32 v28, v48;
	v36 =	vld [tilespmem:s14+$0xFFFFFFF0];
	(erf) = vpow2.f32 v30;
	[tilespmem:s21+$0x70] =	vst v37;
	v30 =	vmul.f32 v63, v40  }
0xfa: {  	v26 =	vadd.f32 v26, v35;
	v62 =	vperm.xlane v18, v10;
	[tilespmem:s21+$0xFFFFFE00] =	vst v55;
	v60 =	vld [tilespmem:s10+$0x80];
	v38 =	vmul.f32 v52, v56  }
0xfb: {  	v18 =	vmul.f32 $2.000000030e-01, v28;
	v61 =	vld [tilespmem:s10+$0xFFFFFE10];
	[tilespmem:s21+$0xF0] =	vst v30;
	v30 =	vmul.f32 v54, v59  }
0xfc: {  	v34 =	vmul.f32 v50, v34;
	v52 =	vmul.f32 $2.000000030e-01, v26;
	v63 =	vld [tilespmem:s10+$0x100];
	[tilespmem:s21+$0xFFFFFEB0] =	vst v38  }
0xfd: {  	vm0 =	vgt.f32 v28, $0.0e+00;
	v19 =	vmul.f32 v58, v19;
	v31 =	vmul.f32 v57, v31;
	v47 =	vld [tilespmem:s10+$0xFFFFFEC0];
	[tilespmem:s21+$0xFFFFFFD0] =	vst v30  }
0xfe: {  	v46 =	vpop (erf);
	v54 =	vperm.xlane v15, v8;
	v30 =	vperm.xlane v12, v10;
	v12 =	vsel vm0, v28, v18;
	v28 =	vld [tilespmem:s10+$0xFFFFFFE0]  }
0xff: {  	v51 =	vld [tilespmem:s13+$0xFFFFFFE0];
	v18 =	vmul.f32 v1, v46;
	[tilespmem:s21+$0xFFFFFF40] =	vst v31;
	v31 =	vmul.f32 v60, v62  }
0x100: {  	[tilespmem:s21+$0x220] =	vst v34;
	v48 =	vmul.f32 v61, v45;
	vm0 =	vgt.f32 v26, $0.0e+00;
	v61 =	vperm.xlane v23, v10;
	v49 =	vld [tilespmem:s10+$0xFFFFFF50]  }
0x101: {  	v57 =	vld [tilespmem:s14+$0xFFFFFFE0];
	[tilespmem:s21+$0x1A0] =	vst v19;
	v50 =	vsub.f32 v12, v11;
	v26 =	vsel vm0, v26, v52;
	v58 =	vperm.xlane v18, v2  }
0x102: {  	[tilespmem:s21+$0xFFFFFE10] =	vst v48;
	v26 =	vsub.f32 v26, v11;
	v32 =	vmul.f32 v63, v53;
	v53 =	vld [tilespmem:s30+$0x1B0];
	v25 =	vmul.f32 v47, v25  }
0x103: {  	v55 =	vpop (erf);
	[tilespmem:s21+$0x80] =	vst v31;
	v38 =	vmul.f32 $1.442695020e+00, v50;
	v56 =	vld [tilespmem:s10+$0xFFFFFE20];
	v28 =	vmul.f32 v28, v29  }
0x104: {  	v19 =	vmul.f32 v1, v55;
	v26 =	vmul.f32 $1.442695020e+00, v26;
	v29 =	vld [tilespmem:s10+$0x230];
	[tilespmem:s21+$0xFFFFFEC0] =	vst v25  }
0x105: {  	(erf) = vpow2.f32 v38;
	v25 =	vmul.f32 v49, v27;
	v60 =	vld [tilespmem:s10+$0xFFFFFED0];
	[tilespmem:s21+$0xFFFFFFE0] =	vst v28  }
0x106: {  	v12 =	vperm.xlane v18, v10;
	v31 =	vadd.f32 v57, v51;
	v59 =	vperm.xlane v19, v2;
	[tilespmem:s21+$0x100] =	vst v32;
	v62 =	vld [tilespmem:s10+$0xFFFFFFF0]  }
0x107: {  	(erf) = vpow2.f32 v26;
	v26 =	vld [tilespmem:s10+$0x110];
	[tilespmem:s21+$0xFFFFFF50] =	vst v25;
	v25 =	vmul.f32 v53, v58  }
0x108: {  	s12 =	simm.s32 $0x1C7C0;
	v33 =	vmul.f32 $2.000000030e-01, v31;
	v27 =	vadd.f32 v36, v22;
	v63 =	vmul.f32 v56, v54;
	v28 =	vld [tilespmem:s14+$0xFFFFFFC0]  }
0x109: {  	v23 =	vld [tilespmem:s10+$0xFFFFFF60];
	[tilespmem:s12+$0x1B0] =	vst v25;
	v21 =	vmul.f32 v29, v21;
	v29 =	vmul.f32 v20, v59  }
0x10a: {  	v32 =	vmul.f32 $2.000000030e-01, v27;
	[tilespmem:s21+$0xFFFFFE20] =	vst v63;
	v20 =	vperm.xlane v15, v9;
	v22 =	vld [tilespmem:s30+$0x1C0]  }
0x10b: {  	s31 =	simm.s32 $0x8;
	vm0 =	vgt.f32 v31, $0.0e+00;
	v25 =	vld [tilespmem:s10+$0xFFFFFE30];
	v24 =	vmul.f32 v60, v24;
	[tilespmem:s12+$0x120] =	vst v29;
	v29 =	vmul.f32 v62, v61  }
.LBB2_5:
0x10c: {  	s31 =	sadd.s32 $0x8, s31;
	vm1 =	vgt.f32 v27, $0.0e+00;
	v34 =	vperm.xlane v19, v3;
	v35 =	vld [tilespmem:s30+$0x130];
	v36 =	vperm.xlane v19, v4;
	[tilespmem:s21+$0x230] =	vst v21  }
0x10d: {  	v14 =	vadd.f32 v14, v16;
	p0 =	slt.u32 s31, $0x38;
	v13 =	vadd.f32 v28, v13;
	v16 =	vsel vm0, v31, v33;
	[tilespmem:s21+$0xFFFFFFF0] =	vst v29  }
0x10e: {  	v27 =	vsel vm1, v27, v32;
	v28 =	vperm.xlane v18, v3;
	v16 =	vsub.f32 v16, v11;
	v21 =	vpop (erf)  }
0x10f: {  	v29 =	vmul.f32 $2.000000030e-01, v14;
	v26 =	vmul.f32 v26, v30;
	vm0 =	vgt.f32 v13, $0.0e+00;
	v39 =	vld [tilespmem:s30+$0xFFFFFF70]  }
0x110: {  	v17 =	vmul.f32 v23, v17;
	vm1 =	vgt.f32 v14, $0.0e+00;
	v16 =	vmul.f32 $1.442695020e+00, v16;
	v40 =	vld [tilespmem:s30+$0xFFFFFEE0]  }
0x111: {  	v21 =	vmul.f32 v1, v21;
	v14 =	vsel vm1, v14, v29;
	v20 =	vmul.f32 v25, v20;
	v29 =	vld [tilespmem:s30+$0xFFFFFE50];
	v23 =	vpop (erf);
	[tilespmem:s21+$0x110] =	vst v26  }
0x112: {  	v25 =	vmul.f32 $2.000000030e-01, v13;
	v14 =	vsub.f32 v14, v11;
	v30 =	vmul.f32 v35, v34;
	v26 =	vld [tilespmem:s30+$0x0];
	[tilespmem:s21+$0xFFFFFED0] =	vst v24  }
0x113: {  	v15 =	vperm.xlane v15, v10;
	v24 =	vsub.f32 v27, v11;
	v23 =	vmul.f32 v1, v23;
	v27 =	vld [tilespmem:s30+$0x90];
	[tilespmem:s21+$0xFFFFFE30] =	vst v20  }
0x114: {  	v13 =	vsel vm0, v13, v25;
	v14 =	vmul.f32 $1.442695020e+00, v14;
	[tilespmem:s12+$0x130] =	vst v30;
	(erf) = vpow2.f32 v16;
	v25 =	vld [tilespmem:s10+$0xFFFFFE40];
	s10 =	smov.u32 s30  }
0x115: {  	s13 =	sadd.s32 $0x80, s13;
	v20 =	vsub.f32 v13, v11;
	v16 =	vmul.f32 $1.442695020e+00, v24;
	v24 =	vperm.xlane v23, v2;
	v30 =	vld [tilespmem:s30+$0x140];
	[tilespmem:s21+$0xFFFFFF60] =	vst v17  }
0x116: {  	s14 =	sadd.s32 $0x80, s14;
	v17 =	vperm.xlane v21, v2;
	v13 =	vld [tilespmem:s13+$0xFFFFFFC0];
	(erf) = vpow2.f32 v14  }
0x117: {  	v14 =	vld [tilespmem:s14+$0xFFFFFFD0];
	v24 =	vmul.f32 v26, v24;
	(erf) = vpow2.f32 v16  }
0x118: {  	s30 =	sadd.s32 $0x480, s30;
	v26 =	vmul.f32 $1.442695020e+00, v20;
	v16 =	vld [tilespmem:s13+$0xFFFFFFD0];
	v17 =	vmul.f32 v27, v17  }
0x119: {  	v22 =	vmul.f32 v22, v28;
	v20 =	vld [tilespmem:s30+$0x120];
	[tilespmem:s12+$0x0] =	vst v24;
	v15 =	vmul.f32 v25, v15  }
0x11a: {  	v24 =	vld [tilespmem:s10+$0x10];
	[tilespmem:s12+$0x90] =	vst v17;
	v17 =	vmul.f32 v30, v36;
	(erf) = vpow2.f32 v26  }
0x11b: {  	v31 =	vperm.xlane v18, v8;
	v25 =	vperm.xlane v21, v3;
	v28 =	vld [tilespmem:s10+$0xA0];
	[tilespmem:s12+$0x1C0] =	vst v22  }
0x11c: {  	v33 =	vperm.xlane v19, v9;
	v34 =	vperm.xlane v18, v4;
	[tilespmem:s12+$0x140] =	vst v17;
	v35 =	vld [tilespmem:s10+$0x1D0]  }
0x11d: {  	v26 =	vperm.xlane v19, v10;
	v17 =	vperm.xlane v23, v3;
	v36 =	vld [tilespmem:s10+$0x150];
	v27 =	vpop (erf);
	[tilespmem:s21+$0xFFFFFE40] =	vst v15;
	s21 =	smov.u32 s12  }
0x11e: {  	v41 =	vperm.xlane v23, v4;
	v15 =	vperm.xlane v19, v5;
	v22 =	vld [tilespmem:s13+$0xFFFFFFF0]  }
0x11f: {  	v32 =	vmul.f32 v1, v27;
	v30 =	vld [tilespmem:s14+$0x10];
	v17 =	vmul.f32 v24, v17;
	v24 =	vpop (erf)  }
0x120: {  	v37 =	vld [tilespmem:s14+$0x20];
	v27 =	vmul.f32 v1, v24;
	v42 =	vmul.f32 v28, v25;
	v24 =	vpop (erf)  }
0x121: {  	v25 =	vperm.xlane v32, v2;
	v38 =	vld [tilespmem:s13+$0x20];
	v24 =	vmul.f32 v1, v24;
	[tilespmem:s12+$0x10] =	vst v17  }
0x122: {  	v17 =	vperm.xlane v32, v10;
	v43 =	vperm.xlane v27, v2;
	v44 =	vld [tilespmem:s10+$0x20]  }
0x123: {  	v46 =	vperm.xlane v27, v3;
	v45 =	vld [tilespmem:s14+$0x30];
	v47 =	vperm.xlane v24, v2;
	v48 =	vpop (erf)  }
0x124: {  	v25 =	vmul.f32 v40, v25;
	v28 =	vld [tilespmem:s14+$0x0];
	v29 =	vmul.f32 v29, v43  }
0x125: {  	v36 =	vmul.f32 v36, v15;
	v40 =	vld [tilespmem:s13+$0x30];
	v39 =	vmul.f32 v39, v47  }
0x126: {  	v35 =	vmul.f32 v35, v34;
	v47 =	vperm.xlane v21, v4;
	v43 =	vld [tilespmem:s10+$0xFFFFFDC0];
	[tilespmem:s12+$0xFFFFFE50] =	vst v29  }
0x127: {  	v15 =	vmul.f32 v1, v48;
	v48 =	vld [tilespmem:s10+$0xFFFFFE60];
	[tilespmem:s12+$0xFFFFFF70] =	vst v39;
	v29 =	vmul.f32 v44, v41  }
0x128: {  	v39 =	vperm.xlane v32, v3;
	v44 =	vperm.xlane v19, v6;
	[tilespmem:s12+$0xFFFFFEE0] =	vst v25;
	v41 =	vld [tilespmem:s10+$0xFFFFFF80]  }
0x129: {  	v25 =	vperm.xlane v15, v2;
	v49 =	vld [tilespmem:s10+$0xFFFFFEF0];
	[tilespmem:s12+$0x150] =	vst v36;
	v36 =	vperm.xlane v18, v5  }
0x12a: {  	v34 =	vperm.xlane v18, v9;
	v50 =	vperm.xlane v24, v3;
	[tilespmem:s12+$0x20] =	vst v29;
	v51 =	vld [tilespmem:s10+$0x160]  }
0x12b: {  	v29 =	vperm.xlane v32, v9;
	v43 =	vmul.f32 v43, v25;
	v52 =	vld [tilespmem:s10+$0x30];
	[tilespmem:s12+$0x1D0] =	vst v35  }
0x12c: {  	v25 =	vperm.xlane v27, v10;
	v35 =	vmul.f32 v48, v46;
	[tilespmem:s12+$0xA0] =	vst v42;
	v42 =	vld [tilespmem:s10+$0x1E0]  }
0x12d: {  	[tilespmem:s12+$0xFFFFFDC0] =	vst v43;
	v41 =	vmul.f32 v41, v50;
	v43 =	vperm.xlane v23, v5;
	v46 =	vld [tilespmem:s10+$0xB0]  }
0x12e: {  	v48 =	vld [tilespmem:s10+$0xFFFFFDD0];
	[tilespmem:s12+$0xFFFFFE60] =	vst v35;
	v35 =	vmul.f32 v49, v39;
	v39 =	vperm.xlane v19, v7  }
0x12f: {  	v49 =	vld [tilespmem:s10+$0xFFFFFE70];
	[tilespmem:s12+$0xFFFFFF80] =	vst v41;
	v41 =	vperm.xlane v21, v5;
	v44 =	vmul.f32 v51, v44  }
0x130: {  	[tilespmem:s12+$0xFFFFFEF0] =	vst v35;
	v50 =	vld [tilespmem:s10+$0xFFFFFF90];
	v35 =	vmul.f32 v52, v43;
	v43 =	vperm.xlane v18, v6  }
0x131: {  	v51 =	vperm.xlane v15, v3;
	v52 =	vperm.xlane v27, v4;
	v53 =	vld [tilespmem:s10+$0xFFFFFF00];
	[tilespmem:s12+$0x160] =	vst v44  }
0x132: {  	v44 =	vperm.xlane v24, v4;
	[tilespmem:s12+$0x30] =	vst v35;
	v46 =	vmul.f32 v46, v47;
	v47 =	vld [tilespmem:s10+$0x170]  }
0x133: {  	v36 =	vmul.f32 v42, v36;
	v48 =	vmul.f32 v48, v51;
	v51 =	vld [tilespmem:s10+$0x40]  }
0x134: {  	v35 =	vld [tilespmem:s13+$0x0];
	v42 =	vmul.f32 v49, v52;
	v49 =	vperm.xlane v32, v4;
	[tilespmem:s12+$0xB0] =	vst v46  }
0x135: {  	v46 =	vperm.xlane v23, v6;
	v44 =	vmul.f32 v50, v44;
	v50 =	vld [tilespmem:s10+$0xC0];
	[tilespmem:s12+$0x1E0] =	vst v36  }
0x136: {  	v19 =	vperm.xlane v19, v8;
	[tilespmem:s12+$0xFFFFFE70] =	vst v42;
	v36 =	vmul.f32 v53, v49;
	v42 =	vld [tilespmem:s10+$0x1F0]  }
0x137: {  	v49 =	vld [tilespmem:s10+$0xFFFFFE80];
	[tilespmem:s12+$0xFFFFFF90] =	vst v44;
	v44 =	vperm.xlane v21, v6;
	v39 =	vmul.f32 v47, v39  }
0x138: {  	v18 =	vperm.xlane v18, v7;
	[tilespmem:s12+$0xFFFFFF00] =	vst v36;
	v47 =	vld [tilespmem:s10+$0xFFFFFFA0];
	v46 =	vmul.f32 v51, v46  }
0x139: {  	v51 =	vperm.xlane v27, v5;
	v36 =	vperm.xlane v24, v9;
	v52 =	vld [tilespmem:s10+$0xFFFFFF10];
	[tilespmem:s12+$0x170] =	vst v39  }
0x13a: {  	v39 =	vperm.xlane v24, v5;
	[tilespmem:s12+$0x40] =	vst v46;
	v41 =	vmul.f32 v50, v41;
	v46 =	vld [tilespmem:s10+$0x180]  }
0x13b: {  	v40 =	vadd.f32 v45, v40;
	v45 =	vperm.xlane v15, v4;
	[tilespmem:s12+$0xFFFFFDD0] =	vst v48;
	v48 =	vld [tilespmem:s10+$0x50];
	v42 =	vmul.f32 v42, v43  }
0x13c: {  	v50 =	vperm.xlane v32, v5;
	v43 =	vld [tilespmem:s10+$0xFFFFFDE0];
	v49 =	vmul.f32 v49, v51;
	[tilespmem:s12+$0xC0] =	vst v41  }
0x13d: {  	v41 =	vperm.xlane v23, v7;
	v39 =	vmul.f32 v47, v39;
	v47 =	vld [tilespmem:s10+$0xD0];
	[tilespmem:s12+$0x1F0] =	vst v42  }
0x13e: {  	v42 =	vperm.xlane v27, v7;
	[tilespmem:s12+$0xFFFFFE80] =	vst v49;
	v49 =	vmul.f32 v52, v50;
	v50 =	vld [tilespmem:s10+$0x200]  }
0x13f: {  	v51 =	vld [tilespmem:s10+$0xFFFFFE90];
	[tilespmem:s12+$0xFFFFFFA0] =	vst v39;
	v39 =	vperm.xlane v21, v7;
	v19 =	vmul.f32 v46, v19  }
0x140: {  	v46 =	vmul.f32 $2.000000030e-01, v40;
	[tilespmem:s12+$0xFFFFFF10] =	vst v49;
	v49 =	vld [tilespmem:s10+$0xFFFFFFB0];
	v41 =	vmul.f32 v48, v41  }
0x141: {  	vm0 =	vgt.f32 v40, $0.0e+00;
	v43 =	vmul.f32 v43, v45;
	v45 =	vperm.xlane v27, v6;
	v48 =	vld [tilespmem:s10+$0xFFFFFF20];
	[tilespmem:s12+$0x180] =	vst v19  }
0x142: {  	v19 =	vsel vm0, v40, v46;
	v40 =	vperm.xlane v24, v6;
	[tilespmem:s12+$0x50] =	vst v41;
	v41 =	vmul.f32 v47, v44;
	v44 =	vld [tilespmem:s10+$0x190]  }
0x143: {  	v37 =	vadd.f32 v37, v38;
	v19 =	vsub.f32 v19, v11;
	[tilespmem:s12+$0xFFFFFDE0] =	vst v43;
	v38 =	vld [tilespmem:s10+$0x60];
	v18 =	vmul.f32 v50, v18  }
0x144: {  	v46 =	vperm.xlane v32, v6;
	v43 =	vld [tilespmem:s10+$0xFFFFFDF0];
	v45 =	vmul.f32 v51, v45;
	[tilespmem:s12+$0xD0] =	vst v41  }
0x145: {  	v41 =	vperm.xlane v23, v8;
	v40 =	vmul.f32 v49, v40;
	v47 =	vld [tilespmem:s10+$0xE0];
	[tilespmem:s12+$0x200] =	vst v18  }
0x146: {  	v18 =	vperm.xlane v15, v5;
	[tilespmem:s12+$0xFFFFFE90] =	vst v45;
	v45 =	vmul.f32 v48, v46;
	v46 =	vld [tilespmem:s10+$0x210]  }
0x147: {  	v48 =	vld [tilespmem:s10+$0xFFFFFEA0];
	[tilespmem:s12+$0xFFFFFFB0] =	vst v40;
	v40 =	vperm.xlane v21, v8;
	v33 =	vmul.f32 v44, v33  }
0x148: {  	v44 =	vmul.f32 $2.000000030e-01, v37;
	[tilespmem:s12+$0xFFFFFF20] =	vst v45;
	v45 =	vld [tilespmem:s10+$0xFFFFFFC0];
	v38 =	vmul.f32 v38, v41  }
0x149: {  	vm0 =	vgt.f32 v37, $0.0e+00;
	v19 =	vmul.f32 $1.442695020e+00, v19;
	v18 =	vmul.f32 v43, v18;
	v41 =	vld [tilespmem:s10+$0xFFFFFF30];
	[tilespmem:s12+$0x190] =	vst v33  }
0x14a: {  	v37 =	vsel vm0, v37, v44;
	v43 =	vperm.xlane v24, v7;
	v33 =	vld [tilespmem:s13+$0x10];
	[tilespmem:s12+$0x60] =	vst v38;
	v38 =	vmul.f32 v47, v39  }
0x14b: {  	v37 =	vsub.f32 v37, v11;
	(erf) = vpow2.f32 v19;
	[tilespmem:s12+$0xFFFFFDF0] =	vst v18;
	v18 =	vld [tilespmem:s10+$0x70];
	v19 =	vmul.f32 v46, v31  }
0x14c: {  	v31 =	vld [tilespmem:s10+$0xFFFFFE00];
	v39 =	vmul.f32 v48, v42;
	v42 =	vperm.xlane v32, v7;
	[tilespmem:s12+$0xE0] =	vst v38  }
0x14d: {  	v38 =	vmul.f32 v45, v43;
	v43 =	vperm.xlane v23, v9;
	v44 =	vld [tilespmem:s10+$0xF0];
	[tilespmem:s12+$0x210] =	vst v19  }
0x14e: {  	v32 =	vperm.xlane v32, v8;
	[tilespmem:s12+$0xFFFFFEA0] =	vst v39;
	v19 =	vmul.f32 v41, v42;
	v39 =	vld [tilespmem:s10+$0x220]  }
0x14f: {  	v41 =	vperm.xlane v15, v6;
	v42 =	vld [tilespmem:s10+$0xFFFFFEB0];
	[tilespmem:s12+$0xFFFFFFC0] =	vst v38;
	v38 =	vperm.xlane v21, v9  }
0x150: {  	v37 =	vmul.f32 $1.442695020e+00, v37;
	[tilespmem:s12+$0xFFFFFF30] =	vst v19;
	v19 =	vld [tilespmem:s10+$0xFFFFFFD0];
	v18 =	vmul.f32 v18, v43  }
0x151: {  	v31 =	vmul.f32 v31, v41;
	v41 =	vperm.xlane v27, v8;
	v43 =	vld [tilespmem:s10+$0xFFFFFF40]  }
0x152: {  	(erf) = vpow2.f32 v37;
	[tilespmem:s12+$0x70] =	vst v18;
	v18 =	vmul.f32 v44, v40;
	v37 =	vld [tilespmem:s10+$0x1A0]  }
0x153: {  	v30 =	vadd.f32 v30, v33;
	[tilespmem:s12+$0xFFFFFE00] =	vst v31;
	v31 =	vperm.xlane v24, v8;
	v33 =	vld [tilespmem:s10+$0x80];
	v34 =	vmul.f32 v39, v34  }
0x154: {  	v23 =	vperm.xlane v23, v10;
	v39 =	vpop (erf);
	v40 =	vld [tilespmem:s10+$0xFFFFFE10];
	v41 =	vmul.f32 v42, v41;
	[tilespmem:s12+$0xF0] =	vst v18  }
0x155: {  	vm0 =	vgt.f32 v30, $0.0e+00;
	v18 =	vmul.f32 $2.000000030e-01, v30;
	v19 =	vmul.f32 v19, v31;
	v31 =	vld [tilespmem:s10+$0x100];
	[tilespmem:s12+$0x220] =	vst v34  }
0x156: {  	v42 =	vperm.xlane v15, v7;
	v34 =	vld [tilespmem:s14+$0xFFFFFFF0];
	[tilespmem:s12+$0xFFFFFEB0] =	vst v41;
	v32 =	vmul.f32 v43, v32  }
0x157: {  	v18 =	vsel vm0, v30, v18;
	v30 =	vperm.xlane v21, v10;
	v41 =	vld [tilespmem:s10+$0xFFFFFEC0];
	[tilespmem:s12+$0xFFFFFFD0] =	vst v19;
	v19 =	vmul.f32 v37, v26  }
0x158: {  	v21 =	vsub.f32 v18, v11;
	v18 =	vmul.f32 v1, v39;
	[tilespmem:s12+$0xFFFFFF40] =	vst v32;
	v26 =	vld [tilespmem:s10+$0xFFFFFFE0];
	v23 =	vmul.f32 v33, v23  }
0x159: {  	v28 =	vadd.f32 v28, v35;
	v27 =	vperm.xlane v27, v9;
	v32 =	vmul.f32 v40, v42;
	v33 =	vld [tilespmem:s10+$0xFFFFFF50];
	[tilespmem:s12+$0x1A0] =	vst v19  }
0x15a: {  	v37 =	vperm.xlane v18, v10;
	v35 =	vld [tilespmem:s13+$0xFFFFFFE0];
	[tilespmem:s12+$0x80] =	vst v23;
	v19 =	vmul.f32 v31, v38  }
0x15b: {  	vm0 =	vgt.f32 v28, $0.0e+00;
	v23 =	vmul.f32 $2.000000030e-01, v28;
	v31 =	vld [tilespmem:s30+$0x1B0];
	v38 =	vpop (erf);
	[tilespmem:s12+$0xFFFFFE10] =	vst v32;
	v32 =	vperm.xlane v15, v8  }
0x15c: {  	v21 =	vmul.f32 $1.442695020e+00, v21;
	v39 =	vld [tilespmem:s10+$0xFFFFFE20];
	v27 =	vmul.f32 v41, v27;
	[tilespmem:s12+$0x100] =	vst v19  }
0x15d: {  	v23 =	vsel vm0, v28, v23;
	v19 =	vmul.f32 v1, v38;
	v26 =	vmul.f32 v26, v36;
	v36 =	vld [tilespmem:s10+$0x230]  }
0x15e: {  	v28 =	vperm.xlane v18, v2;
	v23 =	vsub.f32 v23, v11;
	v38 =	vld [tilespmem:s14+$0xFFFFFFE0];
	[tilespmem:s12+$0xFFFFFEC0] =	vst v27;
	v27 =	vmul.f32 v33, v29  }
0x15f: {  	v29 =	vperm.xlane v19, v2;
	(erf) = vpow2.f32 v21;
	v33 =	vld [tilespmem:s10+$0xFFFFFED0];
	[tilespmem:s12+$0xFFFFFFE0] =	vst v26  }
0x160: {  	v40 =	vperm.xlane v24, v10;
	v21 =	vmul.f32 $1.442695020e+00, v23;
	[tilespmem:s12+$0xFFFFFF50] =	vst v27;
	v41 =	vld [tilespmem:s10+$0xFFFFFFF0]  }
.Ltmp1:
0x161: {  	v24 =	vmul.f32 v31, v28;
	s12 =	sadd.s32 $0x480, s12;
	v39 =	vmul.f32 v39, v32;
	v23 =	vld [tilespmem:s10+$0xFFFFFF60];
	(pc) =	sbr.rel @p0 .LBB2_5-.Ltmp1, $4  }
0x162: {  	v27 =	vadd.f32 v34, v22;
	v28 =	vld [tilespmem:s14+$0xFFFFFFC0];
	(erf) = vpow2.f32 v21;
	v21 =	vmul.f32 v36, v12;
	v12 =	vmovc v37  }
0x163: {  	v29 =	vmul.f32 v20, v29;
	v20 =	vperm.xlane v15, v9;
	v31 =	vadd.f32 v38, v35;
	[tilespmem:s12+$0x1B0] =	vst v24;
	v26 =	vld [tilespmem:s10+$0x110]  }
0x164: {  	v32 =	vmul.f32 $2.000000030e-01, v27;
	v22 =	vld [tilespmem:s30+$0x1C0];
	[tilespmem:s21+$0xFFFFFE20] =	vst v39;
	v24 =	vmul.f32 v33, v25  }
0x165: {  	vm0 =	vgt.f32 v31, $0.0e+00;
	v33 =	vmul.f32 $2.000000030e-01, v31;
	[tilespmem:s12+$0x120] =	vst v29;
	v25 =	vld [tilespmem:s10+$0xFFFFFE30];
	v29 =	vmul.f32 v41, v40  }
0x166: {  	v14 =	vadd.f32 v14, v16;
	_ =	sdelay $0x1  }
0x167: {  	v16 =	vmul.f32 $2.000000030e-01, v14  }
0x168: {  	vm1 =	vgt.f32 v27, $0.0e+00;
	v31 =	vsel vm0, v31, v33;
	vm0 =	vgt.f32 v14, $0.0e+00  }
0x169: {  	v13 =	vadd.f32 v28, v13;
	v31 =	vsub.f32 v31, v11;
	v14 =	vsel vm0, v14, v16  }
0x16a: {  	v16 =	vsel vm1, v27, v32;
	v14 =	vsub.f32 v14, v11  }
0x16b: {  	v28 =	vmul.f32 $2.000000030e-01, v13;
	v27 =	vmul.f32 $1.442695020e+00, v31;
	v16 =	vsub.f32 v16, v11  }
0x16c: {  	vm0 =	vgt.f32 v13, $0.0e+00;
	v14 =	vmul.f32 $1.442695020e+00, v14  }
0x16d: {  	v13 =	vsel vm0, v13, v28;
	(erf) = vpow2.f32 v27;
	v16 =	vmul.f32 $1.442695020e+00, v16  }
0x16e: {  	v13 =	vsub.f32 v13, v11;
	(erf) = vpow2.f32 v14  }
0x16f: {  	(erf) = vpow2.f32 v16  }
0x170: {  	v13 =	vmul.f32 $1.442695020e+00, v13;
	_ =	sdelay $0x2  }
0x171: {  	v14 =	vld [tilespmem:s30+$0x130];
	(erf) = vpow2.f32 v13  }
0x172: {  	v13 =	vpop (erf)  }
0x173: {  	v23 =	vmul.f32 v23, v17;
	v16 =	vpop (erf)  }
0x174: {  	v17 =	vld [tilespmem:s30+$0x0];
	v26 =	vmul.f32 v26, v30;
	v27 =	vperm.xlane v19, v3;
	v28 =	vpop (erf)  }
0x175: {  	[tilespmem:s21+$0x230] =	vst v21;
	v25 =	vmul.f32 v25, v20;
	v16 =	vmul.f32 v1, v16;
	v21 =	vpop (erf)  }
0x176: {  	[tilespmem:s21+$0xFFFFFFF0] =	vst v29;
	v29 =	vld [tilespmem:s30+$0xFFFFFF70];
	v13 =	vmul.f32 v1, v13;
	v27 =	vmul.f32 v14, v27;
	v14 =	vpop (erf)  }
0x177: {  	[tilespmem:s21+$0x110] =	vst v26;
	v26 =	vld [tilespmem:s30+$0x90];
	v30 =	vperm.xlane v16, v2;
	v20 =	vmul.f32 v1, v14  }
0x178: {  	[tilespmem:s21+$0xFFFFFED0] =	vst v24;
	v31 =	vld [tilespmem:s30+$0xFFFFFE50];
	v24 =	vperm.xlane v13, v2;
	v14 =	vmul.f32 v1, v21  }
0x179: {  	v56 =	vld [tilespmem:s30+$0xFFFFFEE0];
	[tilespmem:s21+$0xFFFFFE30] =	vst v25;
	v21 =	vmul.f32 v17, v30;
	v25 =	vperm.xlane v20, v2  }
0x17a: {  	[tilespmem:s12+$0x130] =	vst v27;
	v17 =	vmul.f32 v1, v28;
	v28 =	vpop (erf);
	v30 =	vld [tilespmem:s30+$0xFFFFFDC0];
	v27 =	vperm.xlane v14, v2  }
0x17b: {  	[tilespmem:s12+$0x0] =	vst v21;
	v21 =	vmul.f32 v1, v28;
	v25 =	vmul.f32 v29, v25  }
0x17c: {  	[tilespmem:s21+$0xFFFFFF60] =	vst v23;
	v23 =	vmul.f32 v26, v24;
	v26 =	vperm.xlane v17, v2;
	v24 =	vld [tilespmem:s30+$0x10]  }
0x17d: {  	v28 =	vld [tilespmem:s30+$0x140];
	v27 =	vmul.f32 v31, v27;
	[tilespmem:s12+$0xFFFFFF70] =	vst v25;
	v25 =	vperm.xlane v21, v2  }
0x17e: {  	[tilespmem:s12+$0x90] =	vst v23;
	v29 =	vperm.xlane v18, v3;
	v23 =	vmul.f32 v56, v26;
	v26 =	vld [tilespmem:s30+$0xFFFFFF80]  }
0x17f: {  	v57 =	vperm.xlane v16, v3;
	v31 =	vld [tilespmem:s30+$0xA0];
	[tilespmem:s12+$0xFFFFFE50] =	vst v27;
	v25 =	vmul.f32 v30, v25  }
0x180: {  	v27 =	vperm.xlane v19, v4;
	v22 =	vmul.f32 v22, v29;
	[tilespmem:s12+$0xFFFFFEE0] =	vst v23;
	v29 =	vld [tilespmem:s30+$0xFFFFFE60]  }
0x181: {  	v23 =	vmul.f32 v24, v57;
	v24 =	vld [tilespmem:s30+$0xFFFFFEF0];
	v30 =	vperm.xlane v20, v3;
	[tilespmem:s12+$0xFFFFFDC0] =	vst v25  }
0x182: {  	[tilespmem:s12+$0x1C0] =	vst v22;
	v25 =	vmul.f32 v28, v27;
	v27 =	vperm.xlane v13, v3;
	v22 =	vld [tilespmem:s30+$0xFFFFFDD0]  }
0x183: {  	v28 =	vld [tilespmem:s10+$0xFFFFFE40];
	[tilespmem:s12+$0x10] =	vst v23;
	v23 =	vperm.xlane v14, v3;
	v26 =	vmul.f32 v26, v30  }
0x184: {  	[tilespmem:s12+$0x140] =	vst v25;
	v25 =	vmul.f32 v31, v27;
	v27 =	vld [tilespmem:s30+$0x20];
	v30 =	vperm.xlane v17, v3  }
0x185: {  	v31 =	vld [tilespmem:s30+$0x1D0];
	v23 =	vmul.f32 v29, v23;
	[tilespmem:s12+$0xFFFFFF80] =	vst v26;
	v26 =	vperm.xlane v21, v3  }
0x186: {  	v15 =	vperm.xlane v15, v10;
	[tilespmem:s12+$0xA0] =	vst v25;
	v24 =	vmul.f32 v24, v30;
	v25 =	vld [tilespmem:s30+$0xFFFFFF90]  }
0x187: {  	v29 =	vperm.xlane v16, v4;
	[tilespmem:s12+$0xFFFFFE60] =	vst v23;
	v30 =	vld [tilespmem:s30+$0xB0];
	v22 =	vmul.f32 v22, v26  }
0x188: {  	v23 =	vperm.xlane v18, v4;
	v15 =	vmul.f32 v28, v15;
	v26 =	vld [tilespmem:s30+$0xFFFFFE70];
	[tilespmem:s12+$0xFFFFFEF0] =	vst v24  }
0x189: {  	v28 =	vperm.xlane v20, v4;
	v24 =	vmul.f32 v27, v29;
	v27 =	vld [tilespmem:s30+$0xFFFFFF00];
	[tilespmem:s12+$0xFFFFFDD0] =	vst v22  }
0x18a: {  	[tilespmem:s21+$0xFFFFFE40] =	vst v15;
	v15 =	vperm.xlane v13, v4;
	v22 =	vmul.f32 v31, v23;
	v23 =	vld [tilespmem:s30+$0xFFFFFDE0]  }
0x18b: {  	v29 =	vld [tilespmem:s30+$0x150];
	[tilespmem:s12+$0x20] =	vst v24;
	v24 =	vperm.xlane v14, v4;
	v25 =	vmul.f32 v25, v28  }
0x18c: {  	v28 =	vld [tilespmem:s30+$0x30];
	[tilespmem:s12+$0x1D0] =	vst v22;
	v15 =	vmul.f32 v30, v15;
	v22 =	vperm.xlane v17, v4  }
0x18d: {  	v30 =	vld [tilespmem:s30+$0x1E0];
	v24 =	vmul.f32 v26, v24;
	[tilespmem:s12+$0xFFFFFF90] =	vst v25;
	v25 =	vperm.xlane v21, v4  }
0x18e: {  	v26 =	vperm.xlane v19, v5;
	[tilespmem:s12+$0xB0] =	vst v15;
	v15 =	vmul.f32 v27, v22;
	v22 =	vld [tilespmem:s30+$0xFFFFFFA0]  }
0x18f: {  	v27 =	vperm.xlane v16, v5;
	v31 =	vld [tilespmem:s30+$0xC0];
	[tilespmem:s12+$0xFFFFFE70] =	vst v24;
	v23 =	vmul.f32 v23, v25  }
0x190: {  	v24 =	vmul.f32 v29, v26;
	v25 =	vperm.xlane v18, v5;
	v26 =	vld [tilespmem:s30+$0xFFFFFE80];
	[tilespmem:s12+$0xFFFFFF00] =	vst v15  }
0x191: {  	v15 =	vmul.f32 v28, v27;
	v27 =	vld [tilespmem:s30+$0xFFFFFF10];
	v28 =	vperm.xlane v20, v5;
	[tilespmem:s12+$0xFFFFFDE0] =	vst v23  }
0x192: {  	[tilespmem:s12+$0x150] =	vst v24;
	v23 =	vperm.xlane v13, v5;
	v24 =	vmul.f32 v30, v25;
	v25 =	vld [tilespmem:s30+$0xFFFFFDF0]  }
0x193: {  	v29 =	vld [tilespmem:s30+$0x160];
	[tilespmem:s12+$0x30] =	vst v15;
	v15 =	vperm.xlane v14, v5;
	v22 =	vmul.f32 v22, v28  }
0x194: {  	v28 =	vld [tilespmem:s30+$0x40];
	[tilespmem:s12+$0x1E0] =	vst v24;
	v23 =	vmul.f32 v31, v23;
	v24 =	vperm.xlane v17, v5  }
0x195: {  	v30 =	vld [tilespmem:s30+$0x1F0];
	v15 =	vmul.f32 v26, v15;
	[tilespmem:s12+$0xFFFFFFA0] =	vst v22;
	v22 =	vperm.xlane v21, v5  }
0x196: {  	v26 =	vperm.xlane v19, v6;
	[tilespmem:s12+$0xC0] =	vst v23;
	v23 =	vmul.f32 v27, v24;
	v24 =	vld [tilespmem:s30+$0xFFFFFFB0]  }
0x197: {  	v27 =	vperm.xlane v16, v6;
	v31 =	vld [tilespmem:s30+$0xD0];
	[tilespmem:s12+$0xFFFFFE80] =	vst v15;
	v15 =	vmul.f32 v25, v22  }
0x198: {  	v22 =	vmul.f32 v29, v26;
	v25 =	vperm.xlane v18, v6;
	v26 =	vld [tilespmem:s30+$0xFFFFFE90];
	[tilespmem:s12+$0xFFFFFF10] =	vst v23  }
0x199: {  	v23 =	vmul.f32 v28, v27;
	v27 =	vld [tilespmem:s30+$0xFFFFFF20];
	v28 =	vperm.xlane v20, v6;
	[tilespmem:s12+$0xFFFFFDF0] =	vst v15  }
0x19a: {  	[tilespmem:s12+$0x160] =	vst v22;
	v15 =	vperm.xlane v13, v6;
	v22 =	vmul.f32 v30, v25;
	v25 =	vld [tilespmem:s30+$0xFFFFFE00]  }
0x19b: {  	v29 =	vld [tilespmem:s30+$0x170];
	[tilespmem:s12+$0x40] =	vst v23;
	v23 =	vperm.xlane v14, v6;
	v24 =	vmul.f32 v24, v28  }
0x19c: {  	v28 =	vld [tilespmem:s30+$0x50];
	[tilespmem:s12+$0x1F0] =	vst v22;
	v15 =	vmul.f32 v31, v15;
	v22 =	vperm.xlane v17, v6  }
0x19d: {  	v30 =	vld [tilespmem:s30+$0x200];
	v23 =	vmul.f32 v26, v23;
	[tilespmem:s12+$0xFFFFFFB0] =	vst v24;
	v24 =	vperm.xlane v21, v6  }
0x19e: {  	v26 =	vperm.xlane v19, v7;
	[tilespmem:s12+$0xD0] =	vst v15;
	v15 =	vmul.f32 v27, v22;
	v22 =	vld [tilespmem:s30+$0xFFFFFFC0]  }
0x19f: {  	v27 =	vperm.xlane v16, v7;
	v31 =	vld [tilespmem:s30+$0xE0];
	[tilespmem:s12+$0xFFFFFE90] =	vst v23;
	v23 =	vmul.f32 v25, v24  }
0x1a0: {  	v24 =	vmul.f32 v29, v26;
	v25 =	vperm.xlane v18, v7;
	v26 =	vld [tilespmem:s30+$0xFFFFFEA0];
	[tilespmem:s12+$0xFFFFFF20] =	vst v15  }
0x1a1: {  	v15 =	vmul.f32 v28, v27;
	v27 =	vld [tilespmem:s30+$0xFFFFFF30];
	v28 =	vperm.xlane v20, v7;
	[tilespmem:s12+$0xFFFFFE00] =	vst v23  }
0x1a2: {  	[tilespmem:s12+$0x170] =	vst v24;
	v23 =	vperm.xlane v13, v7;
	v24 =	vmul.f32 v30, v25;
	v25 =	vld [tilespmem:s30+$0xFFFFFE10]  }
0x1a3: {  	v30 =	vperm.xlane v14, v7;
	v29 =	vld [tilespmem:s30+$0x180];
	[tilespmem:s12+$0x50] =	vst v15;
	v15 =	vmul.f32 v22, v28  }
0x1a4: {  	v22 =	vld [tilespmem:s30+$0x60];
	[tilespmem:s12+$0x200] =	vst v24;
	v23 =	vmul.f32 v31, v23;
	v24 =	vperm.xlane v17, v7  }
0x1a5: {  	v28 =	vld [tilespmem:s30+$0x210];
	v26 =	vmul.f32 v26, v30;
	[tilespmem:s12+$0xFFFFFFC0] =	vst v15;
	v15 =	vperm.xlane v21, v7  }
0x1a6: {  	v30 =	vperm.xlane v19, v8;
	[tilespmem:s12+$0xE0] =	vst v23;
	v23 =	vmul.f32 v27, v24;
	v24 =	vld [tilespmem:s30+$0xFFFFFFD0]  }
0x1a7: {  	v27 =	vperm.xlane v16, v8;
	v31 =	vld [tilespmem:s30+$0xF0];
	[tilespmem:s12+$0xFFFFFEA0] =	vst v26;
	v15 =	vmul.f32 v25, v15  }
0x1a8: {  	v25 =	vperm.xlane v18, v8;
	v26 =	vmul.f32 v29, v30;
	v29 =	vld [tilespmem:s30+$0xFFFFFEB0];
	[tilespmem:s12+$0xFFFFFF30] =	vst v23  }
0x1a9: {  	v22 =	vmul.f32 v22, v27;
	v23 =	vld [tilespmem:s30+$0xFFFFFF40];
	v27 =	vperm.xlane v20, v8;
	[tilespmem:s12+$0xFFFFFE10] =	vst v15  }
0x1aa: {  	[tilespmem:s12+$0x180] =	vst v26;
	v15 =	vperm.xlane v13, v8;
	v25 =	vmul.f32 v28, v25;
	v26 =	vld [tilespmem:s30+$0xFFFFFE20]  }
0x1ab: {  	v28 =	vld [tilespmem:s30+$0x190];
	[tilespmem:s12+$0x60] =	vst v22;
	v22 =	vperm.xlane v14, v8;
	v24 =	vmul.f32 v24, v27  }
0x1ac: {  	v27 =	vld [tilespmem:s30+$0x70];
	[tilespmem:s12+$0x210] =	vst v25;
	v25 =	vperm.xlane v17, v8;
	v15 =	vmul.f32 v31, v15  }
0x1ad: {  	v30 =	vld [tilespmem:s30+$0x220];
	v22 =	vmul.f32 v29, v22;
	[tilespmem:s12+$0xFFFFFFD0] =	vst v24;
	v24 =	vperm.xlane v21, v8  }
0x1ae: {  	v29 =	vperm.xlane v19, v9;
	[tilespmem:s12+$0xF0] =	vst v15;
	v15 =	vmul.f32 v23, v25;
	v23 =	vld [tilespmem:s30+$0xFFFFFFE0]  }
0x1af: {  	v25 =	vperm.xlane v16, v9;
	v31 =	vld [tilespmem:s30+$0x100];
	[tilespmem:s12+$0xFFFFFEB0] =	vst v22;
	v22 =	vmul.f32 v26, v24  }
0x1b0: {  	v18 =	vperm.xlane v18, v9;
	v24 =	vmul.f32 v28, v29;
	v26 =	vld [tilespmem:s30+$0xFFFFFEC0];
	[tilespmem:s12+$0xFFFFFF40] =	vst v15  }
0x1b1: {  	v15 =	vperm.xlane v20, v9;
	v25 =	vmul.f32 v27, v25;
	v27 =	vld [tilespmem:s30+$0xFFFFFF50];
	[tilespmem:s12+$0xFFFFFE20] =	vst v22  }
0x1b2: {  	[tilespmem:s12+$0x190] =	vst v24;
	v22 =	vperm.xlane v13, v9;
	v18 =	vmul.f32 v30, v18;
	v24 =	vld [tilespmem:s30+$0xFFFFFE30]  }
0x1b3: {  	v28 =	vperm.xlane v14, v9;
	[tilespmem:s12+$0x70] =	vst v25;
	v25 =	vld [tilespmem:s30+$0x1A0];
	v15 =	vmul.f32 v23, v15  }
0x1b4: {  	v23 =	vperm.xlane v17, v9;
	v29 =	vld [tilespmem:s30+$0x80];
	[tilespmem:s12+$0x220] =	vst v18;
	v18 =	vmul.f32 v31, v22  }
0x1b5: {  	v22 =	vmul.f32 v26, v28;
	v26 =	vld [tilespmem:s30+$0x230];
	[tilespmem:s12+$0xFFFFFFE0] =	vst v15;
	v15 =	vperm.xlane v21, v9  }
0x1b6: {  	v19 =	vperm.xlane v19, v10;
	[tilespmem:s12+$0x100] =	vst v18;
	v18 =	vmul.f32 v27, v23;
	v23 =	vld [tilespmem:s30+$0xFFFFFFF0]  }
0x1b7: {  	v16 =	vperm.xlane v16, v10;
	[tilespmem:s12+$0xFFFFFEC0] =	vst v22;
	v22 =	vld [tilespmem:s30+$0x110];
	v15 =	vmul.f32 v24, v15  }
0x1b8: {  	v19 =	vmul.f32 v25, v19;
	v24 =	vld [tilespmem:s30+$0xFFFFFED0];
	[tilespmem:s12+$0xFFFFFF50] =	vst v18  }
0x1b9: {  	v18 =	vperm.xlane v20, v10;
	v16 =	vmul.f32 v29, v16;
	v20 =	vld [tilespmem:s30+$0xFFFFFF60];
	[tilespmem:s12+$0xFFFFFE30] =	vst v15  }
0x1ba: {  	v13 =	vperm.xlane v13, v10;
	[tilespmem:s12+$0x1A0] =	vst v19;
	v12 =	vmul.f32 v26, v12;
	v15 =	vld [tilespmem:s30+$0xFFFFFE40]  }
0x1bb: {  	v14 =	vperm.xlane v14, v10;
	[tilespmem:s12+$0x80] =	vst v16;
	v16 =	vmul.f32 v23, v18  }
0x1bc: {  	v17 =	vperm.xlane v17, v10;
	[tilespmem:s12+$0x230] =	vst v12;
	v12 =	vmul.f32 v22, v13  }
0x1bd: {  	v13 =	vmul.f32 v24, v14;
	v14 =	vperm.xlane v21, v10;
	[tilespmem:s12+$0xFFFFFFF0] =	vst v16  }
0x1be: {  	v16 =	vmul.f32 v20, v17;
	[tilespmem:s12+$0x110] =	vst v12  }
0x1bf: {  	[tilespmem:s12+$0xFFFFFED0] =	vst v13;
	v12 =	vmul.f32 v15, v14  }
0x1c0: {  	[tilespmem:s12+$0xFFFFFF60] =	vst v16  }
0x1c1: {  	s21 =	simm.s32 $0x16880;
	[tilespmem:s12+$0xFFFFFE40] =	vst v12  }
0x1c2: {  	[spmem:s2] =	stream.indirect.scatter.add.f32 [tilespmem:s29], [sflag:$0x9], $0x90, s21, s26, $0xb8;
	[tilespmem:$0x1E510] =	vst v63  }
0x1c3: {  	p0 =	seq.s32 s23, $0x50;
	_ =	swait.ge [sflag:s28], $0x2400  }
0x1c4: {  	s13 =	simm.s32 @!p0 $0x0;
	s10 =	sadd.s32 @!p0 s25, s24;
	[sflag:s28] =	ssyncset.done $0x0  }
0x1c5: {  	s14 =	simm.s32 @!p0 $0x16800;
	s12 =	sadd.s32 @!p0 s5, s10;
	[sflag:s28] =	ssyncadd.s32 $0xFFFFDC00  }
0x1c6: {  	[tilespmem:s14], [sflag:$0x1] =	stream.linear.gather @!p0 [hbm4b:s12+s13], $0x40, $0x38;
	[tilespmem:$0x1E510] =	vst v63  }
0x1c7: {  	s10 =	sadd.s32 @!p0 s6, s10;
	s12 =	simm.s32 @!p0 $0x16880  }
0x1c8: {  	[tilespmem:s12], [sflag:$0x2] =	stream.linear.gather @!p0 [hbm4b:s10+s13], $0x40, $0x38;
	[tilespmem:$0x1E510] =	vst v63  }
0x1c9: {  	s10 =	simm.s32 @!p0 $0x1  }
0x1ca: {  	_ =	swait.ge @!p0 [sflag:s10], $0x40  }
0x1cb: {  	[sflag:s10] =	ssyncset.done @!p0 $0x0  }
0x1cc: {  	[sflag:s10] =	ssyncadd.s32 @!p0 $0xFFFFFFC0;
	s10 =	simm.s32 @!p0 $0x2  }
0x1cd: {  	_ =	swait.ge @!p0 [sflag:s10], $0x40  }
0x1ce: {  	[sflag:s10] =	ssyncset.done @!p0 $0x0  }
0x1cf: {  	s13 =	simm.s32 @!p0 $0x16900;
	[sflag:s10] =	ssyncadd.s32 @!p0 $0xFFFFFFC0;
	s10 =	simm.s32 @!p0 $0x40  }
0x1d0: {  	[tilespmem:s13], [sflag:$0x3] =	stream.indirect.gather @!p0 [hbm4b:s7+s10], $0x10, s14, s10, $0xb8;
	[tilespmem:$0x1E510] =	vst v63  }
0x1d1: {  	s13 =	simm.s32 @!p0 $0x17100  }
0x1d2: {  	[tilespmem:s13], [sflag:$0x4] =	stream.indirect.gather @!p0 [hbm4b:s8+s10], $0x10, s12, s10, $0xb8;
	[tilespmem:$0x1E510] =	vst v63  }
0x1d3: {  	s12 =	simm.s32 @!p0 $0x17900  }
0x1d4: {  	[tilespmem:s12], [sflag:$0x5] =	stream.indirect.gather @!p0 [hbm4b:s9+s10], $0x90, s14, s10, $0xb8;
	[tilespmem:$0x1E510] =	vst v63  }
0x1d5: {  	_ =	swait.ge [sflag:s18], $0x400  }
0x1d6: {  	[sflag:s18] =	ssyncset.done $0x0  }
0x1d7: {  	[sflag:s18] =	ssyncadd.s32 $0xFFFFFC00  }
0x1d8: {  	_ =	swait.ge [sflag:s19], $0x400  }
0x1d9: {  	[sflag:s19] =	ssyncset.done $0x0  }
0x1da: {  	[sflag:s19] =	ssyncadd.s32 $0xFFFFFC00  }
0x1db: {  	_ =	swait.ge [sflag:s20], $0x2400  }
0x1dc: {  	[sflag:s20] =	ssyncset.done $0x0  }
0x1dd: {  	s24 =	simm.s32 $0x17570;
	[sflag:s20] =	ssyncadd.s32 $0xFFFFDC00  }
0x1de: {  	v12 =	vld [tilespmem:s24+$0xFFFFFFF0]  }
0x1df: {  	s31 =	simm.s32 $0x16D70;
	v13 =	vld [tilespmem:s24+$0x0]  }
0x1e0: {  	v14 =	vld [tilespmem:s31+$0x0]  }
0x1e1: {  	v15 =	vld [tilespmem:s31+$0xFFFFFFF0];
	_ =	sdelay $0x3  }
0x1e2: {  	v13 =	vadd.f32 v13, v14  }
0x1e3: {  	v12 =	vadd.f32 v12, v15  }
0x1e4: {  	v14 =	vmul.f32 $2.000000030e-01, v13  }
0x1e5: {  	vm0 =	vgt.f32 v13, $0.0e+00;
	v15 =	vmul.f32 $2.000000030e-01, v12  }
0x1e6: {  	v13 =	vsel vm0, v13, v14;
	vm0 =	vgt.f32 v12, $0.0e+00  }
0x1e7: {  	v16 =	vld [tilespmem:s31+$0xFFFFFFE0];
	v13 =	vsub.f32 v13, v11;
	v12 =	vsel vm0, v12, v15  }
0x1e8: {  	v17 =	vld [tilespmem:s31+$0xFFFFFFD0];
	v12 =	vsub.f32 v12, v11  }
0x1e9: {  	v14 =	vld [tilespmem:s24+$0xFFFFFFE0];
	v13 =	vmul.f32 $1.442695020e+00, v13  }
0x1ea: {  	v15 =	vld [tilespmem:s24+$0xFFFFFFD0];
	v12 =	vmul.f32 $1.442695020e+00, v12  }
0x1eb: {  	(erf) = vpow2.f32 v13  }
0x1ec: {  	(erf) = vpow2.f32 v12  }
0x1ed: {  	v19 =	vld [tilespmem:s31+$0xFFFFFFB0]  }
0x1ee: {  	v20 =	vld [tilespmem:s24+$0xFFFFFFB0];
	v12 =	vadd.f32 v14, v16  }
0x1ef: {  	v13 =	vadd.f32 v15, v17  }
0x1f0: {  	v15 =	vmul.f32 $2.000000030e-01, v12  }
0x1f1: {  	v18 =	vld [tilespmem:s31+$0xFFFFFFC0];
	vm0 =	vgt.f32 v12, $0.0e+00;
	v17 =	vmul.f32 $2.000000030e-01, v13  }
0x1f2: {  	v21 =	vld [tilespmem:s24+$0xFFFFFFC0];
	v12 =	vsel vm0, v12, v15;
	vm0 =	vgt.f32 v13, $0.0e+00  }
0x1f3: {  	v19 =	vadd.f32 v20, v19;
	v20 =	vld [tilespmem:s24+$0xFFFFFF90];
	v12 =	vsub.f32 v12, v11;
	v13 =	vsel vm0, v13, v17  }
0x1f4: {  	s10 =	simm.s32 $0x1A170;
	v14 =	vld [tilespmem:s24+$0xFFFFFFA0];
	v13 =	vsub.f32 v13, v11;
	v15 =	vpop (erf)  }
0x1f5: {  	v16 =	vld [tilespmem:s10+$0xFFFFFEF0];
	v12 =	vmul.f32 $1.442695020e+00, v12;
	v17 =	vpop (erf)  }
0x1f6: {  	v13 =	vmul.f32 $1.442695020e+00, v13;
	v32 =	vmul.f32 v1, v17;
	v17 =	vld [tilespmem:s31+$0xFFFFFFA0]  }
0x1f7: {  	v29 =	vmul.f32 v1, v15;
	v15 =	vld [tilespmem:s10+$0xFFFFFF80];
	(erf) = vpow2.f32 v12  }
0x1f8: {  	v12 =	vld [tilespmem:s31+$0xFFFFFF90];
	(erf) = vpow2.f32 v13;
	v22 =	vperm.xlane v32, v2;
	_ =	sdelay $0x1  }
0x1f9: {  	v13 =	vperm.xlane v29, v2;
	v16 =	vmul.f32 v16, v22  }
0x1fa: {  	s21 =	simm.s32 $0x1C340;
	vm0 =	vgt.f32 v19, $0.0e+00;
	v30 =	vperm.xlane v29, v8;
	v14 =	vadd.f32 v14, v17  }
0x1fb: {  	v13 =	vmul.f32 v15, v13;
	v15 =	vadd.f32 v21, v18;
	v18 =	vmul.f32 $2.000000030e-01, v19;
	[tilespmem:s21+$0x120] =	vst v16  }
0x1fc: {  	v35 =	vperm.xlane v29, v4;
	v20 =	vadd.f32 v20, v12;
	v16 =	vld [tilespmem:s10+$0xFFFFFF00];
	v21 =	vmul.f32 $2.000000030e-01, v14  }
0x1fd: {  	v24 =	vld [tilespmem:s10+$0xFFFFFCB0];
	[tilespmem:s21+$0x1B0] =	vst v13;
	v13 =	vmul.f32 $2.000000030e-01, v15;
	vm1 =	vgt.f32 v15, $0.0e+00;
	v17 =	vsel vm0, v19, v18  }
0x1fe: {  	v23 =	vld [tilespmem:s10+$0xFFFFFDD0];
	v18 =	vperm.xlane v32, v3;
	v17 =	vsub.f32 v17, v11;
	vm0 =	vgt.f32 v14, $0.0e+00  }
0x1ff: {  	s14 =	simm.s32 $0x175F0;
	v27 =	vld [tilespmem:s10+$0xFFFFFC20];
	v25 =	vmul.f32 $2.000000030e-01, v20;
	v13 =	vsel vm1, v15, v13;
	v12 =	vpop (erf);
	v14 =	vsel vm0, v14, v21  }
0x200: {  	v36 =	vld [tilespmem:s14+$0xFFFFFFF0];
	v17 =	vmul.f32 $1.442695020e+00, v17;
	v12 =	vmul.f32 v1, v12;
	v14 =	vsub.f32 v14, v11;
	v21 =	vpop (erf)  }
0x201: {  	v45 =	vld [tilespmem:s14+$0x0];
	v13 =	vsub.f32 v13, v11;
	v16 =	vmul.f32 v16, v18;
	v18 =	vmul.f32 v1, v21  }
0x202: {  	(erf) = vpow2.f32 v17;
	v21 =	vld [tilespmem:s10+$0xFFFFFE60];
	v14 =	vmul.f32 $1.442695020e+00, v14  }
0x203: {  	v60 =	vld [tilespmem:s10+$0xFFFFFB90];
	vm0 =	vgt.f32 v20, $0.0e+00;
	[tilespmem:s21+$0x130] =	vst v16;
	v16 =	vmul.f32 $1.442695020e+00, v13;
	v17 =	vperm.xlane v18, v2  }
0x204: {  	v19 =	vld [tilespmem:s10+$0xFFFFFF90];
	v20 =	vsel vm0, v20, v25;
	v25 =	vperm.xlane v12, v2;
	(erf) = vpow2.f32 v14  }
0x205: {  	v20 =	vsub.f32 v20, v11;
	v26 =	vld [tilespmem:s10+$0xFFFFFF10];
	v17 =	vmul.f32 v23, v17;
	(erf) = vpow2.f32 v16  }
0x206: {  	s24 =	simm.s32 $0x1A5F0;
	v33 =	vperm.xlane v32, v9;
	v22 =	vperm.xlane v29, v3;
	v15 =	vld [tilespmem:s10+$0xFFFFFD40]  }
0x207: {  	v28 =	vmul.f32 $1.442695020e+00, v20;
	v20 =	vld [tilespmem:s24+$0xFFFFFEF0];
	v25 =	vmul.f32 v21, v25;
	[tilespmem:s21+$0x0] =	vst v17  }
0x208: {  	s13 =	simm.s32 $0x16DF0;
	v40 =	vperm.xlane v32, v5;
	v23 =	vperm.xlane v32, v4;
	v31 =	vld [tilespmem:s10+$0xFFFFFDE0]  }
0x209: {  	v54 =	vperm.xlane v32, v6;
	v13 =	vld [tilespmem:s13+$0xFFFFFF90];
	v17 =	vmul.f32 v19, v22;
	[tilespmem:s21+$0x90] =	vst v25  }
0x20a: {  	v39 =	vperm.xlane v18, v4;
	v19 =	vmul.f32 v26, v23;
	v26 =	vld [tilespmem:s10+$0xFFFFFE70]  }
0x20b: {  	v14 =	vld [tilespmem:s14+$0xFFFFFFA0];
	(erf) = vpow2.f32 v28;
	[tilespmem:s21+$0x1C0] =	vst v17;
	v17 =	vperm.xlane v18, v3  }
0x20c: {  	v56 =	vperm.xlane v18, v5;
	v16 =	vld [tilespmem:s13+$0xFFFFFFA0];
	v21 =	vperm.xlane v29, v10;
	v25 =	vpop (erf)  }
0x20d: {  	v28 =	vld [tilespmem:s14+$0xFFFFFFE0];
	v23 =	vperm.xlane v12, v3;
	v37 =	vpop (erf);
	v17 =	vmul.f32 v31, v17  }
0x20e: {  	v22 =	vld [tilespmem:s13+$0xFFFFFFC0];
	v31 =	vmul.f32 v1, v25;
	v25 =	vmul.f32 v1, v37;
	v41 =	vpop (erf)  }
0x20f: {  	v34 =	vld [tilespmem:s10+$0xFFFFFFA0];
	[tilespmem:s21+$0x140] =	vst v19;
	v42 =	vmul.f32 v26, v23;
	v23 =	vmul.f32 v1, v41  }
0x210: {  	v19 =	vperm.xlane v32, v10;
	v38 =	vld [tilespmem:s10+$0xFFFFFF20];
	[tilespmem:s21+$0x10] =	vst v17;
	v43 =	vperm.xlane v25, v2  }
0x211: {  	v58 =	vperm.xlane v31, v2;
	v44 =	vld [tilespmem:s10+$0xFFFFFDF0];
	v46 =	vperm.xlane v23, v2  }
0x212: {  	v37 =	vld [tilespmem:s13+$0xFFFFFFF0];
	v17 =	vperm.xlane v31, v10;
	v27 =	vmul.f32 v27, v43  }
0x213: {  	v26 =	vld [tilespmem:s14+$0xFFFFFFD0];
	v47 =	vperm.xlane v25, v3;
	v59 =	vmul.f32 v15, v46  }
0x214: {  	v41 =	vld [tilespmem:s13+$0x0];
	v63 =	vperm.xlane v31, v3;
	v24 =	vmul.f32 v24, v58;
	v15 =	vpop (erf);
	[tilespmem:s21+$0xFFFFFE50] =	vst v27  }
0x215: {  	v38 =	vmul.f32 v38, v40;
	v15 =	vmul.f32 v1, v15;
	v61 =	vld [tilespmem:s10+$0xFFFFFC30];
	[tilespmem:s21+$0xFFFFFF70] =	vst v59  }
0x216: {  	v49 =	vperm.xlane v23, v3;
	[tilespmem:s21+$0xFFFFFEE0] =	vst v24;
	v62 =	vmul.f32 v44, v39;
	v43 =	vld [tilespmem:s10+$0xFFFFFD50]  }
0x217: {  	v27 =	vmul.f32 v34, v35;
	[tilespmem:s21+$0x150] =	vst v38;
	v48 =	vld [tilespmem:s10+$0xFFFFFCC0];
	v24 =	vperm.xlane v15, v2  }
0x218: {  	v53 =	vperm.xlane v23, v4;
	v46 =	vperm.xlane v12, v4;
	v50 =	vld [tilespmem:s10+$0xFFFFFF30];
	[tilespmem:s21+$0x20] =	vst v62  }
0x219: {  	v38 =	vperm.xlane v29, v5;
	[tilespmem:s21+$0x1D0] =	vst v27;
	v40 =	vmul.f32 v60, v24;
	v51 =	vld [tilespmem:s10+$0xFFFFFE00]  }
0x21a: {  	[tilespmem:s21+$0xA0] =	vst v42;
	v34 =	vperm.xlane v29, v9;
	v42 =	vld [tilespmem:s10+$0xFFFFFFB0];
	v35 =	vmul.f32 v61, v47  }
0x21b: {  	v41 =	vadd.f32 v45, v41;
	v45 =	vperm.xlane v25, v7;
	[tilespmem:s21+$0xFFFFFDC0] =	vst v40;
	v55 =	vmul.f32 v43, v49;
	v43 =	vld [tilespmem:s10+$0xFFFFFE80]  }
0x21c: {  	v27 =	vperm.xlane v31, v9;
	v57 =	vmul.f32 v48, v63;
	v49 =	vld [tilespmem:s10+$0xFFFFFBA0];
	[tilespmem:s21+$0xFFFFFE60] =	vst v35  }
0x21d: {  	v39 =	vperm.xlane v32, v7;
	v59 =	vmul.f32 v50, v54;
	v58 =	vld [tilespmem:s10+$0xFFFFFC40];
	[tilespmem:s21+$0xFFFFFF80] =	vst v55  }
0x21e: {  	v44 =	vperm.xlane v12, v5;
	[tilespmem:s21+$0xFFFFFEF0] =	vst v57;
	v61 =	vmul.f32 v51, v56;
	v60 =	vld [tilespmem:s10+$0xFFFFFD60]  }
0x21f: {  	v32 =	vperm.xlane v32, v8;
	v62 =	vperm.xlane v15, v3;
	[tilespmem:s21+$0x160] =	vst v59;
	v52 =	vld [tilespmem:s10+$0xFFFFFCD0]  }
0x220: {  	v63 =	vperm.xlane v25, v4;
	v57 =	vld [tilespmem:s10+$0xFFFFFF40];
	[tilespmem:s21+$0x30] =	vst v61;
	v43 =	vmul.f32 v43, v46  }
0x221: {  	v24 =	vperm.xlane v25, v10;
	v38 =	vmul.f32 v42, v38;
	v54 =	vld [tilespmem:s10+$0xFFFFFE10]  }
0x222: {  	v35 =	vld [tilespmem:s13+$0xFFFFFFD0];
	v40 =	vmul.f32 v58, v63;
	v58 =	vperm.xlane v31, v4;
	[tilespmem:s21+$0xB0] =	vst v43  }
0x223: {  	[tilespmem:s21+$0x1E0] =	vst v38;
	v61 =	vperm.xlane v18, v6;
	v59 =	vmul.f32 v60, v53;
	v60 =	vld [tilespmem:s10+$0xFFFFFE90]  }
0x224: {  	v63 =	vld [tilespmem:s10+$0xFFFFFFC0];
	v43 =	vmul.f32 v49, v62;
	[tilespmem:s21+$0xFFFFFE70] =	vst v40;
	v62 =	vmul.f32 v52, v58  }
0x225: {  	v47 =	vperm.xlane v29, v6;
	v39 =	vmul.f32 v57, v39;
	v56 =	vld [tilespmem:s10+$0xFFFFFC50];
	[tilespmem:s21+$0xFFFFFF90] =	vst v59  }
0x226: {  	v48 =	vperm.xlane v29, v7;
	[tilespmem:s21+$0xFFFFFF00] =	vst v62;
	v38 =	vmul.f32 v54, v61;
	v57 =	vld [tilespmem:s10+$0xFFFFFD70]  }
0x227: {  	v29 =	vperm.xlane v23, v9;
	v55 =	vperm.xlane v31, v5;
	[tilespmem:s21+$0x170] =	vst v39;
	v59 =	vld [tilespmem:s10+$0xFFFFFCE0]  }
0x228: {  	v58 =	vperm.xlane v25, v5;
	v39 =	vld [tilespmem:s10+$0xFFFFFF50];
	[tilespmem:s21+$0x40] =	vst v38;
	v60 =	vmul.f32 v60, v44  }
0x229: {  	[tilespmem:s21+$0xFFFFFDD0] =	vst v43;
	v61 =	vperm.xlane v23, v5;
	v42 =	vmul.f32 v63, v47;
	v62 =	vld [tilespmem:s10+$0xFFFFFE20]  }
0x22a: {  	v51 =	vperm.xlane v15, v6;
	v63 =	vld [tilespmem:s10+$0xFFFFFBB0];
	v54 =	vmul.f32 v56, v58;
	[tilespmem:s21+$0xC0] =	vst v60  }
0x22b: {  	v46 =	vperm.xlane v12, v6;
	[tilespmem:s21+$0x1F0] =	vst v42;
	v40 =	vmul.f32 v57, v61;
	v57 =	vld [tilespmem:s10+$0xFFFFFEA0]  }
0x22c: {  	v58 =	vperm.xlane v18, v7;
	v60 =	vld [tilespmem:s10+$0xFFFFFFD0];
	[tilespmem:s21+$0xFFFFFE80] =	vst v54;
	v59 =	vmul.f32 v59, v55  }
0x22d: {  	v56 =	vperm.xlane v15, v4;
	v32 =	vmul.f32 v39, v32;
	v61 =	vld [tilespmem:s10+$0xFFFFFC60];
	[tilespmem:s21+$0xFFFFFFA0] =	vst v40  }
0x22e: {  	v52 =	vperm.xlane v25, v6;
	[tilespmem:s21+$0xFFFFFF10] =	vst v59;
	v42 =	vmul.f32 v62, v58;
	v40 =	vld [tilespmem:s10+$0xFFFFFD80]  }
0x22f: {  	v39 =	vperm.xlane v12, v7;
	v38 =	vmul.f32 v63, v56;
	[tilespmem:s21+$0x180] =	vst v32;
	v63 =	vld [tilespmem:s10+$0xFFFFFCF0]  }
0x230: {  	v54 =	vld [tilespmem:s10+$0xFFFFFF60];
	v62 =	vmul.f32 $2.000000030e-01, v41;
	[tilespmem:s21+$0x50] =	vst v42;
	v53 =	vmul.f32 v57, v46  }
0x231: {  	vm0 =	vgt.f32 v41, $0.0e+00;
	v55 =	vperm.xlane v23, v6;
	[tilespmem:s21+$0xFFFFFDE0] =	vst v38;
	v48 =	vmul.f32 v60, v48;
	v56 =	vld [tilespmem:s10+$0xFFFFFE30]  }
0x232: {  	v58 =	vperm.xlane v31, v6;
	v41 =	vsel vm0, v41, v62;
	v57 =	vld [tilespmem:s10+$0xFFFFFBC0];
	v32 =	vmul.f32 v61, v52;
	[tilespmem:s21+$0xD0] =	vst v53  }
0x233: {  	v59 =	vperm.xlane v18, v8;
	v41 =	vsub.f32 v41, v11;
	[tilespmem:s21+$0x200] =	vst v48;
	v40 =	vmul.f32 v40, v55;
	v60 =	vld [tilespmem:s10+$0xFFFFFEB0]  }
0x234: {  	v36 =	vadd.f32 v36, v37;
	v61 =	vperm.xlane v15, v5;
	[tilespmem:s21+$0xFFFFFE90] =	vst v32;
	v62 =	vmul.f32 v63, v58;
	v63 =	vld [tilespmem:s10+$0xFFFFFFE0]  }
0x235: {  	v33 =	vmul.f32 v54, v33;
	v41 =	vmul.f32 $1.442695020e+00, v41;
	v52 =	vld [tilespmem:s10+$0xFFFFFC70];
	[tilespmem:s21+$0xFFFFFFB0] =	vst v40  }
0x236: {  	v53 =	vmul.f32 $2.000000030e-01, v36;
	v38 =	vmul.f32 v56, v59;
	v54 =	vld [tilespmem:s10+$0xFFFFFD90]  }
0x237: {  	vm0 =	vgt.f32 v36, $0.0e+00;
	v48 =	vld [tilespmem:s13+$0xFFFFFFE0];
	(erf) = vpow2.f32 v41;
	[tilespmem:s21+$0xFFFFFF20] =	vst v62;
	v37 =	vmul.f32 v57, v61  }
0x238: {  	v36 =	vsel vm0, v36, v53;
	v53 =	vperm.xlane v12, v9;
	v55 =	vld [tilespmem:s10+$0xFFFFFD00];
	[tilespmem:s21+$0x60] =	vst v38;
	v57 =	vmul.f32 v60, v39  }
0x239: {  	v56 =	vperm.xlane v23, v7;
	[tilespmem:s21+$0xFFFFFDF0] =	vst v37;
	v58 =	vld [tilespmem:s10+$0xFFFFFE40];
	v30 =	vmul.f32 v63, v30  }
0x23a: {  	v40 =	vperm.xlane v12, v8;
	v59 =	vld [tilespmem:s10+$0xFFFFFBD0];
	v60 =	vmul.f32 v52, v45;
	[tilespmem:s21+$0xE0] =	vst v57  }
0x23b: {  	v61 =	vperm.xlane v31, v7;
	[tilespmem:s21+$0x210] =	vst v30;
	v32 =	vmul.f32 v54, v56;
	v63 =	vld [tilespmem:s10+$0xFFFFFEC0]  }
0x23c: {  	v62 =	vperm.xlane v18, v9;
	v31 =	vperm.xlane v31, v8;
	[tilespmem:s21+$0xFFFFFEA0] =	vst v60;
	v50 =	vld [tilespmem:s10+$0xFFFFFFF0]  }
0x23d: {  	v45 =	vperm.xlane v15, v7;
	v30 =	vsub.f32 v36, v11;
	v49 =	vmul.f32 v55, v61;
	v52 =	vld [tilespmem:s10+$0xFFFFFC80];
	[tilespmem:s21+$0xFFFFFFC0] =	vst v32  }
0x23e: {  	[tilespmem:s21+$0x190] =	vst v33;
	v56 =	vperm.xlane v25, v8;
	v25 =	vperm.xlane v25, v9;
	v54 =	vld [tilespmem:s10+$0xFFFFFDA0]  }
0x23f: {  	v30 =	vmul.f32 $1.442695020e+00, v30;
	[tilespmem:s21+$0xFFFFFF30] =	vst v49;
	v37 =	vmul.f32 v58, v62;
	v58 =	vld [tilespmem:s10+$0xFFFFFF70]  }
0x240: {  	v55 =	vmul.f32 v59, v51;
	v59 =	vperm.xlane v23, v8;
	v57 =	vld [tilespmem:s10+$0xFFFFFD10]  }
0x241: {  	v28 =	vadd.f32 v28, v48;
	v36 =	vld [tilespmem:s14+$0xFFFFFFC0];
	(erf) = vpow2.f32 v30;
	[tilespmem:s21+$0x70] =	vst v37;
	v30 =	vmul.f32 v63, v40  }
0x242: {  	v26 =	vadd.f32 v26, v35;
	v62 =	vperm.xlane v18, v10;
	[tilespmem:s21+$0xFFFFFE00] =	vst v55;
	v60 =	vld [tilespmem:s10+$0xFFFFFE50];
	v38 =	vmul.f32 v52, v56  }
0x243: {  	v18 =	vmul.f32 $2.000000030e-01, v28;
	v61 =	vld [tilespmem:s10+$0xFFFFFBE0];
	[tilespmem:s21+$0xF0] =	vst v30;
	v30 =	vmul.f32 v54, v59  }
0x244: {  	v34 =	vmul.f32 v50, v34;
	v52 =	vmul.f32 $2.000000030e-01, v26;
	v63 =	vld [tilespmem:s10+$0xFFFFFED0];
	[tilespmem:s21+$0xFFFFFEB0] =	vst v38  }
0x245: {  	vm0 =	vgt.f32 v28, $0.0e+00;
	v19 =	vmul.f32 v58, v19;
	v31 =	vmul.f32 v57, v31;
	v47 =	vld [tilespmem:s10+$0xFFFFFC90];
	[tilespmem:s21+$0xFFFFFFD0] =	vst v30  }
0x246: {  	v46 =	vpop (erf);
	v54 =	vperm.xlane v15, v8;
	v30 =	vperm.xlane v12, v10;
	v12 =	vsel vm0, v28, v18;
	v28 =	vld [tilespmem:s10+$0xFFFFFDB0]  }
0x247: {  	v51 =	vld [tilespmem:s13+$0xFFFFFFB0];
	v18 =	vmul.f32 v1, v46;
	[tilespmem:s21+$0xFFFFFF40] =	vst v31;
	v31 =	vmul.f32 v60, v62  }
0x248: {  	[tilespmem:s21+$0x220] =	vst v34;
	v48 =	vmul.f32 v61, v45;
	vm0 =	vgt.f32 v26, $0.0e+00;
	v61 =	vperm.xlane v23, v10;
	v49 =	vld [tilespmem:s10+$0xFFFFFD20]  }
0x249: {  	v57 =	vld [tilespmem:s14+$0xFFFFFFB0];
	[tilespmem:s21+$0x1A0] =	vst v19;
	v50 =	vsub.f32 v12, v11;
	v26 =	vsel vm0, v26, v52;
	v58 =	vperm.xlane v18, v2  }
0x24a: {  	[tilespmem:s21+$0xFFFFFE10] =	vst v48;
	v26 =	vsub.f32 v26, v11;
	v32 =	vmul.f32 v63, v53;
	v53 =	vld [tilespmem:s24+$0xFFFFFF80];
	v25 =	vmul.f32 v47, v25  }
0x24b: {  	v55 =	vpop (erf);
	[tilespmem:s21+$0x80] =	vst v31;
	v38 =	vmul.f32 $1.442695020e+00, v50;
	v56 =	vld [tilespmem:s10+$0xFFFFFBF0];
	v28 =	vmul.f32 v28, v29  }
0x24c: {  	v19 =	vmul.f32 v1, v55;
	v26 =	vmul.f32 $1.442695020e+00, v26;
	v29 =	vld [tilespmem:s10+$0x0];
	[tilespmem:s21+$0xFFFFFEC0] =	vst v25  }
0x24d: {  	(erf) = vpow2.f32 v38;
	v25 =	vmul.f32 v49, v27;
	v60 =	vld [tilespmem:s10+$0xFFFFFCA0];
	[tilespmem:s21+$0xFFFFFFE0] =	vst v28  }
0x24e: {  	v12 =	vperm.xlane v18, v10;
	v31 =	vadd.f32 v57, v51;
	v59 =	vperm.xlane v19, v2;
	[tilespmem:s21+$0x100] =	vst v32;
	v62 =	vld [tilespmem:s10+$0xFFFFFDC0]  }
0x24f: {  	(erf) = vpow2.f32 v26;
	v26 =	vld [tilespmem:s10+$0xFFFFFEE0];
	[tilespmem:s21+$0xFFFFFF50] =	vst v25;
	v25 =	vmul.f32 v53, v58  }
0x250: {  	s12 =	simm.s32 $0x1C7C0;
	v33 =	vmul.f32 $2.000000030e-01, v31;
	v27 =	vadd.f32 v36, v22;
	v63 =	vmul.f32 v56, v54;
	v28 =	vld [tilespmem:s14+$0xFFFFFF90]  }
0x251: {  	v23 =	vld [tilespmem:s10+$0xFFFFFD30];
	[tilespmem:s12+$0x1B0] =	vst v25;
	v21 =	vmul.f32 v29, v21;
	v29 =	vmul.f32 v20, v59  }
0x252: {  	v32 =	vmul.f32 $2.000000030e-01, v27;
	[tilespmem:s21+$0xFFFFFE20] =	vst v63;
	v20 =	vperm.xlane v15, v9;
	v22 =	vld [tilespmem:s24+$0xFFFFFF90]  }
0x253: {  	s30 =	simm.s32 $0x8;
	vm0 =	vgt.f32 v31, $0.0e+00;
	v25 =	vld [tilespmem:s10+$0xFFFFFC00];
	v24 =	vmul.f32 v60, v24;
	[tilespmem:s12+$0x120] =	vst v29;
	v29 =	vmul.f32 v62, v61  }
.LBB2_7:
0x254: {  	s30 =	sadd.s32 $0x8, s30;
	vm1 =	vgt.f32 v27, $0.0e+00;
	v34 =	vperm.xlane v19, v3;
	v35 =	vld [tilespmem:s24+$0xFFFFFF00];
	v36 =	vperm.xlane v19, v4;
	[tilespmem:s21+$0x230] =	vst v21  }
0x255: {  	v14 =	vadd.f32 v14, v16;
	p0 =	slt.u32 s30, $0x38;
	v13 =	vadd.f32 v28, v13;
	v16 =	vsel vm0, v31, v33;
	[tilespmem:s21+$0xFFFFFFF0] =	vst v29  }
0x256: {  	v27 =	vsel vm1, v27, v32;
	v28 =	vperm.xlane v18, v3;
	v16 =	vsub.f32 v16, v11;
	v21 =	vpop (erf)  }
0x257: {  	v29 =	vmul.f32 $2.000000030e-01, v14;
	v26 =	vmul.f32 v26, v30;
	vm0 =	vgt.f32 v13, $0.0e+00;
	v39 =	vld [tilespmem:s24+$0xFFFFFD40]  }
0x258: {  	v17 =	vmul.f32 v23, v17;
	vm1 =	vgt.f32 v14, $0.0e+00;
	v16 =	vmul.f32 $1.442695020e+00, v16;
	v40 =	vld [tilespmem:s24+$0xFFFFFCB0]  }
0x259: {  	v21 =	vmul.f32 v1, v21;
	v14 =	vsel vm1, v14, v29;
	v20 =	vmul.f32 v25, v20;
	v29 =	vld [tilespmem:s24+$0xFFFFFC20];
	v23 =	vpop (erf);
	[tilespmem:s21+$0x110] =	vst v26  }
0x25a: {  	v25 =	vmul.f32 $2.000000030e-01, v13;
	v14 =	vsub.f32 v14, v11;
	v30 =	vmul.f32 v35, v34;
	v26 =	vld [tilespmem:s24+$0xFFFFFDD0];
	[tilespmem:s21+$0xFFFFFED0] =	vst v24  }
0x25b: {  	v15 =	vperm.xlane v15, v10;
	v24 =	vsub.f32 v27, v11;
	v23 =	vmul.f32 v1, v23;
	v27 =	vld [tilespmem:s24+$0xFFFFFE60];
	[tilespmem:s21+$0xFFFFFE30] =	vst v20  }
0x25c: {  	v13 =	vsel vm0, v13, v25;
	v14 =	vmul.f32 $1.442695020e+00, v14;
	[tilespmem:s12+$0x130] =	vst v30;
	(erf) = vpow2.f32 v16;
	v25 =	vld [tilespmem:s10+$0xFFFFFC10];
	s10 =	smov.u32 s24  }
0x25d: {  	s13 =	sadd.s32 $0x80, s13;
	v20 =	vsub.f32 v13, v11;
	v16 =	vmul.f32 $1.442695020e+00, v24;
	v24 =	vperm.xlane v23, v2;
	v30 =	vld [tilespmem:s24+$0xFFFFFF10];
	[tilespmem:s21+$0xFFFFFF60] =	vst v17  }
0x25e: {  	s14 =	sadd.s32 $0x80, s14;
	v17 =	vperm.xlane v21, v2;
	v13 =	vld [tilespmem:s13+$0xFFFFFF90];
	(erf) = vpow2.f32 v14  }
0x25f: {  	v14 =	vld [tilespmem:s14+$0xFFFFFFA0];
	v24 =	vmul.f32 v26, v24;
	(erf) = vpow2.f32 v16  }
0x260: {  	s24 =	sadd.s32 $0x480, s24;
	v26 =	vmul.f32 $1.442695020e+00, v20;
	v16 =	vld [tilespmem:s13+$0xFFFFFFA0];
	v17 =	vmul.f32 v27, v17  }
0x261: {  	v22 =	vmul.f32 v22, v28;
	v20 =	vld [tilespmem:s24+$0xFFFFFEF0];
	[tilespmem:s12+$0x0] =	vst v24;
	v15 =	vmul.f32 v25, v15  }
0x262: {  	v24 =	vld [tilespmem:s10+$0xFFFFFDE0];
	[tilespmem:s12+$0x90] =	vst v17;
	v17 =	vmul.f32 v30, v36;
	(erf) = vpow2.f32 v26  }
0x263: {  	v31 =	vperm.xlane v18, v8;
	v25 =	vperm.xlane v21, v3;
	v28 =	vld [tilespmem:s10+$0xFFFFFE70];
	[tilespmem:s12+$0x1C0] =	vst v22  }
0x264: {  	v33 =	vperm.xlane v19, v9;
	v34 =	vperm.xlane v18, v4;
	[tilespmem:s12+$0x140] =	vst v17;
	v35 =	vld [tilespmem:s10+$0xFFFFFFA0]  }
0x265: {  	v26 =	vperm.xlane v19, v10;
	v17 =	vperm.xlane v23, v3;
	v36 =	vld [tilespmem:s10+$0xFFFFFF20];
	v27 =	vpop (erf);
	[tilespmem:s21+$0xFFFFFE40] =	vst v15;
	s21 =	smov.u32 s12  }
0x266: {  	v41 =	vperm.xlane v23, v4;
	v15 =	vperm.xlane v19, v5;
	v22 =	vld [tilespmem:s13+$0xFFFFFFC0]  }
0x267: {  	v32 =	vmul.f32 v1, v27;
	v30 =	vld [tilespmem:s14+$0xFFFFFFE0];
	v17 =	vmul.f32 v24, v17;
	v24 =	vpop (erf)  }
0x268: {  	v37 =	vld [tilespmem:s14+$0xFFFFFFF0];
	v27 =	vmul.f32 v1, v24;
	v42 =	vmul.f32 v28, v25;
	v24 =	vpop (erf)  }
0x269: {  	v25 =	vperm.xlane v32, v2;
	v38 =	vld [tilespmem:s13+$0xFFFFFFF0];
	v24 =	vmul.f32 v1, v24;
	[tilespmem:s12+$0x10] =	vst v17  }
0x26a: {  	v17 =	vperm.xlane v32, v10;
	v43 =	vperm.xlane v27, v2;
	v44 =	vld [tilespmem:s10+$0xFFFFFDF0]  }
0x26b: {  	v46 =	vperm.xlane v27, v3;
	v45 =	vld [tilespmem:s14+$0x0];
	v47 =	vperm.xlane v24, v2;
	v48 =	vpop (erf)  }
0x26c: {  	v25 =	vmul.f32 v40, v25;
	v28 =	vld [tilespmem:s14+$0xFFFFFFD0];
	v29 =	vmul.f32 v29, v43  }
0x26d: {  	v36 =	vmul.f32 v36, v15;
	v40 =	vld [tilespmem:s13+$0x0];
	v39 =	vmul.f32 v39, v47  }
0x26e: {  	v35 =	vmul.f32 v35, v34;
	v47 =	vperm.xlane v21, v4;
	v43 =	vld [tilespmem:s10+$0xFFFFFB90];
	[tilespmem:s12+$0xFFFFFE50] =	vst v29  }
0x26f: {  	v15 =	vmul.f32 v1, v48;
	v48 =	vld [tilespmem:s10+$0xFFFFFC30];
	[tilespmem:s12+$0xFFFFFF70] =	vst v39;
	v29 =	vmul.f32 v44, v41  }
0x270: {  	v39 =	vperm.xlane v32, v3;
	v44 =	vperm.xlane v19, v6;
	[tilespmem:s12+$0xFFFFFEE0] =	vst v25;
	v41 =	vld [tilespmem:s10+$0xFFFFFD50]  }
0x271: {  	v25 =	vperm.xlane v15, v2;
	v49 =	vld [tilespmem:s10+$0xFFFFFCC0];
	[tilespmem:s12+$0x150] =	vst v36;
	v36 =	vperm.xlane v18, v5  }
0x272: {  	v34 =	vperm.xlane v18, v9;
	v50 =	vperm.xlane v24, v3;
	[tilespmem:s12+$0x20] =	vst v29;
	v51 =	vld [tilespmem:s10+$0xFFFFFF30]  }
0x273: {  	v29 =	vperm.xlane v32, v9;
	v43 =	vmul.f32 v43, v25;
	v52 =	vld [tilespmem:s10+$0xFFFFFE00];
	[tilespmem:s12+$0x1D0] =	vst v35  }
0x274: {  	v25 =	vperm.xlane v27, v10;
	v35 =	vmul.f32 v48, v46;
	[tilespmem:s12+$0xA0] =	vst v42;
	v42 =	vld [tilespmem:s10+$0xFFFFFFB0]  }
0x275: {  	[tilespmem:s12+$0xFFFFFDC0] =	vst v43;
	v41 =	vmul.f32 v41, v50;
	v43 =	vperm.xlane v23, v5;
	v46 =	vld [tilespmem:s10+$0xFFFFFE80]  }
0x276: {  	v48 =	vld [tilespmem:s10+$0xFFFFFBA0];
	[tilespmem:s12+$0xFFFFFE60] =	vst v35;
	v35 =	vmul.f32 v49, v39;
	v39 =	vperm.xlane v19, v7  }
0x277: {  	v49 =	vld [tilespmem:s10+$0xFFFFFC40];
	[tilespmem:s12+$0xFFFFFF80] =	vst v41;
	v41 =	vperm.xlane v21, v5;
	v44 =	vmul.f32 v51, v44  }
0x278: {  	[tilespmem:s12+$0xFFFFFEF0] =	vst v35;
	v50 =	vld [tilespmem:s10+$0xFFFFFD60];
	v35 =	vmul.f32 v52, v43;
	v43 =	vperm.xlane v18, v6  }
0x279: {  	v51 =	vperm.xlane v15, v3;
	v52 =	vperm.xlane v27, v4;
	v53 =	vld [tilespmem:s10+$0xFFFFFCD0];
	[tilespmem:s12+$0x160] =	vst v44  }
0x27a: {  	v44 =	vperm.xlane v24, v4;
	[tilespmem:s12+$0x30] =	vst v35;
	v46 =	vmul.f32 v46, v47;
	v47 =	vld [tilespmem:s10+$0xFFFFFF40]  }
0x27b: {  	v36 =	vmul.f32 v42, v36;
	v48 =	vmul.f32 v48, v51;
	v51 =	vld [tilespmem:s10+$0xFFFFFE10]  }
0x27c: {  	v35 =	vld [tilespmem:s13+$0xFFFFFFD0];
	v42 =	vmul.f32 v49, v52;
	v49 =	vperm.xlane v32, v4;
	[tilespmem:s12+$0xB0] =	vst v46  }
0x27d: {  	v46 =	vperm.xlane v23, v6;
	v44 =	vmul.f32 v50, v44;
	v50 =	vld [tilespmem:s10+$0xFFFFFE90];
	[tilespmem:s12+$0x1E0] =	vst v36  }
0x27e: {  	v19 =	vperm.xlane v19, v8;
	[tilespmem:s12+$0xFFFFFE70] =	vst v42;
	v36 =	vmul.f32 v53, v49;
	v42 =	vld [tilespmem:s10+$0xFFFFFFC0]  }
0x27f: {  	v49 =	vld [tilespmem:s10+$0xFFFFFC50];
	[tilespmem:s12+$0xFFFFFF90] =	vst v44;
	v44 =	vperm.xlane v21, v6;
	v39 =	vmul.f32 v47, v39  }
0x280: {  	v18 =	vperm.xlane v18, v7;
	[tilespmem:s12+$0xFFFFFF00] =	vst v36;
	v47 =	vld [tilespmem:s10+$0xFFFFFD70];
	v46 =	vmul.f32 v51, v46  }
0x281: {  	v51 =	vperm.xlane v27, v5;
	v36 =	vperm.xlane v24, v9;
	v52 =	vld [tilespmem:s10+$0xFFFFFCE0];
	[tilespmem:s12+$0x170] =	vst v39  }
0x282: {  	v39 =	vperm.xlane v24, v5;
	[tilespmem:s12+$0x40] =	vst v46;
	v41 =	vmul.f32 v50, v41;
	v46 =	vld [tilespmem:s10+$0xFFFFFF50]  }
0x283: {  	v40 =	vadd.f32 v45, v40;
	v45 =	vperm.xlane v15, v4;
	[tilespmem:s12+$0xFFFFFDD0] =	vst v48;
	v48 =	vld [tilespmem:s10+$0xFFFFFE20];
	v42 =	vmul.f32 v42, v43  }
0x284: {  	v50 =	vperm.xlane v32, v5;
	v43 =	vld [tilespmem:s10+$0xFFFFFBB0];
	v49 =	vmul.f32 v49, v51;
	[tilespmem:s12+$0xC0] =	vst v41  }
0x285: {  	v41 =	vperm.xlane v23, v7;
	v39 =	vmul.f32 v47, v39;
	v47 =	vld [tilespmem:s10+$0xFFFFFEA0];
	[tilespmem:s12+$0x1F0] =	vst v42  }
0x286: {  	v42 =	vperm.xlane v27, v7;
	[tilespmem:s12+$0xFFFFFE80] =	vst v49;
	v49 =	vmul.f32 v52, v50;
	v50 =	vld [tilespmem:s10+$0xFFFFFFD0]  }
0x287: {  	v51 =	vld [tilespmem:s10+$0xFFFFFC60];
	[tilespmem:s12+$0xFFFFFFA0] =	vst v39;
	v39 =	vperm.xlane v21, v7;
	v19 =	vmul.f32 v46, v19  }
0x288: {  	v46 =	vmul.f32 $2.000000030e-01, v40;
	[tilespmem:s12+$0xFFFFFF10] =	vst v49;
	v49 =	vld [tilespmem:s10+$0xFFFFFD80];
	v41 =	vmul.f32 v48, v41  }
0x289: {  	vm0 =	vgt.f32 v40, $0.0e+00;
	v43 =	vmul.f32 v43, v45;
	v45 =	vperm.xlane v27, v6;
	v48 =	vld [tilespmem:s10+$0xFFFFFCF0];
	[tilespmem:s12+$0x180] =	vst v19  }
0x28a: {  	v19 =	vsel vm0, v40, v46;
	v40 =	vperm.xlane v24, v6;
	[tilespmem:s12+$0x50] =	vst v41;
	v41 =	vmul.f32 v47, v44;
	v44 =	vld [tilespmem:s10+$0xFFFFFF60]  }
0x28b: {  	v37 =	vadd.f32 v37, v38;
	v19 =	vsub.f32 v19, v11;
	[tilespmem:s12+$0xFFFFFDE0] =	vst v43;
	v38 =	vld [tilespmem:s10+$0xFFFFFE30];
	v18 =	vmul.f32 v50, v18  }
0x28c: {  	v46 =	vperm.xlane v32, v6;
	v43 =	vld [tilespmem:s10+$0xFFFFFBC0];
	v45 =	vmul.f32 v51, v45;
	[tilespmem:s12+$0xD0] =	vst v41  }
0x28d: {  	v41 =	vperm.xlane v23, v8;
	v40 =	vmul.f32 v49, v40;
	v47 =	vld [tilespmem:s10+$0xFFFFFEB0];
	[tilespmem:s12+$0x200] =	vst v18  }
0x28e: {  	v18 =	vperm.xlane v15, v5;
	[tilespmem:s12+$0xFFFFFE90] =	vst v45;
	v45 =	vmul.f32 v48, v46;
	v46 =	vld [tilespmem:s10+$0xFFFFFFE0]  }
0x28f: {  	v48 =	vld [tilespmem:s10+$0xFFFFFC70];
	[tilespmem:s12+$0xFFFFFFB0] =	vst v40;
	v40 =	vperm.xlane v21, v8;
	v33 =	vmul.f32 v44, v33  }
0x290: {  	v44 =	vmul.f32 $2.000000030e-01, v37;
	[tilespmem:s12+$0xFFFFFF20] =	vst v45;
	v45 =	vld [tilespmem:s10+$0xFFFFFD90];
	v38 =	vmul.f32 v38, v41  }
0x291: {  	vm0 =	vgt.f32 v37, $0.0e+00;
	v19 =	vmul.f32 $1.442695020e+00, v19;
	v18 =	vmul.f32 v43, v18;
	v41 =	vld [tilespmem:s10+$0xFFFFFD00];
	[tilespmem:s12+$0x190] =	vst v33  }
0x292: {  	v37 =	vsel vm0, v37, v44;
	v43 =	vperm.xlane v24, v7;
	v33 =	vld [tilespmem:s13+$0xFFFFFFE0];
	[tilespmem:s12+$0x60] =	vst v38;
	v38 =	vmul.f32 v47, v39  }
0x293: {  	v37 =	vsub.f32 v37, v11;
	(erf) = vpow2.f32 v19;
	[tilespmem:s12+$0xFFFFFDF0] =	vst v18;
	v18 =	vld [tilespmem:s10+$0xFFFFFE40];
	v19 =	vmul.f32 v46, v31  }
0x294: {  	v31 =	vld [tilespmem:s10+$0xFFFFFBD0];
	v39 =	vmul.f32 v48, v42;
	v42 =	vperm.xlane v32, v7;
	[tilespmem:s12+$0xE0] =	vst v38  }
0x295: {  	v38 =	vmul.f32 v45, v43;
	v43 =	vperm.xlane v23, v9;
	v44 =	vld [tilespmem:s10+$0xFFFFFEC0];
	[tilespmem:s12+$0x210] =	vst v19  }
0x296: {  	v32 =	vperm.xlane v32, v8;
	[tilespmem:s12+$0xFFFFFEA0] =	vst v39;
	v19 =	vmul.f32 v41, v42;
	v39 =	vld [tilespmem:s10+$0xFFFFFFF0]  }
0x297: {  	v41 =	vperm.xlane v15, v6;
	v42 =	vld [tilespmem:s10+$0xFFFFFC80];
	[tilespmem:s12+$0xFFFFFFC0] =	vst v38;
	v38 =	vperm.xlane v21, v9  }
0x298: {  	v37 =	vmul.f32 $1.442695020e+00, v37;
	[tilespmem:s12+$0xFFFFFF30] =	vst v19;
	v19 =	vld [tilespmem:s10+$0xFFFFFDA0];
	v18 =	vmul.f32 v18, v43  }
0x299: {  	v31 =	vmul.f32 v31, v41;
	v41 =	vperm.xlane v27, v8;
	v43 =	vld [tilespmem:s10+$0xFFFFFD10]  }
0x29a: {  	(erf) = vpow2.f32 v37;
	[tilespmem:s12+$0x70] =	vst v18;
	v18 =	vmul.f32 v44, v40;
	v37 =	vld [tilespmem:s10+$0xFFFFFF70]  }
0x29b: {  	v30 =	vadd.f32 v30, v33;
	[tilespmem:s12+$0xFFFFFE00] =	vst v31;
	v31 =	vperm.xlane v24, v8;
	v33 =	vld [tilespmem:s10+$0xFFFFFE50];
	v34 =	vmul.f32 v39, v34  }
0x29c: {  	v23 =	vperm.xlane v23, v10;
	v39 =	vpop (erf);
	v40 =	vld [tilespmem:s10+$0xFFFFFBE0];
	v41 =	vmul.f32 v42, v41;
	[tilespmem:s12+$0xF0] =	vst v18  }
0x29d: {  	vm0 =	vgt.f32 v30, $0.0e+00;
	v18 =	vmul.f32 $2.000000030e-01, v30;
	v19 =	vmul.f32 v19, v31;
	v31 =	vld [tilespmem:s10+$0xFFFFFED0];
	[tilespmem:s12+$0x220] =	vst v34  }
0x29e: {  	v42 =	vperm.xlane v15, v7;
	v34 =	vld [tilespmem:s14+$0xFFFFFFC0];
	[tilespmem:s12+$0xFFFFFEB0] =	vst v41;
	v32 =	vmul.f32 v43, v32  }
0x29f: {  	v18 =	vsel vm0, v30, v18;
	v30 =	vperm.xlane v21, v10;
	v41 =	vld [tilespmem:s10+$0xFFFFFC90];
	[tilespmem:s12+$0xFFFFFFD0] =	vst v19;
	v19 =	vmul.f32 v37, v26  }
0x2a0: {  	v21 =	vsub.f32 v18, v11;
	v18 =	vmul.f32 v1, v39;
	[tilespmem:s12+$0xFFFFFF40] =	vst v32;
	v26 =	vld [tilespmem:s10+$0xFFFFFDB0];
	v23 =	vmul.f32 v33, v23  }
0x2a1: {  	v28 =	vadd.f32 v28, v35;
	v27 =	vperm.xlane v27, v9;
	v32 =	vmul.f32 v40, v42;
	v33 =	vld [tilespmem:s10+$0xFFFFFD20];
	[tilespmem:s12+$0x1A0] =	vst v19  }
0x2a2: {  	v37 =	vperm.xlane v18, v10;
	v35 =	vld [tilespmem:s13+$0xFFFFFFB0];
	[tilespmem:s12+$0x80] =	vst v23;
	v19 =	vmul.f32 v31, v38  }
0x2a3: {  	vm0 =	vgt.f32 v28, $0.0e+00;
	v23 =	vmul.f32 $2.000000030e-01, v28;
	v31 =	vld [tilespmem:s24+$0xFFFFFF80];
	v38 =	vpop (erf);
	[tilespmem:s12+$0xFFFFFE10] =	vst v32;
	v32 =	vperm.xlane v15, v8  }
0x2a4: {  	v21 =	vmul.f32 $1.442695020e+00, v21;
	v39 =	vld [tilespmem:s10+$0xFFFFFBF0];
	v27 =	vmul.f32 v41, v27;
	[tilespmem:s12+$0x100] =	vst v19  }
0x2a5: {  	v23 =	vsel vm0, v28, v23;
	v19 =	vmul.f32 v1, v38;
	v26 =	vmul.f32 v26, v36;
	v36 =	vld [tilespmem:s10+$0x0]  }
0x2a6: {  	v28 =	vperm.xlane v18, v2;
	v23 =	vsub.f32 v23, v11;
	v38 =	vld [tilespmem:s14+$0xFFFFFFB0];
	[tilespmem:s12+$0xFFFFFEC0] =	vst v27;
	v27 =	vmul.f32 v33, v29  }
0x2a7: {  	v29 =	vperm.xlane v19, v2;
	(erf) = vpow2.f32 v21;
	v33 =	vld [tilespmem:s10+$0xFFFFFCA0];
	[tilespmem:s12+$0xFFFFFFE0] =	vst v26  }
0x2a8: {  	v40 =	vperm.xlane v24, v10;
	v21 =	vmul.f32 $1.442695020e+00, v23;
	[tilespmem:s12+$0xFFFFFF50] =	vst v27;
	v41 =	vld [tilespmem:s10+$0xFFFFFDC0]  }
.Ltmp2:
0x2a9: {  	v24 =	vmul.f32 v31, v28;
	s12 =	sadd.s32 $0x480, s12;
	v39 =	vmul.f32 v39, v32;
	v23 =	vld [tilespmem:s10+$0xFFFFFD30];
	(pc) =	sbr.rel @p0 .LBB2_7-.Ltmp2, $4  }
0x2aa: {  	v27 =	vadd.f32 v34, v22;
	v28 =	vld [tilespmem:s14+$0xFFFFFF90];
	(erf) = vpow2.f32 v21;
	v21 =	vmul.f32 v36, v12;
	v12 =	vmovc v37  }
0x2ab: {  	v29 =	vmul.f32 v20, v29;
	v20 =	vperm.xlane v15, v9;
	v31 =	vadd.f32 v38, v35;
	[tilespmem:s12+$0x1B0] =	vst v24;
	v26 =	vld [tilespmem:s10+$0xFFFFFEE0]  }
0x2ac: {  	v32 =	vmul.f32 $2.000000030e-01, v27;
	v22 =	vld [tilespmem:s24+$0xFFFFFF90];
	[tilespmem:s21+$0xFFFFFE20] =	vst v39;
	v24 =	vmul.f32 v33, v25  }
0x2ad: {  	vm0 =	vgt.f32 v31, $0.0e+00;
	v33 =	vmul.f32 $2.000000030e-01, v31;
	[tilespmem:s12+$0x120] =	vst v29;
	v25 =	vld [tilespmem:s10+$0xFFFFFC00];
	v29 =	vmul.f32 v41, v40  }
0x2ae: {  	v14 =	vadd.f32 v14, v16;
	_ =	sdelay $0x1  }
0x2af: {  	vm1 =	vgt.f32 v27, $0.0e+00;
	v31 =	vsel vm0, v31, v33;
	v16 =	vmul.f32 $2.000000030e-01, v14  }
0x2b0: {  	v13 =	vadd.f32 v28, v13;
	vm14 =	vgt.f32 v14, $0.0e+00;
	v31 =	vsub.f32 v31, v11  }
0x2b1: {  	v39 =	vsel vm1, v27, v32;
	v14 =	vsel vm14, v14, v16  }
0x2b2: {  	v28 =	vmul.f32 $2.000000030e-01, v13;
	v40 =	vmul.f32 $1.442695020e+00, v31;
	v14 =	vsub.f32 v14, v11  }
0x2b3: {  	vm15 =	vgt.f32 v13, $0.0e+00;
	v16 =	vsub.f32 v39, v11  }
0x2b4: {  	v13 =	vsel vm15, v13, v28;
	(erf) = vpow2.f32 v40;
	v14 =	vmul.f32 $1.442695020e+00, v14  }
0x2b5: {  	v16 =	vmul.f32 $1.442695020e+00, v16;
	v13 =	vsub.f32 v13, v11  }
0x2b6: {  	(erf) = vpow2.f32 v14  }
0x2b7: {  	v13 =	vmul.f32 $1.442695020e+00, v13;
	(erf) = vpow2.f32 v16;
	_ =	sdelay $0x1  }
0x2b8: {  	v41 =	vld [tilespmem:s24+$0xFFFFFF00];
	v42 =	vpop (erf);
	(erf) = vpow2.f32 v13  }
0x2b9: {  	v44 =	vperm.xlane v19, v3;
	v45 =	vld [tilespmem:s24+$0xFFFFFDD0];
	v43 =	vpop (erf)  }
0x2ba: {  	v23 =	vmul.f32 v23, v17;
	v16 =	vmul.f32 v1, v43  }
0x2bb: {  	v50 =	vld [tilespmem:s24+$0xFFFFFE60];
	v26 =	vmul.f32 v26, v30;
	v25 =	vmul.f32 v25, v20  }
0x2bc: {  	[tilespmem:s21+$0x230] =	vst v21;
	v54 =	vld [tilespmem:s24+$0xFFFFFCB0];
	v13 =	vmul.f32 v1, v42;
	v51 =	vperm.xlane v16, v2;
	v46 =	vpop (erf)  }
0x2bd: {  	[tilespmem:s21+$0xFFFFFED0] =	vst v24;
	v27 =	vmul.f32 v41, v44;
	v17 =	vmul.f32 v1, v46  }
0x2be: {  	v52 =	vld [tilespmem:s24+$0xFFFFFC20];
	[tilespmem:s21+$0xFFFFFF60] =	vst v23;
	v53 =	vperm.xlane v13, v2;
	v55 =	vmul.f32 v45, v51;
	v47 =	vpop (erf)  }
0x2bf: {  	v48 =	vld [tilespmem:s24+$0xFFFFFD40];
	[tilespmem:s21+$0x110] =	vst v26;
	v62 =	vperm.xlane v17, v2;
	v49 =	vpop (erf);
	v14 =	vmul.f32 v1, v47  }
0x2c0: {  	[tilespmem:s21+$0xFFFFFE30] =	vst v25;
	v60 =	vmul.f32 v50, v53;
	v20 =	vmul.f32 v1, v49  }
0x2c1: {  	v59 =	vld [tilespmem:s24+$0xFFFFFB90];
	[tilespmem:s12+$0x0] =	vst v55;
	v58 =	vpop (erf);
	v38 =	vmul.f32 v54, v62;
	v57 =	vperm.xlane v14, v2  }
0x2c2: {  	[tilespmem:s12+$0x130] =	vst v27;
	v61 =	vld [tilespmem:s24+$0xFFFFFDE0];
	v21 =	vmul.f32 v1, v58;
	v56 =	vperm.xlane v20, v2  }
0x2c3: {  	v37 =	vperm.xlane v18, v3;
	v63 =	vld [tilespmem:s24+$0xFFFFFF10];
	[tilespmem:s12+$0x90] =	vst v60;
	v27 =	vmul.f32 v52, v57  }
0x2c4: {  	v40 =	vld [tilespmem:s24+$0xFFFFFE70];
	[tilespmem:s12+$0xFFFFFEE0] =	vst v38;
	v36 =	vperm.xlane v21, v2;
	v25 =	vmul.f32 v48, v56  }
0x2c5: {  	v22 =	vmul.f32 v22, v37;
	v41 =	vperm.xlane v16, v3;
	v45 =	vld [tilespmem:s24+$0xFFFFFCC0];
	[tilespmem:s12+$0xFFFFFE50] =	vst v27  }
0x2c6: {  	v42 =	vperm.xlane v19, v4;
	[tilespmem:s12+$0xFFFFFF70] =	vst v25;
	v25 =	vmul.f32 v59, v36;
	v43 =	vld [tilespmem:s24+$0xFFFFFC30]  }
0x2c7: {  	[tilespmem:s12+$0x1C0] =	vst v22;
	v44 =	vmul.f32 v61, v41;
	v48 =	vperm.xlane v13, v3;
	v39 =	vld [tilespmem:s24+$0xFFFFFD50]  }
0x2c8: {  	v50 =	vld [tilespmem:s10+$0xFFFFFC10];
	v47 =	vmul.f32 v63, v42;
	v54 =	vperm.xlane v17, v3;
	[tilespmem:s12+$0xFFFFFDC0] =	vst v25  }
0x2c9: {  	v51 =	vperm.xlane v14, v3;
	[tilespmem:s12+$0x10] =	vst v44;
	v52 =	vmul.f32 v40, v48;
	v49 =	vld [tilespmem:s24+$0xFFFFFBA0]  }
0x2ca: {  	[tilespmem:s12+$0x140] =	vst v47;
	v46 =	vperm.xlane v20, v3;
	v53 =	vld [tilespmem:s24+$0xFFFFFDF0];
	v24 =	vmul.f32 v45, v54  }
0x2cb: {  	v15 =	vperm.xlane v15, v10;
	v55 =	vld [tilespmem:s24+$0xFFFFFFA0];
	[tilespmem:s12+$0xA0] =	vst v52;
	v23 =	vmul.f32 v43, v51  }
0x2cc: {  	v56 =	vperm.xlane v21, v3;
	v59 =	vld [tilespmem:s24+$0xFFFFFE80];
	[tilespmem:s12+$0xFFFFFEF0] =	vst v24;
	v26 =	vmul.f32 v39, v46  }
0x2cd: {  	v15 =	vmul.f32 v50, v15;
	v58 =	vperm.xlane v16, v4;
	v63 =	vld [tilespmem:s24+$0xFFFFFCD0];
	[tilespmem:s12+$0xFFFFFE60] =	vst v23  }
0x2ce: {  	v60 =	vperm.xlane v18, v4;
	[tilespmem:s12+$0xFFFFFF80] =	vst v26;
	v22 =	vmul.f32 v49, v56;
	v61 =	vld [tilespmem:s24+$0xFFFFFC40]  }
0x2cf: {  	v34 =	vperm.xlane v13, v4;
	[tilespmem:s21+$0xFFFFFE40] =	vst v15;
	v62 =	vmul.f32 v53, v58;
	v57 =	vld [tilespmem:s24+$0xFFFFFD60]  }
0x2d0: {  	v35 =	vmul.f32 v55, v60;
	v37 =	vld [tilespmem:s24+$0xFFFFFF20];
	v40 =	vperm.xlane v17, v4;
	[tilespmem:s12+$0xFFFFFDD0] =	vst v22  }
0x2d1: {  	v38 =	vperm.xlane v14, v4;
	[tilespmem:s12+$0x20] =	vst v62;
	v15 =	vmul.f32 v59, v34;
	v36 =	vld [tilespmem:s24+$0xFFFFFBB0]  }
0x2d2: {  	v33 =	vperm.xlane v20, v4;
	[tilespmem:s12+$0x1D0] =	vst v35;
	v39 =	vld [tilespmem:s24+$0xFFFFFE00];
	v44 =	vmul.f32 v63, v40  }
0x2d3: {  	v41 =	vld [tilespmem:s24+$0xFFFFFFB0];
	v43 =	vperm.xlane v19, v5;
	[tilespmem:s12+$0xB0] =	vst v15;
	v24 =	vmul.f32 v61, v38  }
0x2d4: {  	v42 =	vperm.xlane v21, v4;
	v47 =	vld [tilespmem:s24+$0xFFFFFE90];
	[tilespmem:s12+$0xFFFFFF00] =	vst v44;
	v25 =	vmul.f32 v57, v33  }
0x2d5: {  	v46 =	vperm.xlane v16, v5;
	v48 =	vmul.f32 v37, v43;
	v52 =	vld [tilespmem:s24+$0xFFFFFCE0];
	[tilespmem:s12+$0xFFFFFE70] =	vst v24  }
0x2d6: {  	v49 =	vperm.xlane v18, v5;
	[tilespmem:s12+$0xFFFFFF90] =	vst v25;
	v23 =	vmul.f32 v36, v42;
	v50 =	vld [tilespmem:s24+$0xFFFFFC50]  }
0x2d7: {  	v54 =	vperm.xlane v13, v5;
	[tilespmem:s12+$0x150] =	vst v48;
	v51 =	vmul.f32 v39, v46;
	v45 =	vld [tilespmem:s24+$0xFFFFFD70]  }
0x2d8: {  	v60 =	vperm.xlane v17, v5;
	v55 =	vmul.f32 v41, v49;
	v57 =	vld [tilespmem:s24+$0xFFFFFF30];
	[tilespmem:s12+$0xFFFFFDE0] =	vst v23  }
0x2d9: {  	v58 =	vperm.xlane v14, v5;
	[tilespmem:s12+$0x30] =	vst v51;
	v23 =	vmul.f32 v47, v54;
	v56 =	vld [tilespmem:s24+$0xFFFFFBC0]  }
0x2da: {  	v53 =	vperm.xlane v20, v5;
	[tilespmem:s12+$0x1E0] =	vst v55;
	v59 =	vld [tilespmem:s24+$0xFFFFFE10];
	v33 =	vmul.f32 v52, v60  }
0x2db: {  	v63 =	vperm.xlane v19, v6;
	v61 =	vld [tilespmem:s24+$0xFFFFFFC0];
	[tilespmem:s12+$0xC0] =	vst v23;
	v15 =	vmul.f32 v50, v58  }
0x2dc: {  	v62 =	vperm.xlane v21, v5;
	[tilespmem:s12+$0xFFFFFF10] =	vst v33;
	v36 =	vld [tilespmem:s24+$0xFFFFFEA0];
	v22 =	vmul.f32 v45, v53  }
0x2dd: {  	v35 =	vperm.xlane v16, v6;
	v38 =	vmul.f32 v57, v63;
	v42 =	vld [tilespmem:s24+$0xFFFFFCF0];
	[tilespmem:s12+$0xFFFFFE80] =	vst v15  }
0x2de: {  	v39 =	vperm.xlane v18, v6;
	[tilespmem:s12+$0xFFFFFFA0] =	vst v22;
	v37 =	vmul.f32 v56, v62;
	v40 =	vld [tilespmem:s24+$0xFFFFFC60]  }
0x2df: {  	v44 =	vperm.xlane v13, v6;
	v41 =	vmul.f32 v59, v35;
	[tilespmem:s12+$0x160] =	vst v38;
	v34 =	vld [tilespmem:s24+$0xFFFFFD80]  }
0x2e0: {  	v50 =	vperm.xlane v17, v6;
	v45 =	vmul.f32 v61, v39;
	v47 =	vld [tilespmem:s24+$0xFFFFFF40];
	[tilespmem:s12+$0xFFFFFDF0] =	vst v37  }
0x2e1: {  	v48 =	vperm.xlane v14, v6;
	[tilespmem:s12+$0x40] =	vst v41;
	v15 =	vmul.f32 v36, v44;
	v46 =	vld [tilespmem:s24+$0xFFFFFBD0]  }
0x2e2: {  	v43 =	vperm.xlane v20, v6;
	v49 =	vld [tilespmem:s24+$0xFFFFFE20];
	[tilespmem:s12+$0x1F0] =	vst v45;
	v54 =	vmul.f32 v42, v50  }
0x2e3: {  	v53 =	vperm.xlane v19, v7;
	v51 =	vld [tilespmem:s24+$0xFFFFFFD0];
	[tilespmem:s12+$0xD0] =	vst v15;
	v23 =	vmul.f32 v40, v48  }
0x2e4: {  	v52 =	vperm.xlane v21, v6;
	[tilespmem:s12+$0xFFFFFF20] =	vst v54;
	v57 =	vld [tilespmem:s24+$0xFFFFFEB0];
	v24 =	vmul.f32 v34, v43  }
0x2e5: {  	v56 =	vperm.xlane v16, v7;
	v59 =	vmul.f32 v47, v53;
	v63 =	vld [tilespmem:s24+$0xFFFFFD00];
	[tilespmem:s12+$0xFFFFFE90] =	vst v23  }
0x2e6: {  	v60 =	vperm.xlane v18, v7;
	[tilespmem:s12+$0xFFFFFFB0] =	vst v24;
	v58 =	vmul.f32 v46, v52;
	v61 =	vld [tilespmem:s24+$0xFFFFFC70]  }
0x2e7: {  	v62 =	vmul.f32 v49, v56;
	[tilespmem:s12+$0x170] =	vst v59;
	v34 =	vperm.xlane v13, v7;
	v55 =	vld [tilespmem:s24+$0xFFFFFD90]  }
0x2e8: {  	v41 =	vperm.xlane v17, v7;
	v35 =	vmul.f32 v51, v60;
	v37 =	vld [tilespmem:s24+$0xFFFFFF50];
	[tilespmem:s12+$0xFFFFFE00] =	vst v58  }
0x2e9: {  	v38 =	vperm.xlane v14, v7;
	[tilespmem:s12+$0x50] =	vst v62;
	v23 =	vmul.f32 v57, v34;
	v36 =	vld [tilespmem:s24+$0xFFFFFBE0]  }
0x2ea: {  	v33 =	vperm.xlane v20, v7;
	v40 =	vld [tilespmem:s24+$0xFFFFFE30];
	[tilespmem:s12+$0x200] =	vst v35;
	v45 =	vmul.f32 v63, v41  }
0x2eb: {  	v44 =	vperm.xlane v19, v8;
	v42 =	vld [tilespmem:s24+$0xFFFFFFE0];
	[tilespmem:s12+$0xE0] =	vst v23;
	v26 =	vmul.f32 v61, v38  }
0x2ec: {  	v43 =	vperm.xlane v21, v7;
	[tilespmem:s12+$0xFFFFFF30] =	vst v45;
	v48 =	vld [tilespmem:s24+$0xFFFFFEC0];
	v39 =	vmul.f32 v55, v33  }
0x2ed: {  	v47 =	vperm.xlane v16, v8;
	v50 =	vmul.f32 v37, v44;
	v23 =	vld [tilespmem:s24+$0xFFFFFD10];
	[tilespmem:s12+$0xFFFFFEA0] =	vst v26  }
0x2ee: {  	v49 =	vperm.xlane v18, v8;
	[tilespmem:s12+$0xFFFFFFC0] =	vst v39;
	v15 =	vmul.f32 v36, v43;
	v51 =	vld [tilespmem:s24+$0xFFFFFC80]  }
0x2ef: {  	v53 =	vperm.xlane v13, v8;
	v22 =	vmul.f32 v40, v47;
	[tilespmem:s12+$0x180] =	vst v50;
	v46 =	vld [tilespmem:s24+$0xFFFFFDA0]  }
0x2f0: {  	v58 =	vperm.xlane v17, v8;
	v25 =	vmul.f32 v42, v49;
	v55 =	vld [tilespmem:s24+$0xFFFFFF60];
	[tilespmem:s12+$0xFFFFFE10] =	vst v15  }
0x2f1: {  	v56 =	vperm.xlane v14, v8;
	[tilespmem:s12+$0x60] =	vst v22;
	v15 =	vmul.f32 v48, v53;
	v54 =	vld [tilespmem:s24+$0xFFFFFBF0]  }
0x2f2: {  	v52 =	vperm.xlane v20, v8;
	v57 =	vld [tilespmem:s24+$0xFFFFFE40];
	[tilespmem:s12+$0x210] =	vst v25;
	v62 =	vmul.f32 v23, v58  }
0x2f3: {  	v61 =	vperm.xlane v19, v9;
	v59 =	vld [tilespmem:s24+$0xFFFFFFF0];
	[tilespmem:s12+$0xF0] =	vst v15;
	v22 =	vmul.f32 v51, v56  }
0x2f4: {  	v60 =	vperm.xlane v21, v8;
	[tilespmem:s12+$0xFFFFFF40] =	vst v62;
	v34 =	vld [tilespmem:s24+$0xFFFFFED0];
	v24 =	vmul.f32 v46, v52  }
0x2f5: {  	v33 =	vperm.xlane v16, v9;
	v37 =	vmul.f32 v55, v61;
	v40 =	vld [tilespmem:s24+$0xFFFFFD20];
	[tilespmem:s12+$0xFFFFFEB0] =	vst v22  }
0x2f6: {  	v36 =	vperm.xlane v18, v9;
	[tilespmem:s12+$0xFFFFFFD0] =	vst v24;
	v35 =	vmul.f32 v54, v60;
	v38 =	vld [tilespmem:s24+$0xFFFFFC90]  }
0x2f7: {  	v41 =	vperm.xlane v13, v9;
	v25 =	vmul.f32 v57, v33;
	[tilespmem:s12+$0x190] =	vst v37;
	v63 =	vld [tilespmem:s24+$0xFFFFFDB0]  }
0x2f8: {  	v45 =	vperm.xlane v17, v9;
	v18 =	vmul.f32 v59, v36;
	[tilespmem:s12+$0xFFFFFE20] =	vst v35  }
0x2f9: {  	v44 =	vperm.xlane v14, v9;
	[tilespmem:s12+$0x70] =	vst v25;
	v47 =	vmul.f32 v34, v41;
	v42 =	vld [tilespmem:s24+$0xFFFFFC00]  }
0x2fa: {  	v39 =	vperm.xlane v20, v9;
	v43 =	vld [tilespmem:s24+$0xFFFFFF70];
	[tilespmem:s12+$0x220] =	vst v18;
	v52 =	vmul.f32 v40, v45  }
0x2fb: {  	v46 =	vld [tilespmem:s24+$0xFFFFFE50];
	[tilespmem:s12+$0x100] =	vst v47;
	v48 =	vmul.f32 v38, v44  }
0x2fc: {  	v50 =	vperm.xlane v21, v9;
	v49 =	vld [tilespmem:s24+$0x0];
	[tilespmem:s12+$0xFFFFFF50] =	vst v52;
	v15 =	vmul.f32 v63, v39  }
0x2fd: {  	v51 =	vperm.xlane v19, v10;
	v54 =	vld [tilespmem:s24+$0xFFFFFEE0];
	[tilespmem:s12+$0xFFFFFEC0] =	vst v48  }
0x2fe: {  	v16 =	vperm.xlane v16, v10;
	v57 =	vld [tilespmem:s24+$0xFFFFFD30];
	[tilespmem:s12+$0xFFFFFFE0] =	vst v15;
	v15 =	vmul.f32 v42, v50  }
0x2ff: {  	[tilespmem:s21+$0xFFFFFFF0] =	vst v29;
	v19 =	vmul.f32 v43, v51;
	v55 =	vld [tilespmem:s24+$0xFFFFFCA0]  }
0x300: {  	v13 =	vperm.xlane v13, v10;
	v16 =	vmul.f32 v46, v16;
	v53 =	vld [tilespmem:s24+$0xFFFFFDC0];
	[tilespmem:s12+$0xFFFFFE30] =	vst v15  }
0x301: {  	v17 =	vperm.xlane v17, v10;
	[tilespmem:s12+$0x1A0] =	vst v19;
	v12 =	vmul.f32 v49, v12;
	v15 =	vld [tilespmem:s24+$0xFFFFFC10]  }
0x302: {  	v14 =	vperm.xlane v14, v10;
	[tilespmem:s12+$0x80] =	vst v16;
	v59 =	vmul.f32 v54, v13  }
0x303: {  	v56 =	vperm.xlane v20, v10;
	[tilespmem:s12+$0x230] =	vst v12;
	v62 =	vmul.f32 v57, v17  }
0x304: {  	v61 =	vperm.xlane v21, v10;
	[tilespmem:s12+$0x110] =	vst v59;
	v60 =	vmul.f32 v55, v14  }
0x305: {  	[tilespmem:s12+$0xFFFFFF60] =	vst v62;
	v58 =	vmul.f32 v53, v56  }
0x306: {  	s23 =	sadd.s32 $0x1, s23;
	[tilespmem:s12+$0xFFFFFED0] =	vst v60;
	v63 =	vmul.f32 v15, v61  }
0x307: {  	p0 =	sne.s32 s23, $0x51;
	[tilespmem:s12+$0xFFFFFFF0] =	vst v58  }
.Ltmp3:
0x308: {  	[tilespmem:s12+$0xFFFFFE40] =	vst v63;
	(pc) =	sbr.rel @p0 .LBB2_4-.Ltmp3, $4  }
0x309: {  	[spmem:s2] =	stream.indirect.scatter.add.f32 [tilespmem:s29], [sflag:$0x9], $0x90, s11, s26, $0xb8;
	[tilespmem:$0x1E510] =	vst v63  }
0x30a: {  	_ =	swait.ge [sflag:s28], $0x2400  }
0x30b: {  	[sflag:s28] =	ssyncset.done $0x0  }
0x30c: {  	[sflag:s28] =	ssyncadd.s32 $0xFFFFDC00  }
0x30d: {  	s10 =	stileid.u32;
	[bflag:$0x0] =	sbarrier.arrive $0xFFFF  }
0x30e: {  	s10 =	sshll.u32 s10, $0x6;
	s13 =	rddreg [dreg:$0x4]  }
0x30f: {  	s14 =	rddreg [dreg:$0x10];
	s10 =	sor.u32 $0x1C09, s10;
	s12 =	sshrl.u32 s13, $0x3  }
0x310: {  	[hbm:s14], [sflag:s10] =	dma.local [spmem:s12], $0x2D00  }
0x311: {  	_ =	swait.ge [sflag:s28], $0x2D00  }
0x312: {  	s30 =	rddreg [dreg:$0x12]  }
0x313: {  	s31 =	rddreg [dreg:$0x11];
	s12 =	sadd.s32 $0x1, s30  }
0x314: {  	p0 =	sne.s32 s12, s31  }
.Ltmp4:
0x315: {  	_ = 	snop;
	(pc) =	sbr.rel @p0 .LBB2_1-.Ltmp4, $3  }
0x316: {  	_ =	sdelay $0x1  }
0x317: {  	[sflag:s28] =	ssyncset.done $0x0  }
0x318: {  	[sflag:s28] =	ssyncadd.s32 $0xFFFFD300  }
0x319: {  	_ =	sfence.sel $0x180000  }
0x31a: {  	[bflag:$0x0] =	sbarrier.arrive $0xFFFF  }
0x31b: {  	_ =	strace $0x90000047  }
0x31c: {  	s0 =	stileid.u32;
	[bflag:$0x2] =	sbarrier.arrive $0xFFFF  }
0x31d: {  	p0 =	sne.s32 s0, $0x0;
	s0 =	rddreg [dreg:$0x3]  }
0x31e: {  	s0 =	sadd.s32 @!p0 $0x100000, s0  }
0x31f: {  	[sflag:s0] =	ssyncadd.tile.s32 @!p0 $0x1;
	_ =	shalt  }
.Lfunc_end2:
_tile_overlayer_lowered:
.L_overlay_start_2:
0x320: {  	(tag) =	ssettag $0x2  }
0x321: {  	s0 =	rddreg [dreg:$0x0];
	s2 =	stileid.u32  }
0x322: {  	s1 =	rddreg [dreg:$0x1];
	p0 =	sne.s32 s2, $0x0  }
0x323: {  	s3 =	rddreg [dreg:$0x2];
	[bflag:$0x3] =	sbarrier.arrive $0xFFFF;
	s2 =	simm.s32 @!p0 $0x1C09  }
0x324: {  	[timem:s3], [sflag:s2] =	dma.local @!p0 [hbm:s0], s1  }
0x325: {  	s0 =	simm.s32 @!p0 $0x9  }
0x326: {  	_ =	swait.ge @!p0 [sflag:s0], s1  }
0x327: {  	s1 =	ssub.s32 @!p0 $0x0, s1;
	[sflag:s0] =	ssyncset.done @!p0 $0x0  }
0x328: {  	[sflag:s0] =	ssyncadd.s32 @!p0 s1  }
0x329: {  	[bflag:$0x3] =	sbarrier.arrive $0xFFFF  }
0x32a: {  	_ =	shalt  }

</sc_bundles>
